<compile_context>
chip_gen: v7x
topology: tpu7x:2x2x1
jax: 0.10.2.dev20260603
libtpu: 0.0.44.dev20260713+nightly
codegen_flags: <defaults>
</compile_context>

<pallas_src>
import functools

import jax
import jax.numpy as jnp
from jax import lax
from jax.experimental import pallas as pl
from jax.experimental.pallas import tpu as pltpu
from jax.experimental.pallas import tpu_sc as plsc

_D = 128
_K = 3
_BG = 1024


_BIG = 65536.0


def _fresh_state():
    inf = jnp.float32(jnp.inf)
    big = jnp.float32(_BIG)
    return (jnp.full((_BG, _D), inf), jnp.full((_BG, _D), inf),
            jnp.full((_BG, _D), inf), jnp.full((_BG, _D), inf),
            jnp.full((_BG, _D), big), jnp.full((_BG, _D), big),
            jnp.full((_BG, _D), big), jnp.full((_BG, _D), big))


def _topk_body(g_ref, f_ref, g2_ref, f2_ref, *rest,
               col_base, carry_in, emit_state):
    ns = 8 if carry_in else 0
    srefs = rest[:ns]
    outs = rest[ns:]
    idx_ref = outs[0]
    sout = outs[1:]

    inf = jnp.float32(jnp.inf)
    big = jnp.float32(_BIG)

    gneg = g_ref[...] * jnp.bfloat16(-2)
    mm = lax.dot_general(gneg, f_ref[...], (((1,), (1,)), ((), ())),
                         preferred_element_type=jnp.float32)
    g2 = g2_ref[...]
    f2row = f2_ref[...]

    if carry_in:
        m1, m2, m3, zm, c1, c2, c3, zc = (r[...] for r in srefs)
    else:
        m1, m2, m3, zm, c1, c2, c3, zc = _fresh_state()

    NC = mm.shape[1] // _D
    for nc in range(0, NC, 2):
        sa = (g2 + mm[:, nc * _D:(nc + 1) * _D]) \
            + f2row[:, nc * _D:(nc + 1) * _D]
        sb = (g2 + mm[:, (nc + 1) * _D:(nc + 2) * _D]) \
            + f2row[:, (nc + 1) * _D:(nc + 2) * _D]
        cca = jnp.float32(col_base + nc)
        ccb = jnp.float32(col_base + nc + 1)
        bit = sb < sa
        w = jnp.minimum(sa, sb)
        z = jnp.maximum(sa, sb)
        iw = jnp.where(bit, ccb, cca)
        iz = jnp.where(bit, cca, ccb)
        l1 = w < m1
        l2 = w < m2
        l3 = w < m3
        m3 = jnp.where(l3, jnp.where(l2, m2, w), m3)
        c3 = jnp.where(l3, jnp.where(l2, c2, iw), c3)
        m2 = jnp.where(l2, jnp.where(l1, m1, w), m2)
        c2 = jnp.where(l2, jnp.where(l1, c1, iw), c2)
        m1 = jnp.where(l1, w, m1)
        c1 = jnp.where(l1, iw, c1)
        lb = z < zm
        zm = jnp.where(lb, z, zm)
        zc = jnp.where(lb, iz, zc)

    if emit_state:
        for ref, arr in zip(sout, (m1, m2, m3, zm, c1, c2, c3, zc)):
            ref[...] = arr

    lanef = lax.broadcasted_iota(jnp.int32, (_BG, _D), 1).astype(jnp.float32)
    m = jnp.concatenate([m1, m2, m3, zm], axis=1)
    jf = jnp.concatenate([c1 * _D + lanef, c2 * _D + lanef,
                          c3 * _D + lanef, zc * _D + lanef], axis=1)
    idxs = []
    for r in range(_K):
        mv = jnp.min(m, axis=1, keepdims=True)
        cand = jnp.where(m == mv, jf, big)
        jwin = jnp.min(cand, axis=1, keepdims=True)
        idxs.append(jwin.astype(jnp.int32))
        if r < _K - 1:
            m = jnp.where(cand == jwin, inf, m)

    lane = lax.broadcasted_iota(jnp.int32, (_BG, _D), 1)
    idx_ref[...] = jnp.where(lane < 1, idxs[0],
                             jnp.where(lane < 2, idxs[1], idxs[2]))


def _topk_call(g16, f16, g2, f2, state=None, emit_state=False, col_base=0):
    NG, NF = g16.shape[0], f16.shape[0]
    grid = (NG // _BG,)
    gspec = pl.BlockSpec((_BG, _D), lambda i: (i, 0))
    in_specs = [
        gspec,
        pl.BlockSpec((NF, _D), lambda i: (0, 0)),
        pl.BlockSpec((_BG, 1), lambda i: (i, 0)),
        pl.BlockSpec((1, NF), lambda i: (0, 0)),
    ]
    args = [g16, f16, g2[:, None], f2[None, :]]
    if state is not None:
        in_specs += [gspec] * 8
        args += list(state)
    out_specs = [gspec]
    out_shape = [jax.ShapeDtypeStruct((NG, _D), jnp.int32)]
    if emit_state:
        out_specs += [gspec] * 8
        out_shape += [jax.ShapeDtypeStruct((NG, _D), jnp.float32)] * 8
    body = functools.partial(_topk_body, col_base=col_base,
                             carry_in=state is not None,
                             emit_state=emit_state)
    out = pl.pallas_call(
        body,
        grid=grid,
        in_specs=in_specs,
        out_specs=out_specs,
        out_shape=out_shape,
        compiler_params=pltpu.CompilerParams(
            dimension_semantics=("parallel",)),
    )(*args)
    if emit_state:
        return out[0], tuple(out[1:])
    return out[0]


def _sc_gather_mean(feats, i0, i1, i2):
    G = i0.shape[0]
    info = plsc.get_sparse_core_info()
    nw = info.num_cores * info.num_subcores
    C = G // nw
    mesh = plsc.VectorSubcoreMesh(core_axis_name="c", subcore_axis_name="s")

    @functools.partial(
        pl.kernel, mesh=mesh,
        out_type=jax.ShapeDtypeStruct((G, _D), jnp.float32),
        scratch_types=[
            pltpu.VMEM((C,), jnp.int32),
            pltpu.VMEM((C,), jnp.int32),
            pltpu.VMEM((C,), jnp.int32),
            pltpu.VMEM((C, _D), jnp.float32),
            pltpu.VMEM((C, _D), jnp.float32),
            pltpu.VMEM((C, _D), jnp.float32),
            pltpu.SemaphoreType.DMA,
        ],
    )
    def run(f_hbm, i0_hbm, i1_hbm, i2_hbm, out_hbm,
            i0v, i1v, i2v, r0, r1, r2, sem):
        wid = lax.axis_index("s") * info.num_cores + lax.axis_index("c")
        base = wid * C
        pltpu.sync_copy(i0_hbm.at[pl.ds(base, C)], i0v)
        pltpu.sync_copy(i1_hbm.at[pl.ds(base, C)], i1v)
        pltpu.sync_copy(i2_hbm.at[pl.ds(base, C)], i2v)
        c0 = pltpu.async_copy(f_hbm.at[i0v], r0, sem)
        c1 = pltpu.async_copy(f_hbm.at[i1v], r1, sem)
        c2 = pltpu.async_copy(f_hbm.at[i2v], r2, sem)
        c0.wait()
        c1.wait()
        c2.wait()

        def body(g, carry):
            for j in range(_D // 16):
                s = pl.ds(j * 16, 16)
                r0[g, s] = (r0[g, s] + r1[g, s] + r2[g, s]) / 3.0
            return carry

        lax.fori_loop(0, C, body, 0)
        pltpu.sync_copy(r0, out_hbm.at[pl.ds(base, C)])

    return run(feats, i0, i1, i2)


def kernel(x):
    N = x.shape[0]
    x16 = x.astype(jnp.bfloat16)
    n2a = jnp.sum(x * x, axis=1)

    idx1, st = _topk_call(x16, x16, n2a, n2a, emit_state=True)
    new1 = _sc_gather_mean(x, idx1[:, 0], idx1[:, 1], idx1[:, 2])
    feats1 = jnp.concatenate([x, new1], axis=0)

    f16 = feats1.astype(jnp.bfloat16)
    n2 = jnp.sum(feats1 * feats1, axis=1)
    idx2a = _topk_call(f16[:N], f16[N:], n2[:N], n2[N:],
                       state=st, col_base=N // _D)
    idx2b = _topk_call(f16[N:], f16, n2[N:], n2)
    idx2 = jnp.concatenate([idx2a, idx2b], axis=0)
    new2 = _sc_gather_mean(feats1, idx2[:, 0], idx2[:, 1], idx2[:, 2])
    return jnp.concatenate([feats1, new2], axis=0)

# --- scband reference (transcript-rebuilt; emitter-appended) ---
"""Pipeline reference for scband-knn-unpool-layer-86406152061327 (READ-ONLY COPY).

The authoritative reference and input builder live on the scoring server;
editing this copy changes nothing except your own understanding.
"""

import jax, jax.numpy as jnp
import numpy as np

NB_OUTPUTS = 16384
K = 3


def _knn_mean(features, goals, k=K):
    # brute-force knn: for each goal, find k nearest points in features (squared L2)
    d2 = (jnp.sum(goals * goals, axis=1, keepdims=True)
          - 2.0 * (goals @ features.T)
          + jnp.sum(features * features, axis=1)[None, :])
    _, idx = jax.lax.top_k(-d2, k)  # [G, k] indices into features
    # scatter_('mean', features[indices], cluster) == mean over the k neighbors per goal
    cluster_feats = jnp.take(features, idx, axis=0)  # [G, k, d] gather
    return jnp.mean(cluster_feats, axis=1)


def setup_inputs(seed: int = 0):
    key = jax.random.key(seed)
    x = jax.random.normal(key, (4096, 128), dtype=jnp.float32)
    return {"x": x}


def reference(x):
    # KnnUnpoolLayer.forward(x, batch=None) -> (knn_unpool(x), None)
    feats = x
    while NB_OUTPUTS >= 2 * feats.shape[0]:
        new_features = _knn_mean(feats, feats)
        feats = jnp.concatenate([feats, new_features], axis=0)
    # with N=4096 and NB_OUTPUTS=16384, loop exits with feats.shape[0]==NB_OUTPUTS,
    # so the random-sampling branch is never taken
    return feats

if __name__ == "__main__":
    import jax
    _d = setup_inputs()
    print(jax.jit(kernel)(*tuple(_d.values())))

</pallas_src>

<mosaic_0001>
#map = affine_map<(d0, d1) -> (0, 0)>
#map1 = affine_map<(d0, d1) -> (0)>
module attributes {stable_mosaic.version = 14 : i64} {
  func.func @run(%arg0: i32, %arg1: i32, %arg2: memref<4096x128xf32, #tpu.memory_space<hbm>>, %arg3: memref<4096xi32, #tpu.memory_space<hbm>>, %arg4: memref<4096xi32, #tpu.memory_space<hbm>>, %arg5: memref<4096xi32, #tpu.memory_space<hbm>>, %arg6: memref<4096x128xf32, #tpu.memory_space<hbm>>, %arg7: memref<128xi32, #tpu.memory_space<vmem>>, %arg8: memref<128xi32, #tpu.memory_space<vmem>>, %arg9: memref<128xi32, #tpu.memory_space<vmem>>, %arg10: memref<128x128xf32, #tpu.memory_space<vmem>>, %arg11: memref<128x128xf32, #tpu.memory_space<vmem>>, %arg12: memref<128x128xf32, #tpu.memory_space<vmem>>, %arg13: memref<!tpu.dma_semaphore, #tpu.memory_space<semaphore_mem>>) attributes {dimension_semantics = [#tpu.dimension_semantics<core_parallel>, #tpu.dimension_semantics<subcore_parallel>], iteration_bounds = array<i64: 2, 16>, scalar_prefetch = 0 : i64, scratch_operands = 7 : i64, tpu.core_type = #tpu.core_type<sc_vector_subcore>, window_params = [{transform_indices = #map}, {transform_indices = #map1}, {transform_indices = #map1}, {transform_indices = #map1}, {transform_indices = #map}]} {
    %mul3A = arith.constant 2 : i32
    %mul3A_0 = arith.muli %arg1, %mul3A : i32
    %add3A = arith.addi %mul3A_0, %arg0 : i32
    %mul3A_1 = arith.constant 128 : i32
    %mul3A_2 = arith.muli %add3A, %mul3A_1 : i32
    "tpu.region"() ({
      %run_scoped3A = tpu.sem_alloc : memref<!tpu.dma_semaphore, #tpu.memory_space<semaphore_mem>>
      %dma_start3A_24 = tpu.memref_slice %arg3[%mul3A_2] : memref<4096xi32, #tpu.memory_space<hbm>> -> memref<128xi32, #tpu.memory_space<hbm>>
      %dma_start3A_25 = tpu.memref_slice %arg3[%mul3A_2] : memref<4096xi32, #tpu.memory_space<hbm>> -> memref<128xi32, #tpu.memory_space<hbm>>
      tpu.enqueue_dma source(%dma_start3A_25 : memref<128xi32, #tpu.memory_space<hbm>>) target(%arg7 : memref<128xi32, #tpu.memory_space<vmem>>) target_semaphore(%run_scoped3A : memref<!tpu.dma_semaphore, #tpu.memory_space<semaphore_mem>>)
      %dma_wait3A_26 = tpu.memref_slice %arg3[%mul3A_2] : memref<4096xi32, #tpu.memory_space<hbm>> -> memref<128xi32, #tpu.memory_space<hbm>>
      %dma_wait3A_27 = tpu.memref_slice %arg3[%mul3A_2] : memref<4096xi32, #tpu.memory_space<hbm>> -> memref<128xi32, #tpu.memory_space<hbm>>
      tpu.wait_dma2 semaphore(%run_scoped3A : memref<!tpu.dma_semaphore, #tpu.memory_space<semaphore_mem>>) src(%dma_wait3A_27 : memref<128xi32, #tpu.memory_space<hbm>>) dst(%arg7 : memref<128xi32, #tpu.memory_space<vmem>>)
      tpu.yield
    }) : () -> ()
    "tpu.region"() ({
      %run_scoped3A = tpu.sem_alloc : memref<!tpu.dma_semaphore, #tpu.memory_space<semaphore_mem>>
      %dma_start3A_24 = tpu.memref_slice %arg4[%mul3A_2] : memref<4096xi32, #tpu.memory_space<hbm>> -> memref<128xi32, #tpu.memory_space<hbm>>
      %dma_start3A_25 = tpu.memref_slice %arg4[%mul3A_2] : memref<4096xi32, #tpu.memory_space<hbm>> -> memref<128xi32, #tpu.memory_space<hbm>>
      tpu.enqueue_dma source(%dma_start3A_25 : memref<128xi32, #tpu.memory_space<hbm>>) target(%arg8 : memref<128xi32, #tpu.memory_space<vmem>>) target_semaphore(%run_scoped3A : memref<!tpu.dma_semaphore, #tpu.memory_space<semaphore_mem>>)
      %dma_wait3A_26 = tpu.memref_slice %arg4[%mul3A_2] : memref<4096xi32, #tpu.memory_space<hbm>> -> memref<128xi32, #tpu.memory_space<hbm>>
      %dma_wait3A_27 = tpu.memref_slice %arg4[%mul3A_2] : memref<4096xi32, #tpu.memory_space<hbm>> -> memref<128xi32, #tpu.memory_space<hbm>>
      tpu.wait_dma2 semaphore(%run_scoped3A : memref<!tpu.dma_semaphore, #tpu.memory_space<semaphore_mem>>) src(%dma_wait3A_27 : memref<128xi32, #tpu.memory_space<hbm>>) dst(%arg8 : memref<128xi32, #tpu.memory_space<vmem>>)
      tpu.yield
    }) : () -> ()
    "tpu.region"() ({
      %run_scoped3A = tpu.sem_alloc : memref<!tpu.dma_semaphore, #tpu.memory_space<semaphore_mem>>
      %dma_start3A_24 = tpu.memref_slice %arg5[%mul3A_2] : memref<4096xi32, #tpu.memory_space<hbm>> -> memref<128xi32, #tpu.memory_space<hbm>>
      %dma_start3A_25 = tpu.memref_slice %arg5[%mul3A_2] : memref<4096xi32, #tpu.memory_space<hbm>> -> memref<128xi32, #tpu.memory_space<hbm>>
      tpu.enqueue_dma source(%dma_start3A_25 : memref<128xi32, #tpu.memory_space<hbm>>) target(%arg9 : memref<128xi32, #tpu.memory_space<vmem>>) target_semaphore(%run_scoped3A : memref<!tpu.dma_semaphore, #tpu.memory_space<semaphore_mem>>)
      %dma_wait3A_26 = tpu.memref_slice %arg5[%mul3A_2] : memref<4096xi32, #tpu.memory_space<hbm>> -> memref<128xi32, #tpu.memory_space<hbm>>
      %dma_wait3A_27 = tpu.memref_slice %arg5[%mul3A_2] : memref<4096xi32, #tpu.memory_space<hbm>> -> memref<128xi32, #tpu.memory_space<hbm>>
      tpu.wait_dma2 semaphore(%run_scoped3A : memref<!tpu.dma_semaphore, #tpu.memory_space<semaphore_mem>>) src(%dma_wait3A_27 : memref<128xi32, #tpu.memory_space<hbm>>) dst(%arg9 : memref<128xi32, #tpu.memory_space<vmem>>)
      tpu.yield
    }) : () -> ()
    %dma_start3A = arith.constant 0 : i32
    %dma_start3A_3 = arith.constant 0 : i32
    %dma_start3A_4 = tpu.memref_slice %arg2[%dma_start3A, %dma_start3A_3] : memref<4096x128xf32, #tpu.memory_space<hbm>> -> memref<4096x128xf32, #tpu.memory_space<hbm>>
    tpu.enqueue_indirect_dma source(%dma_start3A_4 : memref<4096x128xf32, #tpu.memory_space<hbm>>) target(%arg10 : memref<128x128xf32, #tpu.memory_space<vmem>>) offsets(%arg7 : memref<128xi32, #tpu.memory_space<vmem>>) semaphore(%arg13 : memref<!tpu.dma_semaphore, #tpu.memory_space<semaphore_mem>>)
    %dma_start3A_5 = arith.constant 0 : i32
    %dma_start3A_6 = arith.constant 0 : i32
    %dma_start3A_7 = tpu.memref_slice %arg2[%dma_start3A_5, %dma_start3A_6] : memref<4096x128xf32, #tpu.memory_space<hbm>> -> memref<4096x128xf32, #tpu.memory_space<hbm>>
    tpu.enqueue_indirect_dma source(%dma_start3A_7 : memref<4096x128xf32, #tpu.memory_space<hbm>>) target(%arg11 : memref<128x128xf32, #tpu.memory_space<vmem>>) offsets(%arg8 : memref<128xi32, #tpu.memory_space<vmem>>) semaphore(%arg13 : memref<!tpu.dma_semaphore, #tpu.memory_space<semaphore_mem>>)
    %dma_start3A_8 = arith.constant 0 : i32
    %dma_start3A_9 = arith.constant 0 : i32
    %dma_start3A_10 = tpu.memref_slice %arg2[%dma_start3A_8, %dma_start3A_9] : memref<4096x128xf32, #tpu.memory_space<hbm>> -> memref<4096x128xf32, #tpu.memory_space<hbm>>
    tpu.enqueue_indirect_dma source(%dma_start3A_10 : memref<4096x128xf32, #tpu.memory_space<hbm>>) target(%arg12 : memref<128x128xf32, #tpu.memory_space<vmem>>) offsets(%arg9 : memref<128xi32, #tpu.memory_space<vmem>>) semaphore(%arg13 : memref<!tpu.dma_semaphore, #tpu.memory_space<semaphore_mem>>)
    %dma_wait3A = arith.constant 0 : i32
    %dma_wait3A_11 = arith.constant 0 : i32
    %dma_wait3A_12 = tpu.memref_slice %arg2[%dma_wait3A, %dma_wait3A_11] : memref<4096x128xf32, #tpu.memory_space<hbm>> -> memref<4096x128xf32, #tpu.memory_space<hbm>>
    tpu.wait_indirect_dma semaphore(%arg13 : memref<!tpu.dma_semaphore, #tpu.memory_space<semaphore_mem>>) src(%dma_wait3A_12 : memref<4096x128xf32, #tpu.memory_space<hbm>>) dst(%arg10 : memref<128x128xf32, #tpu.memory_space<vmem>>)
    %dma_wait3A_13 = arith.constant 0 : i32
    %dma_wait3A_14 = arith.constant 0 : i32
    %dma_wait3A_15 = tpu.memref_slice %arg2[%dma_wait3A_13, %dma_wait3A_14] : memref<4096x128xf32, #tpu.memory_space<hbm>> -> memref<4096x128xf32, #tpu.memory_space<hbm>>
    tpu.wait_indirect_dma semaphore(%arg13 : memref<!tpu.dma_semaphore, #tpu.memory_space<semaphore_mem>>) src(%dma_wait3A_15 : memref<4096x128xf32, #tpu.memory_space<hbm>>) dst(%arg11 : memref<128x128xf32, #tpu.memory_space<vmem>>)
    %dma_wait3A_16 = arith.constant 0 : i32
    %dma_wait3A_17 = arith.constant 0 : i32
    %dma_wait3A_18 = tpu.memref_slice %arg2[%dma_wait3A_16, %dma_wait3A_17] : memref<4096x128xf32, #tpu.memory_space<hbm>> -> memref<4096x128xf32, #tpu.memory_space<hbm>>
    tpu.wait_indirect_dma semaphore(%arg13 : memref<!tpu.dma_semaphore, #tpu.memory_space<semaphore_mem>>) src(%dma_wait3A_18 : memref<4096x128xf32, #tpu.memory_space<hbm>>) dst(%arg12 : memref<128x128xf32, #tpu.memory_space<vmem>>)
    %scan3A = arith.constant 0 : i32
    %scan3A_19 = arith.constant 0 : i32
    %scan3A_20 = arith.constant 128 : i32
    %scan3A_21 = arith.addi %scan3A_19, %scan3A_20 : i32
    %scan3A_22 = arith.constant 1 : i32
    scf.for %scan3A_24 = %scan3A_19 to %scan3A_21 step %scan3A_22  : i32 {
      %get3A = arith.index_cast %scan3A_24 : i32 to index
      %get3A_25 = arith.constant 0 : index
      %get3A_26 = tpu.vector_load %arg10[%get3A, %get3A_25] {strides = array<i32>} : memref<128x128xf32, #tpu.memory_space<vmem>>, vector<1x16xf32>,
      %get3A_27 = vector.shape_cast %get3A_26 : vector<1x16xf32> to vector<16xf32>
      %get3A_28 = arith.index_cast %scan3A_24 : i32 to index
      %get3A_29 = arith.constant 0 : index
      %get3A_30 = tpu.vector_load %arg11[%get3A_28, %get3A_29] {strides = array<i32>} : memref<128x128xf32, #tpu.memory_space<vmem>>, vector<1x16xf32>,
      %get3A_31 = vector.shape_cast %get3A_30 : vector<1x16xf32> to vector<16xf32>
      %add3A_32 = arith.addf %get3A_27, %get3A_31 : vector<16xf32>
      %get3A_33 = arith.index_cast %scan3A_24 : i32 to index
      %get3A_34 = arith.constant 0 : index
      %get3A_35 = tpu.vector_load %arg12[%get3A_33, %get3A_34] {strides = array<i32>} : memref<128x128xf32, #tpu.memory_space<vmem>>, vector<1x16xf32>,
      %get3A_36 = vector.shape_cast %get3A_35 : vector<1x16xf32> to vector<16xf32>
      %add3A_37 = arith.addf %add3A_32, %get3A_36 : vector<16xf32>
      %div3A = arith.constant 3.000000e+00 : f32
      %div3A_38 = vector.broadcast %div3A : f32 to vector<16xf32>
      %div3A_39 = arith.divf %add3A_37, %div3A_38 : vector<16xf32>
      %swap3A = arith.index_cast %scan3A_24 : i32 to index
      %swap3A_40 = arith.constant 0 : index
      %swap3A_41 = tpu.vector_load %arg10[%swap3A, %swap3A_40] {strides = array<i32>} : memref<128x128xf32, #tpu.memory_space<vmem>>, vector<1x16xf32>,
      %swap3A_42 = vector.shape_cast %swap3A_41 : vector<1x16xf32> to vector<16xf32>
      %swap3A_43 = vector.shape_cast %div3A_39 : vector<16xf32> to vector<1x16xf32>
      tpu.vector_store %arg10[%swap3A, %swap3A_40], %swap3A_43 {strides = array<i32>} : memref<128x128xf32, #tpu.memory_space<vmem>>, vector<1x16xf32>,
      %get3A_44 = arith.index_cast %scan3A_24 : i32 to index
      %get3A_45 = arith.constant 16 : index
      %get3A_46 = tpu.vector_load %arg10[%get3A_44, %get3A_45] {strides = array<i32>} : memref<128x128xf32, #tpu.memory_space<vmem>>, vector<1x16xf32>,
      %get3A_47 = vector.shape_cast %get3A_46 : vector<1x16xf32> to vector<16xf32>
      %get3A_48 = arith.index_cast %scan3A_24 : i32 to index
      %get3A_49 = arith.constant 16 : index
      %get3A_50 = tpu.vector_load %arg11[%get3A_48, %get3A_49] {strides = array<i32>} : memref<128x128xf32, #tpu.memory_space<vmem>>, vector<1x16xf32>,
      %get3A_51 = vector.shape_cast %get3A_50 : vector<1x16xf32> to vector<16xf32>
      %add3A_52 = arith.addf %get3A_47, %get3A_51 : vector<16xf32>
      %get3A_53 = arith.index_cast %scan3A_24 : i32 to index
      %get3A_54 = arith.constant 16 : index
      %get3A_55 = tpu.vector_load %arg12[%get3A_53, %get3A_54] {strides = array<i32>} : memref<128x128xf32, #tpu.memory_space<vmem>>, vector<1x16xf32>,
      %get3A_56 = vector.shape_cast %get3A_55 : vector<1x16xf32> to vector<16xf32>
      %add3A_57 = arith.addf %add3A_52, %get3A_56 : vector<16xf32>
      %div3A_58 = arith.constant 3.000000e+00 : f32
      %div3A_59 = vector.broadcast %div3A_58 : f32 to vector<16xf32>
      %div3A_60 = arith.divf %add3A_57, %div3A_59 : vector<16xf32>
      %swap3A_61 = arith.index_cast %scan3A_24 : i32 to index
      %swap3A_62 = arith.constant 16 : index
      %swap3A_63 = tpu.vector_load %arg10[%swap3A_61, %swap3A_62] {strides = array<i32>} : memref<128x128xf32, #tpu.memory_space<vmem>>, vector<1x16xf32>,
      %swap3A_64 = vector.shape_cast %swap3A_63 : vector<1x16xf32> to vector<16xf32>
      %swap3A_65 = vector.shape_cast %div3A_60 : vector<16xf32> to vector<1x16xf32>
      tpu.vector_store %arg10[%swap3A_61, %swap3A_62], %swap3A_65 {strides = array<i32>} : memref<128x128xf32, #tpu.memory_space<vmem>>, vector<1x16xf32>,
      %get3A_66 = arith.index_cast %scan3A_24 : i32 to index
      %get3A_67 = arith.constant 32 : index
      %get3A_68 = tpu.vector_load %arg10[%get3A_66, %get3A_67] {strides = array<i32>} : memref<128x128xf32, #tpu.memory_space<vmem>>, vector<1x16xf32>,
      %get3A_69 = vector.shape_cast %get3A_68 : vector<1x16xf32> to vector<16xf32>
      %get3A_70 = arith.index_cast %scan3A_24 : i32 to index
      %get3A_71 = arith.constant 32 : index
      %get3A_72 = tpu.vector_load %arg11[%get3A_70, %get3A_71] {strides = array<i32>} : memref<128x128xf32, #tpu.memory_space<vmem>>, vector<1x16xf32>,
      %get3A_73 = vector.shape_cast %get3A_72 : vector<1x16xf32> to vector<16xf32>
      %add3A_74 = arith.addf %get3A_69, %get3A_73 : vector<16xf32>
      %get3A_75 = arith.index_cast %scan3A_24 : i32 to index
      %get3A_76 = arith.constant 32 : index
      %get3A_77 = tpu.vector_load %arg12[%get3A_75, %get3A_76] {strides = array<i32>} : memref<128x128xf32, #tpu.memory_space<vmem>>, vector<1x16xf32>,
      %get3A_78 = vector.shape_cast %get3A_77 : vector<1x16xf32> to vector<16xf32>
      %add3A_79 = arith.addf %add3A_74, %get3A_78 : vector<16xf32>
      %div3A_80 = arith.constant 3.000000e+00 : f32
      %div3A_81 = vector.broadcast %div3A_80 : f32 to vector<16xf32>
      %div3A_82 = arith.divf %add3A_79, %div3A_81 : vector<16xf32>
      %swap3A_83 = arith.index_cast %scan3A_24 : i32 to index
      %swap3A_84 = arith.constant 32 : index
      %swap3A_85 = tpu.vector_load %arg10[%swap3A_83, %swap3A_84] {strides = array<i32>} : memref<128x128xf32, #tpu.memory_space<vmem>>, vector<1x16xf32>,
      %swap3A_86 = vector.shape_cast %swap3A_85 : vector<1x16xf32> to vector<16xf32>
      %swap3A_87 = vector.shape_cast %div3A_82 : vector<16xf32> to vector<1x16xf32>
      tpu.vector_store %arg10[%swap3A_83, %swap3A_84], %swap3A_87 {strides = array<i32>} : memref<128x128xf32, #tpu.memory_space<vmem>>, vector<1x16xf32>,
      %get3A_88 = arith.index_cast %scan3A_24 : i32 to index
      %get3A_89 = arith.constant 48 : index
      %get3A_90 = tpu.vector_load %arg10[%get3A_88, %get3A_89] {strides = array<i32>} : memref<128x128xf32, #tpu.memory_space<vmem>>, vector<1x16xf32>,
      %get3A_91 = vector.shape_cast %get3A_90 : vector<1x16xf32> to vector<16xf32>
      %get3A_92 = arith.index_cast %scan3A_24 : i32 to index
      %get3A_93 = arith.constant 48 : index
      %get3A_94 = tpu.vector_load %arg11[%get3A_92, %get3A_93] {strides = array<i32>} : memref<128x128xf32, #tpu.memory_space<vmem>>, vector<1x16xf32>,
      %get3A_95 = vector.shape_cast %get3A_94 : vector<1x16xf32> to vector<16xf32>
      %add3A_96 = arith.addf %get3A_91, %get3A_95 : vector<16xf32>
      %get3A_97 = arith.index_cast %scan3A_24 : i32 to index
      %get3A_98 = arith.constant 48 : index
      %get3A_99 = tpu.vector_load %arg12[%get3A_97, %get3A_98] {strides = array<i32>} : memref<128x128xf32, #tpu.memory_space<vmem>>, vector<1x16xf32>,
      %get3A_100 = vector.shape_cast %get3A_99 : vector<1x16xf32> to vector<16xf32>
      %add3A_101 = arith.addf %add3A_96, %get3A_100 : vector<16xf32>
      %div3A_102 = arith.constant 3.000000e+00 : f32
      %div3A_103 = vector.broadcast %div3A_102 : f32 to vector<16xf32>
      %div3A_104 = arith.divf %add3A_101, %div3A_103 : vector<16xf32>
      %swap3A_105 = arith.index_cast %scan3A_24 : i32 to index
      %swap3A_106 = arith.constant 48 : index
      %swap3A_107 = tpu.vector_load %arg10[%swap3A_105, %swap3A_106] {strides = array<i32>} : memref<128x128xf32, #tpu.memory_space<vmem>>, vector<1x16xf32>,
      %swap3A_108 = vector.shape_cast %swap3A_107 : vector<1x16xf32> to vector<16xf32>
      %swap3A_109 = vector.shape_cast %div3A_104 : vector<16xf32> to vector<1x16xf32>
      tpu.vector_store %arg10[%swap3A_105, %swap3A_106], %swap3A_109 {strides = array<i32>} : memref<128x128xf32, #tpu.memory_space<vmem>>, vector<1x16xf32>,
      %get3A_110 = arith.index_cast %scan3A_24 : i32 to index
      %get3A_111 = arith.constant 64 : index
      %get3A_112 = tpu.vector_load %arg10[%get3A_110, %get3A_111] {strides = array<i32>} : memref<128x128xf32, #tpu.memory_space<vmem>>, vector<1x16xf32>,
      %get3A_113 = vector.shape_cast %get3A_112 : vector<1x16xf32> to vector<16xf32>
      %get3A_114 = arith.index_cast %scan3A_24 : i32 to index
      %get3A_115 = arith.constant 64 : index
      %get3A_116 = tpu.vector_load %arg11[%get3A_114, %get3A_115] {strides = array<i32>} : memref<128x128xf32, #tpu.memory_space<vmem>>, vector<1x16xf32>,
      %get3A_117 = vector.shape_cast %get3A_116 : vector<1x16xf32> to vector<16xf32>
      %add3A_118 = arith.addf %get3A_113, %get3A_117 : vector<16xf32>
      %get3A_119 = arith.index_cast %scan3A_24 : i32 to index
      %get3A_120 = arith.constant 64 : index
      %get3A_121 = tpu.vector_load %arg12[%get3A_119, %get3A_120] {strides = array<i32>} : memref<128x128xf32, #tpu.memory_space<vmem>>, vector<1x16xf32>,
      %get3A_122 = vector.shape_cast %get3A_121 : vector<1x16xf32> to vector<16xf32>
      %add3A_123 = arith.addf %add3A_118, %get3A_122 : vector<16xf32>
      %div3A_124 = arith.constant 3.000000e+00 : f32
      %div3A_125 = vector.broadcast %div3A_124 : f32 to vector<16xf32>
      %div3A_126 = arith.divf %add3A_123, %div3A_125 : vector<16xf32>
      %swap3A_127 = arith.index_cast %scan3A_24 : i32 to index
      %swap3A_128 = arith.constant 64 : index
      %swap3A_129 = tpu.vector_load %arg10[%swap3A_127, %swap3A_128] {strides = array<i32>} : memref<128x128xf32, #tpu.memory_space<vmem>>, vector<1x16xf32>,
      %swap3A_130 = vector.shape_cast %swap3A_129 : vector<1x16xf32> to vector<16xf32>
      %swap3A_131 = vector.shape_cast %div3A_126 : vector<16xf32> to vector<1x16xf32>
      tpu.vector_store %arg10[%swap3A_127, %swap3A_128], %swap3A_131 {strides = array<i32>} : memref<128x128xf32, #tpu.memory_space<vmem>>, vector<1x16xf32>,
      %get3A_132 = arith.index_cast %scan3A_24 : i32 to index
      %get3A_133 = arith.constant 80 : index
      %get3A_134 = tpu.vector_load %arg10[%get3A_132, %get3A_133] {strides = array<i32>} : memref<128x128xf32, #tpu.memory_space<vmem>>, vector<1x16xf32>,
      %get3A_135 = vector.shape_cast %get3A_134 : vector<1x16xf32> to vector<16xf32>
      %get3A_136 = arith.index_cast %scan3A_24 : i32 to index
      %get3A_137 = arith.constant 80 : index
      %get3A_138 = tpu.vector_load %arg11[%get3A_136, %get3A_137] {strides = array<i32>} : memref<128x128xf32, #tpu.memory_space<vmem>>, vector<1x16xf32>,
      %get3A_139 = vector.shape_cast %get3A_138 : vector<1x16xf32> to vector<16xf32>
      %add3A_140 = arith.addf %get3A_135, %get3A_139 : vector<16xf32>
      %get3A_141 = arith.index_cast %scan3A_24 : i32 to index
      %get3A_142 = arith.constant 80 : index
      %get3A_143 = tpu.vector_load %arg12[%get3A_141, %get3A_142] {strides = array<i32>} : memref<128x128xf32, #tpu.memory_space<vmem>>, vector<1x16xf32>,
      %get3A_144 = vector.shape_cast %get3A_143 : vector<1x16xf32> to vector<16xf32>
      %add3A_145 = arith.addf %add3A_140, %get3A_144 : vector<16xf32>
      %div3A_146 = arith.constant 3.000000e+00 : f32
      %div3A_147 = vector.broadcast %div3A_146 : f32 to vector<16xf32>
      %div3A_148 = arith.divf %add3A_145, %div3A_147 : vector<16xf32>
      %swap3A_149 = arith.index_cast %scan3A_24 : i32 to index
      %swap3A_150 = arith.constant 80 : index
      %swap3A_151 = tpu.vector_load %arg10[%swap3A_149, %swap3A_150] {strides = array<i32>} : memref<128x128xf32, #tpu.memory_space<vmem>>, vector<1x16xf32>,
      %swap3A_152 = vector.shape_cast %swap3A_151 : vector<1x16xf32> to vector<16xf32>
      %swap3A_153 = vector.shape_cast %div3A_148 : vector<16xf32> to vector<1x16xf32>
      tpu.vector_store %arg10[%swap3A_149, %swap3A_150], %swap3A_153 {strides = array<i32>} : memref<128x128xf32, #tpu.memory_space<vmem>>, vector<1x16xf32>,
      %get3A_154 = arith.index_cast %scan3A_24 : i32 to index
      %get3A_155 = arith.constant 96 : index
      %get3A_156 = tpu.vector_load %arg10[%get3A_154, %get3A_155] {strides = array<i32>} : memref<128x128xf32, #tpu.memory_space<vmem>>, vector<1x16xf32>,
      %get3A_157 = vector.shape_cast %get3A_156 : vector<1x16xf32> to vector<16xf32>
      %get3A_158 = arith.index_cast %scan3A_24 : i32 to index
      %get3A_159 = arith.constant 96 : index
      %get3A_160 = tpu.vector_load %arg11[%get3A_158, %get3A_159] {strides = array<i32>} : memref<128x128xf32, #tpu.memory_space<vmem>>, vector<1x16xf32>,
      %get3A_161 = vector.shape_cast %get3A_160 : vector<1x16xf32> to vector<16xf32>
      %add3A_162 = arith.addf %get3A_157, %get3A_161 : vector<16xf32>
      %get3A_163 = arith.index_cast %scan3A_24 : i32 to index
      %get3A_164 = arith.constant 96 : index
      %get3A_165 = tpu.vector_load %arg12[%get3A_163, %get3A_164] {strides = array<i32>} : memref<128x128xf32, #tpu.memory_space<vmem>>, vector<1x16xf32>,
      %get3A_166 = vector.shape_cast %get3A_165 : vector<1x16xf32> to vector<16xf32>
      %add3A_167 = arith.addf %add3A_162, %get3A_166 : vector<16xf32>
      %div3A_168 = arith.constant 3.000000e+00 : f32
      %div3A_169 = vector.broadcast %div3A_168 : f32 to vector<16xf32>
      %div3A_170 = arith.divf %add3A_167, %div3A_169 : vector<16xf32>
      %swap3A_171 = arith.index_cast %scan3A_24 : i32 to index
      %swap3A_172 = arith.constant 96 : index
      %swap3A_173 = tpu.vector_load %arg10[%swap3A_171, %swap3A_172] {strides = array<i32>} : memref<128x128xf32, #tpu.memory_space<vmem>>, vector<1x16xf32>,
      %swap3A_174 = vector.shape_cast %swap3A_173 : vector<1x16xf32> to vector<16xf32>
      %swap3A_175 = vector.shape_cast %div3A_170 : vector<16xf32> to vector<1x16xf32>
      tpu.vector_store %arg10[%swap3A_171, %swap3A_172], %swap3A_175 {strides = array<i32>} : memref<128x128xf32, #tpu.memory_space<vmem>>, vector<1x16xf32>,
      %get3A_176 = arith.index_cast %scan3A_24 : i32 to index
      %get3A_177 = arith.constant 112 : index
      %get3A_178 = tpu.vector_load %arg10[%get3A_176, %get3A_177] {strides = array<i32>} : memref<128x128xf32, #tpu.memory_space<vmem>>, vector<1x16xf32>,
      %get3A_179 = vector.shape_cast %get3A_178 : vector<1x16xf32> to vector<16xf32>
      %get3A_180 = arith.index_cast %scan3A_24 : i32 to index
      %get3A_181 = arith.constant 112 : index
      %get3A_182 = tpu.vector_load %arg11[%get3A_180, %get3A_181] {strides = array<i32>} : memref<128x128xf32, #tpu.memory_space<vmem>>, vector<1x16xf32>,
      %get3A_183 = vector.shape_cast %get3A_182 : vector<1x16xf32> to vector<16xf32>
      %add3A_184 = arith.addf %get3A_179, %get3A_183 : vector<16xf32>
      %get3A_185 = arith.index_cast %scan3A_24 : i32 to index
      %get3A_186 = arith.constant 112 : index
      %get3A_187 = tpu.vector_load %arg12[%get3A_185, %get3A_186] {strides = array<i32>} : memref<128x128xf32, #tpu.memory_space<vmem>>, vector<1x16xf32>,
      %get3A_188 = vector.shape_cast %get3A_187 : vector<1x16xf32> to vector<16xf32>
      %add3A_189 = arith.addf %add3A_184, %get3A_188 : vector<16xf32>
      %div3A_190 = arith.constant 3.000000e+00 : f32
      %div3A_191 = vector.broadcast %div3A_190 : f32 to vector<16xf32>
      %div3A_192 = arith.divf %add3A_189, %div3A_191 : vector<16xf32>
      %swap3A_193 = arith.index_cast %scan3A_24 : i32 to index
      %swap3A_194 = arith.constant 112 : index
      %swap3A_195 = tpu.vector_load %arg10[%swap3A_193, %swap3A_194] {strides = array<i32>} : memref<128x128xf32, #tpu.memory_space<vmem>>, vector<1x16xf32>,
      %swap3A_196 = vector.shape_cast %swap3A_195 : vector<1x16xf32> to vector<16xf32>
      %swap3A_197 = vector.shape_cast %div3A_192 : vector<16xf32> to vector<1x16xf32>
      tpu.vector_store %arg10[%swap3A_193, %swap3A_194], %swap3A_197 {strides = array<i32>} : memref<128x128xf32, #tpu.memory_space<vmem>>, vector<1x16xf32>,
    }
    %scan3A_23 = arith.constant 128 : i32
    "tpu.region"() ({
      %run_scoped3A = tpu.sem_alloc : memref<!tpu.dma_semaphore, #tpu.memory_space<semaphore_mem>>
      %dma_start3A_24 = arith.constant 0 : i32
      %dma_start3A_25 = tpu.memref_slice %arg6[%mul3A_2, %dma_start3A_24] : memref<4096x128xf32, #tpu.memory_space<hbm>> -> memref<128x128xf32, #tpu.memory_space<hbm>>
      %dma_start3A_26 = arith.constant 0 : i32
      %dma_start3A_27 = tpu.memref_slice %arg6[%mul3A_2, %dma_start3A_26] : memref<4096x128xf32, #tpu.memory_space<hbm>> -> memref<128x128xf32, #tpu.memory_space<hbm>>
      tpu.enqueue_dma source(%arg10 : memref<128x128xf32, #tpu.memory_space<vmem>>) target(%dma_start3A_27 : memref<128x128xf32, #tpu.memory_space<hbm>>) target_semaphore(%run_scoped3A : memref<!tpu.dma_semaphore, #tpu.memory_space<semaphore_mem>>)
      %dma_wait3A_28 = arith.constant 0 : i32
      %dma_wait3A_29 = tpu.memref_slice %arg6[%mul3A_2, %dma_wait3A_28] : memref<4096x128xf32, #tpu.memory_space<hbm>> -> memref<128x128xf32, #tpu.memory_space<hbm>>
      %dma_wait3A_30 = arith.constant 0 : i32
      %dma_wait3A_31 = tpu.memref_slice %arg6[%mul3A_2, %dma_wait3A_30] : memref<4096x128xf32, #tpu.memory_space<hbm>> -> memref<128x128xf32, #tpu.memory_space<hbm>>
      tpu.wait_dma2 semaphore(%run_scoped3A : memref<!tpu.dma_semaphore, #tpu.memory_space<semaphore_mem>>) src(%arg10 : memref<128x128xf32, #tpu.memory_space<vmem>>) dst(%dma_wait3A_31 : memref<128x128xf32, #tpu.memory_space<hbm>>)
      tpu.yield
    }) : () -> ()
    return
  }
}

#map = affine_map<(d0, d1) -> (0, 0)>
#map1 = affine_map<(d0, d1) -> (0)>
module attributes {stable_mosaic.version = 14 : i64} {
  func.func @run(%arg0: i32, %arg1: i32, %arg2: memref<8192x128xf32, #tpu.memory_space<hbm>>, %arg3: memref<8192xi32, #tpu.memory_space<hbm>>, %arg4: memref<8192xi32, #tpu.memory_space<hbm>>, %arg5: memref<8192xi32, #tpu.memory_space<hbm>>, %arg6: memref<8192x128xf32, #tpu.memory_space<hbm>>, %arg7: memref<256xi32, #tpu.memory_space<vmem>>, %arg8: memref<256xi32, #tpu.memory_space<vmem>>, %arg9: memref<256xi32, #tpu.memory_space<vmem>>, %arg10: memref<256x128xf32, #tpu.memory_space<vmem>>, %arg11: memref<256x128xf32, #tpu.memory_space<vmem>>, %arg12: memref<256x128xf32, #tpu.memory_space<vmem>>, %arg13: memref<!tpu.dma_semaphore, #tpu.memory_space<semaphore_mem>>) attributes {dimension_semantics = [#tpu.dimension_semantics<core_parallel>, #tpu.dimension_semantics<subcore_parallel>], iteration_bounds = array<i64: 2, 16>, scalar_prefetch = 0 : i64, scratch_operands = 7 : i64, tpu.core_type = #tpu.core_type<sc_vector_subcore>, window_params = [{transform_indices = #map}, {transform_indices = #map1}, {transform_indices = #map1}, {transform_indices = #map1}, {transform_indices = #map}]} {
    %mul3A = arith.constant 2 : i32
    %mul3A_0 = arith.muli %arg1, %mul3A : i32
    %add3A = arith.addi %mul3A_0, %arg0 : i32
    %mul3A_1 = arith.constant 256 : i32
    %mul3A_2 = arith.muli %add3A, %mul3A_1 : i32
    "tpu.region"() ({
      %run_scoped3A = tpu.sem_alloc : memref<!tpu.dma_semaphore, #tpu.memory_space<semaphore_mem>>
      %dma_start3A_24 = tpu.memref_slice %arg3[%mul3A_2] : memref<8192xi32, #tpu.memory_space<hbm>> -> memref<256xi32, #tpu.memory_space<hbm>>
      %dma_start3A_25 = tpu.memref_slice %arg3[%mul3A_2] : memref<8192xi32, #tpu.memory_space<hbm>> -> memref<256xi32, #tpu.memory_space<hbm>>
      tpu.enqueue_dma source(%dma_start3A_25 : memref<256xi32, #tpu.memory_space<hbm>>) target(%arg7 : memref<256xi32, #tpu.memory_space<vmem>>) target_semaphore(%run_scoped3A : memref<!tpu.dma_semaphore, #tpu.memory_space<semaphore_mem>>)
      %dma_wait3A_26 = tpu.memref_slice %arg3[%mul3A_2] : memref<8192xi32, #tpu.memory_space<hbm>> -> memref<256xi32, #tpu.memory_space<hbm>>
      %dma_wait3A_27 = tpu.memref_slice %arg3[%mul3A_2] : memref<8192xi32, #tpu.memory_space<hbm>> -> memref<256xi32, #tpu.memory_space<hbm>>
      tpu.wait_dma2 semaphore(%run_scoped3A : memref<!tpu.dma_semaphore, #tpu.memory_space<semaphore_mem>>) src(%dma_wait3A_27 : memref<256xi32, #tpu.memory_space<hbm>>) dst(%arg7 : memref<256xi32, #tpu.memory_space<vmem>>)
      tpu.yield
    }) : () -> ()
    "tpu.region"() ({
      %run_scoped3A = tpu.sem_alloc : memref<!tpu.dma_semaphore, #tpu.memory_space<semaphore_mem>>
      %dma_start3A_24 = tpu.memref_slice %arg4[%mul3A_2] : memref<8192xi32, #tpu.memory_space<hbm>> -> memref<256xi32, #tpu.memory_space<hbm>>
      %dma_start3A_25 = tpu.memref_slice %arg4[%mul3A_2] : memref<8192xi32, #tpu.memory_space<hbm>> -> memref<256xi32, #tpu.memory_space<hbm>>
      tpu.enqueue_dma source(%dma_start3A_25 : memref<256xi32, #tpu.memory_space<hbm>>) target(%arg8 : memref<256xi32, #tpu.memory_space<vmem>>) target_semaphore(%run_scoped3A : memref<!tpu.dma_semaphore, #tpu.memory_space<semaphore_mem>>)
      %dma_wait3A_26 = tpu.memref_slice %arg4[%mul3A_2] : memref<8192xi32, #tpu.memory_space<hbm>> -> memref<256xi32, #tpu.memory_space<hbm>>
      %dma_wait3A_27 = tpu.memref_slice %arg4[%mul3A_2] : memref<8192xi32, #tpu.memory_space<hbm>> -> memref<256xi32, #tpu.memory_space<hbm>>
      tpu.wait_dma2 semaphore(%run_scoped3A : memref<!tpu.dma_semaphore, #tpu.memory_space<semaphore_mem>>) src(%dma_wait3A_27 : memref<256xi32, #tpu.memory_space<hbm>>) dst(%arg8 : memref<256xi32, #tpu.memory_space<vmem>>)
      tpu.yield
    }) : () -> ()
    "tpu.region"() ({
      %run_scoped3A = tpu.sem_alloc : memref<!tpu.dma_semaphore, #tpu.memory_space<semaphore_mem>>
      %dma_start3A_24 = tpu.memref_slice %arg5[%mul3A_2] : memref<8192xi32, #tpu.memory_space<hbm>> -> memref<256xi32, #tpu.memory_space<hbm>>
      %dma_start3A_25 = tpu.memref_slice %arg5[%mul3A_2] : memref<8192xi32, #tpu.memory_space<hbm>> -> memref<256xi32, #tpu.memory_space<hbm>>
      tpu.enqueue_dma source(%dma_start3A_25 : memref<256xi32, #tpu.memory_space<hbm>>) target(%arg9 : memref<256xi32, #tpu.memory_space<vmem>>) target_semaphore(%run_scoped3A : memref<!tpu.dma_semaphore, #tpu.memory_space<semaphore_mem>>)
      %dma_wait3A_26 = tpu.memref_slice %arg5[%mul3A_2] : memref<8192xi32, #tpu.memory_space<hbm>> -> memref<256xi32, #tpu.memory_space<hbm>>
      %dma_wait3A_27 = tpu.memref_slice %arg5[%mul3A_2] : memref<8192xi32, #tpu.memory_space<hbm>> -> memref<256xi32, #tpu.memory_space<hbm>>
      tpu.wait_dma2 semaphore(%run_scoped3A : memref<!tpu.dma_semaphore, #tpu.memory_space<semaphore_mem>>) src(%dma_wait3A_27 : memref<256xi32, #tpu.memory_space<hbm>>) dst(%arg9 : memref<256xi32, #tpu.memory_space<vmem>>)
      tpu.yield
    }) : () -> ()
    %dma_start3A = arith.constant 0 : i32
    %dma_start3A_3 = arith.constant 0 : i32
    %dma_start3A_4 = tpu.memref_slice %arg2[%dma_start3A, %dma_start3A_3] : memref<8192x128xf32, #tpu.memory_space<hbm>> -> memref<8192x128xf32, #tpu.memory_space<hbm>>
    tpu.enqueue_indirect_dma source(%dma_start3A_4 : memref<8192x128xf32, #tpu.memory_space<hbm>>) target(%arg10 : memref<256x128xf32, #tpu.memory_space<vmem>>) offsets(%arg7 : memref<256xi32, #tpu.memory_space<vmem>>) semaphore(%arg13 : memref<!tpu.dma_semaphore, #tpu.memory_space<semaphore_mem>>)
    %dma_start3A_5 = arith.constant 0 : i32
    %dma_start3A_6 = arith.constant 0 : i32
    %dma_start3A_7 = tpu.memref_slice %arg2[%dma_start3A_5, %dma_start3A_6] : memref<8192x128xf32, #tpu.memory_space<hbm>> -> memref<8192x128xf32, #tpu.memory_space<hbm>>
    tpu.enqueue_indirect_dma source(%dma_start3A_7 : memref<8192x128xf32, #tpu.memory_space<hbm>>) target(%arg11 : memref<256x128xf32, #tpu.memory_space<vmem>>) offsets(%arg8 : memref<256xi32, #tpu.memory_space<vmem>>) semaphore(%arg13 : memref<!tpu.dma_semaphore, #tpu.memory_space<semaphore_mem>>)
    %dma_start3A_8 = arith.constant 0 : i32
    %dma_start3A_9 = arith.constant 0 : i32
    %dma_start3A_10 = tpu.memref_slice %arg2[%dma_start3A_8, %dma_start3A_9] : memref<8192x128xf32, #tpu.memory_space<hbm>> -> memref<8192x128xf32, #tpu.memory_space<hbm>>
    tpu.enqueue_indirect_dma source(%dma_start3A_10 : memref<8192x128xf32, #tpu.memory_space<hbm>>) target(%arg12 : memref<256x128xf32, #tpu.memory_space<vmem>>) offsets(%arg9 : memref<256xi32, #tpu.memory_space<vmem>>) semaphore(%arg13 : memref<!tpu.dma_semaphore, #tpu.memory_space<semaphore_mem>>)
    %dma_wait3A = arith.constant 0 : i32
    %dma_wait3A_11 = arith.constant 0 : i32
    %dma_wait3A_12 = tpu.memref_slice %arg2[%dma_wait3A, %dma_wait3A_11] : memref<8192x128xf32, #tpu.memory_space<hbm>> -> memref<8192x128xf32, #tpu.memory_space<hbm>>
    tpu.wait_indirect_dma semaphore(%arg13 : memref<!tpu.dma_semaphore, #tpu.memory_space<semaphore_mem>>) src(%dma_wait3A_12 : memref<8192x128xf32, #tpu.memory_space<hbm>>) dst(%arg10 : memref<256x128xf32, #tpu.memory_space<vmem>>)
    %dma_wait3A_13 = arith.constant 0 : i32
    %dma_wait3A_14 = arith.constant 0 : i32
    %dma_wait3A_15 = tpu.memref_slice %arg2[%dma_wait3A_13, %dma_wait3A_14] : memref<8192x128xf32, #tpu.memory_space<hbm>> -> memref<8192x128xf32, #tpu.memory_space<hbm>>
    tpu.wait_indirect_dma semaphore(%arg13 : memref<!tpu.dma_semaphore, #tpu.memory_space<semaphore_mem>>) src(%dma_wait3A_15 : memref<8192x128xf32, #tpu.memory_space<hbm>>) dst(%arg11 : memref<256x128xf32, #tpu.memory_space<vmem>>)
    %dma_wait3A_16 = arith.constant 0 : i32
    %dma_wait3A_17 = arith.constant 0 : i32
    %dma_wait3A_18 = tpu.memref_slice %arg2[%dma_wait3A_16, %dma_wait3A_17] : memref<8192x128xf32, #tpu.memory_space<hbm>> -> memref<8192x128xf32, #tpu.memory_space<hbm>>
    tpu.wait_indirect_dma semaphore(%arg13 : memref<!tpu.dma_semaphore, #tpu.memory_space<semaphore_mem>>) src(%dma_wait3A_18 : memref<8192x128xf32, #tpu.memory_space<hbm>>) dst(%arg12 : memref<256x128xf32, #tpu.memory_space<vmem>>)
    %scan3A = arith.constant 0 : i32
    %scan3A_19 = arith.constant 0 : i32
    %scan3A_20 = arith.constant 256 : i32
    %scan3A_21 = arith.addi %scan3A_19, %scan3A_20 : i32
    %scan3A_22 = arith.constant 1 : i32
    scf.for %scan3A_24 = %scan3A_19 to %scan3A_21 step %scan3A_22  : i32 {
      %get3A = arith.index_cast %scan3A_24 : i32 to index
      %get3A_25 = arith.constant 0 : index
      %get3A_26 = tpu.vector_load %arg10[%get3A, %get3A_25] {strides = array<i32>} : memref<256x128xf32, #tpu.memory_space<vmem>>, vector<1x16xf32>,
      %get3A_27 = vector.shape_cast %get3A_26 : vector<1x16xf32> to vector<16xf32>
      %get3A_28 = arith.index_cast %scan3A_24 : i32 to index
      %get3A_29 = arith.constant 0 : index
      %get3A_30 = tpu.vector_load %arg11[%get3A_28, %get3A_29] {strides = array<i32>} : memref<256x128xf32, #tpu.memory_space<vmem>>, vector<1x16xf32>,
      %get3A_31 = vector.shape_cast %get3A_30 : vector<1x16xf32> to vector<16xf32>
      %add3A_32 = arith.addf %get3A_27, %get3A_31 : vector<16xf32>
      %get3A_33 = arith.index_cast %scan3A_24 : i32 to index
      %get3A_34 = arith.constant 0 : index
      %get3A_35 = tpu.vector_load %arg12[%get3A_33, %get3A_34] {strides = array<i32>} : memref<256x128xf32, #tpu.memory_space<vmem>>, vector<1x16xf32>,
      %get3A_36 = vector.shape_cast %get3A_35 : vector<1x16xf32> to vector<16xf32>
      %add3A_37 = arith.addf %add3A_32, %get3A_36 : vector<16xf32>
      %div3A = arith.constant 3.000000e+00 : f32
      %div3A_38 = vector.broadcast %div3A : f32 to vector<16xf32>
      %div3A_39 = arith.divf %add3A_37, %div3A_38 : vector<16xf32>
      %swap3A = arith.index_cast %scan3A_24 : i32 to index
      %swap3A_40 = arith.constant 0 : index
      %swap3A_41 = tpu.vector_load %arg10[%swap3A, %swap3A_40] {strides = array<i32>} : memref<256x128xf32, #tpu.memory_space<vmem>>, vector<1x16xf32>,
      %swap3A_42 = vector.shape_cast %swap3A_41 : vector<1x16xf32> to vector<16xf32>
      %swap3A_43 = vector.shape_cast %div3A_39 : vector<16xf32> to vector<1x16xf32>
      tpu.vector_store %arg10[%swap3A, %swap3A_40], %swap3A_43 {strides = array<i32>} : memref<256x128xf32, #tpu.memory_space<vmem>>, vector<1x16xf32>,
      %get3A_44 = arith.index_cast %scan3A_24 : i32 to index
      %get3A_45 = arith.constant 16 : index
      %get3A_46 = tpu.vector_load %arg10[%get3A_44, %get3A_45] {strides = array<i32>} : memref<256x128xf32, #tpu.memory_space<vmem>>, vector<1x16xf32>,
      %get3A_47 = vector.shape_cast %get3A_46 : vector<1x16xf32> to vector<16xf32>
      %get3A_48 = arith.index_cast %scan3A_24 : i32 to index
      %get3A_49 = arith.constant 16 : index
      %get3A_50 = tpu.vector_load %arg11[%get3A_48, %get3A_49] {strides = array<i32>} : memref<256x128xf32, #tpu.memory_space<vmem>>, vector<1x16xf32>,
      %get3A_51 = vector.shape_cast %get3A_50 : vector<1x16xf32> to vector<16xf32>
      %add3A_52 = arith.addf %get3A_47, %get3A_51 : vector<16xf32>
      %get3A_53 = arith.index_cast %scan3A_24 : i32 to index
      %get3A_54 = arith.constant 16 : index
      %get3A_55 = tpu.vector_load %arg12[%get3A_53, %get3A_54] {strides = array<i32>} : memref<256x128xf32, #tpu.memory_space<vmem>>, vector<1x16xf32>,
      %get3A_56 = vector.shape_cast %get3A_55 : vector<1x16xf32> to vector<16xf32>
      %add3A_57 = arith.addf %add3A_52, %get3A_56 : vector<16xf32>
      %div3A_58 = arith.constant 3.000000e+00 : f32
      %div3A_59 = vector.broadcast %div3A_58 : f32 to vector<16xf32>
      %div3A_60 = arith.divf %add3A_57, %div3A_59 : vector<16xf32>
      %swap3A_61 = arith.index_cast %scan3A_24 : i32 to index
      %swap3A_62 = arith.constant 16 : index
      %swap3A_63 = tpu.vector_load %arg10[%swap3A_61, %swap3A_62] {strides = array<i32>} : memref<256x128xf32, #tpu.memory_space<vmem>>, vector<1x16xf32>,
      %swap3A_64 = vector.shape_cast %swap3A_63 : vector<1x16xf32> to vector<16xf32>
      %swap3A_65 = vector.shape_cast %div3A_60 : vector<16xf32> to vector<1x16xf32>
      tpu.vector_store %arg10[%swap3A_61, %swap3A_62], %swap3A_65 {strides = array<i32>} : memref<256x128xf32, #tpu.memory_space<vmem>>, vector<1x16xf32>,
      %get3A_66 = arith.index_cast %scan3A_24 : i32 to index
      %get3A_67 = arith.constant 32 : index
      %get3A_68 = tpu.vector_load %arg10[%get3A_66, %get3A_67] {strides = array<i32>} : memref<256x128xf32, #tpu.memory_space<vmem>>, vector<1x16xf32>,
      %get3A_69 = vector.shape_cast %get3A_68 : vector<1x16xf32> to vector<16xf32>
      %get3A_70 = arith.index_cast %scan3A_24 : i32 to index
      %get3A_71 = arith.constant 32 : index
      %get3A_72 = tpu.vector_load %arg11[%get3A_70, %get3A_71] {strides = array<i32>} : memref<256x128xf32, #tpu.memory_space<vmem>>, vector<1x16xf32>,
      %get3A_73 = vector.shape_cast %get3A_72 : vector<1x16xf32> to vector<16xf32>
      %add3A_74 = arith.addf %get3A_69, %get3A_73 : vector<16xf32>
      %get3A_75 = arith.index_cast %scan3A_24 : i32 to index
      %get3A_76 = arith.constant 32 : index
      %get3A_77 = tpu.vector_load %arg12[%get3A_75, %get3A_76] {strides = array<i32>} : memref<256x128xf32, #tpu.memory_space<vmem>>, vector<1x16xf32>,
      %get3A_78 = vector.shape_cast %get3A_77 : vector<1x16xf32> to vector<16xf32>
      %add3A_79 = arith.addf %add3A_74, %get3A_78 : vector<16xf32>
      %div3A_80 = arith.constant 3.000000e+00 : f32
      %div3A_81 = vector.broadcast %div3A_80 : f32 to vector<16xf32>
      %div3A_82 = arith.divf %add3A_79, %div3A_81 : vector<16xf32>
      %swap3A_83 = arith.index_cast %scan3A_24 : i32 to index
      %swap3A_84 = arith.constant 32 : index
      %swap3A_85 = tpu.vector_load %arg10[%swap3A_83, %swap3A_84] {strides = array<i32>} : memref<256x128xf32, #tpu.memory_space<vmem>>, vector<1x16xf32>,
      %swap3A_86 = vector.shape_cast %swap3A_85 : vector<1x16xf32> to vector<16xf32>
      %swap3A_87 = vector.shape_cast %div3A_82 : vector<16xf32> to vector<1x16xf32>
      tpu.vector_store %arg10[%swap3A_83, %swap3A_84], %swap3A_87 {strides = array<i32>} : memref<256x128xf32, #tpu.memory_space<vmem>>, vector<1x16xf32>,
      %get3A_88 = arith.index_cast %scan3A_24 : i32 to index
      %get3A_89 = arith.constant 48 : index
      %get3A_90 = tpu.vector_load %arg10[%get3A_88, %get3A_89] {strides = array<i32>} : memref<256x128xf32, #tpu.memory_space<vmem>>, vector<1x16xf32>,
      %get3A_91 = vector.shape_cast %get3A_90 : vector<1x16xf32> to vector<16xf32>
      %get3A_92 = arith.index_cast %scan3A_24 : i32 to index
      %get3A_93 = arith.constant 48 : index
      %get3A_94 = tpu.vector_load %arg11[%get3A_92, %get3A_93] {strides = array<i32>} : memref<256x128xf32, #tpu.memory_space<vmem>>, vector<1x16xf32>,
      %get3A_95 = vector.shape_cast %get3A_94 : vector<1x16xf32> to vector<16xf32>
      %add3A_96 = arith.addf %get3A_91, %get3A_95 : vector<16xf32>
      %get3A_97 = arith.index_cast %scan3A_24 : i32 to index
      %get3A_98 = arith.constant 48 : index
      %get3A_99 = tpu.vector_load %arg12[%get3A_97, %get3A_98] {strides = array<i32>} : memref<256x128xf32, #tpu.memory_space<vmem>>, vector<1x16xf32>,
      %get3A_100 = vector.shape_cast %get3A_99 : vector<1x16xf32> to vector<16xf32>
      %add3A_101 = arith.addf %add3A_96, %get3A_100 : vector<16xf32>
      %div3A_102 = arith.constant 3.000000e+00 : f32
      %div3A_103 = vector.broadcast %div3A_102 : f32 to vector<16xf32>
      %div3A_104 = arith.divf %add3A_101, %div3A_103 : vector<16xf32>
      %swap3A_105 = arith.index_cast %scan3A_24 : i32 to index
      %swap3A_106 = arith.constant 48 : index
      %swap3A_107 = tpu.vector_load %arg10[%swap3A_105, %swap3A_106] {strides = array<i32>} : memref<256x128xf32, #tpu.memory_space<vmem>>, vector<1x16xf32>,
      %swap3A_108 = vector.shape_cast %swap3A_107 : vector<1x16xf32> to vector<16xf32>
      %swap3A_109 = vector.shape_cast %div3A_104 : vector<16xf32> to vector<1x16xf32>
      tpu.vector_store %arg10[%swap3A_105, %swap3A_106], %swap3A_109 {strides = array<i32>} : memref<256x128xf32, #tpu.memory_space<vmem>>, vector<1x16xf32>,
      %get3A_110 = arith.index_cast %scan3A_24 : i32 to index
      %get3A_111 = arith.constant 64 : index
      %get3A_112 = tpu.vector_load %arg10[%get3A_110, %get3A_111] {strides = array<i32>} : memref<256x128xf32, #tpu.memory_space<vmem>>, vector<1x16xf32>,
      %get3A_113 = vector.shape_cast %get3A_112 : vector<1x16xf32> to vector<16xf32>
      %get3A_114 = arith.index_cast %scan3A_24 : i32 to index
      %get3A_115 = arith.constant 64 : index
      %get3A_116 = tpu.vector_load %arg11[%get3A_114, %get3A_115] {strides = array<i32>} : memref<256x128xf32, #tpu.memory_space<vmem>>, vector<1x16xf32>,
      %get3A_117 = vector.shape_cast %get3A_116 : vector<1x16xf32> to vector<16xf32>
      %add3A_118 = arith.addf %get3A_113, %get3A_117 : vector<16xf32>
      %get3A_119 = arith.index_cast %scan3A_24 : i32 to index
      %get3A_120 = arith.constant 64 : index
      %get3A_121 = tpu.vector_load %arg12[%get3A_119, %get3A_120] {strides = array<i32>} : memref<256x128xf32, #tpu.memory_space<vmem>>, vector<1x16xf32>,
      %get3A_122 = vector.shape_cast %get3A_121 : vector<1x16xf32> to vector<16xf32>
      %add3A_123 = arith.addf %add3A_118, %get3A_122 : vector<16xf32>
      %div3A_124 = arith.constant 3.000000e+00 : f32
      %div3A_125 = vector.broadcast %div3A_124 : f32 to vector<16xf32>
      %div3A_126 = arith.divf %add3A_123, %div3A_125 : vector<16xf32>
      %swap3A_127 = arith.index_cast %scan3A_24 : i32 to index
      %swap3A_128 = arith.constant 64 : index
      %swap3A_129 = tpu.vector_load %arg10[%swap3A_127, %swap3A_128] {strides = array<i32>} : memref<256x128xf32, #tpu.memory_space<vmem>>, vector<1x16xf32>,
      %swap3A_130 = vector.shape_cast %swap3A_129 : vector<1x16xf32> to vector<16xf32>
      %swap3A_131 = vector.shape_cast %div3A_126 : vector<16xf32> to vector<1x16xf32>
      tpu.vector_store %arg10[%swap3A_127, %swap3A_128], %swap3A_131 {strides = array<i32>} : memref<256x128xf32, #tpu.memory_space<vmem>>, vector<1x16xf32>,
      %get3A_132 = arith.index_cast %scan3A_24 : i32 to index
      %get3A_133 = arith.constant 80 : index
      %get3A_134 = tpu.vector_load %arg10[%get3A_132, %get3A_133] {strides = array<i32>} : memref<256x128xf32, #tpu.memory_space<vmem>>, vector<1x16xf32>,
      %get3A_135 = vector.shape_cast %get3A_134 : vector<1x16xf32> to vector<16xf32>
      %get3A_136 = arith.index_cast %scan3A_24 : i32 to index
      %get3A_137 = arith.constant 80 : index
      %get3A_138 = tpu.vector_load %arg11[%get3A_136, %get3A_137] {strides = array<i32>} : memref<256x128xf32, #tpu.memory_space<vmem>>, vector<1x16xf32>,
      %get3A_139 = vector.shape_cast %get3A_138 : vector<1x16xf32> to vector<16xf32>
      %add3A_140 = arith.addf %get3A_135, %get3A_139 : vector<16xf32>
      %get3A_141 = arith.index_cast %scan3A_24 : i32 to index
      %get3A_142 = arith.constant 80 : index
      %get3A_143 = tpu.vector_load %arg12[%get3A_141, %get3A_142] {strides = array<i32>} : memref<256x128xf32, #tpu.memory_space<vmem>>, vector<1x16xf32>,
      %get3A_144 = vector.shape_cast %get3A_143 : vector<1x16xf32> to vector<16xf32>
      %add3A_145 = arith.addf %add3A_140, %get3A_144 : vector<16xf32>
      %div3A_146 = arith.constant 3.000000e+00 : f32
      %div3A_147 = vector.broadcast %div3A_146 : f32 to vector<16xf32>
      %div3A_148 = arith.divf %add3A_145, %div3A_147 : vector<16xf32>
      %swap3A_149 = arith.index_cast %scan3A_24 : i32 to index
      %swap3A_150 = arith.constant 80 : index
      %swap3A_151 = tpu.vector_load %arg10[%swap3A_149, %swap3A_150] {strides = array<i32>} : memref<256x128xf32, #tpu.memory_space<vmem>>, vector<1x16xf32>,
      %swap3A_152 = vector.shape_cast %swap3A_151 : vector<1x16xf32> to vector<16xf32>
      %swap3A_153 = vector.shape_cast %div3A_148 : vector<16xf32> to vector<1x16xf32>
      tpu.vector_store %arg10[%swap3A_149, %swap3A_150], %swap3A_153 {strides = array<i32>} : memref<256x128xf32, #tpu.memory_space<vmem>>, vector<1x16xf32>,
      %get3A_154 = arith.index_cast %scan3A_24 : i32 to index
      %get3A_155 = arith.constant 96 : index
      %get3A_156 = tpu.vector_load %arg10[%get3A_154, %get3A_155] {strides = array<i32>} : memref<256x128xf32, #tpu.memory_space<vmem>>, vector<1x16xf32>,
      %get3A_157 = vector.shape_cast %get3A_156 : vector<1x16xf32> to vector<16xf32>
      %get3A_158 = arith.index_cast %scan3A_24 : i32 to index
      %get3A_159 = arith.constant 96 : index
      %get3A_160 = tpu.vector_load %arg11[%get3A_158, %get3A_159] {strides = array<i32>} : memref<256x128xf32, #tpu.memory_space<vmem>>, vector<1x16xf32>,
      %get3A_161 = vector.shape_cast %get3A_160 : vector<1x16xf32> to vector<16xf32>
      %add3A_162 = arith.addf %get3A_157, %get3A_161 : vector<16xf32>
      %get3A_163 = arith.index_cast %scan3A_24 : i32 to index
      %get3A_164 = arith.constant 96 : index
      %get3A_165 = tpu.vector_load %arg12[%get3A_163, %get3A_164] {strides = array<i32>} : memref<256x128xf32, #tpu.memory_space<vmem>>, vector<1x16xf32>,
      %get3A_166 = vector.shape_cast %get3A_165 : vector<1x16xf32> to vector<16xf32>
      %add3A_167 = arith.addf %add3A_162, %get3A_166 : vector<16xf32>
      %div3A_168 = arith.constant 3.000000e+00 : f32
      %div3A_169 = vector.broadcast %div3A_168 : f32 to vector<16xf32>
      %div3A_170 = arith.divf %add3A_167, %div3A_169 : vector<16xf32>
      %swap3A_171 = arith.index_cast %scan3A_24 : i32 to index
      %swap3A_172 = arith.constant 96 : index
      %swap3A_173 = tpu.vector_load %arg10[%swap3A_171, %swap3A_172] {strides = array<i32>} : memref<256x128xf32, #tpu.memory_space<vmem>>, vector<1x16xf32>,
      %swap3A_174 = vector.shape_cast %swap3A_173 : vector<1x16xf32> to vector<16xf32>
      %swap3A_175 = vector.shape_cast %div3A_170 : vector<16xf32> to vector<1x16xf32>
      tpu.vector_store %arg10[%swap3A_171, %swap3A_172], %swap3A_175 {strides = array<i32>} : memref<256x128xf32, #tpu.memory_space<vmem>>, vector<1x16xf32>,
      %get3A_176 = arith.index_cast %scan3A_24 : i32 to index
      %get3A_177 = arith.constant 112 : index
      %get3A_178 = tpu.vector_load %arg10[%get3A_176, %get3A_177] {strides = array<i32>} : memref<256x128xf32, #tpu.memory_space<vmem>>, vector<1x16xf32>,
      %get3A_179 = vector.shape_cast %get3A_178 : vector<1x16xf32> to vector<16xf32>
      %get3A_180 = arith.index_cast %scan3A_24 : i32 to index
      %get3A_181 = arith.constant 112 : index
      %get3A_182 = tpu.vector_load %arg11[%get3A_180, %get3A_181] {strides = array<i32>} : memref<256x128xf32, #tpu.memory_space<vmem>>, vector<1x16xf32>,
      %get3A_183 = vector.shape_cast %get3A_182 : vector<1x16xf32> to vector<16xf32>
      %add3A_184 = arith.addf %get3A_179, %get3A_183 : vector<16xf32>
      %get3A_185 = arith.index_cast %scan3A_24 : i32 to index
      %get3A_186 = arith.constant 112 : index
      %get3A_187 = tpu.vector_load %arg12[%get3A_185, %get3A_186] {strides = array<i32>} : memref<256x128xf32, #tpu.memory_space<vmem>>, vector<1x16xf32>,
      %get3A_188 = vector.shape_cast %get3A_187 : vector<1x16xf32> to vector<16xf32>
      %add3A_189 = arith.addf %add3A_184, %get3A_188 : vector<16xf32>
      %div3A_190 = arith.constant 3.000000e+00 : f32
      %div3A_191 = vector.broadcast %div3A_190 : f32 to vector<16xf32>
      %div3A_192 = arith.divf %add3A_189, %div3A_191 : vector<16xf32>
      %swap3A_193 = arith.index_cast %scan3A_24 : i32 to index
      %swap3A_194 = arith.constant 112 : index
      %swap3A_195 = tpu.vector_load %arg10[%swap3A_193, %swap3A_194] {strides = array<i32>} : memref<256x128xf32, #tpu.memory_space<vmem>>, vector<1x16xf32>,
      %swap3A_196 = vector.shape_cast %swap3A_195 : vector<1x16xf32> to vector<16xf32>
      %swap3A_197 = vector.shape_cast %div3A_192 : vector<16xf32> to vector<1x16xf32>
      tpu.vector_store %arg10[%swap3A_193, %swap3A_194], %swap3A_197 {strides = array<i32>} : memref<256x128xf32, #tpu.memory_space<vmem>>, vector<1x16xf32>,
    }
    %scan3A_23 = arith.constant 256 : i32
    "tpu.region"() ({
      %run_scoped3A = tpu.sem_alloc : memref<!tpu.dma_semaphore, #tpu.memory_space<semaphore_mem>>
      %dma_start3A_24 = arith.constant 0 : i32
      %dma_start3A_25 = tpu.memref_slice %arg6[%mul3A_2, %dma_start3A_24] : memref<8192x128xf32, #tpu.memory_space<hbm>> -> memref<256x128xf32, #tpu.memory_space<hbm>>
      %dma_start3A_26 = arith.constant 0 : i32
      %dma_start3A_27 = tpu.memref_slice %arg6[%mul3A_2, %dma_start3A_26] : memref<8192x128xf32, #tpu.memory_space<hbm>> -> memref<256x128xf32, #tpu.memory_space<hbm>>
      tpu.enqueue_dma source(%arg10 : memref<256x128xf32, #tpu.memory_space<vmem>>) target(%dma_start3A_27 : memref<256x128xf32, #tpu.memory_space<hbm>>) target_semaphore(%run_scoped3A : memref<!tpu.dma_semaphore, #tpu.memory_space<semaphore_mem>>)
      %dma_wait3A_28 = arith.constant 0 : i32
      %dma_wait3A_29 = tpu.memref_slice %arg6[%mul3A_2, %dma_wait3A_28] : memref<8192x128xf32, #tpu.memory_space<hbm>> -> memref<256x128xf32, #tpu.memory_space<hbm>>
      %dma_wait3A_30 = arith.constant 0 : i32
      %dma_wait3A_31 = tpu.memref_slice %arg6[%mul3A_2, %dma_wait3A_30] : memref<8192x128xf32, #tpu.memory_space<hbm>> -> memref<256x128xf32, #tpu.memory_space<hbm>>
      tpu.wait_dma2 semaphore(%run_scoped3A : memref<!tpu.dma_semaphore, #tpu.memory_space<semaphore_mem>>) src(%arg10 : memref<256x128xf32, #tpu.memory_space<vmem>>) dst(%dma_wait3A_31 : memref<256x128xf32, #tpu.memory_space<hbm>>)
      tpu.yield
    }) : () -> ()
    return
  }
}

module attributes {stable_mosaic.version = 14 : i64} {
  func.func @_topk_body(%arg0: i32, %arg1: memref<1024x128xbf16, #tpu.memory_space<vmem>>, %arg2: memref<4096x128xbf16, #tpu.memory_space<vmem>>, %arg3: memref<1024x1xf32, #tpu.memory_space<vmem>>, %arg4: memref<1x4096xf32, #tpu.memory_space<vmem>>, %arg5: memref<1024x128xi32, #tpu.memory_space<vmem>>, %arg6: memref<1024x128xf32, #tpu.memory_space<vmem>>, %arg7: memref<1024x128xf32, #tpu.memory_space<vmem>>, %arg8: memref<1024x128xf32, #tpu.memory_space<vmem>>, %arg9: memref<1024x128xf32, #tpu.memory_space<vmem>>, %arg10: memref<1024x128xf32, #tpu.memory_space<vmem>>, %arg11: memref<1024x128xf32, #tpu.memory_space<vmem>>, %arg12: memref<1024x128xf32, #tpu.memory_space<vmem>>, %arg13: memref<1024x128xf32, #tpu.memory_space<vmem>>) attributes {dimension_semantics = [#tpu.dimension_semantics<parallel>], iteration_bounds = array<i64: 4>, scalar_prefetch = 0 : i64, scratch_operands = 0 : i64, tpu.core_type = #tpu.core_type<tc>, window_params = [{transform_indices = @transform_0, window_bounds = array<i64: 1024, 128>}, {pipeline_mode = #tpu.pipeline_mode<synchronous>, transform_indices = @transform_1, window_bounds = array<i64: 4096, 128>}, {transform_indices = @transform_2, window_bounds = array<i64: 1024, 1>}, {pipeline_mode = #tpu.pipeline_mode<synchronous>, transform_indices = @transform_3, window_bounds = array<i64: 1, 4096>}, {transform_indices = @transform_4, window_bounds = array<i64: 1024, 128>}, {transform_indices = @transform_5, window_bounds = array<i64: 1024, 128>}, {transform_indices = @transform_6, window_bounds = array<i64: 1024, 128>}, {transform_indices = @transform_7, window_bounds = array<i64: 1024, 128>}, {transform_indices = @transform_8, window_bounds = array<i64: 1024, 128>}, {transform_indices = @transform_9, window_bounds = array<i64: 1024, 128>}, {transform_indices = @transform_10, window_bounds = array<i64: 1024, 128>}, {transform_indices = @transform_11, window_bounds = array<i64: 1024, 128>}, {transform_indices = @transform_12, window_bounds = array<i64: 1024, 128>}]} {
    %get3A = arith.constant 0 : index
    %get3A_0 = arith.constant 0 : index
    %get3A_1 = vector.load %arg1[%get3A, %get3A_0] : memref<1024x128xbf16, #tpu.memory_space<vmem>>, vector<1024x128xbf16>
    %mul3A = arith.constant -2.000000e+00 : bf16
    %mul3A_2 = vector.broadcast %mul3A : bf16 to vector<1024x128xbf16>
    %mul3A_3 = arith.mulf %get3A_1, %mul3A_2 : vector<1024x128xbf16>
    %get3A_4 = arith.constant 0 : index
    %get3A_5 = arith.constant 0 : index
    %get3A_6 = vector.load %arg2[%get3A_4, %get3A_5] : memref<4096x128xbf16, #tpu.memory_space<vmem>>, vector<4096x128xbf16>
    %dot_general3A = arith.constant dense<0.000000e+00> : vector<1024x4096xf32>
    %dot_general3A_7 = tpu.matmul %mul3A_3, %get3A_6, %dot_general3A {dimension_numbers = #tpu.dot_dimension_numbers<[1], [1], [0], [0], [0, 0, 1, 0], [], []>, transpose_lhs_hint = false} : vector<1024x128xbf16>, vector<4096x128xbf16>, vector<1024x4096xf32> -> vector<1024x4096xf32>
    %get3A_8 = arith.constant 0 : index
    %get3A_9 = arith.constant 0 : index
    %get3A_10 = vector.load %arg3[%get3A_8, %get3A_9] : memref<1024x1xf32, #tpu.memory_space<vmem>>, vector<1024x1xf32>
    %get3A_11 = arith.constant 0 : index
    %get3A_12 = arith.constant 0 : index
    %get3A_13 = vector.load %arg4[%get3A_11, %get3A_12] : memref<1x4096xf32, #tpu.memory_space<vmem>>, vector<1x4096xf32>
    %broadcast_in_dim3A = arith.constant 0x7F800000 : f32
    %broadcast_in_dim3A_14 = vector.broadcast %broadcast_in_dim3A : f32 to vector<1024x128xf32>
    %broadcast_in_dim3A_15 = arith.constant 0x7F800000 : f32
    %broadcast_in_dim3A_16 = vector.broadcast %broadcast_in_dim3A_15 : f32 to vector<1024x128xf32>
    %broadcast_in_dim3A_17 = arith.constant 0x7F800000 : f32
    %broadcast_in_dim3A_18 = vector.broadcast %broadcast_in_dim3A_17 : f32 to vector<1024x128xf32>
    %broadcast_in_dim3A_19 = arith.constant 0x7F800000 : f32
    %broadcast_in_dim3A_20 = vector.broadcast %broadcast_in_dim3A_19 : f32 to vector<1024x128xf32>
    %broadcast_in_dim3A_21 = arith.constant 6.553600e+04 : f32
    %broadcast_in_dim3A_22 = vector.broadcast %broadcast_in_dim3A_21 : f32 to vector<1024x128xf32>
    %broadcast_in_dim3A_23 = arith.constant 6.553600e+04 : f32
    %broadcast_in_dim3A_24 = vector.broadcast %broadcast_in_dim3A_23 : f32 to vector<1024x128xf32>
    %broadcast_in_dim3A_25 = arith.constant 6.553600e+04 : f32
    %broadcast_in_dim3A_26 = vector.broadcast %broadcast_in_dim3A_25 : f32 to vector<1024x128xf32>
    %broadcast_in_dim3A_27 = arith.constant 6.553600e+04 : f32
    %broadcast_in_dim3A_28 = vector.broadcast %broadcast_in_dim3A_27 : f32 to vector<1024x128xf32>
    %slice3A = vector.extract_strided_slice %dot_general3A_7 {offsets = [0, 0], sizes = [1024, 128], strides = [1, 1]} : vector<1024x4096xf32> to vector<1024x128xf32>
    %add3A = vector.broadcast %get3A_10 : vector<1024x1xf32> to vector<1024x128xf32>
    %add3A_29 = arith.addf %add3A, %slice3A : vector<1024x128xf32>
    %slice3A_30 = vector.extract_strided_slice %get3A_13 {offsets = [0, 0], sizes = [1, 128], strides = [1, 1]} : vector<1x4096xf32> to vector<1x128xf32>
    %add3A_31 = vector.broadcast %slice3A_30 : vector<1x128xf32> to vector<1024x128xf32>
    %add3A_32 = arith.addf %add3A_29, %add3A_31 : vector<1024x128xf32>
    %slice3A_33 = vector.extract_strided_slice %dot_general3A_7 {offsets = [0, 128], sizes = [1024, 128], strides = [1, 1]} : vector<1024x4096xf32> to vector<1024x128xf32>
    %add3A_34 = vector.broadcast %get3A_10 : vector<1024x1xf32> to vector<1024x128xf32>
    %add3A_35 = arith.addf %add3A_34, %slice3A_33 : vector<1024x128xf32>
    %slice3A_36 = vector.extract_strided_slice %get3A_13 {offsets = [0, 128], sizes = [1, 128], strides = [1, 1]} : vector<1x4096xf32> to vector<1x128xf32>
    %add3A_37 = vector.broadcast %slice3A_36 : vector<1x128xf32> to vector<1024x128xf32>
    %add3A_38 = arith.addf %add3A_35, %add3A_37 : vector<1024x128xf32>
    %lt3A = arith.cmpf olt, %add3A_38, %add3A_32 : vector<1024x128xf32>
    %min3A = arith.minimumf %add3A_32, %add3A_38 : vector<1024x128xf32>
    %max3A = arith.maximumf %add3A_32, %add3A_38 : vector<1024x128xf32>
    %jit3A = arith.constant 1.000000e+00 : f32
    %jit3A_39 = arith.constant 0.000000e+00 : f32
    %broadcast_in_dim3A_40 = vector.broadcast %jit3A : f32 to vector<1024x128xf32>
    %broadcast_in_dim3A_41 = vector.broadcast %jit3A_39 : f32 to vector<1024x128xf32>
    %select_n3A = arith.select %lt3A, %broadcast_in_dim3A_40, %broadcast_in_dim3A_41 : vector<1024x128xi1>, vector<1024x128xf32>
    %jit3A_42 = arith.constant 0.000000e+00 : f32
    %jit3A_43 = arith.constant 1.000000e+00 : f32
    %broadcast_in_dim3A_44 = vector.broadcast %jit3A_42 : f32 to vector<1024x128xf32>
    %broadcast_in_dim3A_45 = vector.broadcast %jit3A_43 : f32 to vector<1024x128xf32>
    %select_n3A_46 = arith.select %lt3A, %broadcast_in_dim3A_44, %broadcast_in_dim3A_45 : vector<1024x128xi1>, vector<1024x128xf32>
    %lt3A_47 = arith.cmpf olt, %min3A, %broadcast_in_dim3A_14 : vector<1024x128xf32>
    %lt3A_48 = arith.cmpf olt, %min3A, %broadcast_in_dim3A_16 : vector<1024x128xf32>
    %lt3A_49 = arith.cmpf olt, %min3A, %broadcast_in_dim3A_18 : vector<1024x128xf32>
    %select_n3A_50 = arith.select %lt3A_48, %broadcast_in_dim3A_16, %min3A : vector<1024x128xi1>, vector<1024x128xf32>
    %select_n3A_51 = arith.select %lt3A_49, %select_n3A_50, %broadcast_in_dim3A_18 : vector<1024x128xi1>, vector<1024x128xf32>
    %select_n3A_52 = arith.select %lt3A_48, %broadcast_in_dim3A_24, %select_n3A : vector<1024x128xi1>, vector<1024x128xf32>
    %select_n3A_53 = arith.select %lt3A_49, %select_n3A_52, %broadcast_in_dim3A_26 : vector<1024x128xi1>, vector<1024x128xf32>
    %select_n3A_54 = arith.select %lt3A_47, %broadcast_in_dim3A_14, %min3A : vector<1024x128xi1>, vector<1024x128xf32>
    %select_n3A_55 = arith.select %lt3A_48, %select_n3A_54, %broadcast_in_dim3A_16 : vector<1024x128xi1>, vector<1024x128xf32>
    %select_n3A_56 = arith.select %lt3A_47, %broadcast_in_dim3A_22, %select_n3A : vector<1024x128xi1>, vector<1024x128xf32>
    %select_n3A_57 = arith.select %lt3A_48, %select_n3A_56, %broadcast_in_dim3A_24 : vector<1024x128xi1>, vector<1024x128xf32>
    %select_n3A_58 = arith.select %lt3A_47, %min3A, %broadcast_in_dim3A_14 : vector<1024x128xi1>, vector<1024x128xf32>
    %select_n3A_59 = arith.select %lt3A_47, %select_n3A, %broadcast_in_dim3A_22 : vector<1024x128xi1>, vector<1024x128xf32>
    %lt3A_60 = arith.cmpf olt, %max3A, %broadcast_in_dim3A_20 : vector<1024x128xf32>
    %select_n3A_61 = arith.select %lt3A_60, %max3A, %broadcast_in_dim3A_20 : vector<1024x128xi1>, vector<1024x128xf32>
    %select_n3A_62 = arith.select %lt3A_60, %select_n3A_46, %broadcast_in_dim3A_28 : vector<1024x128xi1>, vector<1024x128xf32>
    %slice3A_63 = vector.extract_strided_slice %dot_general3A_7 {offsets = [0, 256], sizes = [1024, 128], strides = [1, 1]} : vector<1024x4096xf32> to vector<1024x128xf32>
    %add3A_64 = vector.broadcast %get3A_10 : vector<1024x1xf32> to vector<1024x128xf32>
    %add3A_65 = arith.addf %add3A_64, %slice3A_63 : vector<1024x128xf32>
    %slice3A_66 = vector.extract_strided_slice %get3A_13 {offsets = [0, 256], sizes = [1, 128], strides = [1, 1]} : vector<1x4096xf32> to vector<1x128xf32>
    %add3A_67 = vector.broadcast %slice3A_66 : vector<1x128xf32> to vector<1024x128xf32>
    %add3A_68 = arith.addf %add3A_65, %add3A_67 : vector<1024x128xf32>
    %slice3A_69 = vector.extract_strided_slice %dot_general3A_7 {offsets = [0, 384], sizes = [1024, 128], strides = [1, 1]} : vector<1024x4096xf32> to vector<1024x128xf32>
    %add3A_70 = vector.broadcast %get3A_10 : vector<1024x1xf32> to vector<1024x128xf32>
    %add3A_71 = arith.addf %add3A_70, %slice3A_69 : vector<1024x128xf32>
    %slice3A_72 = vector.extract_strided_slice %get3A_13 {offsets = [0, 384], sizes = [1, 128], strides = [1, 1]} : vector<1x4096xf32> to vector<1x128xf32>
    %add3A_73 = vector.broadcast %slice3A_72 : vector<1x128xf32> to vector<1024x128xf32>
    %add3A_74 = arith.addf %add3A_71, %add3A_73 : vector<1024x128xf32>
    %lt3A_75 = arith.cmpf olt, %add3A_74, %add3A_68 : vector<1024x128xf32>
    %min3A_76 = arith.minimumf %add3A_68, %add3A_74 : vector<1024x128xf32>
    %max3A_77 = arith.maximumf %add3A_68, %add3A_74 : vector<1024x128xf32>
    %jit3A_78 = arith.constant 3.000000e+00 : f32
    %jit3A_79 = arith.constant 2.000000e+00 : f32
    %broadcast_in_dim3A_80 = vector.broadcast %jit3A_78 : f32 to vector<1024x128xf32>
    %broadcast_in_dim3A_81 = vector.broadcast %jit3A_79 : f32 to vector<1024x128xf32>
    %select_n3A_82 = arith.select %lt3A_75, %broadcast_in_dim3A_80, %broadcast_in_dim3A_81 : vector<1024x128xi1>, vector<1024x128xf32>
    %jit3A_83 = arith.constant 2.000000e+00 : f32
    %jit3A_84 = arith.constant 3.000000e+00 : f32
    %broadcast_in_dim3A_85 = vector.broadcast %jit3A_83 : f32 to vector<1024x128xf32>
    %broadcast_in_dim3A_86 = vector.broadcast %jit3A_84 : f32 to vector<1024x128xf32>
    %select_n3A_87 = arith.select %lt3A_75, %broadcast_in_dim3A_85, %broadcast_in_dim3A_86 : vector<1024x128xi1>, vector<1024x128xf32>
    %lt3A_88 = arith.cmpf olt, %min3A_76, %select_n3A_58 : vector<1024x128xf32>
    %lt3A_89 = arith.cmpf olt, %min3A_76, %select_n3A_55 : vector<1024x128xf32>
    %lt3A_90 = arith.cmpf olt, %min3A_76, %select_n3A_51 : vector<1024x128xf32>
    %select_n3A_91 = arith.select %lt3A_89, %select_n3A_55, %min3A_76 : vector<1024x128xi1>, vector<1024x128xf32>
    %select_n3A_92 = arith.select %lt3A_90, %select_n3A_91, %select_n3A_51 : vector<1024x128xi1>, vector<1024x128xf32>
    %select_n3A_93 = arith.select %lt3A_89, %select_n3A_57, %select_n3A_82 : vector<1024x128xi1>, vector<1024x128xf32>
    %select_n3A_94 = arith.select %lt3A_90, %select_n3A_93, %select_n3A_53 : vector<1024x128xi1>, vector<1024x128xf32>
    %select_n3A_95 = arith.select %lt3A_88, %select_n3A_58, %min3A_76 : vector<1024x128xi1>, vector<1024x128xf32>
    %select_n3A_96 = arith.select %lt3A_89, %select_n3A_95, %select_n3A_55 : vector<1024x128xi1>, vector<1024x128xf32>
    %select_n3A_97 = arith.select %lt3A_88, %select_n3A_59, %select_n3A_82 : vector<1024x128xi1>, vector<1024x128xf32>
    %select_n3A_98 = arith.select %lt3A_89, %select_n3A_97, %select_n3A_57 : vector<1024x128xi1>, vector<1024x128xf32>
    %select_n3A_99 = arith.select %lt3A_88, %min3A_76, %select_n3A_58 : vector<1024x128xi1>, vector<1024x128xf32>
    %select_n3A_100 = arith.select %lt3A_88, %select_n3A_82, %select_n3A_59 : vector<1024x128xi1>, vector<1024x128xf32>
    %lt3A_101 = arith.cmpf olt, %max3A_77, %select_n3A_61 : vector<1024x128xf32>
    %select_n3A_102 = arith.select %lt3A_101, %max3A_77, %select_n3A_61 : vector<1024x128xi1>, vector<1024x128xf32>
    %select_n3A_103 = arith.select %lt3A_101, %select_n3A_87, %select_n3A_62 : vector<1024x128xi1>, vector<1024x128xf32>
    %slice3A_104 = vector.extract_strided_slice %dot_general3A_7 {offsets = [0, 512], sizes = [1024, 128], strides = [1, 1]} : vector<1024x4096xf32> to vector<1024x128xf32>
    %add3A_105 = vector.broadcast %get3A_10 : vector<1024x1xf32> to vector<1024x128xf32>
    %add3A_106 = arith.addf %add3A_105, %slice3A_104 : vector<1024x128xf32>
    %slice3A_107 = vector.extract_strided_slice %get3A_13 {offsets = [0, 512], sizes = [1, 128], strides = [1, 1]} : vector<1x4096xf32> to vector<1x128xf32>
    %add3A_108 = vector.broadcast %slice3A_107 : vector<1x128xf32> to vector<1024x128xf32>
    %add3A_109 = arith.addf %add3A_106, %add3A_108 : vector<1024x128xf32>
    %slice3A_110 = vector.extract_strided_slice %dot_general3A_7 {offsets = [0, 640], sizes = [1024, 128], strides = [1, 1]} : vector<1024x4096xf32> to vector<1024x128xf32>
    %add3A_111 = vector.broadcast %get3A_10 : vector<1024x1xf32> to vector<1024x128xf32>
    %add3A_112 = arith.addf %add3A_111, %slice3A_110 : vector<1024x128xf32>
    %slice3A_113 = vector.extract_strided_slice %get3A_13 {offsets = [0, 640], sizes = [1, 128], strides = [1, 1]} : vector<1x4096xf32> to vector<1x128xf32>
    %add3A_114 = vector.broadcast %slice3A_113 : vector<1x128xf32> to vector<1024x128xf32>
    %add3A_115 = arith.addf %add3A_112, %add3A_114 : vector<1024x128xf32>
    %lt3A_116 = arith.cmpf olt, %add3A_115, %add3A_109 : vector<1024x128xf32>
    %min3A_117 = arith.minimumf %add3A_109, %add3A_115 : vector<1024x128xf32>
    %max3A_118 = arith.maximumf %add3A_109, %add3A_115 : vector<1024x128xf32>
    %jit3A_119 = arith.constant 5.000000e+00 : f32
    %jit3A_120 = arith.constant 4.000000e+00 : f32
    %broadcast_in_dim3A_121 = vector.broadcast %jit3A_119 : f32 to vector<1024x128xf32>
    %broadcast_in_dim3A_122 = vector.broadcast %jit3A_120 : f32 to vector<1024x128xf32>
    %select_n3A_123 = arith.select %lt3A_116, %broadcast_in_dim3A_121, %broadcast_in_dim3A_122 : vector<1024x128xi1>, vector<1024x128xf32>
    %jit3A_124 = arith.constant 4.000000e+00 : f32
    %jit3A_125 = arith.constant 5.000000e+00 : f32
    %broadcast_in_dim3A_126 = vector.broadcast %jit3A_124 : f32 to vector<1024x128xf32>
    %broadcast_in_dim3A_127 = vector.broadcast %jit3A_125 : f32 to vector<1024x128xf32>
    %select_n3A_128 = arith.select %lt3A_116, %broadcast_in_dim3A_126, %broadcast_in_dim3A_127 : vector<1024x128xi1>, vector<1024x128xf32>
    %lt3A_129 = arith.cmpf olt, %min3A_117, %select_n3A_99 : vector<1024x128xf32>
    %lt3A_130 = arith.cmpf olt, %min3A_117, %select_n3A_96 : vector<1024x128xf32>
    %lt3A_131 = arith.cmpf olt, %min3A_117, %select_n3A_92 : vector<1024x128xf32>
    %select_n3A_132 = arith.select %lt3A_130, %select_n3A_96, %min3A_117 : vector<1024x128xi1>, vector<1024x128xf32>
    %select_n3A_133 = arith.select %lt3A_131, %select_n3A_132, %select_n3A_92 : vector<1024x128xi1>, vector<1024x128xf32>
    %select_n3A_134 = arith.select %lt3A_130, %select_n3A_98, %select_n3A_123 : vector<1024x128xi1>, vector<1024x128xf32>
    %select_n3A_135 = arith.select %lt3A_131, %select_n3A_134, %select_n3A_94 : vector<1024x128xi1>, vector<1024x128xf32>
    %select_n3A_136 = arith.select %lt3A_129, %select_n3A_99, %min3A_117 : vector<1024x128xi1>, vector<1024x128xf32>
    %select_n3A_137 = arith.select %lt3A_130, %select_n3A_136, %select_n3A_96 : vector<1024x128xi1>, vector<1024x128xf32>
    %select_n3A_138 = arith.select %lt3A_129, %select_n3A_100, %select_n3A_123 : vector<1024x128xi1>, vector<1024x128xf32>
    %select_n3A_139 = arith.select %lt3A_130, %select_n3A_138, %select_n3A_98 : vector<1024x128xi1>, vector<1024x128xf32>
    %select_n3A_140 = arith.select %lt3A_129, %min3A_117, %select_n3A_99 : vector<1024x128xi1>, vector<1024x128xf32>
    %select_n3A_141 = arith.select %lt3A_129, %select_n3A_123, %select_n3A_100 : vector<1024x128xi1>, vector<1024x128xf32>
    %lt3A_142 = arith.cmpf olt, %max3A_118, %select_n3A_102 : vector<1024x128xf32>
    %select_n3A_143 = arith.select %lt3A_142, %max3A_118, %select_n3A_102 : vector<1024x128xi1>, vector<1024x128xf32>
    %select_n3A_144 = arith.select %lt3A_142, %select_n3A_128, %select_n3A_103 : vector<1024x128xi1>, vector<1024x128xf32>
    %slice3A_145 = vector.extract_strided_slice %dot_general3A_7 {offsets = [0, 768], sizes = [1024, 128], strides = [1, 1]} : vector<1024x4096xf32> to vector<1024x128xf32>
    %add3A_146 = vector.broadcast %get3A_10 : vector<1024x1xf32> to vector<1024x128xf32>
    %add3A_147 = arith.addf %add3A_146, %slice3A_145 : vector<1024x128xf32>
    %slice3A_148 = vector.extract_strided_slice %get3A_13 {offsets = [0, 768], sizes = [1, 128], strides = [1, 1]} : vector<1x4096xf32> to vector<1x128xf32>
    %add3A_149 = vector.broadcast %slice3A_148 : vector<1x128xf32> to vector<1024x128xf32>
    %add3A_150 = arith.addf %add3A_147, %add3A_149 : vector<1024x128xf32>
    %slice3A_151 = vector.extract_strided_slice %dot_general3A_7 {offsets = [0, 896], sizes = [1024, 128], strides = [1, 1]} : vector<1024x4096xf32> to vector<1024x128xf32>
    %add3A_152 = vector.broadcast %get3A_10 : vector<1024x1xf32> to vector<1024x128xf32>
    %add3A_153 = arith.addf %add3A_152, %slice3A_151 : vector<1024x128xf32>
    %slice3A_154 = vector.extract_strided_slice %get3A_13 {offsets = [0, 896], sizes = [1, 128], strides = [1, 1]} : vector<1x4096xf32> to vector<1x128xf32>
    %add3A_155 = vector.broadcast %slice3A_154 : vector<1x128xf32> to vector<1024x128xf32>
    %add3A_156 = arith.addf %add3A_153, %add3A_155 : vector<1024x128xf32>
    %lt3A_157 = arith.cmpf olt, %add3A_156, %add3A_150 : vector<1024x128xf32>
    %min3A_158 = arith.minimumf %add3A_150, %add3A_156 : vector<1024x128xf32>
    %max3A_159 = arith.maximumf %add3A_150, %add3A_156 : vector<1024x128xf32>
    %jit3A_160 = arith.constant 7.000000e+00 : f32
    %jit3A_161 = arith.constant 6.000000e+00 : f32
    %broadcast_in_dim3A_162 = vector.broadcast %jit3A_160 : f32 to vector<1024x128xf32>
    %broadcast_in_dim3A_163 = vector.broadcast %jit3A_161 : f32 to vector<1024x128xf32>
    %select_n3A_164 = arith.select %lt3A_157, %broadcast_in_dim3A_162, %broadcast_in_dim3A_163 : vector<1024x128xi1>, vector<1024x128xf32>
    %jit3A_165 = arith.constant 6.000000e+00 : f32
    %jit3A_166 = arith.constant 7.000000e+00 : f32
    %broadcast_in_dim3A_167 = vector.broadcast %jit3A_165 : f32 to vector<1024x128xf32>
    %broadcast_in_dim3A_168 = vector.broadcast %jit3A_166 : f32 to vector<1024x128xf32>
    %select_n3A_169 = arith.select %lt3A_157, %broadcast_in_dim3A_167, %broadcast_in_dim3A_168 : vector<1024x128xi1>, vector<1024x128xf32>
    %lt3A_170 = arith.cmpf olt, %min3A_158, %select_n3A_140 : vector<1024x128xf32>
    %lt3A_171 = arith.cmpf olt, %min3A_158, %select_n3A_137 : vector<1024x128xf32>
    %lt3A_172 = arith.cmpf olt, %min3A_158, %select_n3A_133 : vector<1024x128xf32>
    %select_n3A_173 = arith.select %lt3A_171, %select_n3A_137, %min3A_158 : vector<1024x128xi1>, vector<1024x128xf32>
    %select_n3A_174 = arith.select %lt3A_172, %select_n3A_173, %select_n3A_133 : vector<1024x128xi1>, vector<1024x128xf32>
    %select_n3A_175 = arith.select %lt3A_171, %select_n3A_139, %select_n3A_164 : vector<1024x128xi1>, vector<1024x128xf32>
    %select_n3A_176 = arith.select %lt3A_172, %select_n3A_175, %select_n3A_135 : vector<1024x128xi1>, vector<1024x128xf32>
    %select_n3A_177 = arith.select %lt3A_170, %select_n3A_140, %min3A_158 : vector<1024x128xi1>, vector<1024x128xf32>
    %select_n3A_178 = arith.select %lt3A_171, %select_n3A_177, %select_n3A_137 : vector<1024x128xi1>, vector<1024x128xf32>
    %select_n3A_179 = arith.select %lt3A_170, %select_n3A_141, %select_n3A_164 : vector<1024x128xi1>, vector<1024x128xf32>
    %select_n3A_180 = arith.select %lt3A_171, %select_n3A_179, %select_n3A_139 : vector<1024x128xi1>, vector<1024x128xf32>
    %select_n3A_181 = arith.select %lt3A_170, %min3A_158, %select_n3A_140 : vector<1024x128xi1>, vector<1024x128xf32>
    %select_n3A_182 = arith.select %lt3A_170, %select_n3A_164, %select_n3A_141 : vector<1024x128xi1>, vector<1024x128xf32>
    %lt3A_183 = arith.cmpf olt, %max3A_159, %select_n3A_143 : vector<1024x128xf32>
    %select_n3A_184 = arith.select %lt3A_183, %max3A_159, %select_n3A_143 : vector<1024x128xi1>, vector<1024x128xf32>
    %select_n3A_185 = arith.select %lt3A_183, %select_n3A_169, %select_n3A_144 : vector<1024x128xi1>, vector<1024x128xf32>
    %slice3A_186 = vector.extract_strided_slice %dot_general3A_7 {offsets = [0, 1024], sizes = [1024, 128], strides = [1, 1]} : vector<1024x4096xf32> to vector<1024x128xf32>
    %add3A_187 = vector.broadcast %get3A_10 : vector<1024x1xf32> to vector<1024x128xf32>
    %add3A_188 = arith.addf %add3A_187, %slice3A_186 : vector<1024x128xf32>
    %slice3A_189 = vector.extract_strided_slice %get3A_13 {offsets = [0, 1024], sizes = [1, 128], strides = [1, 1]} : vector<1x4096xf32> to vector<1x128xf32>
    %add3A_190 = vector.broadcast %slice3A_189 : vector<1x128xf32> to vector<1024x128xf32>
    %add3A_191 = arith.addf %add3A_188, %add3A_190 : vector<1024x128xf32>
    %slice3A_192 = vector.extract_strided_slice %dot_general3A_7 {offsets = [0, 1152], sizes = [1024, 128], strides = [1, 1]} : vector<1024x4096xf32> to vector<1024x128xf32>
    %add3A_193 = vector.broadcast %get3A_10 : vector<1024x1xf32> to vector<1024x128xf32>
    %add3A_194 = arith.addf %add3A_193, %slice3A_192 : vector<1024x128xf32>
    %slice3A_195 = vector.extract_strided_slice %get3A_13 {offsets = [0, 1152], sizes = [1, 128], strides = [1, 1]} : vector<1x4096xf32> to vector<1x128xf32>
    %add3A_196 = vector.broadcast %slice3A_195 : vector<1x128xf32> to vector<1024x128xf32>
    %add3A_197 = arith.addf %add3A_194, %add3A_196 : vector<1024x128xf32>
    %lt3A_198 = arith.cmpf olt, %add3A_197, %add3A_191 : vector<1024x128xf32>
    %min3A_199 = arith.minimumf %add3A_191, %add3A_197 : vector<1024x128xf32>
    %max3A_200 = arith.maximumf %add3A_191, %add3A_197 : vector<1024x128xf32>
    %jit3A_201 = arith.constant 9.000000e+00 : f32
    %jit3A_202 = arith.constant 8.000000e+00 : f32
    %broadcast_in_dim3A_203 = vector.broadcast %jit3A_201 : f32 to vector<1024x128xf32>
    %broadcast_in_dim3A_204 = vector.broadcast %jit3A_202 : f32 to vector<1024x128xf32>
    %select_n3A_205 = arith.select %lt3A_198, %broadcast_in_dim3A_203, %broadcast_in_dim3A_204 : vector<1024x128xi1>, vector<1024x128xf32>
    %jit3A_206 = arith.constant 8.000000e+00 : f32
    %jit3A_207 = arith.constant 9.000000e+00 : f32
    %broadcast_in_dim3A_208 = vector.broadcast %jit3A_206 : f32 to vector<1024x128xf32>
    %broadcast_in_dim3A_209 = vector.broadcast %jit3A_207 : f32 to vector<1024x128xf32>
    %select_n3A_210 = arith.select %lt3A_198, %broadcast_in_dim3A_208, %broadcast_in_dim3A_209 : vector<1024x128xi1>, vector<1024x128xf32>
    %lt3A_211 = arith.cmpf olt, %min3A_199, %select_n3A_181 : vector<1024x128xf32>
    %lt3A_212 = arith.cmpf olt, %min3A_199, %select_n3A_178 : vector<1024x128xf32>
    %lt3A_213 = arith.cmpf olt, %min3A_199, %select_n3A_174 : vector<1024x128xf32>
    %select_n3A_214 = arith.select %lt3A_212, %select_n3A_178, %min3A_199 : vector<1024x128xi1>, vector<1024x128xf32>
    %select_n3A_215 = arith.select %lt3A_213, %select_n3A_214, %select_n3A_174 : vector<1024x128xi1>, vector<1024x128xf32>
    %select_n3A_216 = arith.select %lt3A_212, %select_n3A_180, %select_n3A_205 : vector<1024x128xi1>, vector<1024x128xf32>
    %select_n3A_217 = arith.select %lt3A_213, %select_n3A_216, %select_n3A_176 : vector<1024x128xi1>, vector<1024x128xf32>
    %select_n3A_218 = arith.select %lt3A_211, %select_n3A_181, %min3A_199 : vector<1024x128xi1>, vector<1024x128xf32>
    %select_n3A_219 = arith.select %lt3A_212, %select_n3A_218, %select_n3A_178 : vector<1024x128xi1>, vector<1024x128xf32>
    %select_n3A_220 = arith.select %lt3A_211, %select_n3A_182, %select_n3A_205 : vector<1024x128xi1>, vector<1024x128xf32>
    %select_n3A_221 = arith.select %lt3A_212, %select_n3A_220, %select_n3A_180 : vector<1024x128xi1>, vector<1024x128xf32>
    %select_n3A_222 = arith.select %lt3A_211, %min3A_199, %select_n3A_181 : vector<1024x128xi1>, vector<1024x128xf32>
    %select_n3A_223 = arith.select %lt3A_211, %select_n3A_205, %select_n3A_182 : vector<1024x128xi1>, vector<1024x128xf32>
    %lt3A_224 = arith.cmpf olt, %max3A_200, %select_n3A_184 : vector<1024x128xf32>
    %select_n3A_225 = arith.select %lt3A_224, %max3A_200, %select_n3A_184 : vector<1024x128xi1>, vector<1024x128xf32>
    %select_n3A_226 = arith.select %lt3A_224, %select_n3A_210, %select_n3A_185 : vector<1024x128xi1>, vector<1024x128xf32>
    %slice3A_227 = vector.extract_strided_slice %dot_general3A_7 {offsets = [0, 1280], sizes = [1024, 128], strides = [1, 1]} : vector<1024x4096xf32> to vector<1024x128xf32>
    %add3A_228 = vector.broadcast %get3A_10 : vector<1024x1xf32> to vector<1024x128xf32>
    %add3A_229 = arith.addf %add3A_228, %slice3A_227 : vector<1024x128xf32>
    %slice3A_230 = vector.extract_strided_slice %get3A_13 {offsets = [0, 1280], sizes = [1, 128], strides = [1, 1]} : vector<1x4096xf32> to vector<1x128xf32>
    %add3A_231 = vector.broadcast %slice3A_230 : vector<1x128xf32> to vector<1024x128xf32>
    %add3A_232 = arith.addf %add3A_229, %add3A_231 : vector<1024x128xf32>
    %slice3A_233 = vector.extract_strided_slice %dot_general3A_7 {offsets = [0, 1408], sizes = [1024, 128], strides = [1, 1]} : vector<1024x4096xf32> to vector<1024x128xf32>
    %add3A_234 = vector.broadcast %get3A_10 : vector<1024x1xf32> to vector<1024x128xf32>
    %add3A_235 = arith.addf %add3A_234, %slice3A_233 : vector<1024x128xf32>
    %slice3A_236 = vector.extract_strided_slice %get3A_13 {offsets = [0, 1408], sizes = [1, 128], strides = [1, 1]} : vector<1x4096xf32> to vector<1x128xf32>
    %add3A_237 = vector.broadcast %slice3A_236 : vector<1x128xf32> to vector<1024x128xf32>
    %add3A_238 = arith.addf %add3A_235, %add3A_237 : vector<1024x128xf32>
    %lt3A_239 = arith.cmpf olt, %add3A_238, %add3A_232 : vector<1024x128xf32>
    %min3A_240 = arith.minimumf %add3A_232, %add3A_238 : vector<1024x128xf32>
    %max3A_241 = arith.maximumf %add3A_232, %add3A_238 : vector<1024x128xf32>
    %jit3A_242 = arith.constant 1.100000e+01 : f32
    %jit3A_243 = arith.constant 1.000000e+01 : f32
    %broadcast_in_dim3A_244 = vector.broadcast %jit3A_242 : f32 to vector<1024x128xf32>
    %broadcast_in_dim3A_245 = vector.broadcast %jit3A_243 : f32 to vector<1024x128xf32>
    %select_n3A_246 = arith.select %lt3A_239, %broadcast_in_dim3A_244, %broadcast_in_dim3A_245 : vector<1024x128xi1>, vector<1024x128xf32>
    %jit3A_247 = arith.constant 1.000000e+01 : f32
    %jit3A_248 = arith.constant 1.100000e+01 : f32
    %broadcast_in_dim3A_249 = vector.broadcast %jit3A_247 : f32 to vector<1024x128xf32>
    %broadcast_in_dim3A_250 = vector.broadcast %jit3A_248 : f32 to vector<1024x128xf32>
    %select_n3A_251 = arith.select %lt3A_239, %broadcast_in_dim3A_249, %broadcast_in_dim3A_250 : vector<1024x128xi1>, vector<1024x128xf32>
    %lt3A_252 = arith.cmpf olt, %min3A_240, %select_n3A_222 : vector<1024x128xf32>
    %lt3A_253 = arith.cmpf olt, %min3A_240, %select_n3A_219 : vector<1024x128xf32>
    %lt3A_254 = arith.cmpf olt, %min3A_240, %select_n3A_215 : vector<1024x128xf32>
    %select_n3A_255 = arith.select %lt3A_253, %select_n3A_219, %min3A_240 : vector<1024x128xi1>, vector<1024x128xf32>
    %select_n3A_256 = arith.select %lt3A_254, %select_n3A_255, %select_n3A_215 : vector<1024x128xi1>, vector<1024x128xf32>
    %select_n3A_257 = arith.select %lt3A_253, %select_n3A_221, %select_n3A_246 : vector<1024x128xi1>, vector<1024x128xf32>
    %select_n3A_258 = arith.select %lt3A_254, %select_n3A_257, %select_n3A_217 : vector<1024x128xi1>, vector<1024x128xf32>
    %select_n3A_259 = arith.select %lt3A_252, %select_n3A_222, %min3A_240 : vector<1024x128xi1>, vector<1024x128xf32>
    %select_n3A_260 = arith.select %lt3A_253, %select_n3A_259, %select_n3A_219 : vector<1024x128xi1>, vector<1024x128xf32>
    %select_n3A_261 = arith.select %lt3A_252, %select_n3A_223, %select_n3A_246 : vector<1024x128xi1>, vector<1024x128xf32>
    %select_n3A_262 = arith.select %lt3A_253, %select_n3A_261, %select_n3A_221 : vector<1024x128xi1>, vector<1024x128xf32>
    %select_n3A_263 = arith.select %lt3A_252, %min3A_240, %select_n3A_222 : vector<1024x128xi1>, vector<1024x128xf32>
    %select_n3A_264 = arith.select %lt3A_252, %select_n3A_246, %select_n3A_223 : vector<1024x128xi1>, vector<1024x128xf32>
    %lt3A_265 = arith.cmpf olt, %max3A_241, %select_n3A_225 : vector<1024x128xf32>
    %select_n3A_266 = arith.select %lt3A_265, %max3A_241, %select_n3A_225 : vector<1024x128xi1>, vector<1024x128xf32>
    %select_n3A_267 = arith.select %lt3A_265, %select_n3A_251, %select_n3A_226 : vector<1024x128xi1>, vector<1024x128xf32>
    %slice3A_268 = vector.extract_strided_slice %dot_general3A_7 {offsets = [0, 1536], sizes = [1024, 128], strides = [1, 1]} : vector<1024x4096xf32> to vector<1024x128xf32>
    %add3A_269 = vector.broadcast %get3A_10 : vector<1024x1xf32> to vector<1024x128xf32>
    %add3A_270 = arith.addf %add3A_269, %slice3A_268 : vector<1024x128xf32>
    %slice3A_271 = vector.extract_strided_slice %get3A_13 {offsets = [0, 1536], sizes = [1, 128], strides = [1, 1]} : vector<1x4096xf32> to vector<1x128xf32>
    %add3A_272 = vector.broadcast %slice3A_271 : vector<1x128xf32> to vector<1024x128xf32>
    %add3A_273 = arith.addf %add3A_270, %add3A_272 : vector<1024x128xf32>
    %slice3A_274 = vector.extract_strided_slice %dot_general3A_7 {offsets = [0, 1664], sizes = [1024, 128], strides = [1, 1]} : vector<1024x4096xf32> to vector<1024x128xf32>
    %add3A_275 = vector.broadcast %get3A_10 : vector<1024x1xf32> to vector<1024x128xf32>
    %add3A_276 = arith.addf %add3A_275, %slice3A_274 : vector<1024x128xf32>
    %slice3A_277 = vector.extract_strided_slice %get3A_13 {offsets = [0, 1664], sizes = [1, 128], strides = [1, 1]} : vector<1x4096xf32> to vector<1x128xf32>
    %add3A_278 = vector.broadcast %slice3A_277 : vector<1x128xf32> to vector<1024x128xf32>
    %add3A_279 = arith.addf %add3A_276, %add3A_278 : vector<1024x128xf32>
    %lt3A_280 = arith.cmpf olt, %add3A_279, %add3A_273 : vector<1024x128xf32>
    %min3A_281 = arith.minimumf %add3A_273, %add3A_279 : vector<1024x128xf32>
    %max3A_282 = arith.maximumf %add3A_273, %add3A_279 : vector<1024x128xf32>
    %jit3A_283 = arith.constant 1.300000e+01 : f32
    %jit3A_284 = arith.constant 1.200000e+01 : f32
    %broadcast_in_dim3A_285 = vector.broadcast %jit3A_283 : f32 to vector<1024x128xf32>
    %broadcast_in_dim3A_286 = vector.broadcast %jit3A_284 : f32 to vector<1024x128xf32>
    %select_n3A_287 = arith.select %lt3A_280, %broadcast_in_dim3A_285, %broadcast_in_dim3A_286 : vector<1024x128xi1>, vector<1024x128xf32>
    %jit3A_288 = arith.constant 1.200000e+01 : f32
    %jit3A_289 = arith.constant 1.300000e+01 : f32
    %broadcast_in_dim3A_290 = vector.broadcast %jit3A_288 : f32 to vector<1024x128xf32>
    %broadcast_in_dim3A_291 = vector.broadcast %jit3A_289 : f32 to vector<1024x128xf32>
    %select_n3A_292 = arith.select %lt3A_280, %broadcast_in_dim3A_290, %broadcast_in_dim3A_291 : vector<1024x128xi1>, vector<1024x128xf32>
    %lt3A_293 = arith.cmpf olt, %min3A_281, %select_n3A_263 : vector<1024x128xf32>
    %lt3A_294 = arith.cmpf olt, %min3A_281, %select_n3A_260 : vector<1024x128xf32>
    %lt3A_295 = arith.cmpf olt, %min3A_281, %select_n3A_256 : vector<1024x128xf32>
    %select_n3A_296 = arith.select %lt3A_294, %select_n3A_260, %min3A_281 : vector<1024x128xi1>, vector<1024x128xf32>
    %select_n3A_297 = arith.select %lt3A_295, %select_n3A_296, %select_n3A_256 : vector<1024x128xi1>, vector<1024x128xf32>
    %select_n3A_298 = arith.select %lt3A_294, %select_n3A_262, %select_n3A_287 : vector<1024x128xi1>, vector<1024x128xf32>
    %select_n3A_299 = arith.select %lt3A_295, %select_n3A_298, %select_n3A_258 : vector<1024x128xi1>, vector<1024x128xf32>
    %select_n3A_300 = arith.select %lt3A_293, %select_n3A_263, %min3A_281 : vector<1024x128xi1>, vector<1024x128xf32>
    %select_n3A_301 = arith.select %lt3A_294, %select_n3A_300, %select_n3A_260 : vector<1024x128xi1>, vector<1024x128xf32>
    %select_n3A_302 = arith.select %lt3A_293, %select_n3A_264, %select_n3A_287 : vector<1024x128xi1>, vector<1024x128xf32>
    %select_n3A_303 = arith.select %lt3A_294, %select_n3A_302, %select_n3A_262 : vector<1024x128xi1>, vector<1024x128xf32>
    %select_n3A_304 = arith.select %lt3A_293, %min3A_281, %select_n3A_263 : vector<1024x128xi1>, vector<1024x128xf32>
    %select_n3A_305 = arith.select %lt3A_293, %select_n3A_287, %select_n3A_264 : vector<1024x128xi1>, vector<1024x128xf32>
    %lt3A_306 = arith.cmpf olt, %max3A_282, %select_n3A_266 : vector<1024x128xf32>
    %select_n3A_307 = arith.select %lt3A_306, %max3A_282, %select_n3A_266 : vector<1024x128xi1>, vector<1024x128xf32>
    %select_n3A_308 = arith.select %lt3A_306, %select_n3A_292, %select_n3A_267 : vector<1024x128xi1>, vector<1024x128xf32>
    %slice3A_309 = vector.extract_strided_slice %dot_general3A_7 {offsets = [0, 1792], sizes = [1024, 128], strides = [1, 1]} : vector<1024x4096xf32> to vector<1024x128xf32>
    %add3A_310 = vector.broadcast %get3A_10 : vector<1024x1xf32> to vector<1024x128xf32>
    %add3A_311 = arith.addf %add3A_310, %slice3A_309 : vector<1024x128xf32>
    %slice3A_312 = vector.extract_strided_slice %get3A_13 {offsets = [0, 1792], sizes = [1, 128], strides = [1, 1]} : vector<1x4096xf32> to vector<1x128xf32>
    %add3A_313 = vector.broadcast %slice3A_312 : vector<1x128xf32> to vector<1024x128xf32>
    %add3A_314 = arith.addf %add3A_311, %add3A_313 : vector<1024x128xf32>
    %slice3A_315 = vector.extract_strided_slice %dot_general3A_7 {offsets = [0, 1920], sizes = [1024, 128], strides = [1, 1]} : vector<1024x4096xf32> to vector<1024x128xf32>
    %add3A_316 = vector.broadcast %get3A_10 : vector<1024x1xf32> to vector<1024x128xf32>
    %add3A_317 = arith.addf %add3A_316, %slice3A_315 : vector<1024x128xf32>
    %slice3A_318 = vector.extract_strided_slice %get3A_13 {offsets = [0, 1920], sizes = [1, 128], strides = [1, 1]} : vector<1x4096xf32> to vector<1x128xf32>
    %add3A_319 = vector.broadcast %slice3A_318 : vector<1x128xf32> to vector<1024x128xf32>
    %add3A_320 = arith.addf %add3A_317, %add3A_319 : vector<1024x128xf32>
    %lt3A_321 = arith.cmpf olt, %add3A_320, %add3A_314 : vector<1024x128xf32>
    %min3A_322 = arith.minimumf %add3A_314, %add3A_320 : vector<1024x128xf32>
    %max3A_323 = arith.maximumf %add3A_314, %add3A_320 : vector<1024x128xf32>
    %jit3A_324 = arith.constant 1.500000e+01 : f32
    %jit3A_325 = arith.constant 1.400000e+01 : f32
    %broadcast_in_dim3A_326 = vector.broadcast %jit3A_324 : f32 to vector<1024x128xf32>
    %broadcast_in_dim3A_327 = vector.broadcast %jit3A_325 : f32 to vector<1024x128xf32>
    %select_n3A_328 = arith.select %lt3A_321, %broadcast_in_dim3A_326, %broadcast_in_dim3A_327 : vector<1024x128xi1>, vector<1024x128xf32>
    %jit3A_329 = arith.constant 1.400000e+01 : f32
    %jit3A_330 = arith.constant 1.500000e+01 : f32
    %broadcast_in_dim3A_331 = vector.broadcast %jit3A_329 : f32 to vector<1024x128xf32>
    %broadcast_in_dim3A_332 = vector.broadcast %jit3A_330 : f32 to vector<1024x128xf32>
    %select_n3A_333 = arith.select %lt3A_321, %broadcast_in_dim3A_331, %broadcast_in_dim3A_332 : vector<1024x128xi1>, vector<1024x128xf32>
    %lt3A_334 = arith.cmpf olt, %min3A_322, %select_n3A_304 : vector<1024x128xf32>
    %lt3A_335 = arith.cmpf olt, %min3A_322, %select_n3A_301 : vector<1024x128xf32>
    %lt3A_336 = arith.cmpf olt, %min3A_322, %select_n3A_297 : vector<1024x128xf32>
    %select_n3A_337 = arith.select %lt3A_335, %select_n3A_301, %min3A_322 : vector<1024x128xi1>, vector<1024x128xf32>
    %select_n3A_338 = arith.select %lt3A_336, %select_n3A_337, %select_n3A_297 : vector<1024x128xi1>, vector<1024x128xf32>
    %select_n3A_339 = arith.select %lt3A_335, %select_n3A_303, %select_n3A_328 : vector<1024x128xi1>, vector<1024x128xf32>
    %select_n3A_340 = arith.select %lt3A_336, %select_n3A_339, %select_n3A_299 : vector<1024x128xi1>, vector<1024x128xf32>
    %select_n3A_341 = arith.select %lt3A_334, %select_n3A_304, %min3A_322 : vector<1024x128xi1>, vector<1024x128xf32>
    %select_n3A_342 = arith.select %lt3A_335, %select_n3A_341, %select_n3A_301 : vector<1024x128xi1>, vector<1024x128xf32>
    %select_n3A_343 = arith.select %lt3A_334, %select_n3A_305, %select_n3A_328 : vector<1024x128xi1>, vector<1024x128xf32>
    %select_n3A_344 = arith.select %lt3A_335, %select_n3A_343, %select_n3A_303 : vector<1024x128xi1>, vector<1024x128xf32>
    %select_n3A_345 = arith.select %lt3A_334, %min3A_322, %select_n3A_304 : vector<1024x128xi1>, vector<1024x128xf32>
    %select_n3A_346 = arith.select %lt3A_334, %select_n3A_328, %select_n3A_305 : vector<1024x128xi1>, vector<1024x128xf32>
    %lt3A_347 = arith.cmpf olt, %max3A_323, %select_n3A_307 : vector<1024x128xf32>
    %select_n3A_348 = arith.select %lt3A_347, %max3A_323, %select_n3A_307 : vector<1024x128xi1>, vector<1024x128xf32>
    %select_n3A_349 = arith.select %lt3A_347, %select_n3A_333, %select_n3A_308 : vector<1024x128xi1>, vector<1024x128xf32>
    %slice3A_350 = vector.extract_strided_slice %dot_general3A_7 {offsets = [0, 2048], sizes = [1024, 128], strides = [1, 1]} : vector<1024x4096xf32> to vector<1024x128xf32>
    %add3A_351 = vector.broadcast %get3A_10 : vector<1024x1xf32> to vector<1024x128xf32>
    %add3A_352 = arith.addf %add3A_351, %slice3A_350 : vector<1024x128xf32>
    %slice3A_353 = vector.extract_strided_slice %get3A_13 {offsets = [0, 2048], sizes = [1, 128], strides = [1, 1]} : vector<1x4096xf32> to vector<1x128xf32>
    %add3A_354 = vector.broadcast %slice3A_353 : vector<1x128xf32> to vector<1024x128xf32>
    %add3A_355 = arith.addf %add3A_352, %add3A_354 : vector<1024x128xf32>
    %slice3A_356 = vector.extract_strided_slice %dot_general3A_7 {offsets = [0, 2176], sizes = [1024, 128], strides = [1, 1]} : vector<1024x4096xf32> to vector<1024x128xf32>
    %add3A_357 = vector.broadcast %get3A_10 : vector<1024x1xf32> to vector<1024x128xf32>
    %add3A_358 = arith.addf %add3A_357, %slice3A_356 : vector<1024x128xf32>
    %slice3A_359 = vector.extract_strided_slice %get3A_13 {offsets = [0, 2176], sizes = [1, 128], strides = [1, 1]} : vector<1x4096xf32> to vector<1x128xf32>
    %add3A_360 = vector.broadcast %slice3A_359 : vector<1x128xf32> to vector<1024x128xf32>
    %add3A_361 = arith.addf %add3A_358, %add3A_360 : vector<1024x128xf32>
    %lt3A_362 = arith.cmpf olt, %add3A_361, %add3A_355 : vector<1024x128xf32>
    %min3A_363 = arith.minimumf %add3A_355, %add3A_361 : vector<1024x128xf32>
    %max3A_364 = arith.maximumf %add3A_355, %add3A_361 : vector<1024x128xf32>
    %jit3A_365 = arith.constant 1.700000e+01 : f32
    %jit3A_366 = arith.constant 1.600000e+01 : f32
    %broadcast_in_dim3A_367 = vector.broadcast %jit3A_365 : f32 to vector<1024x128xf32>
    %broadcast_in_dim3A_368 = vector.broadcast %jit3A_366 : f32 to vector<1024x128xf32>
    %select_n3A_369 = arith.select %lt3A_362, %broadcast_in_dim3A_367, %broadcast_in_dim3A_368 : vector<1024x128xi1>, vector<1024x128xf32>
    %jit3A_370 = arith.constant 1.600000e+01 : f32
    %jit3A_371 = arith.constant 1.700000e+01 : f32
    %broadcast_in_dim3A_372 = vector.broadcast %jit3A_370 : f32 to vector<1024x128xf32>
    %broadcast_in_dim3A_373 = vector.broadcast %jit3A_371 : f32 to vector<1024x128xf32>
    %select_n3A_374 = arith.select %lt3A_362, %broadcast_in_dim3A_372, %broadcast_in_dim3A_373 : vector<1024x128xi1>, vector<1024x128xf32>
    %lt3A_375 = arith.cmpf olt, %min3A_363, %select_n3A_345 : vector<1024x128xf32>
    %lt3A_376 = arith.cmpf olt, %min3A_363, %select_n3A_342 : vector<1024x128xf32>
    %lt3A_377 = arith.cmpf olt, %min3A_363, %select_n3A_338 : vector<1024x128xf32>
    %select_n3A_378 = arith.select %lt3A_376, %select_n3A_342, %min3A_363 : vector<1024x128xi1>, vector<1024x128xf32>
    %select_n3A_379 = arith.select %lt3A_377, %select_n3A_378, %select_n3A_338 : vector<1024x128xi1>, vector<1024x128xf32>
    %select_n3A_380 = arith.select %lt3A_376, %select_n3A_344, %select_n3A_369 : vector<1024x128xi1>, vector<1024x128xf32>
    %select_n3A_381 = arith.select %lt3A_377, %select_n3A_380, %select_n3A_340 : vector<1024x128xi1>, vector<1024x128xf32>
    %select_n3A_382 = arith.select %lt3A_375, %select_n3A_345, %min3A_363 : vector<1024x128xi1>, vector<1024x128xf32>
    %select_n3A_383 = arith.select %lt3A_376, %select_n3A_382, %select_n3A_342 : vector<1024x128xi1>, vector<1024x128xf32>
    %select_n3A_384 = arith.select %lt3A_375, %select_n3A_346, %select_n3A_369 : vector<1024x128xi1>, vector<1024x128xf32>
    %select_n3A_385 = arith.select %lt3A_376, %select_n3A_384, %select_n3A_344 : vector<1024x128xi1>, vector<1024x128xf32>
    %select_n3A_386 = arith.select %lt3A_375, %min3A_363, %select_n3A_345 : vector<1024x128xi1>, vector<1024x128xf32>
    %select_n3A_387 = arith.select %lt3A_375, %select_n3A_369, %select_n3A_346 : vector<1024x128xi1>, vector<1024x128xf32>
    %lt3A_388 = arith.cmpf olt, %max3A_364, %select_n3A_348 : vector<1024x128xf32>
    %select_n3A_389 = arith.select %lt3A_388, %max3A_364, %select_n3A_348 : vector<1024x128xi1>, vector<1024x128xf32>
    %select_n3A_390 = arith.select %lt3A_388, %select_n3A_374, %select_n3A_349 : vector<1024x128xi1>, vector<1024x128xf32>
    %slice3A_391 = vector.extract_strided_slice %dot_general3A_7 {offsets = [0, 2304], sizes = [1024, 128], strides = [1, 1]} : vector<1024x4096xf32> to vector<1024x128xf32>
    %add3A_392 = vector.broadcast %get3A_10 : vector<1024x1xf32> to vector<1024x128xf32>
    %add3A_393 = arith.addf %add3A_392, %slice3A_391 : vector<1024x128xf32>
    %slice3A_394 = vector.extract_strided_slice %get3A_13 {offsets = [0, 2304], sizes = [1, 128], strides = [1, 1]} : vector<1x4096xf32> to vector<1x128xf32>
    %add3A_395 = vector.broadcast %slice3A_394 : vector<1x128xf32> to vector<1024x128xf32>
    %add3A_396 = arith.addf %add3A_393, %add3A_395 : vector<1024x128xf32>
    %slice3A_397 = vector.extract_strided_slice %dot_general3A_7 {offsets = [0, 2432], sizes = [1024, 128], strides = [1, 1]} : vector<1024x4096xf32> to vector<1024x128xf32>
    %add3A_398 = vector.broadcast %get3A_10 : vector<1024x1xf32> to vector<1024x128xf32>
    %add3A_399 = arith.addf %add3A_398, %slice3A_397 : vector<1024x128xf32>
    %slice3A_400 = vector.extract_strided_slice %get3A_13 {offsets = [0, 2432], sizes = [1, 128], strides = [1, 1]} : vector<1x4096xf32> to vector<1x128xf32>
    %add3A_401 = vector.broadcast %slice3A_400 : vector<1x128xf32> to vector<1024x128xf32>
    %add3A_402 = arith.addf %add3A_399, %add3A_401 : vector<1024x128xf32>
    %lt3A_403 = arith.cmpf olt, %add3A_402, %add3A_396 : vector<1024x128xf32>
    %min3A_404 = arith.minimumf %add3A_396, %add3A_402 : vector<1024x128xf32>
    %max3A_405 = arith.maximumf %add3A_396, %add3A_402 : vector<1024x128xf32>
    %jit3A_406 = arith.constant 1.900000e+01 : f32
    %jit3A_407 = arith.constant 1.800000e+01 : f32
    %broadcast_in_dim3A_408 = vector.broadcast %jit3A_406 : f32 to vector<1024x128xf32>
    %broadcast_in_dim3A_409 = vector.broadcast %jit3A_407 : f32 to vector<1024x128xf32>
    %select_n3A_410 = arith.select %lt3A_403, %broadcast_in_dim3A_408, %broadcast_in_dim3A_409 : vector<1024x128xi1>, vector<1024x128xf32>
    %jit3A_411 = arith.constant 1.800000e+01 : f32
    %jit3A_412 = arith.constant 1.900000e+01 : f32
    %broadcast_in_dim3A_413 = vector.broadcast %jit3A_411 : f32 to vector<1024x128xf32>
    %broadcast_in_dim3A_414 = vector.broadcast %jit3A_412 : f32 to vector<1024x128xf32>
    %select_n3A_415 = arith.select %lt3A_403, %broadcast_in_dim3A_413, %broadcast_in_dim3A_414 : vector<1024x128xi1>, vector<1024x128xf32>
    %lt3A_416 = arith.cmpf olt, %min3A_404, %select_n3A_386 : vector<1024x128xf32>
    %lt3A_417 = arith.cmpf olt, %min3A_404, %select_n3A_383 : vector<1024x128xf32>
    %lt3A_418 = arith.cmpf olt, %min3A_404, %select_n3A_379 : vector<1024x128xf32>
    %select_n3A_419 = arith.select %lt3A_417, %select_n3A_383, %min3A_404 : vector<1024x128xi1>, vector<1024x128xf32>
    %select_n3A_420 = arith.select %lt3A_418, %select_n3A_419, %select_n3A_379 : vector<1024x128xi1>, vector<1024x128xf32>
    %select_n3A_421 = arith.select %lt3A_417, %select_n3A_385, %select_n3A_410 : vector<1024x128xi1>, vector<1024x128xf32>
    %select_n3A_422 = arith.select %lt3A_418, %select_n3A_421, %select_n3A_381 : vector<1024x128xi1>, vector<1024x128xf32>
    %select_n3A_423 = arith.select %lt3A_416, %select_n3A_386, %min3A_404 : vector<1024x128xi1>, vector<1024x128xf32>
    %select_n3A_424 = arith.select %lt3A_417, %select_n3A_423, %select_n3A_383 : vector<1024x128xi1>, vector<1024x128xf32>
    %select_n3A_425 = arith.select %lt3A_416, %select_n3A_387, %select_n3A_410 : vector<1024x128xi1>, vector<1024x128xf32>
    %select_n3A_426 = arith.select %lt3A_417, %select_n3A_425, %select_n3A_385 : vector<1024x128xi1>, vector<1024x128xf32>
    %select_n3A_427 = arith.select %lt3A_416, %min3A_404, %select_n3A_386 : vector<1024x128xi1>, vector<1024x128xf32>
    %select_n3A_428 = arith.select %lt3A_416, %select_n3A_410, %select_n3A_387 : vector<1024x128xi1>, vector<1024x128xf32>
    %lt3A_429 = arith.cmpf olt, %max3A_405, %select_n3A_389 : vector<1024x128xf32>
    %select_n3A_430 = arith.select %lt3A_429, %max3A_405, %select_n3A_389 : vector<1024x128xi1>, vector<1024x128xf32>
    %select_n3A_431 = arith.select %lt3A_429, %select_n3A_415, %select_n3A_390 : vector<1024x128xi1>, vector<1024x128xf32>
    %slice3A_432 = vector.extract_strided_slice %dot_general3A_7 {offsets = [0, 2560], sizes = [1024, 128], strides = [1, 1]} : vector<1024x4096xf32> to vector<1024x128xf32>
    %add3A_433 = vector.broadcast %get3A_10 : vector<1024x1xf32> to vector<1024x128xf32>
    %add3A_434 = arith.addf %add3A_433, %slice3A_432 : vector<1024x128xf32>
    %slice3A_435 = vector.extract_strided_slice %get3A_13 {offsets = [0, 2560], sizes = [1, 128], strides = [1, 1]} : vector<1x4096xf32> to vector<1x128xf32>
    %add3A_436 = vector.broadcast %slice3A_435 : vector<1x128xf32> to vector<1024x128xf32>
    %add3A_437 = arith.addf %add3A_434, %add3A_436 : vector<1024x128xf32>
    %slice3A_438 = vector.extract_strided_slice %dot_general3A_7 {offsets = [0, 2688], sizes = [1024, 128], strides = [1, 1]} : vector<1024x4096xf32> to vector<1024x128xf32>
    %add3A_439 = vector.broadcast %get3A_10 : vector<1024x1xf32> to vector<1024x128xf32>
    %add3A_440 = arith.addf %add3A_439, %slice3A_438 : vector<1024x128xf32>
    %slice3A_441 = vector.extract_strided_slice %get3A_13 {offsets = [0, 2688], sizes = [1, 128], strides = [1, 1]} : vector<1x4096xf32> to vector<1x128xf32>
    %add3A_442 = vector.broadcast %slice3A_441 : vector<1x128xf32> to vector<1024x128xf32>
    %add3A_443 = arith.addf %add3A_440, %add3A_442 : vector<1024x128xf32>
    %lt3A_444 = arith.cmpf olt, %add3A_443, %add3A_437 : vector<1024x128xf32>
    %min3A_445 = arith.minimumf %add3A_437, %add3A_443 : vector<1024x128xf32>
    %max3A_446 = arith.maximumf %add3A_437, %add3A_443 : vector<1024x128xf32>
    %jit3A_447 = arith.constant 2.100000e+01 : f32
    %jit3A_448 = arith.constant 2.000000e+01 : f32
    %broadcast_in_dim3A_449 = vector.broadcast %jit3A_447 : f32 to vector<1024x128xf32>
    %broadcast_in_dim3A_450 = vector.broadcast %jit3A_448 : f32 to vector<1024x128xf32>
    %select_n3A_451 = arith.select %lt3A_444, %broadcast_in_dim3A_449, %broadcast_in_dim3A_450 : vector<1024x128xi1>, vector<1024x128xf32>
    %jit3A_452 = arith.constant 2.000000e+01 : f32
    %jit3A_453 = arith.constant 2.100000e+01 : f32
    %broadcast_in_dim3A_454 = vector.broadcast %jit3A_452 : f32 to vector<1024x128xf32>
    %broadcast_in_dim3A_455 = vector.broadcast %jit3A_453 : f32 to vector<1024x128xf32>
    %select_n3A_456 = arith.select %lt3A_444, %broadcast_in_dim3A_454, %broadcast_in_dim3A_455 : vector<1024x128xi1>, vector<1024x128xf32>
    %lt3A_457 = arith.cmpf olt, %min3A_445, %select_n3A_427 : vector<1024x128xf32>
    %lt3A_458 = arith.cmpf olt, %min3A_445, %select_n3A_424 : vector<1024x128xf32>
    %lt3A_459 = arith.cmpf olt, %min3A_445, %select_n3A_420 : vector<1024x128xf32>
    %select_n3A_460 = arith.select %lt3A_458, %select_n3A_424, %min3A_445 : vector<1024x128xi1>, vector<1024x128xf32>
    %select_n3A_461 = arith.select %lt3A_459, %select_n3A_460, %select_n3A_420 : vector<1024x128xi1>, vector<1024x128xf32>
    %select_n3A_462 = arith.select %lt3A_458, %select_n3A_426, %select_n3A_451 : vector<1024x128xi1>, vector<1024x128xf32>
    %select_n3A_463 = arith.select %lt3A_459, %select_n3A_462, %select_n3A_422 : vector<1024x128xi1>, vector<1024x128xf32>
    %select_n3A_464 = arith.select %lt3A_457, %select_n3A_427, %min3A_445 : vector<1024x128xi1>, vector<1024x128xf32>
    %select_n3A_465 = arith.select %lt3A_458, %select_n3A_464, %select_n3A_424 : vector<1024x128xi1>, vector<1024x128xf32>
    %select_n3A_466 = arith.select %lt3A_457, %select_n3A_428, %select_n3A_451 : vector<1024x128xi1>, vector<1024x128xf32>
    %select_n3A_467 = arith.select %lt3A_458, %select_n3A_466, %select_n3A_426 : vector<1024x128xi1>, vector<1024x128xf32>
    %select_n3A_468 = arith.select %lt3A_457, %min3A_445, %select_n3A_427 : vector<1024x128xi1>, vector<1024x128xf32>
    %select_n3A_469 = arith.select %lt3A_457, %select_n3A_451, %select_n3A_428 : vector<1024x128xi1>, vector<1024x128xf32>
    %lt3A_470 = arith.cmpf olt, %max3A_446, %select_n3A_430 : vector<1024x128xf32>
    %select_n3A_471 = arith.select %lt3A_470, %max3A_446, %select_n3A_430 : vector<1024x128xi1>, vector<1024x128xf32>
    %select_n3A_472 = arith.select %lt3A_470, %select_n3A_456, %select_n3A_431 : vector<1024x128xi1>, vector<1024x128xf32>
    %slice3A_473 = vector.extract_strided_slice %dot_general3A_7 {offsets = [0, 2816], sizes = [1024, 128], strides = [1, 1]} : vector<1024x4096xf32> to vector<1024x128xf32>
    %add3A_474 = vector.broadcast %get3A_10 : vector<1024x1xf32> to vector<1024x128xf32>
    %add3A_475 = arith.addf %add3A_474, %slice3A_473 : vector<1024x128xf32>
    %slice3A_476 = vector.extract_strided_slice %get3A_13 {offsets = [0, 2816], sizes = [1, 128], strides = [1, 1]} : vector<1x4096xf32> to vector<1x128xf32>
    %add3A_477 = vector.broadcast %slice3A_476 : vector<1x128xf32> to vector<1024x128xf32>
    %add3A_478 = arith.addf %add3A_475, %add3A_477 : vector<1024x128xf32>
    %slice3A_479 = vector.extract_strided_slice %dot_general3A_7 {offsets = [0, 2944], sizes = [1024, 128], strides = [1, 1]} : vector<1024x4096xf32> to vector<1024x128xf32>
    %add3A_480 = vector.broadcast %get3A_10 : vector<1024x1xf32> to vector<1024x128xf32>
    %add3A_481 = arith.addf %add3A_480, %slice3A_479 : vector<1024x128xf32>
    %slice3A_482 = vector.extract_strided_slice %get3A_13 {offsets = [0, 2944], sizes = [1, 128], strides = [1, 1]} : vector<1x4096xf32> to vector<1x128xf32>
    %add3A_483 = vector.broadcast %slice3A_482 : vector<1x128xf32> to vector<1024x128xf32>
    %add3A_484 = arith.addf %add3A_481, %add3A_483 : vector<1024x128xf32>
    %lt3A_485 = arith.cmpf olt, %add3A_484, %add3A_478 : vector<1024x128xf32>
    %min3A_486 = arith.minimumf %add3A_478, %add3A_484 : vector<1024x128xf32>
    %max3A_487 = arith.maximumf %add3A_478, %add3A_484 : vector<1024x128xf32>
    %jit3A_488 = arith.constant 2.300000e+01 : f32
    %jit3A_489 = arith.constant 2.200000e+01 : f32
    %broadcast_in_dim3A_490 = vector.broadcast %jit3A_488 : f32 to vector<1024x128xf32>
    %broadcast_in_dim3A_491 = vector.broadcast %jit3A_489 : f32 to vector<1024x128xf32>
    %select_n3A_492 = arith.select %lt3A_485, %broadcast_in_dim3A_490, %broadcast_in_dim3A_491 : vector<1024x128xi1>, vector<1024x128xf32>
    %jit3A_493 = arith.constant 2.200000e+01 : f32
    %jit3A_494 = arith.constant 2.300000e+01 : f32
    %broadcast_in_dim3A_495 = vector.broadcast %jit3A_493 : f32 to vector<1024x128xf32>
    %broadcast_in_dim3A_496 = vector.broadcast %jit3A_494 : f32 to vector<1024x128xf32>
    %select_n3A_497 = arith.select %lt3A_485, %broadcast_in_dim3A_495, %broadcast_in_dim3A_496 : vector<1024x128xi1>, vector<1024x128xf32>
    %lt3A_498 = arith.cmpf olt, %min3A_486, %select_n3A_468 : vector<1024x128xf32>
    %lt3A_499 = arith.cmpf olt, %min3A_486, %select_n3A_465 : vector<1024x128xf32>
    %lt3A_500 = arith.cmpf olt, %min3A_486, %select_n3A_461 : vector<1024x128xf32>
    %select_n3A_501 = arith.select %lt3A_499, %select_n3A_465, %min3A_486 : vector<1024x128xi1>, vector<1024x128xf32>
    %select_n3A_502 = arith.select %lt3A_500, %select_n3A_501, %select_n3A_461 : vector<1024x128xi1>, vector<1024x128xf32>
    %select_n3A_503 = arith.select %lt3A_499, %select_n3A_467, %select_n3A_492 : vector<1024x128xi1>, vector<1024x128xf32>
    %select_n3A_504 = arith.select %lt3A_500, %select_n3A_503, %select_n3A_463 : vector<1024x128xi1>, vector<1024x128xf32>
    %select_n3A_505 = arith.select %lt3A_498, %select_n3A_468, %min3A_486 : vector<1024x128xi1>, vector<1024x128xf32>
    %select_n3A_506 = arith.select %lt3A_499, %select_n3A_505, %select_n3A_465 : vector<1024x128xi1>, vector<1024x128xf32>
    %select_n3A_507 = arith.select %lt3A_498, %select_n3A_469, %select_n3A_492 : vector<1024x128xi1>, vector<1024x128xf32>
    %select_n3A_508 = arith.select %lt3A_499, %select_n3A_507, %select_n3A_467 : vector<1024x128xi1>, vector<1024x128xf32>
    %select_n3A_509 = arith.select %lt3A_498, %min3A_486, %select_n3A_468 : vector<1024x128xi1>, vector<1024x128xf32>
    %select_n3A_510 = arith.select %lt3A_498, %select_n3A_492, %select_n3A_469 : vector<1024x128xi1>, vector<1024x128xf32>
    %lt3A_511 = arith.cmpf olt, %max3A_487, %select_n3A_471 : vector<1024x128xf32>
    %select_n3A_512 = arith.select %lt3A_511, %max3A_487, %select_n3A_471 : vector<1024x128xi1>, vector<1024x128xf32>
    %select_n3A_513 = arith.select %lt3A_511, %select_n3A_497, %select_n3A_472 : vector<1024x128xi1>, vector<1024x128xf32>
    %slice3A_514 = vector.extract_strided_slice %dot_general3A_7 {offsets = [0, 3072], sizes = [1024, 128], strides = [1, 1]} : vector<1024x4096xf32> to vector<1024x128xf32>
    %add3A_515 = vector.broadcast %get3A_10 : vector<1024x1xf32> to vector<1024x128xf32>
    %add3A_516 = arith.addf %add3A_515, %slice3A_514 : vector<1024x128xf32>
    %slice3A_517 = vector.extract_strided_slice %get3A_13 {offsets = [0, 3072], sizes = [1, 128], strides = [1, 1]} : vector<1x4096xf32> to vector<1x128xf32>
    %add3A_518 = vector.broadcast %slice3A_517 : vector<1x128xf32> to vector<1024x128xf32>
    %add3A_519 = arith.addf %add3A_516, %add3A_518 : vector<1024x128xf32>
    %slice3A_520 = vector.extract_strided_slice %dot_general3A_7 {offsets = [0, 3200], sizes = [1024, 128], strides = [1, 1]} : vector<1024x4096xf32> to vector<1024x128xf32>
    %add3A_521 = vector.broadcast %get3A_10 : vector<1024x1xf32> to vector<1024x128xf32>
    %add3A_522 = arith.addf %add3A_521, %slice3A_520 : vector<1024x128xf32>
    %slice3A_523 = vector.extract_strided_slice %get3A_13 {offsets = [0, 3200], sizes = [1, 128], strides = [1, 1]} : vector<1x4096xf32> to vector<1x128xf32>
    %add3A_524 = vector.broadcast %slice3A_523 : vector<1x128xf32> to vector<1024x128xf32>
    %add3A_525 = arith.addf %add3A_522, %add3A_524 : vector<1024x128xf32>
    %lt3A_526 = arith.cmpf olt, %add3A_525, %add3A_519 : vector<1024x128xf32>
    %min3A_527 = arith.minimumf %add3A_519, %add3A_525 : vector<1024x128xf32>
    %max3A_528 = arith.maximumf %add3A_519, %add3A_525 : vector<1024x128xf32>
    %jit3A_529 = arith.constant 2.500000e+01 : f32
    %jit3A_530 = arith.constant 2.400000e+01 : f32
    %broadcast_in_dim3A_531 = vector.broadcast %jit3A_529 : f32 to vector<1024x128xf32>
    %broadcast_in_dim3A_532 = vector.broadcast %jit3A_530 : f32 to vector<1024x128xf32>
    %select_n3A_533 = arith.select %lt3A_526, %broadcast_in_dim3A_531, %broadcast_in_dim3A_532 : vector<1024x128xi1>, vector<1024x128xf32>
    %jit3A_534 = arith.constant 2.400000e+01 : f32
    %jit3A_535 = arith.constant 2.500000e+01 : f32
    %broadcast_in_dim3A_536 = vector.broadcast %jit3A_534 : f32 to vector<1024x128xf32>
    %broadcast_in_dim3A_537 = vector.broadcast %jit3A_535 : f32 to vector<1024x128xf32>
    %select_n3A_538 = arith.select %lt3A_526, %broadcast_in_dim3A_536, %broadcast_in_dim3A_537 : vector<1024x128xi1>, vector<1024x128xf32>
    %lt3A_539 = arith.cmpf olt, %min3A_527, %select_n3A_509 : vector<1024x128xf32>
    %lt3A_540 = arith.cmpf olt, %min3A_527, %select_n3A_506 : vector<1024x128xf32>
    %lt3A_541 = arith.cmpf olt, %min3A_527, %select_n3A_502 : vector<1024x128xf32>
    %select_n3A_542 = arith.select %lt3A_540, %select_n3A_506, %min3A_527 : vector<1024x128xi1>, vector<1024x128xf32>
    %select_n3A_543 = arith.select %lt3A_541, %select_n3A_542, %select_n3A_502 : vector<1024x128xi1>, vector<1024x128xf32>
    %select_n3A_544 = arith.select %lt3A_540, %select_n3A_508, %select_n3A_533 : vector<1024x128xi1>, vector<1024x128xf32>
    %select_n3A_545 = arith.select %lt3A_541, %select_n3A_544, %select_n3A_504 : vector<1024x128xi1>, vector<1024x128xf32>
    %select_n3A_546 = arith.select %lt3A_539, %select_n3A_509, %min3A_527 : vector<1024x128xi1>, vector<1024x128xf32>
    %select_n3A_547 = arith.select %lt3A_540, %select_n3A_546, %select_n3A_506 : vector<1024x128xi1>, vector<1024x128xf32>
    %select_n3A_548 = arith.select %lt3A_539, %select_n3A_510, %select_n3A_533 : vector<1024x128xi1>, vector<1024x128xf32>
    %select_n3A_549 = arith.select %lt3A_540, %select_n3A_548, %select_n3A_508 : vector<1024x128xi1>, vector<1024x128xf32>
    %select_n3A_550 = arith.select %lt3A_539, %min3A_527, %select_n3A_509 : vector<1024x128xi1>, vector<1024x128xf32>
    %select_n3A_551 = arith.select %lt3A_539, %select_n3A_533, %select_n3A_510 : vector<1024x128xi1>, vector<1024x128xf32>
    %lt3A_552 = arith.cmpf olt, %max3A_528, %select_n3A_512 : vector<1024x128xf32>
    %select_n3A_553 = arith.select %lt3A_552, %max3A_528, %select_n3A_512 : vector<1024x128xi1>, vector<1024x128xf32>
    %select_n3A_554 = arith.select %lt3A_552, %select_n3A_538, %select_n3A_513 : vector<1024x128xi1>, vector<1024x128xf32>
    %slice3A_555 = vector.extract_strided_slice %dot_general3A_7 {offsets = [0, 3328], sizes = [1024, 128], strides = [1, 1]} : vector<1024x4096xf32> to vector<1024x128xf32>
    %add3A_556 = vector.broadcast %get3A_10 : vector<1024x1xf32> to vector<1024x128xf32>
    %add3A_557 = arith.addf %add3A_556, %slice3A_555 : vector<1024x128xf32>
    %slice3A_558 = vector.extract_strided_slice %get3A_13 {offsets = [0, 3328], sizes = [1, 128], strides = [1, 1]} : vector<1x4096xf32> to vector<1x128xf32>
    %add3A_559 = vector.broadcast %slice3A_558 : vector<1x128xf32> to vector<1024x128xf32>
    %add3A_560 = arith.addf %add3A_557, %add3A_559 : vector<1024x128xf32>
    %slice3A_561 = vector.extract_strided_slice %dot_general3A_7 {offsets = [0, 3456], sizes = [1024, 128], strides = [1, 1]} : vector<1024x4096xf32> to vector<1024x128xf32>
    %add3A_562 = vector.broadcast %get3A_10 : vector<1024x1xf32> to vector<1024x128xf32>
    %add3A_563 = arith.addf %add3A_562, %slice3A_561 : vector<1024x128xf32>
    %slice3A_564 = vector.extract_strided_slice %get3A_13 {offsets = [0, 3456], sizes = [1, 128], strides = [1, 1]} : vector<1x4096xf32> to vector<1x128xf32>
    %add3A_565 = vector.broadcast %slice3A_564 : vector<1x128xf32> to vector<1024x128xf32>
    %add3A_566 = arith.addf %add3A_563, %add3A_565 : vector<1024x128xf32>
    %lt3A_567 = arith.cmpf olt, %add3A_566, %add3A_560 : vector<1024x128xf32>
    %min3A_568 = arith.minimumf %add3A_560, %add3A_566 : vector<1024x128xf32>
    %max3A_569 = arith.maximumf %add3A_560, %add3A_566 : vector<1024x128xf32>
    %jit3A_570 = arith.constant 2.700000e+01 : f32
    %jit3A_571 = arith.constant 2.600000e+01 : f32
    %broadcast_in_dim3A_572 = vector.broadcast %jit3A_570 : f32 to vector<1024x128xf32>
    %broadcast_in_dim3A_573 = vector.broadcast %jit3A_571 : f32 to vector<1024x128xf32>
    %select_n3A_574 = arith.select %lt3A_567, %broadcast_in_dim3A_572, %broadcast_in_dim3A_573 : vector<1024x128xi1>, vector<1024x128xf32>
    %jit3A_575 = arith.constant 2.600000e+01 : f32
    %jit3A_576 = arith.constant 2.700000e+01 : f32
    %broadcast_in_dim3A_577 = vector.broadcast %jit3A_575 : f32 to vector<1024x128xf32>
    %broadcast_in_dim3A_578 = vector.broadcast %jit3A_576 : f32 to vector<1024x128xf32>
    %select_n3A_579 = arith.select %lt3A_567, %broadcast_in_dim3A_577, %broadcast_in_dim3A_578 : vector<1024x128xi1>, vector<1024x128xf32>
    %lt3A_580 = arith.cmpf olt, %min3A_568, %select_n3A_550 : vector<1024x128xf32>
    %lt3A_581 = arith.cmpf olt, %min3A_568, %select_n3A_547 : vector<1024x128xf32>
    %lt3A_582 = arith.cmpf olt, %min3A_568, %select_n3A_543 : vector<1024x128xf32>
    %select_n3A_583 = arith.select %lt3A_581, %select_n3A_547, %min3A_568 : vector<1024x128xi1>, vector<1024x128xf32>
    %select_n3A_584 = arith.select %lt3A_582, %select_n3A_583, %select_n3A_543 : vector<1024x128xi1>, vector<1024x128xf32>
    %select_n3A_585 = arith.select %lt3A_581, %select_n3A_549, %select_n3A_574 : vector<1024x128xi1>, vector<1024x128xf32>
    %select_n3A_586 = arith.select %lt3A_582, %select_n3A_585, %select_n3A_545 : vector<1024x128xi1>, vector<1024x128xf32>
    %select_n3A_587 = arith.select %lt3A_580, %select_n3A_550, %min3A_568 : vector<1024x128xi1>, vector<1024x128xf32>
    %select_n3A_588 = arith.select %lt3A_581, %select_n3A_587, %select_n3A_547 : vector<1024x128xi1>, vector<1024x128xf32>
    %select_n3A_589 = arith.select %lt3A_580, %select_n3A_551, %select_n3A_574 : vector<1024x128xi1>, vector<1024x128xf32>
    %select_n3A_590 = arith.select %lt3A_581, %select_n3A_589, %select_n3A_549 : vector<1024x128xi1>, vector<1024x128xf32>
    %select_n3A_591 = arith.select %lt3A_580, %min3A_568, %select_n3A_550 : vector<1024x128xi1>, vector<1024x128xf32>
    %select_n3A_592 = arith.select %lt3A_580, %select_n3A_574, %select_n3A_551 : vector<1024x128xi1>, vector<1024x128xf32>
    %lt3A_593 = arith.cmpf olt, %max3A_569, %select_n3A_553 : vector<1024x128xf32>
    %select_n3A_594 = arith.select %lt3A_593, %max3A_569, %select_n3A_553 : vector<1024x128xi1>, vector<1024x128xf32>
    %select_n3A_595 = arith.select %lt3A_593, %select_n3A_579, %select_n3A_554 : vector<1024x128xi1>, vector<1024x128xf32>
    %slice3A_596 = vector.extract_strided_slice %dot_general3A_7 {offsets = [0, 3584], sizes = [1024, 128], strides = [1, 1]} : vector<1024x4096xf32> to vector<1024x128xf32>
    %add3A_597 = vector.broadcast %get3A_10 : vector<1024x1xf32> to vector<1024x128xf32>
    %add3A_598 = arith.addf %add3A_597, %slice3A_596 : vector<1024x128xf32>
    %slice3A_599 = vector.extract_strided_slice %get3A_13 {offsets = [0, 3584], sizes = [1, 128], strides = [1, 1]} : vector<1x4096xf32> to vector<1x128xf32>
    %add3A_600 = vector.broadcast %slice3A_599 : vector<1x128xf32> to vector<1024x128xf32>
    %add3A_601 = arith.addf %add3A_598, %add3A_600 : vector<1024x128xf32>
    %slice3A_602 = vector.extract_strided_slice %dot_general3A_7 {offsets = [0, 3712], sizes = [1024, 128], strides = [1, 1]} : vector<1024x4096xf32> to vector<1024x128xf32>
    %add3A_603 = vector.broadcast %get3A_10 : vector<1024x1xf32> to vector<1024x128xf32>
    %add3A_604 = arith.addf %add3A_603, %slice3A_602 : vector<1024x128xf32>
    %slice3A_605 = vector.extract_strided_slice %get3A_13 {offsets = [0, 3712], sizes = [1, 128], strides = [1, 1]} : vector<1x4096xf32> to vector<1x128xf32>
    %add3A_606 = vector.broadcast %slice3A_605 : vector<1x128xf32> to vector<1024x128xf32>
    %add3A_607 = arith.addf %add3A_604, %add3A_606 : vector<1024x128xf32>
    %lt3A_608 = arith.cmpf olt, %add3A_607, %add3A_601 : vector<1024x128xf32>
    %min3A_609 = arith.minimumf %add3A_601, %add3A_607 : vector<1024x128xf32>
    %max3A_610 = arith.maximumf %add3A_601, %add3A_607 : vector<1024x128xf32>
    %jit3A_611 = arith.constant 2.900000e+01 : f32
    %jit3A_612 = arith.constant 2.800000e+01 : f32
    %broadcast_in_dim3A_613 = vector.broadcast %jit3A_611 : f32 to vector<1024x128xf32>
    %broadcast_in_dim3A_614 = vector.broadcast %jit3A_612 : f32 to vector<1024x128xf32>
    %select_n3A_615 = arith.select %lt3A_608, %broadcast_in_dim3A_613, %broadcast_in_dim3A_614 : vector<1024x128xi1>, vector<1024x128xf32>
    %jit3A_616 = arith.constant 2.800000e+01 : f32
    %jit3A_617 = arith.constant 2.900000e+01 : f32
    %broadcast_in_dim3A_618 = vector.broadcast %jit3A_616 : f32 to vector<1024x128xf32>
    %broadcast_in_dim3A_619 = vector.broadcast %jit3A_617 : f32 to vector<1024x128xf32>
    %select_n3A_620 = arith.select %lt3A_608, %broadcast_in_dim3A_618, %broadcast_in_dim3A_619 : vector<1024x128xi1>, vector<1024x128xf32>
    %lt3A_621 = arith.cmpf olt, %min3A_609, %select_n3A_591 : vector<1024x128xf32>
    %lt3A_622 = arith.cmpf olt, %min3A_609, %select_n3A_588 : vector<1024x128xf32>
    %lt3A_623 = arith.cmpf olt, %min3A_609, %select_n3A_584 : vector<1024x128xf32>
    %select_n3A_624 = arith.select %lt3A_622, %select_n3A_588, %min3A_609 : vector<1024x128xi1>, vector<1024x128xf32>
    %select_n3A_625 = arith.select %lt3A_623, %select_n3A_624, %select_n3A_584 : vector<1024x128xi1>, vector<1024x128xf32>
    %select_n3A_626 = arith.select %lt3A_622, %select_n3A_590, %select_n3A_615 : vector<1024x128xi1>, vector<1024x128xf32>
    %select_n3A_627 = arith.select %lt3A_623, %select_n3A_626, %select_n3A_586 : vector<1024x128xi1>, vector<1024x128xf32>
    %select_n3A_628 = arith.select %lt3A_621, %select_n3A_591, %min3A_609 : vector<1024x128xi1>, vector<1024x128xf32>
    %select_n3A_629 = arith.select %lt3A_622, %select_n3A_628, %select_n3A_588 : vector<1024x128xi1>, vector<1024x128xf32>
    %select_n3A_630 = arith.select %lt3A_621, %select_n3A_592, %select_n3A_615 : vector<1024x128xi1>, vector<1024x128xf32>
    %select_n3A_631 = arith.select %lt3A_622, %select_n3A_630, %select_n3A_590 : vector<1024x128xi1>, vector<1024x128xf32>
    %select_n3A_632 = arith.select %lt3A_621, %min3A_609, %select_n3A_591 : vector<1024x128xi1>, vector<1024x128xf32>
    %select_n3A_633 = arith.select %lt3A_621, %select_n3A_615, %select_n3A_592 : vector<1024x128xi1>, vector<1024x128xf32>
    %lt3A_634 = arith.cmpf olt, %max3A_610, %select_n3A_594 : vector<1024x128xf32>
    %select_n3A_635 = arith.select %lt3A_634, %max3A_610, %select_n3A_594 : vector<1024x128xi1>, vector<1024x128xf32>
    %select_n3A_636 = arith.select %lt3A_634, %select_n3A_620, %select_n3A_595 : vector<1024x128xi1>, vector<1024x128xf32>
    %slice3A_637 = vector.extract_strided_slice %dot_general3A_7 {offsets = [0, 3840], sizes = [1024, 128], strides = [1, 1]} : vector<1024x4096xf32> to vector<1024x128xf32>
    %add3A_638 = vector.broadcast %get3A_10 : vector<1024x1xf32> to vector<1024x128xf32>
    %add3A_639 = arith.addf %add3A_638, %slice3A_637 : vector<1024x128xf32>
    %slice3A_640 = vector.extract_strided_slice %get3A_13 {offsets = [0, 3840], sizes = [1, 128], strides = [1, 1]} : vector<1x4096xf32> to vector<1x128xf32>
    %add3A_641 = vector.broadcast %slice3A_640 : vector<1x128xf32> to vector<1024x128xf32>
    %add3A_642 = arith.addf %add3A_639, %add3A_641 : vector<1024x128xf32>
    %slice3A_643 = vector.extract_strided_slice %dot_general3A_7 {offsets = [0, 3968], sizes = [1024, 128], strides = [1, 1]} : vector<1024x4096xf32> to vector<1024x128xf32>
    %add3A_644 = vector.broadcast %get3A_10 : vector<1024x1xf32> to vector<1024x128xf32>
    %add3A_645 = arith.addf %add3A_644, %slice3A_643 : vector<1024x128xf32>
    %slice3A_646 = vector.extract_strided_slice %get3A_13 {offsets = [0, 3968], sizes = [1, 128], strides = [1, 1]} : vector<1x4096xf32> to vector<1x128xf32>
    %add3A_647 = vector.broadcast %slice3A_646 : vector<1x128xf32> to vector<1024x128xf32>
    %add3A_648 = arith.addf %add3A_645, %add3A_647 : vector<1024x128xf32>
    %lt3A_649 = arith.cmpf olt, %add3A_648, %add3A_642 : vector<1024x128xf32>
    %min3A_650 = arith.minimumf %add3A_642, %add3A_648 : vector<1024x128xf32>
    %max3A_651 = arith.maximumf %add3A_642, %add3A_648 : vector<1024x128xf32>
    %jit3A_652 = arith.constant 3.100000e+01 : f32
    %jit3A_653 = arith.constant 3.000000e+01 : f32
    %broadcast_in_dim3A_654 = vector.broadcast %jit3A_652 : f32 to vector<1024x128xf32>
    %broadcast_in_dim3A_655 = vector.broadcast %jit3A_653 : f32 to vector<1024x128xf32>
    %select_n3A_656 = arith.select %lt3A_649, %broadcast_in_dim3A_654, %broadcast_in_dim3A_655 : vector<1024x128xi1>, vector<1024x128xf32>
    %jit3A_657 = arith.constant 3.000000e+01 : f32
    %jit3A_658 = arith.constant 3.100000e+01 : f32
    %broadcast_in_dim3A_659 = vector.broadcast %jit3A_657 : f32 to vector<1024x128xf32>
    %broadcast_in_dim3A_660 = vector.broadcast %jit3A_658 : f32 to vector<1024x128xf32>
    %select_n3A_661 = arith.select %lt3A_649, %broadcast_in_dim3A_659, %broadcast_in_dim3A_660 : vector<1024x128xi1>, vector<1024x128xf32>
    %lt3A_662 = arith.cmpf olt, %min3A_650, %select_n3A_632 : vector<1024x128xf32>
    %lt3A_663 = arith.cmpf olt, %min3A_650, %select_n3A_629 : vector<1024x128xf32>
    %lt3A_664 = arith.cmpf olt, %min3A_650, %select_n3A_625 : vector<1024x128xf32>
    %select_n3A_665 = arith.select %lt3A_663, %select_n3A_629, %min3A_650 : vector<1024x128xi1>, vector<1024x128xf32>
    %select_n3A_666 = arith.select %lt3A_664, %select_n3A_665, %select_n3A_625 : vector<1024x128xi1>, vector<1024x128xf32>
    %select_n3A_667 = arith.select %lt3A_663, %select_n3A_631, %select_n3A_656 : vector<1024x128xi1>, vector<1024x128xf32>
    %select_n3A_668 = arith.select %lt3A_664, %select_n3A_667, %select_n3A_627 : vector<1024x128xi1>, vector<1024x128xf32>
    %select_n3A_669 = arith.select %lt3A_662, %select_n3A_632, %min3A_650 : vector<1024x128xi1>, vector<1024x128xf32>
    %select_n3A_670 = arith.select %lt3A_663, %select_n3A_669, %select_n3A_629 : vector<1024x128xi1>, vector<1024x128xf32>
    %select_n3A_671 = arith.select %lt3A_662, %select_n3A_633, %select_n3A_656 : vector<1024x128xi1>, vector<1024x128xf32>
    %select_n3A_672 = arith.select %lt3A_663, %select_n3A_671, %select_n3A_631 : vector<1024x128xi1>, vector<1024x128xf32>
    %select_n3A_673 = arith.select %lt3A_662, %min3A_650, %select_n3A_632 : vector<1024x128xi1>, vector<1024x128xf32>
    %select_n3A_674 = arith.select %lt3A_662, %select_n3A_656, %select_n3A_633 : vector<1024x128xi1>, vector<1024x128xf32>
    %lt3A_675 = arith.cmpf olt, %max3A_651, %select_n3A_635 : vector<1024x128xf32>
    %select_n3A_676 = arith.select %lt3A_675, %max3A_651, %select_n3A_635 : vector<1024x128xi1>, vector<1024x128xf32>
    %select_n3A_677 = arith.select %lt3A_675, %select_n3A_661, %select_n3A_636 : vector<1024x128xi1>, vector<1024x128xf32>
    %swap3A = arith.constant 0 : index
    %swap3A_678 = arith.constant 0 : index
    %swap3A_679 = vector.load %arg6[%swap3A, %swap3A_678] : memref<1024x128xf32, #tpu.memory_space<vmem>>, vector<1024x128xf32>
    tpu.vector_store %arg6[%swap3A, %swap3A_678], %select_n3A_673 {strides = array<i32>} : memref<1024x128xf32, #tpu.memory_space<vmem>>, vector<1024x128xf32>,
    %swap3A_680 = arith.constant 0 : index
    %swap3A_681 = arith.constant 0 : index
    %swap3A_682 = vector.load %arg7[%swap3A_680, %swap3A_681] : memref<1024x128xf32, #tpu.memory_space<vmem>>, vector<1024x128xf32>
    tpu.vector_store %arg7[%swap3A_680, %swap3A_681], %select_n3A_670 {strides = array<i32>} : memref<1024x128xf32, #tpu.memory_space<vmem>>, vector<1024x128xf32>,
    %swap3A_683 = arith.constant 0 : index
    %swap3A_684 = arith.constant 0 : index
    %swap3A_685 = vector.load %arg8[%swap3A_683, %swap3A_684] : memref<1024x128xf32, #tpu.memory_space<vmem>>, vector<1024x128xf32>
    tpu.vector_store %arg8[%swap3A_683, %swap3A_684], %select_n3A_666 {strides = array<i32>} : memref<1024x128xf32, #tpu.memory_space<vmem>>, vector<1024x128xf32>,
    %swap3A_686 = arith.constant 0 : index
    %swap3A_687 = arith.constant 0 : index
    %swap3A_688 = vector.load %arg9[%swap3A_686, %swap3A_687] : memref<1024x128xf32, #tpu.memory_space<vmem>>, vector<1024x128xf32>
    tpu.vector_store %arg9[%swap3A_686, %swap3A_687], %select_n3A_676 {strides = array<i32>} : memref<1024x128xf32, #tpu.memory_space<vmem>>, vector<1024x128xf32>,
    %swap3A_689 = arith.constant 0 : index
    %swap3A_690 = arith.constant 0 : index
    %swap3A_691 = vector.load %arg10[%swap3A_689, %swap3A_690] : memref<1024x128xf32, #tpu.memory_space<vmem>>, vector<1024x128xf32>
    tpu.vector_store %arg10[%swap3A_689, %swap3A_690], %select_n3A_674 {strides = array<i32>} : memref<1024x128xf32, #tpu.memory_space<vmem>>, vector<1024x128xf32>,
    %swap3A_692 = arith.constant 0 : index
    %swap3A_693 = arith.constant 0 : index
    %swap3A_694 = vector.load %arg11[%swap3A_692, %swap3A_693] : memref<1024x128xf32, #tpu.memory_space<vmem>>, vector<1024x128xf32>
    tpu.vector_store %arg11[%swap3A_692, %swap3A_693], %select_n3A_672 {strides = array<i32>} : memref<1024x128xf32, #tpu.memory_space<vmem>>, vector<1024x128xf32>,
    %swap3A_695 = arith.constant 0 : index
    %swap3A_696 = arith.constant 0 : index
    %swap3A_697 = vector.load %arg12[%swap3A_695, %swap3A_696] : memref<1024x128xf32, #tpu.memory_space<vmem>>, vector<1024x128xf32>
    tpu.vector_store %arg12[%swap3A_695, %swap3A_696], %select_n3A_668 {strides = array<i32>} : memref<1024x128xf32, #tpu.memory_space<vmem>>, vector<1024x128xf32>,
    %swap3A_698 = arith.constant 0 : index
    %swap3A_699 = arith.constant 0 : index
    %swap3A_700 = vector.load %arg13[%swap3A_698, %swap3A_699] : memref<1024x128xf32, #tpu.memory_space<vmem>>, vector<1024x128xf32>
    tpu.vector_store %arg13[%swap3A_698, %swap3A_699], %select_n3A_677 {strides = array<i32>} : memref<1024x128xf32, #tpu.memory_space<vmem>>, vector<1024x128xf32>,
    %iota3A = tpu.iota {dimensions = array<i32: 1>} : vector<1024x128xi32>
    %convert_element_type3A = arith.sitofp %iota3A : vector<1024x128xi32> to vector<1024x128xf32>
    %concatenate3A = tpu.concatenate %select_n3A_673, %select_n3A_670, %select_n3A_666, %select_n3A_676 in 1 : vector<1024x128xf32>, vector<1024x128xf32>, vector<1024x128xf32>, vector<1024x128xf32> -> vector<1024x512xf32>
    %mul3A_701 = arith.constant 1.280000e+02 : f32
    %mul3A_702 = vector.broadcast %mul3A_701 : f32 to vector<1024x128xf32>
    %mul3A_703 = arith.mulf %select_n3A_674, %mul3A_702 : vector<1024x128xf32>
    %add3A_704 = arith.addf %mul3A_703, %convert_element_type3A : vector<1024x128xf32>
    %mul3A_705 = arith.constant 1.280000e+02 : f32
    %mul3A_706 = vector.broadcast %mul3A_705 : f32 to vector<1024x128xf32>
    %mul3A_707 = arith.mulf %select_n3A_672, %mul3A_706 : vector<1024x128xf32>
    %add3A_708 = arith.addf %mul3A_707, %convert_element_type3A : vector<1024x128xf32>
    %mul3A_709 = arith.constant 1.280000e+02 : f32
    %mul3A_710 = vector.broadcast %mul3A_709 : f32 to vector<1024x128xf32>
    %mul3A_711 = arith.mulf %select_n3A_668, %mul3A_710 : vector<1024x128xf32>
    %add3A_712 = arith.addf %mul3A_711, %convert_element_type3A : vector<1024x128xf32>
    %mul3A_713 = arith.constant 1.280000e+02 : f32
    %mul3A_714 = vector.broadcast %mul3A_713 : f32 to vector<1024x128xf32>
    %mul3A_715 = arith.mulf %select_n3A_677, %mul3A_714 : vector<1024x128xf32>
    %add3A_716 = arith.addf %mul3A_715, %convert_element_type3A : vector<1024x128xf32>
    %concatenate3A_717 = tpu.concatenate %add3A_704, %add3A_708, %add3A_712, %add3A_716 in 1 : vector<1024x128xf32>, vector<1024x128xf32>, vector<1024x128xf32>, vector<1024x128xf32> -> vector<1024x512xf32>
    %reduce_min3A = arith.constant dense<0x7F800000> : vector<1024xf32>
    %reduce_min3A_718 = vector.multi_reduction <minimumf>, %concatenate3A, %reduce_min3A [1] : vector<1024x512xf32> to vector<1024xf32>
    %broadcast_in_dim3A_719 = vector.shape_cast %reduce_min3A_718 : vector<1024xf32> to vector<1024x1xf32>
    %eq3A = vector.broadcast %broadcast_in_dim3A_719 : vector<1024x1xf32> to vector<1024x512xf32>
    %eq3A_720 = arith.cmpf oeq, %concatenate3A, %eq3A : vector<1024x512xf32>
    %jit3A_721 = arith.constant 6.553600e+04 : f32
    %broadcast_in_dim3A_722 = vector.broadcast %jit3A_721 : f32 to vector<1024x512xf32>
    %select_n3A_723 = arith.select %eq3A_720, %concatenate3A_717, %broadcast_in_dim3A_722 : vector<1024x512xi1>, vector<1024x512xf32>
    %reduce_min3A_724 = arith.constant dense<0x7F800000> : vector<1024xf32>
    %reduce_min3A_725 = vector.multi_reduction <minimumf>, %select_n3A_723, %reduce_min3A_724 [1] : vector<1024x512xf32> to vector<1024xf32>
    %broadcast_in_dim3A_726 = vector.shape_cast %reduce_min3A_725 : vector<1024xf32> to vector<1024x1xf32>
    %convert_element_type3A_727 = arith.fptosi %broadcast_in_dim3A_726 : vector<1024x1xf32> to vector<1024x1xi32>
    %eq3A_728 = vector.broadcast %broadcast_in_dim3A_726 : vector<1024x1xf32> to vector<1024x512xf32>
    %eq3A_729 = arith.cmpf oeq, %select_n3A_723, %eq3A_728 : vector<1024x512xf32>
    %jit3A_730 = arith.constant 0x7F800000 : f32
    %broadcast_in_dim3A_731 = vector.broadcast %jit3A_730 : f32 to vector<1024x512xf32>
    %select_n3A_732 = arith.select %eq3A_729, %broadcast_in_dim3A_731, %concatenate3A : vector<1024x512xi1>, vector<1024x512xf32>
    %reduce_min3A_733 = arith.constant dense<0x7F800000> : vector<1024xf32>
    %reduce_min3A_734 = vector.multi_reduction <minimumf>, %select_n3A_732, %reduce_min3A_733 [1] : vector<1024x512xf32> to vector<1024xf32>
    %broadcast_in_dim3A_735 = vector.shape_cast %reduce_min3A_734 : vector<1024xf32> to vector<1024x1xf32>
    %eq3A_736 = vector.broadcast %broadcast_in_dim3A_735 : vector<1024x1xf32> to vector<1024x512xf32>
    %eq3A_737 = arith.cmpf oeq, %select_n3A_732, %eq3A_736 : vector<1024x512xf32>
    %jit3A_738 = arith.constant 6.553600e+04 : f32
    %broadcast_in_dim3A_739 = vector.broadcast %jit3A_738 : f32 to vector<1024x512xf32>
    %select_n3A_740 = arith.select %eq3A_737, %concatenate3A_717, %broadcast_in_dim3A_739 : vector<1024x512xi1>, vector<1024x512xf32>
    %reduce_min3A_741 = arith.constant dense<0x7F800000> : vector<1024xf32>
    %reduce_min3A_742 = vector.multi_reduction <minimumf>, %select_n3A_740, %reduce_min3A_741 [1] : vector<1024x512xf32> to vector<1024xf32>
    %broadcast_in_dim3A_743 = vector.shape_cast %reduce_min3A_742 : vector<1024xf32> to vector<1024x1xf32>
    %convert_element_type3A_744 = arith.fptosi %broadcast_in_dim3A_743 : vector<1024x1xf32> to vector<1024x1xi32>
    %eq3A_745 = vector.broadcast %broadcast_in_dim3A_743 : vector<1024x1xf32> to vector<1024x512xf32>
    %eq3A_746 = arith.cmpf oeq, %select_n3A_740, %eq3A_745 : vector<1024x512xf32>
    %jit3A_747 = arith.constant 0x7F800000 : f32
    %broadcast_in_dim3A_748 = vector.broadcast %jit3A_747 : f32 to vector<1024x512xf32>
    %select_n3A_749 = arith.select %eq3A_746, %broadcast_in_dim3A_748, %select_n3A_732 : vector<1024x512xi1>, vector<1024x512xf32>
    %reduce_min3A_750 = arith.constant dense<0x7F800000> : vector<1024xf32>
    %reduce_min3A_751 = vector.multi_reduction <minimumf>, %select_n3A_749, %reduce_min3A_750 [1] : vector<1024x512xf32> to vector<1024xf32>
    %broadcast_in_dim3A_752 = vector.shape_cast %reduce_min3A_751 : vector<1024xf32> to vector<1024x1xf32>
    %eq3A_753 = vector.broadcast %broadcast_in_dim3A_752 : vector<1024x1xf32> to vector<1024x512xf32>
    %eq3A_754 = arith.cmpf oeq, %select_n3A_749, %eq3A_753 : vector<1024x512xf32>
    %jit3A_755 = arith.constant 6.553600e+04 : f32
    %broadcast_in_dim3A_756 = vector.broadcast %jit3A_755 : f32 to vector<1024x512xf32>
    %select_n3A_757 = arith.select %eq3A_754, %concatenate3A_717, %broadcast_in_dim3A_756 : vector<1024x512xi1>, vector<1024x512xf32>
    %reduce_min3A_758 = arith.constant dense<0x7F800000> : vector<1024xf32>
    %reduce_min3A_759 = vector.multi_reduction <minimumf>, %select_n3A_757, %reduce_min3A_758 [1] : vector<1024x512xf32> to vector<1024xf32>
    %broadcast_in_dim3A_760 = vector.shape_cast %reduce_min3A_759 : vector<1024xf32> to vector<1024x1xf32>
    %convert_element_type3A_761 = arith.fptosi %broadcast_in_dim3A_760 : vector<1024x1xf32> to vector<1024x1xi32>
    %iota3A_762 = tpu.iota {dimensions = array<i32: 1>} : vector<1024x128xi32>
    %lt3A_763 = arith.constant 1 : i32
    %lt3A_764 = vector.broadcast %lt3A_763 : i32 to vector<1024x128xi32>
    %lt3A_765 = arith.cmpi slt, %iota3A_762, %lt3A_764 : vector<1024x128xi32>
    %lt3A_766 = arith.constant 2 : i32
    %lt3A_767 = vector.broadcast %lt3A_766 : i32 to vector<1024x128xi32>
    %lt3A_768 = arith.cmpi slt, %iota3A_762, %lt3A_767 : vector<1024x128xi32>
    %broadcast_in_dim3A_769 = vector.shape_cast %convert_element_type3A_744 : vector<1024x1xi32> to vector<1024x1xi32>
    %broadcast_in_dim3A_770 = vector.broadcast %broadcast_in_dim3A_769 : vector<1024x1xi32> to vector<1024x128xi32>
    %broadcast_in_dim3A_771 = vector.shape_cast %convert_element_type3A_761 : vector<1024x1xi32> to vector<1024x1xi32>
    %broadcast_in_dim3A_772 = vector.broadcast %broadcast_in_dim3A_771 : vector<1024x1xi32> to vector<1024x128xi32>
    %select_n3A_773 = arith.select %lt3A_768, %broadcast_in_dim3A_770, %broadcast_in_dim3A_772 : vector<1024x128xi1>, vector<1024x128xi32>
    %broadcast_in_dim3A_774 = vector.shape_cast %convert_element_type3A_727 : vector<1024x1xi32> to vector<1024x1xi32>
    %broadcast_in_dim3A_775 = vector.broadcast %broadcast_in_dim3A_774 : vector<1024x1xi32> to vector<1024x128xi32>
    %select_n3A_776 = arith.select %lt3A_765, %broadcast_in_dim3A_775, %select_n3A_773 : vector<1024x128xi1>, vector<1024x128xi32>
    %swap3A_777 = arith.constant 0 : index
    %swap3A_778 = arith.constant 0 : index
    %swap3A_779 = vector.load %arg5[%swap3A_777, %swap3A_778] : memref<1024x128xi32, #tpu.memory_space<vmem>>, vector<1024x128xi32>
    tpu.vector_store %arg5[%swap3A_777, %swap3A_778], %select_n3A_776 {strides = array<i32>} : memref<1024x128xi32, #tpu.memory_space<vmem>>, vector<1024x128xi32>,
    return
  }
  func.func @transform_0(%arg0: i32) -> (i32, i32) {
    %c0_i32 = arith.constant 0 : i32
    %c0_i32_0 = arith.constant 0 : i32
    return %arg0, %c0_i32 : i32, i32
  }
  func.func @transform_1(%arg0: i32) -> (i32, i32) {
    %c0_i32 = arith.constant 0 : i32
    %c0_i32_0 = arith.constant 0 : i32
    %c0_i32_1 = arith.constant 0 : i32
    return %c0_i32, %c0_i32_0 : i32, i32
  }
  func.func @transform_2(%arg0: i32) -> (i32, i32) {
    %c0_i32 = arith.constant 0 : i32
    %c0_i32_0 = arith.constant 0 : i32
    return %arg0, %c0_i32 : i32, i32
  }
  func.func @transform_3(%arg0: i32) -> (i32, i32) {
    %c0_i32 = arith.constant 0 : i32
    %c0_i32_0 = arith.constant 0 : i32
    %c0_i32_1 = arith.constant 0 : i32
    return %c0_i32, %c0_i32_0 : i32, i32
  }
  func.func @transform_4(%arg0: i32) -> (i32, i32) {
    %c0_i32 = arith.constant 0 : i32
    %c0_i32_0 = arith.constant 0 : i32
    return %arg0, %c0_i32 : i32, i32
  }
  func.func @transform_5(%arg0: i32) -> (i32, i32) {
    %c0_i32 = arith.constant 0 : i32
    %c0_i32_0 = arith.constant 0 : i32
    return %arg0, %c0_i32 : i32, i32
  }
  func.func @transform_6(%arg0: i32) -> (i32, i32) {
    %c0_i32 = arith.constant 0 : i32
    %c0_i32_0 = arith.constant 0 : i32
    return %arg0, %c0_i32 : i32, i32
  }
  func.func @transform_7(%arg0: i32) -> (i32, i32) {
    %c0_i32 = arith.constant 0 : i32
    %c0_i32_0 = arith.constant 0 : i32
    return %arg0, %c0_i32 : i32, i32
  }
  func.func @transform_8(%arg0: i32) -> (i32, i32) {
    %c0_i32 = arith.constant 0 : i32
    %c0_i32_0 = arith.constant 0 : i32
    return %arg0, %c0_i32 : i32, i32
  }
  func.func @transform_9(%arg0: i32) -> (i32, i32) {
    %c0_i32 = arith.constant 0 : i32
    %c0_i32_0 = arith.constant 0 : i32
    return %arg0, %c0_i32 : i32, i32
  }
  func.func @transform_10(%arg0: i32) -> (i32, i32) {
    %c0_i32 = arith.constant 0 : i32
    %c0_i32_0 = arith.constant 0 : i32
    return %arg0, %c0_i32 : i32, i32
  }
  func.func @transform_11(%arg0: i32) -> (i32, i32) {
    %c0_i32 = arith.constant 0 : i32
    %c0_i32_0 = arith.constant 0 : i32
    return %arg0, %c0_i32 : i32, i32
  }
  func.func @transform_12(%arg0: i32) -> (i32, i32) {
    %c0_i32 = arith.constant 0 : i32
    %c0_i32_0 = arith.constant 0 : i32
    return %arg0, %c0_i32 : i32, i32
  }
}

module attributes {stable_mosaic.version = 14 : i64} {
  func.func @_topk_body(%arg0: i32, %arg1: memref<1024x128xbf16, #tpu.memory_space<vmem>>, %arg2: memref<8192x128xbf16, #tpu.memory_space<vmem>>, %arg3: memref<1024x1xf32, #tpu.memory_space<vmem>>, %arg4: memref<1x8192xf32, #tpu.memory_space<vmem>>, %arg5: memref<1024x128xi32, #tpu.memory_space<vmem>>) attributes {dimension_semantics = [#tpu.dimension_semantics<parallel>], iteration_bounds = array<i64: 4>, scalar_prefetch = 0 : i64, scratch_operands = 0 : i64, tpu.core_type = #tpu.core_type<tc>, window_params = [{transform_indices = @transform_0, window_bounds = array<i64: 1024, 128>}, {pipeline_mode = #tpu.pipeline_mode<synchronous>, transform_indices = @transform_1, window_bounds = array<i64: 8192, 128>}, {transform_indices = @transform_2, window_bounds = array<i64: 1024, 1>}, {pipeline_mode = #tpu.pipeline_mode<synchronous>, transform_indices = @transform_3, window_bounds = array<i64: 1, 8192>}, {transform_indices = @transform_4, window_bounds = array<i64: 1024, 128>}]} {
    %get3A = arith.constant 0 : index
    %get3A_0 = arith.constant 0 : index
    %get3A_1 = vector.load %arg1[%get3A, %get3A_0] : memref<1024x128xbf16, #tpu.memory_space<vmem>>, vector<1024x128xbf16>
    %mul3A = arith.constant -2.000000e+00 : bf16
    %mul3A_2 = vector.broadcast %mul3A : bf16 to vector<1024x128xbf16>
    %mul3A_3 = arith.mulf %get3A_1, %mul3A_2 : vector<1024x128xbf16>
    %get3A_4 = arith.constant 0 : index
    %get3A_5 = arith.constant 0 : index
    %get3A_6 = vector.load %arg2[%get3A_4, %get3A_5] : memref<8192x128xbf16, #tpu.memory_space<vmem>>, vector<8192x128xbf16>
    %dot_general3A = arith.constant dense<0.000000e+00> : vector<1024x8192xf32>
    %dot_general3A_7 = tpu.matmul %mul3A_3, %get3A_6, %dot_general3A {dimension_numbers = #tpu.dot_dimension_numbers<[1], [1], [0], [0], [0, 0, 1, 0], [], []>, transpose_lhs_hint = false} : vector<1024x128xbf16>, vector<8192x128xbf16>, vector<1024x8192xf32> -> vector<1024x8192xf32>
    %get3A_8 = arith.constant 0 : index
    %get3A_9 = arith.constant 0 : index
    %get3A_10 = vector.load %arg3[%get3A_8, %get3A_9] : memref<1024x1xf32, #tpu.memory_space<vmem>>, vector<1024x1xf32>
    %get3A_11 = arith.constant 0 : index
    %get3A_12 = arith.constant 0 : index
    %get3A_13 = vector.load %arg4[%get3A_11, %get3A_12] : memref<1x8192xf32, #tpu.memory_space<vmem>>, vector<1x8192xf32>
    %broadcast_in_dim3A = arith.constant 0x7F800000 : f32
    %broadcast_in_dim3A_14 = vector.broadcast %broadcast_in_dim3A : f32 to vector<1024x128xf32>
    %broadcast_in_dim3A_15 = arith.constant 0x7F800000 : f32
    %broadcast_in_dim3A_16 = vector.broadcast %broadcast_in_dim3A_15 : f32 to vector<1024x128xf32>
    %broadcast_in_dim3A_17 = arith.constant 0x7F800000 : f32
    %broadcast_in_dim3A_18 = vector.broadcast %broadcast_in_dim3A_17 : f32 to vector<1024x128xf32>
    %broadcast_in_dim3A_19 = arith.constant 0x7F800000 : f32
    %broadcast_in_dim3A_20 = vector.broadcast %broadcast_in_dim3A_19 : f32 to vector<1024x128xf32>
    %broadcast_in_dim3A_21 = arith.constant 6.553600e+04 : f32
    %broadcast_in_dim3A_22 = vector.broadcast %broadcast_in_dim3A_21 : f32 to vector<1024x128xf32>
    %broadcast_in_dim3A_23 = arith.constant 6.553600e+04 : f32
    %broadcast_in_dim3A_24 = vector.broadcast %broadcast_in_dim3A_23 : f32 to vector<1024x128xf32>
    %broadcast_in_dim3A_25 = arith.constant 6.553600e+04 : f32
    %broadcast_in_dim3A_26 = vector.broadcast %broadcast_in_dim3A_25 : f32 to vector<1024x128xf32>
    %broadcast_in_dim3A_27 = arith.constant 6.553600e+04 : f32
    %broadcast_in_dim3A_28 = vector.broadcast %broadcast_in_dim3A_27 : f32 to vector<1024x128xf32>
    %slice3A = vector.extract_strided_slice %dot_general3A_7 {offsets = [0, 0], sizes = [1024, 128], strides = [1, 1]} : vector<1024x8192xf32> to vector<1024x128xf32>
    %add3A = vector.broadcast %get3A_10 : vector<1024x1xf32> to vector<1024x128xf32>
    %add3A_29 = arith.addf %add3A, %slice3A : vector<1024x128xf32>
    %slice3A_30 = vector.extract_strided_slice %get3A_13 {offsets = [0, 0], sizes = [1, 128], strides = [1, 1]} : vector<1x8192xf32> to vector<1x128xf32>
    %add3A_31 = vector.broadcast %slice3A_30 : vector<1x128xf32> to vector<1024x128xf32>
    %add3A_32 = arith.addf %add3A_29, %add3A_31 : vector<1024x128xf32>
    %slice3A_33 = vector.extract_strided_slice %dot_general3A_7 {offsets = [0, 128], sizes = [1024, 128], strides = [1, 1]} : vector<1024x8192xf32> to vector<1024x128xf32>
    %add3A_34 = vector.broadcast %get3A_10 : vector<1024x1xf32> to vector<1024x128xf32>
    %add3A_35 = arith.addf %add3A_34, %slice3A_33 : vector<1024x128xf32>
    %slice3A_36 = vector.extract_strided_slice %get3A_13 {offsets = [0, 128], sizes = [1, 128], strides = [1, 1]} : vector<1x8192xf32> to vector<1x128xf32>
    %add3A_37 = vector.broadcast %slice3A_36 : vector<1x128xf32> to vector<1024x128xf32>
    %add3A_38 = arith.addf %add3A_35, %add3A_37 : vector<1024x128xf32>
    %lt3A = arith.cmpf olt, %add3A_38, %add3A_32 : vector<1024x128xf32>
    %min3A = arith.minimumf %add3A_32, %add3A_38 : vector<1024x128xf32>
    %max3A = arith.maximumf %add3A_32, %add3A_38 : vector<1024x128xf32>
    %jit3A = arith.constant 1.000000e+00 : f32
    %jit3A_39 = arith.constant 0.000000e+00 : f32
    %broadcast_in_dim3A_40 = vector.broadcast %jit3A : f32 to vector<1024x128xf32>
    %broadcast_in_dim3A_41 = vector.broadcast %jit3A_39 : f32 to vector<1024x128xf32>
    %select_n3A = arith.select %lt3A, %broadcast_in_dim3A_40, %broadcast_in_dim3A_41 : vector<1024x128xi1>, vector<1024x128xf32>
    %jit3A_42 = arith.constant 0.000000e+00 : f32
    %jit3A_43 = arith.constant 1.000000e+00 : f32
    %broadcast_in_dim3A_44 = vector.broadcast %jit3A_42 : f32 to vector<1024x128xf32>
    %broadcast_in_dim3A_45 = vector.broadcast %jit3A_43 : f32 to vector<1024x128xf32>
    %select_n3A_46 = arith.select %lt3A, %broadcast_in_dim3A_44, %broadcast_in_dim3A_45 : vector<1024x128xi1>, vector<1024x128xf32>
    %lt3A_47 = arith.cmpf olt, %min3A, %broadcast_in_dim3A_14 : vector<1024x128xf32>
    %lt3A_48 = arith.cmpf olt, %min3A, %broadcast_in_dim3A_16 : vector<1024x128xf32>
    %lt3A_49 = arith.cmpf olt, %min3A, %broadcast_in_dim3A_18 : vector<1024x128xf32>
    %select_n3A_50 = arith.select %lt3A_48, %broadcast_in_dim3A_16, %min3A : vector<1024x128xi1>, vector<1024x128xf32>
    %select_n3A_51 = arith.select %lt3A_49, %select_n3A_50, %broadcast_in_dim3A_18 : vector<1024x128xi1>, vector<1024x128xf32>
    %select_n3A_52 = arith.select %lt3A_48, %broadcast_in_dim3A_24, %select_n3A : vector<1024x128xi1>, vector<1024x128xf32>
    %select_n3A_53 = arith.select %lt3A_49, %select_n3A_52, %broadcast_in_dim3A_26 : vector<1024x128xi1>, vector<1024x128xf32>
    %select_n3A_54 = arith.select %lt3A_47, %broadcast_in_dim3A_14, %min3A : vector<1024x128xi1>, vector<1024x128xf32>
    %select_n3A_55 = arith.select %lt3A_48, %select_n3A_54, %broadcast_in_dim3A_16 : vector<1024x128xi1>, vector<1024x128xf32>
    %select_n3A_56 = arith.select %lt3A_47, %broadcast_in_dim3A_22, %select_n3A : vector<1024x128xi1>, vector<1024x128xf32>
    %select_n3A_57 = arith.select %lt3A_48, %select_n3A_56, %broadcast_in_dim3A_24 : vector<1024x128xi1>, vector<1024x128xf32>
    %select_n3A_58 = arith.select %lt3A_47, %min3A, %broadcast_in_dim3A_14 : vector<1024x128xi1>, vector<1024x128xf32>
    %select_n3A_59 = arith.select %lt3A_47, %select_n3A, %broadcast_in_dim3A_22 : vector<1024x128xi1>, vector<1024x128xf32>
    %lt3A_60 = arith.cmpf olt, %max3A, %broadcast_in_dim3A_20 : vector<1024x128xf32>
    %select_n3A_61 = arith.select %lt3A_60, %max3A, %broadcast_in_dim3A_20 : vector<1024x128xi1>, vector<1024x128xf32>
    %select_n3A_62 = arith.select %lt3A_60, %select_n3A_46, %broadcast_in_dim3A_28 : vector<1024x128xi1>, vector<1024x128xf32>
    %slice3A_63 = vector.extract_strided_slice %dot_general3A_7 {offsets = [0, 256], sizes = [1024, 128], strides = [1, 1]} : vector<1024x8192xf32> to vector<1024x128xf32>
    %add3A_64 = vector.broadcast %get3A_10 : vector<1024x1xf32> to vector<1024x128xf32>
    %add3A_65 = arith.addf %add3A_64, %slice3A_63 : vector<1024x128xf32>
    %slice3A_66 = vector.extract_strided_slice %get3A_13 {offsets = [0, 256], sizes = [1, 128], strides = [1, 1]} : vector<1x8192xf32> to vector<1x128xf32>
    %add3A_67 = vector.broadcast %slice3A_66 : vector<1x128xf32> to vector<1024x128xf32>
    %add3A_68 = arith.addf %add3A_65, %add3A_67 : vector<1024x128xf32>
    %slice3A_69 = vector.extract_strided_slice %dot_general3A_7 {offsets = [0, 384], sizes = [1024, 128], strides = [1, 1]} : vector<1024x8192xf32> to vector<1024x128xf32>
    %add3A_70 = vector.broadcast %get3A_10 : vector<1024x1xf32> to vector<1024x128xf32>
    %add3A_71 = arith.addf %add3A_70, %slice3A_69 : vector<1024x128xf32>
    %slice3A_72 = vector.extract_strided_slice %get3A_13 {offsets = [0, 384], sizes = [1, 128], strides = [1, 1]} : vector<1x8192xf32> to vector<1x128xf32>
    %add3A_73 = vector.broadcast %slice3A_72 : vector<1x128xf32> to vector<1024x128xf32>
    %add3A_74 = arith.addf %add3A_71, %add3A_73 : vector<1024x128xf32>
    %lt3A_75 = arith.cmpf olt, %add3A_74, %add3A_68 : vector<1024x128xf32>
    %min3A_76 = arith.minimumf %add3A_68, %add3A_74 : vector<1024x128xf32>
    %max3A_77 = arith.maximumf %add3A_68, %add3A_74 : vector<1024x128xf32>
    %jit3A_78 = arith.constant 3.000000e+00 : f32
    %jit3A_79 = arith.constant 2.000000e+00 : f32
    %broadcast_in_dim3A_80 = vector.broadcast %jit3A_78 : f32 to vector<1024x128xf32>
    %broadcast_in_dim3A_81 = vector.broadcast %jit3A_79 : f32 to vector<1024x128xf32>
    %select_n3A_82 = arith.select %lt3A_75, %broadcast_in_dim3A_80, %broadcast_in_dim3A_81 : vector<1024x128xi1>, vector<1024x128xf32>
    %jit3A_83 = arith.constant 2.000000e+00 : f32
    %jit3A_84 = arith.constant 3.000000e+00 : f32
    %broadcast_in_dim3A_85 = vector.broadcast %jit3A_83 : f32 to vector<1024x128xf32>
    %broadcast_in_dim3A_86 = vector.broadcast %jit3A_84 : f32 to vector<1024x128xf32>
    %select_n3A_87 = arith.select %lt3A_75, %broadcast_in_dim3A_85, %broadcast_in_dim3A_86 : vector<1024x128xi1>, vector<1024x128xf32>
    %lt3A_88 = arith.cmpf olt, %min3A_76, %select_n3A_58 : vector<1024x128xf32>
    %lt3A_89 = arith.cmpf olt, %min3A_76, %select_n3A_55 : vector<1024x128xf32>
    %lt3A_90 = arith.cmpf olt, %min3A_76, %select_n3A_51 : vector<1024x128xf32>
    %select_n3A_91 = arith.select %lt3A_89, %select_n3A_55, %min3A_76 : vector<1024x128xi1>, vector<1024x128xf32>
    %select_n3A_92 = arith.select %lt3A_90, %select_n3A_91, %select_n3A_51 : vector<1024x128xi1>, vector<1024x128xf32>
    %select_n3A_93 = arith.select %lt3A_89, %select_n3A_57, %select_n3A_82 : vector<1024x128xi1>, vector<1024x128xf32>
    %select_n3A_94 = arith.select %lt3A_90, %select_n3A_93, %select_n3A_53 : vector<1024x128xi1>, vector<1024x128xf32>
    %select_n3A_95 = arith.select %lt3A_88, %select_n3A_58, %min3A_76 : vector<1024x128xi1>, vector<1024x128xf32>
    %select_n3A_96 = arith.select %lt3A_89, %select_n3A_95, %select_n3A_55 : vector<1024x128xi1>, vector<1024x128xf32>
    %select_n3A_97 = arith.select %lt3A_88, %select_n3A_59, %select_n3A_82 : vector<1024x128xi1>, vector<1024x128xf32>
    %select_n3A_98 = arith.select %lt3A_89, %select_n3A_97, %select_n3A_57 : vector<1024x128xi1>, vector<1024x128xf32>
    %select_n3A_99 = arith.select %lt3A_88, %min3A_76, %select_n3A_58 : vector<1024x128xi1>, vector<1024x128xf32>
    %select_n3A_100 = arith.select %lt3A_88, %select_n3A_82, %select_n3A_59 : vector<1024x128xi1>, vector<1024x128xf32>
    %lt3A_101 = arith.cmpf olt, %max3A_77, %select_n3A_61 : vector<1024x128xf32>
    %select_n3A_102 = arith.select %lt3A_101, %max3A_77, %select_n3A_61 : vector<1024x128xi1>, vector<1024x128xf32>
    %select_n3A_103 = arith.select %lt3A_101, %select_n3A_87, %select_n3A_62 : vector<1024x128xi1>, vector<1024x128xf32>
    %slice3A_104 = vector.extract_strided_slice %dot_general3A_7 {offsets = [0, 512], sizes = [1024, 128], strides = [1, 1]} : vector<1024x8192xf32> to vector<1024x128xf32>
    %add3A_105 = vector.broadcast %get3A_10 : vector<1024x1xf32> to vector<1024x128xf32>
    %add3A_106 = arith.addf %add3A_105, %slice3A_104 : vector<1024x128xf32>
    %slice3A_107 = vector.extract_strided_slice %get3A_13 {offsets = [0, 512], sizes = [1, 128], strides = [1, 1]} : vector<1x8192xf32> to vector<1x128xf32>
    %add3A_108 = vector.broadcast %slice3A_107 : vector<1x128xf32> to vector<1024x128xf32>
    %add3A_109 = arith.addf %add3A_106, %add3A_108 : vector<1024x128xf32>
    %slice3A_110 = vector.extract_strided_slice %dot_general3A_7 {offsets = [0, 640], sizes = [1024, 128], strides = [1, 1]} : vector<1024x8192xf32> to vector<1024x128xf32>
    %add3A_111 = vector.broadcast %get3A_10 : vector<1024x1xf32> to vector<1024x128xf32>
    %add3A_112 = arith.addf %add3A_111, %slice3A_110 : vector<1024x128xf32>
    %slice3A_113 = vector.extract_strided_slice %get3A_13 {offsets = [0, 640], sizes = [1, 128], strides = [1, 1]} : vector<1x8192xf32> to vector<1x128xf32>
    %add3A_114 = vector.broadcast %slice3A_113 : vector<1x128xf32> to vector<1024x128xf32>
    %add3A_115 = arith.addf %add3A_112, %add3A_114 : vector<1024x128xf32>
    %lt3A_116 = arith.cmpf olt, %add3A_115, %add3A_109 : vector<1024x128xf32>
    %min3A_117 = arith.minimumf %add3A_109, %add3A_115 : vector<1024x128xf32>
    %max3A_118 = arith.maximumf %add3A_109, %add3A_115 : vector<1024x128xf32>
    %jit3A_119 = arith.constant 5.000000e+00 : f32
    %jit3A_120 = arith.constant 4.000000e+00 : f32
    %broadcast_in_dim3A_121 = vector.broadcast %jit3A_119 : f32 to vector<1024x128xf32>
    %broadcast_in_dim3A_122 = vector.broadcast %jit3A_120 : f32 to vector<1024x128xf32>
    %select_n3A_123 = arith.select %lt3A_116, %broadcast_in_dim3A_121, %broadcast_in_dim3A_122 : vector<1024x128xi1>, vector<1024x128xf32>
    %jit3A_124 = arith.constant 4.000000e+00 : f32
    %jit3A_125 = arith.constant 5.000000e+00 : f32
    %broadcast_in_dim3A_126 = vector.broadcast %jit3A_124 : f32 to vector<1024x128xf32>
    %broadcast_in_dim3A_127 = vector.broadcast %jit3A_125 : f32 to vector<1024x128xf32>
    %select_n3A_128 = arith.select %lt3A_116, %broadcast_in_dim3A_126, %broadcast_in_dim3A_127 : vector<1024x128xi1>, vector<1024x128xf32>
    %lt3A_129 = arith.cmpf olt, %min3A_117, %select_n3A_99 : vector<1024x128xf32>
    %lt3A_130 = arith.cmpf olt, %min3A_117, %select_n3A_96 : vector<1024x128xf32>
    %lt3A_131 = arith.cmpf olt, %min3A_117, %select_n3A_92 : vector<1024x128xf32>
    %select_n3A_132 = arith.select %lt3A_130, %select_n3A_96, %min3A_117 : vector<1024x128xi1>, vector<1024x128xf32>
    %select_n3A_133 = arith.select %lt3A_131, %select_n3A_132, %select_n3A_92 : vector<1024x128xi1>, vector<1024x128xf32>
    %select_n3A_134 = arith.select %lt3A_130, %select_n3A_98, %select_n3A_123 : vector<1024x128xi1>, vector<1024x128xf32>
    %select_n3A_135 = arith.select %lt3A_131, %select_n3A_134, %select_n3A_94 : vector<1024x128xi1>, vector<1024x128xf32>
    %select_n3A_136 = arith.select %lt3A_129, %select_n3A_99, %min3A_117 : vector<1024x128xi1>, vector<1024x128xf32>
    %select_n3A_137 = arith.select %lt3A_130, %select_n3A_136, %select_n3A_96 : vector<1024x128xi1>, vector<1024x128xf32>
    %select_n3A_138 = arith.select %lt3A_129, %select_n3A_100, %select_n3A_123 : vector<1024x128xi1>, vector<1024x128xf32>
    %select_n3A_139 = arith.select %lt3A_130, %select_n3A_138, %select_n3A_98 : vector<1024x128xi1>, vector<1024x128xf32>
    %select_n3A_140 = arith.select %lt3A_129, %min3A_117, %select_n3A_99 : vector<1024x128xi1>, vector<1024x128xf32>
    %select_n3A_141 = arith.select %lt3A_129, %select_n3A_123, %select_n3A_100 : vector<1024x128xi1>, vector<1024x128xf32>
    %lt3A_142 = arith.cmpf olt, %max3A_118, %select_n3A_102 : vector<1024x128xf32>
    %select_n3A_143 = arith.select %lt3A_142, %max3A_118, %select_n3A_102 : vector<1024x128xi1>, vector<1024x128xf32>
    %select_n3A_144 = arith.select %lt3A_142, %select_n3A_128, %select_n3A_103 : vector<1024x128xi1>, vector<1024x128xf32>
    %slice3A_145 = vector.extract_strided_slice %dot_general3A_7 {offsets = [0, 768], sizes = [1024, 128], strides = [1, 1]} : vector<1024x8192xf32> to vector<1024x128xf32>
    %add3A_146 = vector.broadcast %get3A_10 : vector<1024x1xf32> to vector<1024x128xf32>
    %add3A_147 = arith.addf %add3A_146, %slice3A_145 : vector<1024x128xf32>
    %slice3A_148 = vector.extract_strided_slice %get3A_13 {offsets = [0, 768], sizes = [1, 128], strides = [1, 1]} : vector<1x8192xf32> to vector<1x128xf32>
    %add3A_149 = vector.broadcast %slice3A_148 : vector<1x128xf32> to vector<1024x128xf32>
    %add3A_150 = arith.addf %add3A_147, %add3A_149 : vector<1024x128xf32>
    %slice3A_151 = vector.extract_strided_slice %dot_general3A_7 {offsets = [0, 896], sizes = [1024, 128], strides = [1, 1]} : vector<1024x8192xf32> to vector<1024x128xf32>
    %add3A_152 = vector.broadcast %get3A_10 : vector<1024x1xf32> to vector<1024x128xf32>
    %add3A_153 = arith.addf %add3A_152, %slice3A_151 : vector<1024x128xf32>
    %slice3A_154 = vector.extract_strided_slice %get3A_13 {offsets = [0, 896], sizes = [1, 128], strides = [1, 1]} : vector<1x8192xf32> to vector<1x128xf32>
    %add3A_155 = vector.broadcast %slice3A_154 : vector<1x128xf32> to vector<1024x128xf32>
    %add3A_156 = arith.addf %add3A_153, %add3A_155 : vector<1024x128xf32>
    %lt3A_157 = arith.cmpf olt, %add3A_156, %add3A_150 : vector<1024x128xf32>
    %min3A_158 = arith.minimumf %add3A_150, %add3A_156 : vector<1024x128xf32>
    %max3A_159 = arith.maximumf %add3A_150, %add3A_156 : vector<1024x128xf32>
    %jit3A_160 = arith.constant 7.000000e+00 : f32
    %jit3A_161 = arith.constant 6.000000e+00 : f32
    %broadcast_in_dim3A_162 = vector.broadcast %jit3A_160 : f32 to vector<1024x128xf32>
    %broadcast_in_dim3A_163 = vector.broadcast %jit3A_161 : f32 to vector<1024x128xf32>
    %select_n3A_164 = arith.select %lt3A_157, %broadcast_in_dim3A_162, %broadcast_in_dim3A_163 : vector<1024x128xi1>, vector<1024x128xf32>
    %jit3A_165 = arith.constant 6.000000e+00 : f32
    %jit3A_166 = arith.constant 7.000000e+00 : f32
    %broadcast_in_dim3A_167 = vector.broadcast %jit3A_165 : f32 to vector<1024x128xf32>
    %broadcast_in_dim3A_168 = vector.broadcast %jit3A_166 : f32 to vector<1024x128xf32>
    %select_n3A_169 = arith.select %lt3A_157, %broadcast_in_dim3A_167, %broadcast_in_dim3A_168 : vector<1024x128xi1>, vector<1024x128xf32>
    %lt3A_170 = arith.cmpf olt, %min3A_158, %select_n3A_140 : vector<1024x128xf32>
    %lt3A_171 = arith.cmpf olt, %min3A_158, %select_n3A_137 : vector<1024x128xf32>
    %lt3A_172 = arith.cmpf olt, %min3A_158, %select_n3A_133 : vector<1024x128xf32>
    %select_n3A_173 = arith.select %lt3A_171, %select_n3A_137, %min3A_158 : vector<1024x128xi1>, vector<1024x128xf32>
    %select_n3A_174 = arith.select %lt3A_172, %select_n3A_173, %select_n3A_133 : vector<1024x128xi1>, vector<1024x128xf32>
    %select_n3A_175 = arith.select %lt3A_171, %select_n3A_139, %select_n3A_164 : vector<1024x128xi1>, vector<1024x128xf32>
    %select_n3A_176 = arith.select %lt3A_172, %select_n3A_175, %select_n3A_135 : vector<1024x128xi1>, vector<1024x128xf32>
    %select_n3A_177 = arith.select %lt3A_170, %select_n3A_140, %min3A_158 : vector<1024x128xi1>, vector<1024x128xf32>
    %select_n3A_178 = arith.select %lt3A_171, %select_n3A_177, %select_n3A_137 : vector<1024x128xi1>, vector<1024x128xf32>
    %select_n3A_179 = arith.select %lt3A_170, %select_n3A_141, %select_n3A_164 : vector<1024x128xi1>, vector<1024x128xf32>
    %select_n3A_180 = arith.select %lt3A_171, %select_n3A_179, %select_n3A_139 : vector<1024x128xi1>, vector<1024x128xf32>
    %select_n3A_181 = arith.select %lt3A_170, %min3A_158, %select_n3A_140 : vector<1024x128xi1>, vector<1024x128xf32>
    %select_n3A_182 = arith.select %lt3A_170, %select_n3A_164, %select_n3A_141 : vector<1024x128xi1>, vector<1024x128xf32>
    %lt3A_183 = arith.cmpf olt, %max3A_159, %select_n3A_143 : vector<1024x128xf32>
    %select_n3A_184 = arith.select %lt3A_183, %max3A_159, %select_n3A_143 : vector<1024x128xi1>, vector<1024x128xf32>
    %select_n3A_185 = arith.select %lt3A_183, %select_n3A_169, %select_n3A_144 : vector<1024x128xi1>, vector<1024x128xf32>
    %slice3A_186 = vector.extract_strided_slice %dot_general3A_7 {offsets = [0, 1024], sizes = [1024, 128], strides = [1, 1]} : vector<1024x8192xf32> to vector<1024x128xf32>
    %add3A_187 = vector.broadcast %get3A_10 : vector<1024x1xf32> to vector<1024x128xf32>
    %add3A_188 = arith.addf %add3A_187, %slice3A_186 : vector<1024x128xf32>
    %slice3A_189 = vector.extract_strided_slice %get3A_13 {offsets = [0, 1024], sizes = [1, 128], strides = [1, 1]} : vector<1x8192xf32> to vector<1x128xf32>
    %add3A_190 = vector.broadcast %slice3A_189 : vector<1x128xf32> to vector<1024x128xf32>
    %add3A_191 = arith.addf %add3A_188, %add3A_190 : vector<1024x128xf32>
    %slice3A_192 = vector.extract_strided_slice %dot_general3A_7 {offsets = [0, 1152], sizes = [1024, 128], strides = [1, 1]} : vector<1024x8192xf32> to vector<1024x128xf32>
    %add3A_193 = vector.broadcast %get3A_10 : vector<1024x1xf32> to vector<1024x128xf32>
    %add3A_194 = arith.addf %add3A_193, %slice3A_192 : vector<1024x128xf32>
    %slice3A_195 = vector.extract_strided_slice %get3A_13 {offsets = [0, 1152], sizes = [1, 128], strides = [1, 1]} : vector<1x8192xf32> to vector<1x128xf32>
    %add3A_196 = vector.broadcast %slice3A_195 : vector<1x128xf32> to vector<1024x128xf32>
    %add3A_197 = arith.addf %add3A_194, %add3A_196 : vector<1024x128xf32>
    %lt3A_198 = arith.cmpf olt, %add3A_197, %add3A_191 : vector<1024x128xf32>
    %min3A_199 = arith.minimumf %add3A_191, %add3A_197 : vector<1024x128xf32>
    %max3A_200 = arith.maximumf %add3A_191, %add3A_197 : vector<1024x128xf32>
    %jit3A_201 = arith.constant 9.000000e+00 : f32
    %jit3A_202 = arith.constant 8.000000e+00 : f32
    %broadcast_in_dim3A_203 = vector.broadcast %jit3A_201 : f32 to vector<1024x128xf32>
    %broadcast_in_dim3A_204 = vector.broadcast %jit3A_202 : f32 to vector<1024x128xf32>
    %select_n3A_205 = arith.select %lt3A_198, %broadcast_in_dim3A_203, %broadcast_in_dim3A_204 : vector<1024x128xi1>, vector<1024x128xf32>
    %jit3A_206 = arith.constant 8.000000e+00 : f32
    %jit3A_207 = arith.constant 9.000000e+00 : f32
    %broadcast_in_dim3A_208 = vector.broadcast %jit3A_206 : f32 to vector<1024x128xf32>
    %broadcast_in_dim3A_209 = vector.broadcast %jit3A_207 : f32 to vector<1024x128xf32>
    %select_n3A_210 = arith.select %lt3A_198, %broadcast_in_dim3A_208, %broadcast_in_dim3A_209 : vector<1024x128xi1>, vector<1024x128xf32>
    %lt3A_211 = arith.cmpf olt, %min3A_199, %select_n3A_181 : vector<1024x128xf32>
    %lt3A_212 = arith.cmpf olt, %min3A_199, %select_n3A_178 : vector<1024x128xf32>
    %lt3A_213 = arith.cmpf olt, %min3A_199, %select_n3A_174 : vector<1024x128xf32>
    %select_n3A_214 = arith.select %lt3A_212, %select_n3A_178, %min3A_199 : vector<1024x128xi1>, vector<1024x128xf32>
    %select_n3A_215 = arith.select %lt3A_213, %select_n3A_214, %select_n3A_174 : vector<1024x128xi1>, vector<1024x128xf32>
    %select_n3A_216 = arith.select %lt3A_212, %select_n3A_180, %select_n3A_205 : vector<1024x128xi1>, vector<1024x128xf32>
    %select_n3A_217 = arith.select %lt3A_213, %select_n3A_216, %select_n3A_176 : vector<1024x128xi1>, vector<1024x128xf32>
    %select_n3A_218 = arith.select %lt3A_211, %select_n3A_181, %min3A_199 : vector<1024x128xi1>, vector<1024x128xf32>
    %select_n3A_219 = arith.select %lt3A_212, %select_n3A_218, %select_n3A_178 : vector<1024x128xi1>, vector<1024x128xf32>
    %select_n3A_220 = arith.select %lt3A_211, %select_n3A_182, %select_n3A_205 : vector<1024x128xi1>, vector<1024x128xf32>
    %select_n3A_221 = arith.select %lt3A_212, %select_n3A_220, %select_n3A_180 : vector<1024x128xi1>, vector<1024x128xf32>
    %select_n3A_222 = arith.select %lt3A_211, %min3A_199, %select_n3A_181 : vector<1024x128xi1>, vector<1024x128xf32>
    %select_n3A_223 = arith.select %lt3A_211, %select_n3A_205, %select_n3A_182 : vector<1024x128xi1>, vector<1024x128xf32>
    %lt3A_224 = arith.cmpf olt, %max3A_200, %select_n3A_184 : vector<1024x128xf32>
    %select_n3A_225 = arith.select %lt3A_224, %max3A_200, %select_n3A_184 : vector<1024x128xi1>, vector<1024x128xf32>
    %select_n3A_226 = arith.select %lt3A_224, %select_n3A_210, %select_n3A_185 : vector<1024x128xi1>, vector<1024x128xf32>
    %slice3A_227 = vector.extract_strided_slice %dot_general3A_7 {offsets = [0, 1280], sizes = [1024, 128], strides = [1, 1]} : vector<1024x8192xf32> to vector<1024x128xf32>
    %add3A_228 = vector.broadcast %get3A_10 : vector<1024x1xf32> to vector<1024x128xf32>
    %add3A_229 = arith.addf %add3A_228, %slice3A_227 : vector<1024x128xf32>
    %slice3A_230 = vector.extract_strided_slice %get3A_13 {offsets = [0, 1280], sizes = [1, 128], strides = [1, 1]} : vector<1x8192xf32> to vector<1x128xf32>
    %add3A_231 = vector.broadcast %slice3A_230 : vector<1x128xf32> to vector<1024x128xf32>
    %add3A_232 = arith.addf %add3A_229, %add3A_231 : vector<1024x128xf32>
    %slice3A_233 = vector.extract_strided_slice %dot_general3A_7 {offsets = [0, 1408], sizes = [1024, 128], strides = [1, 1]} : vector<1024x8192xf32> to vector<1024x128xf32>
    %add3A_234 = vector.broadcast %get3A_10 : vector<1024x1xf32> to vector<1024x128xf32>
    %add3A_235 = arith.addf %add3A_234, %slice3A_233 : vector<1024x128xf32>
    %slice3A_236 = vector.extract_strided_slice %get3A_13 {offsets = [0, 1408], sizes = [1, 128], strides = [1, 1]} : vector<1x8192xf32> to vector<1x128xf32>
    %add3A_237 = vector.broadcast %slice3A_236 : vector<1x128xf32> to vector<1024x128xf32>
    %add3A_238 = arith.addf %add3A_235, %add3A_237 : vector<1024x128xf32>
    %lt3A_239 = arith.cmpf olt, %add3A_238, %add3A_232 : vector<1024x128xf32>
    %min3A_240 = arith.minimumf %add3A_232, %add3A_238 : vector<1024x128xf32>
    %max3A_241 = arith.maximumf %add3A_232, %add3A_238 : vector<1024x128xf32>
    %jit3A_242 = arith.constant 1.100000e+01 : f32
    %jit3A_243 = arith.constant 1.000000e+01 : f32
    %broadcast_in_dim3A_244 = vector.broadcast %jit3A_242 : f32 to vector<1024x128xf32>
    %broadcast_in_dim3A_245 = vector.broadcast %jit3A_243 : f32 to vector<1024x128xf32>
    %select_n3A_246 = arith.select %lt3A_239, %broadcast_in_dim3A_244, %broadcast_in_dim3A_245 : vector<1024x128xi1>, vector<1024x128xf32>
    %jit3A_247 = arith.constant 1.000000e+01 : f32
    %jit3A_248 = arith.constant 1.100000e+01 : f32
    %broadcast_in_dim3A_249 = vector.broadcast %jit3A_247 : f32 to vector<1024x128xf32>
    %broadcast_in_dim3A_250 = vector.broadcast %jit3A_248 : f32 to vector<1024x128xf32>
    %select_n3A_251 = arith.select %lt3A_239, %broadcast_in_dim3A_249, %broadcast_in_dim3A_250 : vector<1024x128xi1>, vector<1024x128xf32>
    %lt3A_252 = arith.cmpf olt, %min3A_240, %select_n3A_222 : vector<1024x128xf32>
    %lt3A_253 = arith.cmpf olt, %min3A_240, %select_n3A_219 : vector<1024x128xf32>
    %lt3A_254 = arith.cmpf olt, %min3A_240, %select_n3A_215 : vector<1024x128xf32>
    %select_n3A_255 = arith.select %lt3A_253, %select_n3A_219, %min3A_240 : vector<1024x128xi1>, vector<1024x128xf32>
    %select_n3A_256 = arith.select %lt3A_254, %select_n3A_255, %select_n3A_215 : vector<1024x128xi1>, vector<1024x128xf32>
    %select_n3A_257 = arith.select %lt3A_253, %select_n3A_221, %select_n3A_246 : vector<1024x128xi1>, vector<1024x128xf32>
    %select_n3A_258 = arith.select %lt3A_254, %select_n3A_257, %select_n3A_217 : vector<1024x128xi1>, vector<1024x128xf32>
    %select_n3A_259 = arith.select %lt3A_252, %select_n3A_222, %min3A_240 : vector<1024x128xi1>, vector<1024x128xf32>
    %select_n3A_260 = arith.select %lt3A_253, %select_n3A_259, %select_n3A_219 : vector<1024x128xi1>, vector<1024x128xf32>
    %select_n3A_261 = arith.select %lt3A_252, %select_n3A_223, %select_n3A_246 : vector<1024x128xi1>, vector<1024x128xf32>
    %select_n3A_262 = arith.select %lt3A_253, %select_n3A_261, %select_n3A_221 : vector<1024x128xi1>, vector<1024x128xf32>
    %select_n3A_263 = arith.select %lt3A_252, %min3A_240, %select_n3A_222 : vector<1024x128xi1>, vector<1024x128xf32>
    %select_n3A_264 = arith.select %lt3A_252, %select_n3A_246, %select_n3A_223 : vector<1024x128xi1>, vector<1024x128xf32>
    %lt3A_265 = arith.cmpf olt, %max3A_241, %select_n3A_225 : vector<1024x128xf32>
    %select_n3A_266 = arith.select %lt3A_265, %max3A_241, %select_n3A_225 : vector<1024x128xi1>, vector<1024x128xf32>
    %select_n3A_267 = arith.select %lt3A_265, %select_n3A_251, %select_n3A_226 : vector<1024x128xi1>, vector<1024x128xf32>
    %slice3A_268 = vector.extract_strided_slice %dot_general3A_7 {offsets = [0, 1536], sizes = [1024, 128], strides = [1, 1]} : vector<1024x8192xf32> to vector<1024x128xf32>
    %add3A_269 = vector.broadcast %get3A_10 : vector<1024x1xf32> to vector<1024x128xf32>
    %add3A_270 = arith.addf %add3A_269, %slice3A_268 : vector<1024x128xf32>
    %slice3A_271 = vector.extract_strided_slice %get3A_13 {offsets = [0, 1536], sizes = [1, 128], strides = [1, 1]} : vector<1x8192xf32> to vector<1x128xf32>
    %add3A_272 = vector.broadcast %slice3A_271 : vector<1x128xf32> to vector<1024x128xf32>
    %add3A_273 = arith.addf %add3A_270, %add3A_272 : vector<1024x128xf32>
    %slice3A_274 = vector.extract_strided_slice %dot_general3A_7 {offsets = [0, 1664], sizes = [1024, 128], strides = [1, 1]} : vector<1024x8192xf32> to vector<1024x128xf32>
    %add3A_275 = vector.broadcast %get3A_10 : vector<1024x1xf32> to vector<1024x128xf32>
    %add3A_276 = arith.addf %add3A_275, %slice3A_274 : vector<1024x128xf32>
    %slice3A_277 = vector.extract_strided_slice %get3A_13 {offsets = [0, 1664], sizes = [1, 128], strides = [1, 1]} : vector<1x8192xf32> to vector<1x128xf32>
    %add3A_278 = vector.broadcast %slice3A_277 : vector<1x128xf32> to vector<1024x128xf32>
    %add3A_279 = arith.addf %add3A_276, %add3A_278 : vector<1024x128xf32>
    %lt3A_280 = arith.cmpf olt, %add3A_279, %add3A_273 : vector<1024x128xf32>
    %min3A_281 = arith.minimumf %add3A_273, %add3A_279 : vector<1024x128xf32>
    %max3A_282 = arith.maximumf %add3A_273, %add3A_279 : vector<1024x128xf32>
    %jit3A_283 = arith.constant 1.300000e+01 : f32
    %jit3A_284 = arith.constant 1.200000e+01 : f32
    %broadcast_in_dim3A_285 = vector.broadcast %jit3A_283 : f32 to vector<1024x128xf32>
    %broadcast_in_dim3A_286 = vector.broadcast %jit3A_284 : f32 to vector<1024x128xf32>
    %select_n3A_287 = arith.select %lt3A_280, %broadcast_in_dim3A_285, %broadcast_in_dim3A_286 : vector<1024x128xi1>, vector<1024x128xf32>
    %jit3A_288 = arith.constant 1.200000e+01 : f32
    %jit3A_289 = arith.constant 1.300000e+01 : f32
    %broadcast_in_dim3A_290 = vector.broadcast %jit3A_288 : f32 to vector<1024x128xf32>
    %broadcast_in_dim3A_291 = vector.broadcast %jit3A_289 : f32 to vector<1024x128xf32>
    %select_n3A_292 = arith.select %lt3A_280, %broadcast_in_dim3A_290, %broadcast_in_dim3A_291 : vector<1024x128xi1>, vector<1024x128xf32>
    %lt3A_293 = arith.cmpf olt, %min3A_281, %select_n3A_263 : vector<1024x128xf32>
    %lt3A_294 = arith.cmpf olt, %min3A_281, %select_n3A_260 : vector<1024x128xf32>
    %lt3A_295 = arith.cmpf olt, %min3A_281, %select_n3A_256 : vector<1024x128xf32>
    %select_n3A_296 = arith.select %lt3A_294, %select_n3A_260, %min3A_281 : vector<1024x128xi1>, vector<1024x128xf32>
    %select_n3A_297 = arith.select %lt3A_295, %select_n3A_296, %select_n3A_256 : vector<1024x128xi1>, vector<1024x128xf32>
    %select_n3A_298 = arith.select %lt3A_294, %select_n3A_262, %select_n3A_287 : vector<1024x128xi1>, vector<1024x128xf32>
    %select_n3A_299 = arith.select %lt3A_295, %select_n3A_298, %select_n3A_258 : vector<1024x128xi1>, vector<1024x128xf32>
    %select_n3A_300 = arith.select %lt3A_293, %select_n3A_263, %min3A_281 : vector<1024x128xi1>, vector<1024x128xf32>
    %select_n3A_301 = arith.select %lt3A_294, %select_n3A_300, %select_n3A_260 : vector<1024x128xi1>, vector<1024x128xf32>
    %select_n3A_302 = arith.select %lt3A_293, %select_n3A_264, %select_n3A_287 : vector<1024x128xi1>, vector<1024x128xf32>
    %select_n3A_303 = arith.select %lt3A_294, %select_n3A_302, %select_n3A_262 : vector<1024x128xi1>, vector<1024x128xf32>
    %select_n3A_304 = arith.select %lt3A_293, %min3A_281, %select_n3A_263 : vector<1024x128xi1>, vector<1024x128xf32>
    %select_n3A_305 = arith.select %lt3A_293, %select_n3A_287, %select_n3A_264 : vector<1024x128xi1>, vector<1024x128xf32>
    %lt3A_306 = arith.cmpf olt, %max3A_282, %select_n3A_266 : vector<1024x128xf32>
    %select_n3A_307 = arith.select %lt3A_306, %max3A_282, %select_n3A_266 : vector<1024x128xi1>, vector<1024x128xf32>
    %select_n3A_308 = arith.select %lt3A_306, %select_n3A_292, %select_n3A_267 : vector<1024x128xi1>, vector<1024x128xf32>
    %slice3A_309 = vector.extract_strided_slice %dot_general3A_7 {offsets = [0, 1792], sizes = [1024, 128], strides = [1, 1]} : vector<1024x8192xf32> to vector<1024x128xf32>
    %add3A_310 = vector.broadcast %get3A_10 : vector<1024x1xf32> to vector<1024x128xf32>
    %add3A_311 = arith.addf %add3A_310, %slice3A_309 : vector<1024x128xf32>
    %slice3A_312 = vector.extract_strided_slice %get3A_13 {offsets = [0, 1792], sizes = [1, 128], strides = [1, 1]} : vector<1x8192xf32> to vector<1x128xf32>
    %add3A_313 = vector.broadcast %slice3A_312 : vector<1x128xf32> to vector<1024x128xf32>
    %add3A_314 = arith.addf %add3A_311, %add3A_313 : vector<1024x128xf32>
    %slice3A_315 = vector.extract_strided_slice %dot_general3A_7 {offsets = [0, 1920], sizes = [1024, 128], strides = [1, 1]} : vector<1024x8192xf32> to vector<1024x128xf32>
    %add3A_316 = vector.broadcast %get3A_10 : vector<1024x1xf32> to vector<1024x128xf32>
    %add3A_317 = arith.addf %add3A_316, %slice3A_315 : vector<1024x128xf32>
    %slice3A_318 = vector.extract_strided_slice %get3A_13 {offsets = [0, 1920], sizes = [1, 128], strides = [1, 1]} : vector<1x8192xf32> to vector<1x128xf32>
    %add3A_319 = vector.broadcast %slice3A_318 : vector<1x128xf32> to vector<1024x128xf32>
    %add3A_320 = arith.addf %add3A_317, %add3A_319 : vector<1024x128xf32>
    %lt3A_321 = arith.cmpf olt, %add3A_320, %add3A_314 : vector<1024x128xf32>
    %min3A_322 = arith.minimumf %add3A_314, %add3A_320 : vector<1024x128xf32>
    %max3A_323 = arith.maximumf %add3A_314, %add3A_320 : vector<1024x128xf32>
    %jit3A_324 = arith.constant 1.500000e+01 : f32
    %jit3A_325 = arith.constant 1.400000e+01 : f32
    %broadcast_in_dim3A_326 = vector.broadcast %jit3A_324 : f32 to vector<1024x128xf32>
    %broadcast_in_dim3A_327 = vector.broadcast %jit3A_325 : f32 to vector<1024x128xf32>
    %select_n3A_328 = arith.select %lt3A_321, %broadcast_in_dim3A_326, %broadcast_in_dim3A_327 : vector<1024x128xi1>, vector<1024x128xf32>
    %jit3A_329 = arith.constant 1.400000e+01 : f32
    %jit3A_330 = arith.constant 1.500000e+01 : f32
    %broadcast_in_dim3A_331 = vector.broadcast %jit3A_329 : f32 to vector<1024x128xf32>
    %broadcast_in_dim3A_332 = vector.broadcast %jit3A_330 : f32 to vector<1024x128xf32>
    %select_n3A_333 = arith.select %lt3A_321, %broadcast_in_dim3A_331, %broadcast_in_dim3A_332 : vector<1024x128xi1>, vector<1024x128xf32>
    %lt3A_334 = arith.cmpf olt, %min3A_322, %select_n3A_304 : vector<1024x128xf32>
    %lt3A_335 = arith.cmpf olt, %min3A_322, %select_n3A_301 : vector<1024x128xf32>
    %lt3A_336 = arith.cmpf olt, %min3A_322, %select_n3A_297 : vector<1024x128xf32>
    %select_n3A_337 = arith.select %lt3A_335, %select_n3A_301, %min3A_322 : vector<1024x128xi1>, vector<1024x128xf32>
    %select_n3A_338 = arith.select %lt3A_336, %select_n3A_337, %select_n3A_297 : vector<1024x128xi1>, vector<1024x128xf32>
    %select_n3A_339 = arith.select %lt3A_335, %select_n3A_303, %select_n3A_328 : vector<1024x128xi1>, vector<1024x128xf32>
    %select_n3A_340 = arith.select %lt3A_336, %select_n3A_339, %select_n3A_299 : vector<1024x128xi1>, vector<1024x128xf32>
    %select_n3A_341 = arith.select %lt3A_334, %select_n3A_304, %min3A_322 : vector<1024x128xi1>, vector<1024x128xf32>
    %select_n3A_342 = arith.select %lt3A_335, %select_n3A_341, %select_n3A_301 : vector<1024x128xi1>, vector<1024x128xf32>
    %select_n3A_343 = arith.select %lt3A_334, %select_n3A_305, %select_n3A_328 : vector<1024x128xi1>, vector<1024x128xf32>
    %select_n3A_344 = arith.select %lt3A_335, %select_n3A_343, %select_n3A_303 : vector<1024x128xi1>, vector<1024x128xf32>
    %select_n3A_345 = arith.select %lt3A_334, %min3A_322, %select_n3A_304 : vector<1024x128xi1>, vector<1024x128xf32>
    %select_n3A_346 = arith.select %lt3A_334, %select_n3A_328, %select_n3A_305 : vector<1024x128xi1>, vector<1024x128xf32>
    %lt3A_347 = arith.cmpf olt, %max3A_323, %select_n3A_307 : vector<1024x128xf32>
    %select_n3A_348 = arith.select %lt3A_347, %max3A_323, %select_n3A_307 : vector<1024x128xi1>, vector<1024x128xf32>
    %select_n3A_349 = arith.select %lt3A_347, %select_n3A_333, %select_n3A_308 : vector<1024x128xi1>, vector<1024x128xf32>
    %slice3A_350 = vector.extract_strided_slice %dot_general3A_7 {offsets = [0, 2048], sizes = [1024, 128], strides = [1, 1]} : vector<1024x8192xf32> to vector<1024x128xf32>
    %add3A_351 = vector.broadcast %get3A_10 : vector<1024x1xf32> to vector<1024x128xf32>
    %add3A_352 = arith.addf %add3A_351, %slice3A_350 : vector<1024x128xf32>
    %slice3A_353 = vector.extract_strided_slice %get3A_13 {offsets = [0, 2048], sizes = [1, 128], strides = [1, 1]} : vector<1x8192xf32> to vector<1x128xf32>
    %add3A_354 = vector.broadcast %slice3A_353 : vector<1x128xf32> to vector<1024x128xf32>
    %add3A_355 = arith.addf %add3A_352, %add3A_354 : vector<1024x128xf32>
    %slice3A_356 = vector.extract_strided_slice %dot_general3A_7 {offsets = [0, 2176], sizes = [1024, 128], strides = [1, 1]} : vector<1024x8192xf32> to vector<1024x128xf32>
    %add3A_357 = vector.broadcast %get3A_10 : vector<1024x1xf32> to vector<1024x128xf32>
    %add3A_358 = arith.addf %add3A_357, %slice3A_356 : vector<1024x128xf32>
    %slice3A_359 = vector.extract_strided_slice %get3A_13 {offsets = [0, 2176], sizes = [1, 128], strides = [1, 1]} : vector<1x8192xf32> to vector<1x128xf32>
    %add3A_360 = vector.broadcast %slice3A_359 : vector<1x128xf32> to vector<1024x128xf32>
    %add3A_361 = arith.addf %add3A_358, %add3A_360 : vector<1024x128xf32>
    %lt3A_362 = arith.cmpf olt, %add3A_361, %add3A_355 : vector<1024x128xf32>
    %min3A_363 = arith.minimumf %add3A_355, %add3A_361 : vector<1024x128xf32>
    %max3A_364 = arith.maximumf %add3A_355, %add3A_361 : vector<1024x128xf32>
    %jit3A_365 = arith.constant 1.700000e+01 : f32
    %jit3A_366 = arith.constant 1.600000e+01 : f32
    %broadcast_in_dim3A_367 = vector.broadcast %jit3A_365 : f32 to vector<1024x128xf32>
    %broadcast_in_dim3A_368 = vector.broadcast %jit3A_366 : f32 to vector<1024x128xf32>
    %select_n3A_369 = arith.select %lt3A_362, %broadcast_in_dim3A_367, %broadcast_in_dim3A_368 : vector<1024x128xi1>, vector<1024x128xf32>
    %jit3A_370 = arith.constant 1.600000e+01 : f32
    %jit3A_371 = arith.constant 1.700000e+01 : f32
    %broadcast_in_dim3A_372 = vector.broadcast %jit3A_370 : f32 to vector<1024x128xf32>
    %broadcast_in_dim3A_373 = vector.broadcast %jit3A_371 : f32 to vector<1024x128xf32>
    %select_n3A_374 = arith.select %lt3A_362, %broadcast_in_dim3A_372, %broadcast_in_dim3A_373 : vector<1024x128xi1>, vector<1024x128xf32>
    %lt3A_375 = arith.cmpf olt, %min3A_363, %select_n3A_345 : vector<1024x128xf32>
    %lt3A_376 = arith.cmpf olt, %min3A_363, %select_n3A_342 : vector<1024x128xf32>
    %lt3A_377 = arith.cmpf olt, %min3A_363, %select_n3A_338 : vector<1024x128xf32>
    %select_n3A_378 = arith.select %lt3A_376, %select_n3A_342, %min3A_363 : vector<1024x128xi1>, vector<1024x128xf32>
    %select_n3A_379 = arith.select %lt3A_377, %select_n3A_378, %select_n3A_338 : vector<1024x128xi1>, vector<1024x128xf32>
    %select_n3A_380 = arith.select %lt3A_376, %select_n3A_344, %select_n3A_369 : vector<1024x128xi1>, vector<1024x128xf32>
    %select_n3A_381 = arith.select %lt3A_377, %select_n3A_380, %select_n3A_340 : vector<1024x128xi1>, vector<1024x128xf32>
    %select_n3A_382 = arith.select %lt3A_375, %select_n3A_345, %min3A_363 : vector<1024x128xi1>, vector<1024x128xf32>
    %select_n3A_383 = arith.select %lt3A_376, %select_n3A_382, %select_n3A_342 : vector<1024x128xi1>, vector<1024x128xf32>
    %select_n3A_384 = arith.select %lt3A_375, %select_n3A_346, %select_n3A_369 : vector<1024x128xi1>, vector<1024x128xf32>
    %select_n3A_385 = arith.select %lt3A_376, %select_n3A_384, %select_n3A_344 : vector<1024x128xi1>, vector<1024x128xf32>
    %select_n3A_386 = arith.select %lt3A_375, %min3A_363, %select_n3A_345 : vector<1024x128xi1>, vector<1024x128xf32>
    %select_n3A_387 = arith.select %lt3A_375, %select_n3A_369, %select_n3A_346 : vector<1024x128xi1>, vector<1024x128xf32>
    %lt3A_388 = arith.cmpf olt, %max3A_364, %select_n3A_348 : vector<1024x128xf32>
    %select_n3A_389 = arith.select %lt3A_388, %max3A_364, %select_n3A_348 : vector<1024x128xi1>, vector<1024x128xf32>
    %select_n3A_390 = arith.select %lt3A_388, %select_n3A_374, %select_n3A_349 : vector<1024x128xi1>, vector<1024x128xf32>
    %slice3A_391 = vector.extract_strided_slice %dot_general3A_7 {offsets = [0, 2304], sizes = [1024, 128], strides = [1, 1]} : vector<1024x8192xf32> to vector<1024x128xf32>
    %add3A_392 = vector.broadcast %get3A_10 : vector<1024x1xf32> to vector<1024x128xf32>
    %add3A_393 = arith.addf %add3A_392, %slice3A_391 : vector<1024x128xf32>
    %slice3A_394 = vector.extract_strided_slice %get3A_13 {offsets = [0, 2304], sizes = [1, 128], strides = [1, 1]} : vector<1x8192xf32> to vector<1x128xf32>
    %add3A_395 = vector.broadcast %slice3A_394 : vector<1x128xf32> to vector<1024x128xf32>
    %add3A_396 = arith.addf %add3A_393, %add3A_395 : vector<1024x128xf32>
    %slice3A_397 = vector.extract_strided_slice %dot_general3A_7 {offsets = [0, 2432], sizes = [1024, 128], strides = [1, 1]} : vector<1024x8192xf32> to vector<1024x128xf32>
    %add3A_398 = vector.broadcast %get3A_10 : vector<1024x1xf32> to vector<1024x128xf32>
    %add3A_399 = arith.addf %add3A_398, %slice3A_397 : vector<1024x128xf32>
    %slice3A_400 = vector.extract_strided_slice %get3A_13 {offsets = [0, 2432], sizes = [1, 128], strides = [1, 1]} : vector<1x8192xf32> to vector<1x128xf32>
    %add3A_401 = vector.broadcast %slice3A_400 : vector<1x128xf32> to vector<1024x128xf32>
    %add3A_402 = arith.addf %add3A_399, %add3A_401 : vector<1024x128xf32>
    %lt3A_403 = arith.cmpf olt, %add3A_402, %add3A_396 : vector<1024x128xf32>
    %min3A_404 = arith.minimumf %add3A_396, %add3A_402 : vector<1024x128xf32>
    %max3A_405 = arith.maximumf %add3A_396, %add3A_402 : vector<1024x128xf32>
    %jit3A_406 = arith.constant 1.900000e+01 : f32
    %jit3A_407 = arith.constant 1.800000e+01 : f32
    %broadcast_in_dim3A_408 = vector.broadcast %jit3A_406 : f32 to vector<1024x128xf32>
    %broadcast_in_dim3A_409 = vector.broadcast %jit3A_407 : f32 to vector<1024x128xf32>
    %select_n3A_410 = arith.select %lt3A_403, %broadcast_in_dim3A_408, %broadcast_in_dim3A_409 : vector<1024x128xi1>, vector<1024x128xf32>
    %jit3A_411 = arith.constant 1.800000e+01 : f32
    %jit3A_412 = arith.constant 1.900000e+01 : f32
    %broadcast_in_dim3A_413 = vector.broadcast %jit3A_411 : f32 to vector<1024x128xf32>
    %broadcast_in_dim3A_414 = vector.broadcast %jit3A_412 : f32 to vector<1024x128xf32>
    %select_n3A_415 = arith.select %lt3A_403, %broadcast_in_dim3A_413, %broadcast_in_dim3A_414 : vector<1024x128xi1>, vector<1024x128xf32>
    %lt3A_416 = arith.cmpf olt, %min3A_404, %select_n3A_386 : vector<1024x128xf32>
    %lt3A_417 = arith.cmpf olt, %min3A_404, %select_n3A_383 : vector<1024x128xf32>
    %lt3A_418 = arith.cmpf olt, %min3A_404, %select_n3A_379 : vector<1024x128xf32>
    %select_n3A_419 = arith.select %lt3A_417, %select_n3A_383, %min3A_404 : vector<1024x128xi1>, vector<1024x128xf32>
    %select_n3A_420 = arith.select %lt3A_418, %select_n3A_419, %select_n3A_379 : vector<1024x128xi1>, vector<1024x128xf32>
    %select_n3A_421 = arith.select %lt3A_417, %select_n3A_385, %select_n3A_410 : vector<1024x128xi1>, vector<1024x128xf32>
    %select_n3A_422 = arith.select %lt3A_418, %select_n3A_421, %select_n3A_381 : vector<1024x128xi1>, vector<1024x128xf32>
    %select_n3A_423 = arith.select %lt3A_416, %select_n3A_386, %min3A_404 : vector<1024x128xi1>, vector<1024x128xf32>
    %select_n3A_424 = arith.select %lt3A_417, %select_n3A_423, %select_n3A_383 : vector<1024x128xi1>, vector<1024x128xf32>
    %select_n3A_425 = arith.select %lt3A_416, %select_n3A_387, %select_n3A_410 : vector<1024x128xi1>, vector<1024x128xf32>
    %select_n3A_426 = arith.select %lt3A_417, %select_n3A_425, %select_n3A_385 : vector<1024x128xi1>, vector<1024x128xf32>
    %select_n3A_427 = arith.select %lt3A_416, %min3A_404, %select_n3A_386 : vector<1024x128xi1>, vector<1024x128xf32>
    %select_n3A_428 = arith.select %lt3A_416, %select_n3A_410, %select_n3A_387 : vector<1024x128xi1>, vector<1024x128xf32>
    %lt3A_429 = arith.cmpf olt, %max3A_405, %select_n3A_389 : vector<1024x128xf32>
    %select_n3A_430 = arith.select %lt3A_429, %max3A_405, %select_n3A_389 : vector<1024x128xi1>, vector<1024x128xf32>
    %select_n3A_431 = arith.select %lt3A_429, %select_n3A_415, %select_n3A_390 : vector<1024x128xi1>, vector<1024x128xf32>
    %slice3A_432 = vector.extract_strided_slice %dot_general3A_7 {offsets = [0, 2560], sizes = [1024, 128], strides = [1, 1]} : vector<1024x8192xf32> to vector<1024x128xf32>
    %add3A_433 = vector.broadcast %get3A_10 : vector<1024x1xf32> to vector<1024x128xf32>
    %add3A_434 = arith.addf %add3A_433, %slice3A_432 : vector<1024x128xf32>
    %slice3A_435 = vector.extract_strided_slice %get3A_13 {offsets = [0, 2560], sizes = [1, 128], strides = [1, 1]} : vector<1x8192xf32> to vector<1x128xf32>
    %add3A_436 = vector.broadcast %slice3A_435 : vector<1x128xf32> to vector<1024x128xf32>
    %add3A_437 = arith.addf %add3A_434, %add3A_436 : vector<1024x128xf32>
    %slice3A_438 = vector.extract_strided_slice %dot_general3A_7 {offsets = [0, 2688], sizes = [1024, 128], strides = [1, 1]} : vector<1024x8192xf32> to vector<1024x128xf32>
    %add3A_439 = vector.broadcast %get3A_10 : vector<1024x1xf32> to vector<1024x128xf32>
    %add3A_440 = arith.addf %add3A_439, %slice3A_438 : vector<1024x128xf32>
    %slice3A_441 = vector.extract_strided_slice %get3A_13 {offsets = [0, 2688], sizes = [1, 128], strides = [1, 1]} : vector<1x8192xf32> to vector<1x128xf32>
    %add3A_442 = vector.broadcast %slice3A_441 : vector<1x128xf32> to vector<1024x128xf32>
    %add3A_443 = arith.addf %add3A_440, %add3A_442 : vector<1024x128xf32>
    %lt3A_444 = arith.cmpf olt, %add3A_443, %add3A_437 : vector<1024x128xf32>
    %min3A_445 = arith.minimumf %add3A_437, %add3A_443 : vector<1024x128xf32>
    %max3A_446 = arith.maximumf %add3A_437, %add3A_443 : vector<1024x128xf32>
    %jit3A_447 = arith.constant 2.100000e+01 : f32
    %jit3A_448 = arith.constant 2.000000e+01 : f32
    %broadcast_in_dim3A_449 = vector.broadcast %jit3A_447 : f32 to vector<1024x128xf32>
    %broadcast_in_dim3A_450 = vector.broadcast %jit3A_448 : f32 to vector<1024x128xf32>
    %select_n3A_451 = arith.select %lt3A_444, %broadcast_in_dim3A_449, %broadcast_in_dim3A_450 : vector<1024x128xi1>, vector<1024x128xf32>
    %jit3A_452 = arith.constant 2.000000e+01 : f32
    %jit3A_453 = arith.constant 2.100000e+01 : f32
    %broadcast_in_dim3A_454 = vector.broadcast %jit3A_452 : f32 to vector<1024x128xf32>
    %broadcast_in_dim3A_455 = vector.broadcast %jit3A_453 : f32 to vector<1024x128xf32>
    %select_n3A_456 = arith.select %lt3A_444, %broadcast_in_dim3A_454, %broadcast_in_dim3A_455 : vector<1024x128xi1>, vector<1024x128xf32>
    %lt3A_457 = arith.cmpf olt, %min3A_445, %select_n3A_427 : vector<1024x128xf32>
    %lt3A_458 = arith.cmpf olt, %min3A_445, %select_n3A_424 : vector<1024x128xf32>
    %lt3A_459 = arith.cmpf olt, %min3A_445, %select_n3A_420 : vector<1024x128xf32>
    %select_n3A_460 = arith.select %lt3A_458, %select_n3A_424, %min3A_445 : vector<1024x128xi1>, vector<1024x128xf32>
    %select_n3A_461 = arith.select %lt3A_459, %select_n3A_460, %select_n3A_420 : vector<1024x128xi1>, vector<1024x128xf32>
    %select_n3A_462 = arith.select %lt3A_458, %select_n3A_426, %select_n3A_451 : vector<1024x128xi1>, vector<1024x128xf32>
    %select_n3A_463 = arith.select %lt3A_459, %select_n3A_462, %select_n3A_422 : vector<1024x128xi1>, vector<1024x128xf32>
    %select_n3A_464 = arith.select %lt3A_457, %select_n3A_427, %min3A_445 : vector<1024x128xi1>, vector<1024x128xf32>
    %select_n3A_465 = arith.select %lt3A_458, %select_n3A_464, %select_n3A_424 : vector<1024x128xi1>, vector<1024x128xf32>
    %select_n3A_466 = arith.select %lt3A_457, %select_n3A_428, %select_n3A_451 : vector<1024x128xi1>, vector<1024x128xf32>
    %select_n3A_467 = arith.select %lt3A_458, %select_n3A_466, %select_n3A_426 : vector<1024x128xi1>, vector<1024x128xf32>
    %select_n3A_468 = arith.select %lt3A_457, %min3A_445, %select_n3A_427 : vector<1024x128xi1>, vector<1024x128xf32>
    %select_n3A_469 = arith.select %lt3A_457, %select_n3A_451, %select_n3A_428 : vector<1024x128xi1>, vector<1024x128xf32>
    %lt3A_470 = arith.cmpf olt, %max3A_446, %select_n3A_430 : vector<1024x128xf32>
    %select_n3A_471 = arith.select %lt3A_470, %max3A_446, %select_n3A_430 : vector<1024x128xi1>, vector<1024x128xf32>
    %select_n3A_472 = arith.select %lt3A_470, %select_n3A_456, %select_n3A_431 : vector<1024x128xi1>, vector<1024x128xf32>
    %slice3A_473 = vector.extract_strided_slice %dot_general3A_7 {offsets = [0, 2816], sizes = [1024, 128], strides = [1, 1]} : vector<1024x8192xf32> to vector<1024x128xf32>
    %add3A_474 = vector.broadcast %get3A_10 : vector<1024x1xf32> to vector<1024x128xf32>
    %add3A_475 = arith.addf %add3A_474, %slice3A_473 : vector<1024x128xf32>
    %slice3A_476 = vector.extract_strided_slice %get3A_13 {offsets = [0, 2816], sizes = [1, 128], strides = [1, 1]} : vector<1x8192xf32> to vector<1x128xf32>
    %add3A_477 = vector.broadcast %slice3A_476 : vector<1x128xf32> to vector<1024x128xf32>
    %add3A_478 = arith.addf %add3A_475, %add3A_477 : vector<1024x128xf32>
    %slice3A_479 = vector.extract_strided_slice %dot_general3A_7 {offsets = [0, 2944], sizes = [1024, 128], strides = [1, 1]} : vector<1024x8192xf32> to vector<1024x128xf32>
    %add3A_480 = vector.broadcast %get3A_10 : vector<1024x1xf32> to vector<1024x128xf32>
    %add3A_481 = arith.addf %add3A_480, %slice3A_479 : vector<1024x128xf32>
    %slice3A_482 = vector.extract_strided_slice %get3A_13 {offsets = [0, 2944], sizes = [1, 128], strides = [1, 1]} : vector<1x8192xf32> to vector<1x128xf32>
    %add3A_483 = vector.broadcast %slice3A_482 : vector<1x128xf32> to vector<1024x128xf32>
    %add3A_484 = arith.addf %add3A_481, %add3A_483 : vector<1024x128xf32>
    %lt3A_485 = arith.cmpf olt, %add3A_484, %add3A_478 : vector<1024x128xf32>
    %min3A_486 = arith.minimumf %add3A_478, %add3A_484 : vector<1024x128xf32>
    %max3A_487 = arith.maximumf %add3A_478, %add3A_484 : vector<1024x128xf32>
    %jit3A_488 = arith.constant 2.300000e+01 : f32
    %jit3A_489 = arith.constant 2.200000e+01 : f32
    %broadcast_in_dim3A_490 = vector.broadcast %jit3A_488 : f32 to vector<1024x128xf32>
    %broadcast_in_dim3A_491 = vector.broadcast %jit3A_489 : f32 to vector<1024x128xf32>
    %select_n3A_492 = arith.select %lt3A_485, %broadcast_in_dim3A_490, %broadcast_in_dim3A_491 : vector<1024x128xi1>, vector<1024x128xf32>
    %jit3A_493 = arith.constant 2.200000e+01 : f32
    %jit3A_494 = arith.constant 2.300000e+01 : f32
    %broadcast_in_dim3A_495 = vector.broadcast %jit3A_493 : f32 to vector<1024x128xf32>
    %broadcast_in_dim3A_496 = vector.broadcast %jit3A_494 : f32 to vector<1024x128xf32>
    %select_n3A_497 = arith.select %lt3A_485, %broadcast_in_dim3A_495, %broadcast_in_dim3A_496 : vector<1024x128xi1>, vector<1024x128xf32>
    %lt3A_498 = arith.cmpf olt, %min3A_486, %select_n3A_468 : vector<1024x128xf32>
    %lt3A_499 = arith.cmpf olt, %min3A_486, %select_n3A_465 : vector<1024x128xf32>
    %lt3A_500 = arith.cmpf olt, %min3A_486, %select_n3A_461 : vector<1024x128xf32>
    %select_n3A_501 = arith.select %lt3A_499, %select_n3A_465, %min3A_486 : vector<1024x128xi1>, vector<1024x128xf32>
    %select_n3A_502 = arith.select %lt3A_500, %select_n3A_501, %select_n3A_461 : vector<1024x128xi1>, vector<1024x128xf32>
    %select_n3A_503 = arith.select %lt3A_499, %select_n3A_467, %select_n3A_492 : vector<1024x128xi1>, vector<1024x128xf32>
    %select_n3A_504 = arith.select %lt3A_500, %select_n3A_503, %select_n3A_463 : vector<1024x128xi1>, vector<1024x128xf32>
    %select_n3A_505 = arith.select %lt3A_498, %select_n3A_468, %min3A_486 : vector<1024x128xi1>, vector<1024x128xf32>
    %select_n3A_506 = arith.select %lt3A_499, %select_n3A_505, %select_n3A_465 : vector<1024x128xi1>, vector<1024x128xf32>
    %select_n3A_507 = arith.select %lt3A_498, %select_n3A_469, %select_n3A_492 : vector<1024x128xi1>, vector<1024x128xf32>
    %select_n3A_508 = arith.select %lt3A_499, %select_n3A_507, %select_n3A_467 : vector<1024x128xi1>, vector<1024x128xf32>
    %select_n3A_509 = arith.select %lt3A_498, %min3A_486, %select_n3A_468 : vector<1024x128xi1>, vector<1024x128xf32>
    %select_n3A_510 = arith.select %lt3A_498, %select_n3A_492, %select_n3A_469 : vector<1024x128xi1>, vector<1024x128xf32>
    %lt3A_511 = arith.cmpf olt, %max3A_487, %select_n3A_471 : vector<1024x128xf32>
    %select_n3A_512 = arith.select %lt3A_511, %max3A_487, %select_n3A_471 : vector<1024x128xi1>, vector<1024x128xf32>
    %select_n3A_513 = arith.select %lt3A_511, %select_n3A_497, %select_n3A_472 : vector<1024x128xi1>, vector<1024x128xf32>
    %slice3A_514 = vector.extract_strided_slice %dot_general3A_7 {offsets = [0, 3072], sizes = [1024, 128], strides = [1, 1]} : vector<1024x8192xf32> to vector<1024x128xf32>
    %add3A_515 = vector.broadcast %get3A_10 : vector<1024x1xf32> to vector<1024x128xf32>
    %add3A_516 = arith.addf %add3A_515, %slice3A_514 : vector<1024x128xf32>
    %slice3A_517 = vector.extract_strided_slice %get3A_13 {offsets = [0, 3072], sizes = [1, 128], strides = [1, 1]} : vector<1x8192xf32> to vector<1x128xf32>
    %add3A_518 = vector.broadcast %slice3A_517 : vector<1x128xf32> to vector<1024x128xf32>
    %add3A_519 = arith.addf %add3A_516, %add3A_518 : vector<1024x128xf32>
    %slice3A_520 = vector.extract_strided_slice %dot_general3A_7 {offsets = [0, 3200], sizes = [1024, 128], strides = [1, 1]} : vector<1024x8192xf32> to vector<1024x128xf32>
    %add3A_521 = vector.broadcast %get3A_10 : vector<1024x1xf32> to vector<1024x128xf32>
    %add3A_522 = arith.addf %add3A_521, %slice3A_520 : vector<1024x128xf32>
    %slice3A_523 = vector.extract_strided_slice %get3A_13 {offsets = [0, 3200], sizes = [1, 128], strides = [1, 1]} : vector<1x8192xf32> to vector<1x128xf32>
    %add3A_524 = vector.broadcast %slice3A_523 : vector<1x128xf32> to vector<1024x128xf32>
    %add3A_525 = arith.addf %add3A_522, %add3A_524 : vector<1024x128xf32>
    %lt3A_526 = arith.cmpf olt, %add3A_525, %add3A_519 : vector<1024x128xf32>
    %min3A_527 = arith.minimumf %add3A_519, %add3A_525 : vector<1024x128xf32>
    %max3A_528 = arith.maximumf %add3A_519, %add3A_525 : vector<1024x128xf32>
    %jit3A_529 = arith.constant 2.500000e+01 : f32
    %jit3A_530 = arith.constant 2.400000e+01 : f32
    %broadcast_in_dim3A_531 = vector.broadcast %jit3A_529 : f32 to vector<1024x128xf32>
    %broadcast_in_dim3A_532 = vector.broadcast %jit3A_530 : f32 to vector<1024x128xf32>
    %select_n3A_533 = arith.select %lt3A_526, %broadcast_in_dim3A_531, %broadcast_in_dim3A_532 : vector<1024x128xi1>, vector<1024x128xf32>
    %jit3A_534 = arith.constant 2.400000e+01 : f32
    %jit3A_535 = arith.constant 2.500000e+01 : f32
    %broadcast_in_dim3A_536 = vector.broadcast %jit3A_534 : f32 to vector<1024x128xf32>
    %broadcast_in_dim3A_537 = vector.broadcast %jit3A_535 : f32 to vector<1024x128xf32>
    %select_n3A_538 = arith.select %lt3A_526, %broadcast_in_dim3A_536, %broadcast_in_dim3A_537 : vector<1024x128xi1>, vector<1024x128xf32>
    %lt3A_539 = arith.cmpf olt, %min3A_527, %select_n3A_509 : vector<1024x128xf32>
    %lt3A_540 = arith.cmpf olt, %min3A_527, %select_n3A_506 : vector<1024x128xf32>
    %lt3A_541 = arith.cmpf olt, %min3A_527, %select_n3A_502 : vector<1024x128xf32>
    %select_n3A_542 = arith.select %lt3A_540, %select_n3A_506, %min3A_527 : vector<1024x128xi1>, vector<1024x128xf32>
    %select_n3A_543 = arith.select %lt3A_541, %select_n3A_542, %select_n3A_502 : vector<1024x128xi1>, vector<1024x128xf32>
    %select_n3A_544 = arith.select %lt3A_540, %select_n3A_508, %select_n3A_533 : vector<1024x128xi1>, vector<1024x128xf32>
    %select_n3A_545 = arith.select %lt3A_541, %select_n3A_544, %select_n3A_504 : vector<1024x128xi1>, vector<1024x128xf32>
    %select_n3A_546 = arith.select %lt3A_539, %select_n3A_509, %min3A_527 : vector<1024x128xi1>, vector<1024x128xf32>
    %select_n3A_547 = arith.select %lt3A_540, %select_n3A_546, %select_n3A_506 : vector<1024x128xi1>, vector<1024x128xf32>
    %select_n3A_548 = arith.select %lt3A_539, %select_n3A_510, %select_n3A_533 : vector<1024x128xi1>, vector<1024x128xf32>
    %select_n3A_549 = arith.select %lt3A_540, %select_n3A_548, %select_n3A_508 : vector<1024x128xi1>, vector<1024x128xf32>
    %select_n3A_550 = arith.select %lt3A_539, %min3A_527, %select_n3A_509 : vector<1024x128xi1>, vector<1024x128xf32>
    %select_n3A_551 = arith.select %lt3A_539, %select_n3A_533, %select_n3A_510 : vector<1024x128xi1>, vector<1024x128xf32>
    %lt3A_552 = arith.cmpf olt, %max3A_528, %select_n3A_512 : vector<1024x128xf32>
    %select_n3A_553 = arith.select %lt3A_552, %max3A_528, %select_n3A_512 : vector<1024x128xi1>, vector<1024x128xf32>
    %select_n3A_554 = arith.select %lt3A_552, %select_n3A_538, %select_n3A_513 : vector<1024x128xi1>, vector<1024x128xf32>
    %slice3A_555 = vector.extract_strided_slice %dot_general3A_7 {offsets = [0, 3328], sizes = [1024, 128], strides = [1, 1]} : vector<1024x8192xf32> to vector<1024x128xf32>
    %add3A_556 = vector.broadcast %get3A_10 : vector<1024x1xf32> to vector<1024x128xf32>
    %add3A_557 = arith.addf %add3A_556, %slice3A_555 : vector<1024x128xf32>
    %slice3A_558 = vector.extract_strided_slice %get3A_13 {offsets = [0, 3328], sizes = [1, 128], strides = [1, 1]} : vector<1x8192xf32> to vector<1x128xf32>
    %add3A_559 = vector.broadcast %slice3A_558 : vector<1x128xf32> to vector<1024x128xf32>
    %add3A_560 = arith.addf %add3A_557, %add3A_559 : vector<1024x128xf32>
    %slice3A_561 = vector.extract_strided_slice %dot_general3A_7 {offsets = [0, 3456], sizes = [1024, 128], strides = [1, 1]} : vector<1024x8192xf32> to vector<1024x128xf32>
    %add3A_562 = vector.broadcast %get3A_10 : vector<1024x1xf32> to vector<1024x128xf32>
    %add3A_563 = arith.addf %add3A_562, %slice3A_561 : vector<1024x128xf32>
    %slice3A_564 = vector.extract_strided_slice %get3A_13 {offsets = [0, 3456], sizes = [1, 128], strides = [1, 1]} : vector<1x8192xf32> to vector<1x128xf32>
    %add3A_565 = vector.broadcast %slice3A_564 : vector<1x128xf32> to vector<1024x128xf32>
    %add3A_566 = arith.addf %add3A_563, %add3A_565 : vector<1024x128xf32>
    %lt3A_567 = arith.cmpf olt, %add3A_566, %add3A_560 : vector<1024x128xf32>
    %min3A_568 = arith.minimumf %add3A_560, %add3A_566 : vector<1024x128xf32>
    %max3A_569 = arith.maximumf %add3A_560, %add3A_566 : vector<1024x128xf32>
    %jit3A_570 = arith.constant 2.700000e+01 : f32
    %jit3A_571 = arith.constant 2.600000e+01 : f32
    %broadcast_in_dim3A_572 = vector.broadcast %jit3A_570 : f32 to vector<1024x128xf32>
    %broadcast_in_dim3A_573 = vector.broadcast %jit3A_571 : f32 to vector<1024x128xf32>
    %select_n3A_574 = arith.select %lt3A_567, %broadcast_in_dim3A_572, %broadcast_in_dim3A_573 : vector<1024x128xi1>, vector<1024x128xf32>
    %jit3A_575 = arith.constant 2.600000e+01 : f32
    %jit3A_576 = arith.constant 2.700000e+01 : f32
    %broadcast_in_dim3A_577 = vector.broadcast %jit3A_575 : f32 to vector<1024x128xf32>
    %broadcast_in_dim3A_578 = vector.broadcast %jit3A_576 : f32 to vector<1024x128xf32>
    %select_n3A_579 = arith.select %lt3A_567, %broadcast_in_dim3A_577, %broadcast_in_dim3A_578 : vector<1024x128xi1>, vector<1024x128xf32>
    %lt3A_580 = arith.cmpf olt, %min3A_568, %select_n3A_550 : vector<1024x128xf32>
    %lt3A_581 = arith.cmpf olt, %min3A_568, %select_n3A_547 : vector<1024x128xf32>
    %lt3A_582 = arith.cmpf olt, %min3A_568, %select_n3A_543 : vector<1024x128xf32>
    %select_n3A_583 = arith.select %lt3A_581, %select_n3A_547, %min3A_568 : vector<1024x128xi1>, vector<1024x128xf32>
    %select_n3A_584 = arith.select %lt3A_582, %select_n3A_583, %select_n3A_543 : vector<1024x128xi1>, vector<1024x128xf32>
    %select_n3A_585 = arith.select %lt3A_581, %select_n3A_549, %select_n3A_574 : vector<1024x128xi1>, vector<1024x128xf32>
    %select_n3A_586 = arith.select %lt3A_582, %select_n3A_585, %select_n3A_545 : vector<1024x128xi1>, vector<1024x128xf32>
    %select_n3A_587 = arith.select %lt3A_580, %select_n3A_550, %min3A_568 : vector<1024x128xi1>, vector<1024x128xf32>
    %select_n3A_588 = arith.select %lt3A_581, %select_n3A_587, %select_n3A_547 : vector<1024x128xi1>, vector<1024x128xf32>
    %select_n3A_589 = arith.select %lt3A_580, %select_n3A_551, %select_n3A_574 : vector<1024x128xi1>, vector<1024x128xf32>
    %select_n3A_590 = arith.select %lt3A_581, %select_n3A_589, %select_n3A_549 : vector<1024x128xi1>, vector<1024x128xf32>
    %select_n3A_591 = arith.select %lt3A_580, %min3A_568, %select_n3A_550 : vector<1024x128xi1>, vector<1024x128xf32>
    %select_n3A_592 = arith.select %lt3A_580, %select_n3A_574, %select_n3A_551 : vector<1024x128xi1>, vector<1024x128xf32>
    %lt3A_593 = arith.cmpf olt, %max3A_569, %select_n3A_553 : vector<1024x128xf32>
    %select_n3A_594 = arith.select %lt3A_593, %max3A_569, %select_n3A_553 : vector<1024x128xi1>, vector<1024x128xf32>
    %select_n3A_595 = arith.select %lt3A_593, %select_n3A_579, %select_n3A_554 : vector<1024x128xi1>, vector<1024x128xf32>
    %slice3A_596 = vector.extract_strided_slice %dot_general3A_7 {offsets = [0, 3584], sizes = [1024, 128], strides = [1, 1]} : vector<1024x8192xf32> to vector<1024x128xf32>
    %add3A_597 = vector.broadcast %get3A_10 : vector<1024x1xf32> to vector<1024x128xf32>
    %add3A_598 = arith.addf %add3A_597, %slice3A_596 : vector<1024x128xf32>
    %slice3A_599 = vector.extract_strided_slice %get3A_13 {offsets = [0, 3584], sizes = [1, 128], strides = [1, 1]} : vector<1x8192xf32> to vector<1x128xf32>
    %add3A_600 = vector.broadcast %slice3A_599 : vector<1x128xf32> to vector<1024x128xf32>
    %add3A_601 = arith.addf %add3A_598, %add3A_600 : vector<1024x128xf32>
    %slice3A_602 = vector.extract_strided_slice %dot_general3A_7 {offsets = [0, 3712], sizes = [1024, 128], strides = [1, 1]} : vector<1024x8192xf32> to vector<1024x128xf32>
    %add3A_603 = vector.broadcast %get3A_10 : vector<1024x1xf32> to vector<1024x128xf32>
    %add3A_604 = arith.addf %add3A_603, %slice3A_602 : vector<1024x128xf32>
    %slice3A_605 = vector.extract_strided_slice %get3A_13 {offsets = [0, 3712], sizes = [1, 128], strides = [1, 1]} : vector<1x8192xf32> to vector<1x128xf32>
    %add3A_606 = vector.broadcast %slice3A_605 : vector<1x128xf32> to vector<1024x128xf32>
    %add3A_607 = arith.addf %add3A_604, %add3A_606 : vector<1024x128xf32>
    %lt3A_608 = arith.cmpf olt, %add3A_607, %add3A_601 : vector<1024x128xf32>
    %min3A_609 = arith.minimumf %add3A_601, %add3A_607 : vector<1024x128xf32>
    %max3A_610 = arith.maximumf %add3A_601, %add3A_607 : vector<1024x128xf32>
    %jit3A_611 = arith.constant 2.900000e+01 : f32
    %jit3A_612 = arith.constant 2.800000e+01 : f32
    %broadcast_in_dim3A_613 = vector.broadcast %jit3A_611 : f32 to vector<1024x128xf32>
    %broadcast_in_dim3A_614 = vector.broadcast %jit3A_612 : f32 to vector<1024x128xf32>
    %select_n3A_615 = arith.select %lt3A_608, %broadcast_in_dim3A_613, %broadcast_in_dim3A_614 : vector<1024x128xi1>, vector<1024x128xf32>
    %jit3A_616 = arith.constant 2.800000e+01 : f32
    %jit3A_617 = arith.constant 2.900000e+01 : f32
    %broadcast_in_dim3A_618 = vector.broadcast %jit3A_616 : f32 to vector<1024x128xf32>
    %broadcast_in_dim3A_619 = vector.broadcast %jit3A_617 : f32 to vector<1024x128xf32>
    %select_n3A_620 = arith.select %lt3A_608, %broadcast_in_dim3A_618, %broadcast_in_dim3A_619 : vector<1024x128xi1>, vector<1024x128xf32>
    %lt3A_621 = arith.cmpf olt, %min3A_609, %select_n3A_591 : vector<1024x128xf32>
    %lt3A_622 = arith.cmpf olt, %min3A_609, %select_n3A_588 : vector<1024x128xf32>
    %lt3A_623 = arith.cmpf olt, %min3A_609, %select_n3A_584 : vector<1024x128xf32>
    %select_n3A_624 = arith.select %lt3A_622, %select_n3A_588, %min3A_609 : vector<1024x128xi1>, vector<1024x128xf32>
    %select_n3A_625 = arith.select %lt3A_623, %select_n3A_624, %select_n3A_584 : vector<1024x128xi1>, vector<1024x128xf32>
    %select_n3A_626 = arith.select %lt3A_622, %select_n3A_590, %select_n3A_615 : vector<1024x128xi1>, vector<1024x128xf32>
    %select_n3A_627 = arith.select %lt3A_623, %select_n3A_626, %select_n3A_586 : vector<1024x128xi1>, vector<1024x128xf32>
    %select_n3A_628 = arith.select %lt3A_621, %select_n3A_591, %min3A_609 : vector<1024x128xi1>, vector<1024x128xf32>
    %select_n3A_629 = arith.select %lt3A_622, %select_n3A_628, %select_n3A_588 : vector<1024x128xi1>, vector<1024x128xf32>
    %select_n3A_630 = arith.select %lt3A_621, %select_n3A_592, %select_n3A_615 : vector<1024x128xi1>, vector<1024x128xf32>
    %select_n3A_631 = arith.select %lt3A_622, %select_n3A_630, %select_n3A_590 : vector<1024x128xi1>, vector<1024x128xf32>
    %select_n3A_632 = arith.select %lt3A_621, %min3A_609, %select_n3A_591 : vector<1024x128xi1>, vector<1024x128xf32>
    %select_n3A_633 = arith.select %lt3A_621, %select_n3A_615, %select_n3A_592 : vector<1024x128xi1>, vector<1024x128xf32>
    %lt3A_634 = arith.cmpf olt, %max3A_610, %select_n3A_594 : vector<1024x128xf32>
    %select_n3A_635 = arith.select %lt3A_634, %max3A_610, %select_n3A_594 : vector<1024x128xi1>, vector<1024x128xf32>
    %select_n3A_636 = arith.select %lt3A_634, %select_n3A_620, %select_n3A_595 : vector<1024x128xi1>, vector<1024x128xf32>
    %slice3A_637 = vector.extract_strided_slice %dot_general3A_7 {offsets = [0, 3840], sizes = [1024, 128], strides = [1, 1]} : vector<1024x8192xf32> to vector<1024x128xf32>
    %add3A_638 = vector.broadcast %get3A_10 : vector<1024x1xf32> to vector<1024x128xf32>
    %add3A_639 = arith.addf %add3A_638, %slice3A_637 : vector<1024x128xf32>
    %slice3A_640 = vector.extract_strided_slice %get3A_13 {offsets = [0, 3840], sizes = [1, 128], strides = [1, 1]} : vector<1x8192xf32> to vector<1x128xf32>
    %add3A_641 = vector.broadcast %slice3A_640 : vector<1x128xf32> to vector<1024x128xf32>
    %add3A_642 = arith.addf %add3A_639, %add3A_641 : vector<1024x128xf32>
    %slice3A_643 = vector.extract_strided_slice %dot_general3A_7 {offsets = [0, 3968], sizes = [1024, 128], strides = [1, 1]} : vector<1024x8192xf32> to vector<1024x128xf32>
    %add3A_644 = vector.broadcast %get3A_10 : vector<1024x1xf32> to vector<1024x128xf32>
    %add3A_645 = arith.addf %add3A_644, %slice3A_643 : vector<1024x128xf32>
    %slice3A_646 = vector.extract_strided_slice %get3A_13 {offsets = [0, 3968], sizes = [1, 128], strides = [1, 1]} : vector<1x8192xf32> to vector<1x128xf32>
    %add3A_647 = vector.broadcast %slice3A_646 : vector<1x128xf32> to vector<1024x128xf32>
    %add3A_648 = arith.addf %add3A_645, %add3A_647 : vector<1024x128xf32>
    %lt3A_649 = arith.cmpf olt, %add3A_648, %add3A_642 : vector<1024x128xf32>
    %min3A_650 = arith.minimumf %add3A_642, %add3A_648 : vector<1024x128xf32>
    %max3A_651 = arith.maximumf %add3A_642, %add3A_648 : vector<1024x128xf32>
    %jit3A_652 = arith.constant 3.100000e+01 : f32
    %jit3A_653 = arith.constant 3.000000e+01 : f32
    %broadcast_in_dim3A_654 = vector.broadcast %jit3A_652 : f32 to vector<1024x128xf32>
    %broadcast_in_dim3A_655 = vector.broadcast %jit3A_653 : f32 to vector<1024x128xf32>
    %select_n3A_656 = arith.select %lt3A_649, %broadcast_in_dim3A_654, %broadcast_in_dim3A_655 : vector<1024x128xi1>, vector<1024x128xf32>
    %jit3A_657 = arith.constant 3.000000e+01 : f32
    %jit3A_658 = arith.constant 3.100000e+01 : f32
    %broadcast_in_dim3A_659 = vector.broadcast %jit3A_657 : f32 to vector<1024x128xf32>
    %broadcast_in_dim3A_660 = vector.broadcast %jit3A_658 : f32 to vector<1024x128xf32>
    %select_n3A_661 = arith.select %lt3A_649, %broadcast_in_dim3A_659, %broadcast_in_dim3A_660 : vector<1024x128xi1>, vector<1024x128xf32>
    %lt3A_662 = arith.cmpf olt, %min3A_650, %select_n3A_632 : vector<1024x128xf32>
    %lt3A_663 = arith.cmpf olt, %min3A_650, %select_n3A_629 : vector<1024x128xf32>
    %lt3A_664 = arith.cmpf olt, %min3A_650, %select_n3A_625 : vector<1024x128xf32>
    %select_n3A_665 = arith.select %lt3A_663, %select_n3A_629, %min3A_650 : vector<1024x128xi1>, vector<1024x128xf32>
    %select_n3A_666 = arith.select %lt3A_664, %select_n3A_665, %select_n3A_625 : vector<1024x128xi1>, vector<1024x128xf32>
    %select_n3A_667 = arith.select %lt3A_663, %select_n3A_631, %select_n3A_656 : vector<1024x128xi1>, vector<1024x128xf32>
    %select_n3A_668 = arith.select %lt3A_664, %select_n3A_667, %select_n3A_627 : vector<1024x128xi1>, vector<1024x128xf32>
    %select_n3A_669 = arith.select %lt3A_662, %select_n3A_632, %min3A_650 : vector<1024x128xi1>, vector<1024x128xf32>
    %select_n3A_670 = arith.select %lt3A_663, %select_n3A_669, %select_n3A_629 : vector<1024x128xi1>, vector<1024x128xf32>
    %select_n3A_671 = arith.select %lt3A_662, %select_n3A_633, %select_n3A_656 : vector<1024x128xi1>, vector<1024x128xf32>
    %select_n3A_672 = arith.select %lt3A_663, %select_n3A_671, %select_n3A_631 : vector<1024x128xi1>, vector<1024x128xf32>
    %select_n3A_673 = arith.select %lt3A_662, %min3A_650, %select_n3A_632 : vector<1024x128xi1>, vector<1024x128xf32>
    %select_n3A_674 = arith.select %lt3A_662, %select_n3A_656, %select_n3A_633 : vector<1024x128xi1>, vector<1024x128xf32>
    %lt3A_675 = arith.cmpf olt, %max3A_651, %select_n3A_635 : vector<1024x128xf32>
    %select_n3A_676 = arith.select %lt3A_675, %max3A_651, %select_n3A_635 : vector<1024x128xi1>, vector<1024x128xf32>
    %select_n3A_677 = arith.select %lt3A_675, %select_n3A_661, %select_n3A_636 : vector<1024x128xi1>, vector<1024x128xf32>
    %slice3A_678 = vector.extract_strided_slice %dot_general3A_7 {offsets = [0, 4096], sizes = [1024, 128], strides = [1, 1]} : vector<1024x8192xf32> to vector<1024x128xf32>
    %add3A_679 = vector.broadcast %get3A_10 : vector<1024x1xf32> to vector<1024x128xf32>
    %add3A_680 = arith.addf %add3A_679, %slice3A_678 : vector<1024x128xf32>
    %slice3A_681 = vector.extract_strided_slice %get3A_13 {offsets = [0, 4096], sizes = [1, 128], strides = [1, 1]} : vector<1x8192xf32> to vector<1x128xf32>
    %add3A_682 = vector.broadcast %slice3A_681 : vector<1x128xf32> to vector<1024x128xf32>
    %add3A_683 = arith.addf %add3A_680, %add3A_682 : vector<1024x128xf32>
    %slice3A_684 = vector.extract_strided_slice %dot_general3A_7 {offsets = [0, 4224], sizes = [1024, 128], strides = [1, 1]} : vector<1024x8192xf32> to vector<1024x128xf32>
    %add3A_685 = vector.broadcast %get3A_10 : vector<1024x1xf32> to vector<1024x128xf32>
    %add3A_686 = arith.addf %add3A_685, %slice3A_684 : vector<1024x128xf32>
    %slice3A_687 = vector.extract_strided_slice %get3A_13 {offsets = [0, 4224], sizes = [1, 128], strides = [1, 1]} : vector<1x8192xf32> to vector<1x128xf32>
    %add3A_688 = vector.broadcast %slice3A_687 : vector<1x128xf32> to vector<1024x128xf32>
    %add3A_689 = arith.addf %add3A_686, %add3A_688 : vector<1024x128xf32>
    %lt3A_690 = arith.cmpf olt, %add3A_689, %add3A_683 : vector<1024x128xf32>
    %min3A_691 = arith.minimumf %add3A_683, %add3A_689 : vector<1024x128xf32>
    %max3A_692 = arith.maximumf %add3A_683, %add3A_689 : vector<1024x128xf32>
    %jit3A_693 = arith.constant 3.300000e+01 : f32
    %jit3A_694 = arith.constant 3.200000e+01 : f32
    %broadcast_in_dim3A_695 = vector.broadcast %jit3A_693 : f32 to vector<1024x128xf32>
    %broadcast_in_dim3A_696 = vector.broadcast %jit3A_694 : f32 to vector<1024x128xf32>
    %select_n3A_697 = arith.select %lt3A_690, %broadcast_in_dim3A_695, %broadcast_in_dim3A_696 : vector<1024x128xi1>, vector<1024x128xf32>
    %jit3A_698 = arith.constant 3.200000e+01 : f32
    %jit3A_699 = arith.constant 3.300000e+01 : f32
    %broadcast_in_dim3A_700 = vector.broadcast %jit3A_698 : f32 to vector<1024x128xf32>
    %broadcast_in_dim3A_701 = vector.broadcast %jit3A_699 : f32 to vector<1024x128xf32>
    %select_n3A_702 = arith.select %lt3A_690, %broadcast_in_dim3A_700, %broadcast_in_dim3A_701 : vector<1024x128xi1>, vector<1024x128xf32>
    %lt3A_703 = arith.cmpf olt, %min3A_691, %select_n3A_673 : vector<1024x128xf32>
    %lt3A_704 = arith.cmpf olt, %min3A_691, %select_n3A_670 : vector<1024x128xf32>
    %lt3A_705 = arith.cmpf olt, %min3A_691, %select_n3A_666 : vector<1024x128xf32>
    %select_n3A_706 = arith.select %lt3A_704, %select_n3A_670, %min3A_691 : vector<1024x128xi1>, vector<1024x128xf32>
    %select_n3A_707 = arith.select %lt3A_705, %select_n3A_706, %select_n3A_666 : vector<1024x128xi1>, vector<1024x128xf32>
    %select_n3A_708 = arith.select %lt3A_704, %select_n3A_672, %select_n3A_697 : vector<1024x128xi1>, vector<1024x128xf32>
    %select_n3A_709 = arith.select %lt3A_705, %select_n3A_708, %select_n3A_668 : vector<1024x128xi1>, vector<1024x128xf32>
    %select_n3A_710 = arith.select %lt3A_703, %select_n3A_673, %min3A_691 : vector<1024x128xi1>, vector<1024x128xf32>
    %select_n3A_711 = arith.select %lt3A_704, %select_n3A_710, %select_n3A_670 : vector<1024x128xi1>, vector<1024x128xf32>
    %select_n3A_712 = arith.select %lt3A_703, %select_n3A_674, %select_n3A_697 : vector<1024x128xi1>, vector<1024x128xf32>
    %select_n3A_713 = arith.select %lt3A_704, %select_n3A_712, %select_n3A_672 : vector<1024x128xi1>, vector<1024x128xf32>
    %select_n3A_714 = arith.select %lt3A_703, %min3A_691, %select_n3A_673 : vector<1024x128xi1>, vector<1024x128xf32>
    %select_n3A_715 = arith.select %lt3A_703, %select_n3A_697, %select_n3A_674 : vector<1024x128xi1>, vector<1024x128xf32>
    %lt3A_716 = arith.cmpf olt, %max3A_692, %select_n3A_676 : vector<1024x128xf32>
    %select_n3A_717 = arith.select %lt3A_716, %max3A_692, %select_n3A_676 : vector<1024x128xi1>, vector<1024x128xf32>
    %select_n3A_718 = arith.select %lt3A_716, %select_n3A_702, %select_n3A_677 : vector<1024x128xi1>, vector<1024x128xf32>
    %slice3A_719 = vector.extract_strided_slice %dot_general3A_7 {offsets = [0, 4352], sizes = [1024, 128], strides = [1, 1]} : vector<1024x8192xf32> to vector<1024x128xf32>
    %add3A_720 = vector.broadcast %get3A_10 : vector<1024x1xf32> to vector<1024x128xf32>
    %add3A_721 = arith.addf %add3A_720, %slice3A_719 : vector<1024x128xf32>
    %slice3A_722 = vector.extract_strided_slice %get3A_13 {offsets = [0, 4352], sizes = [1, 128], strides = [1, 1]} : vector<1x8192xf32> to vector<1x128xf32>
    %add3A_723 = vector.broadcast %slice3A_722 : vector<1x128xf32> to vector<1024x128xf32>
    %add3A_724 = arith.addf %add3A_721, %add3A_723 : vector<1024x128xf32>
    %slice3A_725 = vector.extract_strided_slice %dot_general3A_7 {offsets = [0, 4480], sizes = [1024, 128], strides = [1, 1]} : vector<1024x8192xf32> to vector<1024x128xf32>
    %add3A_726 = vector.broadcast %get3A_10 : vector<1024x1xf32> to vector<1024x128xf32>
    %add3A_727 = arith.addf %add3A_726, %slice3A_725 : vector<1024x128xf32>
    %slice3A_728 = vector.extract_strided_slice %get3A_13 {offsets = [0, 4480], sizes = [1, 128], strides = [1, 1]} : vector<1x8192xf32> to vector<1x128xf32>
    %add3A_729 = vector.broadcast %slice3A_728 : vector<1x128xf32> to vector<1024x128xf32>
    %add3A_730 = arith.addf %add3A_727, %add3A_729 : vector<1024x128xf32>
    %lt3A_731 = arith.cmpf olt, %add3A_730, %add3A_724 : vector<1024x128xf32>
    %min3A_732 = arith.minimumf %add3A_724, %add3A_730 : vector<1024x128xf32>
    %max3A_733 = arith.maximumf %add3A_724, %add3A_730 : vector<1024x128xf32>
    %jit3A_734 = arith.constant 3.500000e+01 : f32
    %jit3A_735 = arith.constant 3.400000e+01 : f32
    %broadcast_in_dim3A_736 = vector.broadcast %jit3A_734 : f32 to vector<1024x128xf32>
    %broadcast_in_dim3A_737 = vector.broadcast %jit3A_735 : f32 to vector<1024x128xf32>
    %select_n3A_738 = arith.select %lt3A_731, %broadcast_in_dim3A_736, %broadcast_in_dim3A_737 : vector<1024x128xi1>, vector<1024x128xf32>
    %jit3A_739 = arith.constant 3.400000e+01 : f32
    %jit3A_740 = arith.constant 3.500000e+01 : f32
    %broadcast_in_dim3A_741 = vector.broadcast %jit3A_739 : f32 to vector<1024x128xf32>
    %broadcast_in_dim3A_742 = vector.broadcast %jit3A_740 : f32 to vector<1024x128xf32>
    %select_n3A_743 = arith.select %lt3A_731, %broadcast_in_dim3A_741, %broadcast_in_dim3A_742 : vector<1024x128xi1>, vector<1024x128xf32>
    %lt3A_744 = arith.cmpf olt, %min3A_732, %select_n3A_714 : vector<1024x128xf32>
    %lt3A_745 = arith.cmpf olt, %min3A_732, %select_n3A_711 : vector<1024x128xf32>
    %lt3A_746 = arith.cmpf olt, %min3A_732, %select_n3A_707 : vector<1024x128xf32>
    %select_n3A_747 = arith.select %lt3A_745, %select_n3A_711, %min3A_732 : vector<1024x128xi1>, vector<1024x128xf32>
    %select_n3A_748 = arith.select %lt3A_746, %select_n3A_747, %select_n3A_707 : vector<1024x128xi1>, vector<1024x128xf32>
    %select_n3A_749 = arith.select %lt3A_745, %select_n3A_713, %select_n3A_738 : vector<1024x128xi1>, vector<1024x128xf32>
    %select_n3A_750 = arith.select %lt3A_746, %select_n3A_749, %select_n3A_709 : vector<1024x128xi1>, vector<1024x128xf32>
    %select_n3A_751 = arith.select %lt3A_744, %select_n3A_714, %min3A_732 : vector<1024x128xi1>, vector<1024x128xf32>
    %select_n3A_752 = arith.select %lt3A_745, %select_n3A_751, %select_n3A_711 : vector<1024x128xi1>, vector<1024x128xf32>
    %select_n3A_753 = arith.select %lt3A_744, %select_n3A_715, %select_n3A_738 : vector<1024x128xi1>, vector<1024x128xf32>
    %select_n3A_754 = arith.select %lt3A_745, %select_n3A_753, %select_n3A_713 : vector<1024x128xi1>, vector<1024x128xf32>
    %select_n3A_755 = arith.select %lt3A_744, %min3A_732, %select_n3A_714 : vector<1024x128xi1>, vector<1024x128xf32>
    %select_n3A_756 = arith.select %lt3A_744, %select_n3A_738, %select_n3A_715 : vector<1024x128xi1>, vector<1024x128xf32>
    %lt3A_757 = arith.cmpf olt, %max3A_733, %select_n3A_717 : vector<1024x128xf32>
    %select_n3A_758 = arith.select %lt3A_757, %max3A_733, %select_n3A_717 : vector<1024x128xi1>, vector<1024x128xf32>
    %select_n3A_759 = arith.select %lt3A_757, %select_n3A_743, %select_n3A_718 : vector<1024x128xi1>, vector<1024x128xf32>
    %slice3A_760 = vector.extract_strided_slice %dot_general3A_7 {offsets = [0, 4608], sizes = [1024, 128], strides = [1, 1]} : vector<1024x8192xf32> to vector<1024x128xf32>
    %add3A_761 = vector.broadcast %get3A_10 : vector<1024x1xf32> to vector<1024x128xf32>
    %add3A_762 = arith.addf %add3A_761, %slice3A_760 : vector<1024x128xf32>
    %slice3A_763 = vector.extract_strided_slice %get3A_13 {offsets = [0, 4608], sizes = [1, 128], strides = [1, 1]} : vector<1x8192xf32> to vector<1x128xf32>
    %add3A_764 = vector.broadcast %slice3A_763 : vector<1x128xf32> to vector<1024x128xf32>
    %add3A_765 = arith.addf %add3A_762, %add3A_764 : vector<1024x128xf32>
    %slice3A_766 = vector.extract_strided_slice %dot_general3A_7 {offsets = [0, 4736], sizes = [1024, 128], strides = [1, 1]} : vector<1024x8192xf32> to vector<1024x128xf32>
    %add3A_767 = vector.broadcast %get3A_10 : vector<1024x1xf32> to vector<1024x128xf32>
    %add3A_768 = arith.addf %add3A_767, %slice3A_766 : vector<1024x128xf32>
    %slice3A_769 = vector.extract_strided_slice %get3A_13 {offsets = [0, 4736], sizes = [1, 128], strides = [1, 1]} : vector<1x8192xf32> to vector<1x128xf32>
    %add3A_770 = vector.broadcast %slice3A_769 : vector<1x128xf32> to vector<1024x128xf32>
    %add3A_771 = arith.addf %add3A_768, %add3A_770 : vector<1024x128xf32>
    %lt3A_772 = arith.cmpf olt, %add3A_771, %add3A_765 : vector<1024x128xf32>
    %min3A_773 = arith.minimumf %add3A_765, %add3A_771 : vector<1024x128xf32>
    %max3A_774 = arith.maximumf %add3A_765, %add3A_771 : vector<1024x128xf32>
    %jit3A_775 = arith.constant 3.700000e+01 : f32
    %jit3A_776 = arith.constant 3.600000e+01 : f32
    %broadcast_in_dim3A_777 = vector.broadcast %jit3A_775 : f32 to vector<1024x128xf32>
    %broadcast_in_dim3A_778 = vector.broadcast %jit3A_776 : f32 to vector<1024x128xf32>
    %select_n3A_779 = arith.select %lt3A_772, %broadcast_in_dim3A_777, %broadcast_in_dim3A_778 : vector<1024x128xi1>, vector<1024x128xf32>
    %jit3A_780 = arith.constant 3.600000e+01 : f32
    %jit3A_781 = arith.constant 3.700000e+01 : f32
    %broadcast_in_dim3A_782 = vector.broadcast %jit3A_780 : f32 to vector<1024x128xf32>
    %broadcast_in_dim3A_783 = vector.broadcast %jit3A_781 : f32 to vector<1024x128xf32>
    %select_n3A_784 = arith.select %lt3A_772, %broadcast_in_dim3A_782, %broadcast_in_dim3A_783 : vector<1024x128xi1>, vector<1024x128xf32>
    %lt3A_785 = arith.cmpf olt, %min3A_773, %select_n3A_755 : vector<1024x128xf32>
    %lt3A_786 = arith.cmpf olt, %min3A_773, %select_n3A_752 : vector<1024x128xf32>
    %lt3A_787 = arith.cmpf olt, %min3A_773, %select_n3A_748 : vector<1024x128xf32>
    %select_n3A_788 = arith.select %lt3A_786, %select_n3A_752, %min3A_773 : vector<1024x128xi1>, vector<1024x128xf32>
    %select_n3A_789 = arith.select %lt3A_787, %select_n3A_788, %select_n3A_748 : vector<1024x128xi1>, vector<1024x128xf32>
    %select_n3A_790 = arith.select %lt3A_786, %select_n3A_754, %select_n3A_779 : vector<1024x128xi1>, vector<1024x128xf32>
    %select_n3A_791 = arith.select %lt3A_787, %select_n3A_790, %select_n3A_750 : vector<1024x128xi1>, vector<1024x128xf32>
    %select_n3A_792 = arith.select %lt3A_785, %select_n3A_755, %min3A_773 : vector<1024x128xi1>, vector<1024x128xf32>
    %select_n3A_793 = arith.select %lt3A_786, %select_n3A_792, %select_n3A_752 : vector<1024x128xi1>, vector<1024x128xf32>
    %select_n3A_794 = arith.select %lt3A_785, %select_n3A_756, %select_n3A_779 : vector<1024x128xi1>, vector<1024x128xf32>
    %select_n3A_795 = arith.select %lt3A_786, %select_n3A_794, %select_n3A_754 : vector<1024x128xi1>, vector<1024x128xf32>
    %select_n3A_796 = arith.select %lt3A_785, %min3A_773, %select_n3A_755 : vector<1024x128xi1>, vector<1024x128xf32>
    %select_n3A_797 = arith.select %lt3A_785, %select_n3A_779, %select_n3A_756 : vector<1024x128xi1>, vector<1024x128xf32>
    %lt3A_798 = arith.cmpf olt, %max3A_774, %select_n3A_758 : vector<1024x128xf32>
    %select_n3A_799 = arith.select %lt3A_798, %max3A_774, %select_n3A_758 : vector<1024x128xi1>, vector<1024x128xf32>
    %select_n3A_800 = arith.select %lt3A_798, %select_n3A_784, %select_n3A_759 : vector<1024x128xi1>, vector<1024x128xf32>
    %slice3A_801 = vector.extract_strided_slice %dot_general3A_7 {offsets = [0, 4864], sizes = [1024, 128], strides = [1, 1]} : vector<1024x8192xf32> to vector<1024x128xf32>
    %add3A_802 = vector.broadcast %get3A_10 : vector<1024x1xf32> to vector<1024x128xf32>
    %add3A_803 = arith.addf %add3A_802, %slice3A_801 : vector<1024x128xf32>
    %slice3A_804 = vector.extract_strided_slice %get3A_13 {offsets = [0, 4864], sizes = [1, 128], strides = [1, 1]} : vector<1x8192xf32> to vector<1x128xf32>
    %add3A_805 = vector.broadcast %slice3A_804 : vector<1x128xf32> to vector<1024x128xf32>
    %add3A_806 = arith.addf %add3A_803, %add3A_805 : vector<1024x128xf32>
    %slice3A_807 = vector.extract_strided_slice %dot_general3A_7 {offsets = [0, 4992], sizes = [1024, 128], strides = [1, 1]} : vector<1024x8192xf32> to vector<1024x128xf32>
    %add3A_808 = vector.broadcast %get3A_10 : vector<1024x1xf32> to vector<1024x128xf32>
    %add3A_809 = arith.addf %add3A_808, %slice3A_807 : vector<1024x128xf32>
    %slice3A_810 = vector.extract_strided_slice %get3A_13 {offsets = [0, 4992], sizes = [1, 128], strides = [1, 1]} : vector<1x8192xf32> to vector<1x128xf32>
    %add3A_811 = vector.broadcast %slice3A_810 : vector<1x128xf32> to vector<1024x128xf32>
    %add3A_812 = arith.addf %add3A_809, %add3A_811 : vector<1024x128xf32>
    %lt3A_813 = arith.cmpf olt, %add3A_812, %add3A_806 : vector<1024x128xf32>
    %min3A_814 = arith.minimumf %add3A_806, %add3A_812 : vector<1024x128xf32>
    %max3A_815 = arith.maximumf %add3A_806, %add3A_812 : vector<1024x128xf32>
    %jit3A_816 = arith.constant 3.900000e+01 : f32
    %jit3A_817 = arith.constant 3.800000e+01 : f32
    %broadcast_in_dim3A_818 = vector.broadcast %jit3A_816 : f32 to vector<1024x128xf32>
    %broadcast_in_dim3A_819 = vector.broadcast %jit3A_817 : f32 to vector<1024x128xf32>
    %select_n3A_820 = arith.select %lt3A_813, %broadcast_in_dim3A_818, %broadcast_in_dim3A_819 : vector<1024x128xi1>, vector<1024x128xf32>
    %jit3A_821 = arith.constant 3.800000e+01 : f32
    %jit3A_822 = arith.constant 3.900000e+01 : f32
    %broadcast_in_dim3A_823 = vector.broadcast %jit3A_821 : f32 to vector<1024x128xf32>
    %broadcast_in_dim3A_824 = vector.broadcast %jit3A_822 : f32 to vector<1024x128xf32>
    %select_n3A_825 = arith.select %lt3A_813, %broadcast_in_dim3A_823, %broadcast_in_dim3A_824 : vector<1024x128xi1>, vector<1024x128xf32>
    %lt3A_826 = arith.cmpf olt, %min3A_814, %select_n3A_796 : vector<1024x128xf32>
    %lt3A_827 = arith.cmpf olt, %min3A_814, %select_n3A_793 : vector<1024x128xf32>
    %lt3A_828 = arith.cmpf olt, %min3A_814, %select_n3A_789 : vector<1024x128xf32>
    %select_n3A_829 = arith.select %lt3A_827, %select_n3A_793, %min3A_814 : vector<1024x128xi1>, vector<1024x128xf32>
    %select_n3A_830 = arith.select %lt3A_828, %select_n3A_829, %select_n3A_789 : vector<1024x128xi1>, vector<1024x128xf32>
    %select_n3A_831 = arith.select %lt3A_827, %select_n3A_795, %select_n3A_820 : vector<1024x128xi1>, vector<1024x128xf32>
    %select_n3A_832 = arith.select %lt3A_828, %select_n3A_831, %select_n3A_791 : vector<1024x128xi1>, vector<1024x128xf32>
    %select_n3A_833 = arith.select %lt3A_826, %select_n3A_796, %min3A_814 : vector<1024x128xi1>, vector<1024x128xf32>
    %select_n3A_834 = arith.select %lt3A_827, %select_n3A_833, %select_n3A_793 : vector<1024x128xi1>, vector<1024x128xf32>
    %select_n3A_835 = arith.select %lt3A_826, %select_n3A_797, %select_n3A_820 : vector<1024x128xi1>, vector<1024x128xf32>
    %select_n3A_836 = arith.select %lt3A_827, %select_n3A_835, %select_n3A_795 : vector<1024x128xi1>, vector<1024x128xf32>
    %select_n3A_837 = arith.select %lt3A_826, %min3A_814, %select_n3A_796 : vector<1024x128xi1>, vector<1024x128xf32>
    %select_n3A_838 = arith.select %lt3A_826, %select_n3A_820, %select_n3A_797 : vector<1024x128xi1>, vector<1024x128xf32>
    %lt3A_839 = arith.cmpf olt, %max3A_815, %select_n3A_799 : vector<1024x128xf32>
    %select_n3A_840 = arith.select %lt3A_839, %max3A_815, %select_n3A_799 : vector<1024x128xi1>, vector<1024x128xf32>
    %select_n3A_841 = arith.select %lt3A_839, %select_n3A_825, %select_n3A_800 : vector<1024x128xi1>, vector<1024x128xf32>
    %slice3A_842 = vector.extract_strided_slice %dot_general3A_7 {offsets = [0, 5120], sizes = [1024, 128], strides = [1, 1]} : vector<1024x8192xf32> to vector<1024x128xf32>
    %add3A_843 = vector.broadcast %get3A_10 : vector<1024x1xf32> to vector<1024x128xf32>
    %add3A_844 = arith.addf %add3A_843, %slice3A_842 : vector<1024x128xf32>
    %slice3A_845 = vector.extract_strided_slice %get3A_13 {offsets = [0, 5120], sizes = [1, 128], strides = [1, 1]} : vector<1x8192xf32> to vector<1x128xf32>
    %add3A_846 = vector.broadcast %slice3A_845 : vector<1x128xf32> to vector<1024x128xf32>
    %add3A_847 = arith.addf %add3A_844, %add3A_846 : vector<1024x128xf32>
    %slice3A_848 = vector.extract_strided_slice %dot_general3A_7 {offsets = [0, 5248], sizes = [1024, 128], strides = [1, 1]} : vector<1024x8192xf32> to vector<1024x128xf32>
    %add3A_849 = vector.broadcast %get3A_10 : vector<1024x1xf32> to vector<1024x128xf32>
    %add3A_850 = arith.addf %add3A_849, %slice3A_848 : vector<1024x128xf32>
    %slice3A_851 = vector.extract_strided_slice %get3A_13 {offsets = [0, 5248], sizes = [1, 128], strides = [1, 1]} : vector<1x8192xf32> to vector<1x128xf32>
    %add3A_852 = vector.broadcast %slice3A_851 : vector<1x128xf32> to vector<1024x128xf32>
    %add3A_853 = arith.addf %add3A_850, %add3A_852 : vector<1024x128xf32>
    %lt3A_854 = arith.cmpf olt, %add3A_853, %add3A_847 : vector<1024x128xf32>
    %min3A_855 = arith.minimumf %add3A_847, %add3A_853 : vector<1024x128xf32>
    %max3A_856 = arith.maximumf %add3A_847, %add3A_853 : vector<1024x128xf32>
    %jit3A_857 = arith.constant 4.100000e+01 : f32
    %jit3A_858 = arith.constant 4.000000e+01 : f32
    %broadcast_in_dim3A_859 = vector.broadcast %jit3A_857 : f32 to vector<1024x128xf32>
    %broadcast_in_dim3A_860 = vector.broadcast %jit3A_858 : f32 to vector<1024x128xf32>
    %select_n3A_861 = arith.select %lt3A_854, %broadcast_in_dim3A_859, %broadcast_in_dim3A_860 : vector<1024x128xi1>, vector<1024x128xf32>
    %jit3A_862 = arith.constant 4.000000e+01 : f32
    %jit3A_863 = arith.constant 4.100000e+01 : f32
    %broadcast_in_dim3A_864 = vector.broadcast %jit3A_862 : f32 to vector<1024x128xf32>
    %broadcast_in_dim3A_865 = vector.broadcast %jit3A_863 : f32 to vector<1024x128xf32>
    %select_n3A_866 = arith.select %lt3A_854, %broadcast_in_dim3A_864, %broadcast_in_dim3A_865 : vector<1024x128xi1>, vector<1024x128xf32>
    %lt3A_867 = arith.cmpf olt, %min3A_855, %select_n3A_837 : vector<1024x128xf32>
    %lt3A_868 = arith.cmpf olt, %min3A_855, %select_n3A_834 : vector<1024x128xf32>
    %lt3A_869 = arith.cmpf olt, %min3A_855, %select_n3A_830 : vector<1024x128xf32>
    %select_n3A_870 = arith.select %lt3A_868, %select_n3A_834, %min3A_855 : vector<1024x128xi1>, vector<1024x128xf32>
    %select_n3A_871 = arith.select %lt3A_869, %select_n3A_870, %select_n3A_830 : vector<1024x128xi1>, vector<1024x128xf32>
    %select_n3A_872 = arith.select %lt3A_868, %select_n3A_836, %select_n3A_861 : vector<1024x128xi1>, vector<1024x128xf32>
    %select_n3A_873 = arith.select %lt3A_869, %select_n3A_872, %select_n3A_832 : vector<1024x128xi1>, vector<1024x128xf32>
    %select_n3A_874 = arith.select %lt3A_867, %select_n3A_837, %min3A_855 : vector<1024x128xi1>, vector<1024x128xf32>
    %select_n3A_875 = arith.select %lt3A_868, %select_n3A_874, %select_n3A_834 : vector<1024x128xi1>, vector<1024x128xf32>
    %select_n3A_876 = arith.select %lt3A_867, %select_n3A_838, %select_n3A_861 : vector<1024x128xi1>, vector<1024x128xf32>
    %select_n3A_877 = arith.select %lt3A_868, %select_n3A_876, %select_n3A_836 : vector<1024x128xi1>, vector<1024x128xf32>
    %select_n3A_878 = arith.select %lt3A_867, %min3A_855, %select_n3A_837 : vector<1024x128xi1>, vector<1024x128xf32>
    %select_n3A_879 = arith.select %lt3A_867, %select_n3A_861, %select_n3A_838 : vector<1024x128xi1>, vector<1024x128xf32>
    %lt3A_880 = arith.cmpf olt, %max3A_856, %select_n3A_840 : vector<1024x128xf32>
    %select_n3A_881 = arith.select %lt3A_880, %max3A_856, %select_n3A_840 : vector<1024x128xi1>, vector<1024x128xf32>
    %select_n3A_882 = arith.select %lt3A_880, %select_n3A_866, %select_n3A_841 : vector<1024x128xi1>, vector<1024x128xf32>
    %slice3A_883 = vector.extract_strided_slice %dot_general3A_7 {offsets = [0, 5376], sizes = [1024, 128], strides = [1, 1]} : vector<1024x8192xf32> to vector<1024x128xf32>
    %add3A_884 = vector.broadcast %get3A_10 : vector<1024x1xf32> to vector<1024x128xf32>
    %add3A_885 = arith.addf %add3A_884, %slice3A_883 : vector<1024x128xf32>
    %slice3A_886 = vector.extract_strided_slice %get3A_13 {offsets = [0, 5376], sizes = [1, 128], strides = [1, 1]} : vector<1x8192xf32> to vector<1x128xf32>
    %add3A_887 = vector.broadcast %slice3A_886 : vector<1x128xf32> to vector<1024x128xf32>
    %add3A_888 = arith.addf %add3A_885, %add3A_887 : vector<1024x128xf32>
    %slice3A_889 = vector.extract_strided_slice %dot_general3A_7 {offsets = [0, 5504], sizes = [1024, 128], strides = [1, 1]} : vector<1024x8192xf32> to vector<1024x128xf32>
    %add3A_890 = vector.broadcast %get3A_10 : vector<1024x1xf32> to vector<1024x128xf32>
    %add3A_891 = arith.addf %add3A_890, %slice3A_889 : vector<1024x128xf32>
    %slice3A_892 = vector.extract_strided_slice %get3A_13 {offsets = [0, 5504], sizes = [1, 128], strides = [1, 1]} : vector<1x8192xf32> to vector<1x128xf32>
    %add3A_893 = vector.broadcast %slice3A_892 : vector<1x128xf32> to vector<1024x128xf32>
    %add3A_894 = arith.addf %add3A_891, %add3A_893 : vector<1024x128xf32>
    %lt3A_895 = arith.cmpf olt, %add3A_894, %add3A_888 : vector<1024x128xf32>
    %min3A_896 = arith.minimumf %add3A_888, %add3A_894 : vector<1024x128xf32>
    %max3A_897 = arith.maximumf %add3A_888, %add3A_894 : vector<1024x128xf32>
    %jit3A_898 = arith.constant 4.300000e+01 : f32
    %jit3A_899 = arith.constant 4.200000e+01 : f32
    %broadcast_in_dim3A_900 = vector.broadcast %jit3A_898 : f32 to vector<1024x128xf32>
    %broadcast_in_dim3A_901 = vector.broadcast %jit3A_899 : f32 to vector<1024x128xf32>
    %select_n3A_902 = arith.select %lt3A_895, %broadcast_in_dim3A_900, %broadcast_in_dim3A_901 : vector<1024x128xi1>, vector<1024x128xf32>
    %jit3A_903 = arith.constant 4.200000e+01 : f32
    %jit3A_904 = arith.constant 4.300000e+01 : f32
    %broadcast_in_dim3A_905 = vector.broadcast %jit3A_903 : f32 to vector<1024x128xf32>
    %broadcast_in_dim3A_906 = vector.broadcast %jit3A_904 : f32 to vector<1024x128xf32>
    %select_n3A_907 = arith.select %lt3A_895, %broadcast_in_dim3A_905, %broadcast_in_dim3A_906 : vector<1024x128xi1>, vector<1024x128xf32>
    %lt3A_908 = arith.cmpf olt, %min3A_896, %select_n3A_878 : vector<1024x128xf32>
    %lt3A_909 = arith.cmpf olt, %min3A_896, %select_n3A_875 : vector<1024x128xf32>
    %lt3A_910 = arith.cmpf olt, %min3A_896, %select_n3A_871 : vector<1024x128xf32>
    %select_n3A_911 = arith.select %lt3A_909, %select_n3A_875, %min3A_896 : vector<1024x128xi1>, vector<1024x128xf32>
    %select_n3A_912 = arith.select %lt3A_910, %select_n3A_911, %select_n3A_871 : vector<1024x128xi1>, vector<1024x128xf32>
    %select_n3A_913 = arith.select %lt3A_909, %select_n3A_877, %select_n3A_902 : vector<1024x128xi1>, vector<1024x128xf32>
    %select_n3A_914 = arith.select %lt3A_910, %select_n3A_913, %select_n3A_873 : vector<1024x128xi1>, vector<1024x128xf32>
    %select_n3A_915 = arith.select %lt3A_908, %select_n3A_878, %min3A_896 : vector<1024x128xi1>, vector<1024x128xf32>
    %select_n3A_916 = arith.select %lt3A_909, %select_n3A_915, %select_n3A_875 : vector<1024x128xi1>, vector<1024x128xf32>
    %select_n3A_917 = arith.select %lt3A_908, %select_n3A_879, %select_n3A_902 : vector<1024x128xi1>, vector<1024x128xf32>
    %select_n3A_918 = arith.select %lt3A_909, %select_n3A_917, %select_n3A_877 : vector<1024x128xi1>, vector<1024x128xf32>
    %select_n3A_919 = arith.select %lt3A_908, %min3A_896, %select_n3A_878 : vector<1024x128xi1>, vector<1024x128xf32>
    %select_n3A_920 = arith.select %lt3A_908, %select_n3A_902, %select_n3A_879 : vector<1024x128xi1>, vector<1024x128xf32>
    %lt3A_921 = arith.cmpf olt, %max3A_897, %select_n3A_881 : vector<1024x128xf32>
    %select_n3A_922 = arith.select %lt3A_921, %max3A_897, %select_n3A_881 : vector<1024x128xi1>, vector<1024x128xf32>
    %select_n3A_923 = arith.select %lt3A_921, %select_n3A_907, %select_n3A_882 : vector<1024x128xi1>, vector<1024x128xf32>
    %slice3A_924 = vector.extract_strided_slice %dot_general3A_7 {offsets = [0, 5632], sizes = [1024, 128], strides = [1, 1]} : vector<1024x8192xf32> to vector<1024x128xf32>
    %add3A_925 = vector.broadcast %get3A_10 : vector<1024x1xf32> to vector<1024x128xf32>
    %add3A_926 = arith.addf %add3A_925, %slice3A_924 : vector<1024x128xf32>
    %slice3A_927 = vector.extract_strided_slice %get3A_13 {offsets = [0, 5632], sizes = [1, 128], strides = [1, 1]} : vector<1x8192xf32> to vector<1x128xf32>
    %add3A_928 = vector.broadcast %slice3A_927 : vector<1x128xf32> to vector<1024x128xf32>
    %add3A_929 = arith.addf %add3A_926, %add3A_928 : vector<1024x128xf32>
    %slice3A_930 = vector.extract_strided_slice %dot_general3A_7 {offsets = [0, 5760], sizes = [1024, 128], strides = [1, 1]} : vector<1024x8192xf32> to vector<1024x128xf32>
    %add3A_931 = vector.broadcast %get3A_10 : vector<1024x1xf32> to vector<1024x128xf32>
    %add3A_932 = arith.addf %add3A_931, %slice3A_930 : vector<1024x128xf32>
    %slice3A_933 = vector.extract_strided_slice %get3A_13 {offsets = [0, 5760], sizes = [1, 128], strides = [1, 1]} : vector<1x8192xf32> to vector<1x128xf32>
    %add3A_934 = vector.broadcast %slice3A_933 : vector<1x128xf32> to vector<1024x128xf32>
    %add3A_935 = arith.addf %add3A_932, %add3A_934 : vector<1024x128xf32>
    %lt3A_936 = arith.cmpf olt, %add3A_935, %add3A_929 : vector<1024x128xf32>
    %min3A_937 = arith.minimumf %add3A_929, %add3A_935 : vector<1024x128xf32>
    %max3A_938 = arith.maximumf %add3A_929, %add3A_935 : vector<1024x128xf32>
    %jit3A_939 = arith.constant 4.500000e+01 : f32
    %jit3A_940 = arith.constant 4.400000e+01 : f32
    %broadcast_in_dim3A_941 = vector.broadcast %jit3A_939 : f32 to vector<1024x128xf32>
    %broadcast_in_dim3A_942 = vector.broadcast %jit3A_940 : f32 to vector<1024x128xf32>
    %select_n3A_943 = arith.select %lt3A_936, %broadcast_in_dim3A_941, %broadcast_in_dim3A_942 : vector<1024x128xi1>, vector<1024x128xf32>
    %jit3A_944 = arith.constant 4.400000e+01 : f32
    %jit3A_945 = arith.constant 4.500000e+01 : f32
    %broadcast_in_dim3A_946 = vector.broadcast %jit3A_944 : f32 to vector<1024x128xf32>
    %broadcast_in_dim3A_947 = vector.broadcast %jit3A_945 : f32 to vector<1024x128xf32>
    %select_n3A_948 = arith.select %lt3A_936, %broadcast_in_dim3A_946, %broadcast_in_dim3A_947 : vector<1024x128xi1>, vector<1024x128xf32>
    %lt3A_949 = arith.cmpf olt, %min3A_937, %select_n3A_919 : vector<1024x128xf32>
    %lt3A_950 = arith.cmpf olt, %min3A_937, %select_n3A_916 : vector<1024x128xf32>
    %lt3A_951 = arith.cmpf olt, %min3A_937, %select_n3A_912 : vector<1024x128xf32>
    %select_n3A_952 = arith.select %lt3A_950, %select_n3A_916, %min3A_937 : vector<1024x128xi1>, vector<1024x128xf32>
    %select_n3A_953 = arith.select %lt3A_951, %select_n3A_952, %select_n3A_912 : vector<1024x128xi1>, vector<1024x128xf32>
    %select_n3A_954 = arith.select %lt3A_950, %select_n3A_918, %select_n3A_943 : vector<1024x128xi1>, vector<1024x128xf32>
    %select_n3A_955 = arith.select %lt3A_951, %select_n3A_954, %select_n3A_914 : vector<1024x128xi1>, vector<1024x128xf32>
    %select_n3A_956 = arith.select %lt3A_949, %select_n3A_919, %min3A_937 : vector<1024x128xi1>, vector<1024x128xf32>
    %select_n3A_957 = arith.select %lt3A_950, %select_n3A_956, %select_n3A_916 : vector<1024x128xi1>, vector<1024x128xf32>
    %select_n3A_958 = arith.select %lt3A_949, %select_n3A_920, %select_n3A_943 : vector<1024x128xi1>, vector<1024x128xf32>
    %select_n3A_959 = arith.select %lt3A_950, %select_n3A_958, %select_n3A_918 : vector<1024x128xi1>, vector<1024x128xf32>
    %select_n3A_960 = arith.select %lt3A_949, %min3A_937, %select_n3A_919 : vector<1024x128xi1>, vector<1024x128xf32>
    %select_n3A_961 = arith.select %lt3A_949, %select_n3A_943, %select_n3A_920 : vector<1024x128xi1>, vector<1024x128xf32>
    %lt3A_962 = arith.cmpf olt, %max3A_938, %select_n3A_922 : vector<1024x128xf32>
    %select_n3A_963 = arith.select %lt3A_962, %max3A_938, %select_n3A_922 : vector<1024x128xi1>, vector<1024x128xf32>
    %select_n3A_964 = arith.select %lt3A_962, %select_n3A_948, %select_n3A_923 : vector<1024x128xi1>, vector<1024x128xf32>
    %slice3A_965 = vector.extract_strided_slice %dot_general3A_7 {offsets = [0, 5888], sizes = [1024, 128], strides = [1, 1]} : vector<1024x8192xf32> to vector<1024x128xf32>
    %add3A_966 = vector.broadcast %get3A_10 : vector<1024x1xf32> to vector<1024x128xf32>
    %add3A_967 = arith.addf %add3A_966, %slice3A_965 : vector<1024x128xf32>
    %slice3A_968 = vector.extract_strided_slice %get3A_13 {offsets = [0, 5888], sizes = [1, 128], strides = [1, 1]} : vector<1x8192xf32> to vector<1x128xf32>
    %add3A_969 = vector.broadcast %slice3A_968 : vector<1x128xf32> to vector<1024x128xf32>
    %add3A_970 = arith.addf %add3A_967, %add3A_969 : vector<1024x128xf32>
    %slice3A_971 = vector.extract_strided_slice %dot_general3A_7 {offsets = [0, 6016], sizes = [1024, 128], strides = [1, 1]} : vector<1024x8192xf32> to vector<1024x128xf32>
    %add3A_972 = vector.broadcast %get3A_10 : vector<1024x1xf32> to vector<1024x128xf32>
    %add3A_973 = arith.addf %add3A_972, %slice3A_971 : vector<1024x128xf32>
    %slice3A_974 = vector.extract_strided_slice %get3A_13 {offsets = [0, 6016], sizes = [1, 128], strides = [1, 1]} : vector<1x8192xf32> to vector<1x128xf32>
    %add3A_975 = vector.broadcast %slice3A_974 : vector<1x128xf32> to vector<1024x128xf32>
    %add3A_976 = arith.addf %add3A_973, %add3A_975 : vector<1024x128xf32>
    %lt3A_977 = arith.cmpf olt, %add3A_976, %add3A_970 : vector<1024x128xf32>
    %min3A_978 = arith.minimumf %add3A_970, %add3A_976 : vector<1024x128xf32>
    %max3A_979 = arith.maximumf %add3A_970, %add3A_976 : vector<1024x128xf32>
    %jit3A_980 = arith.constant 4.700000e+01 : f32
    %jit3A_981 = arith.constant 4.600000e+01 : f32
    %broadcast_in_dim3A_982 = vector.broadcast %jit3A_980 : f32 to vector<1024x128xf32>
    %broadcast_in_dim3A_983 = vector.broadcast %jit3A_981 : f32 to vector<1024x128xf32>
    %select_n3A_984 = arith.select %lt3A_977, %broadcast_in_dim3A_982, %broadcast_in_dim3A_983 : vector<1024x128xi1>, vector<1024x128xf32>
    %jit3A_985 = arith.constant 4.600000e+01 : f32
    %jit3A_986 = arith.constant 4.700000e+01 : f32
    %broadcast_in_dim3A_987 = vector.broadcast %jit3A_985 : f32 to vector<1024x128xf32>
    %broadcast_in_dim3A_988 = vector.broadcast %jit3A_986 : f32 to vector<1024x128xf32>
    %select_n3A_989 = arith.select %lt3A_977, %broadcast_in_dim3A_987, %broadcast_in_dim3A_988 : vector<1024x128xi1>, vector<1024x128xf32>
    %lt3A_990 = arith.cmpf olt, %min3A_978, %select_n3A_960 : vector<1024x128xf32>
    %lt3A_991 = arith.cmpf olt, %min3A_978, %select_n3A_957 : vector<1024x128xf32>
    %lt3A_992 = arith.cmpf olt, %min3A_978, %select_n3A_953 : vector<1024x128xf32>
    %select_n3A_993 = arith.select %lt3A_991, %select_n3A_957, %min3A_978 : vector<1024x128xi1>, vector<1024x128xf32>
    %select_n3A_994 = arith.select %lt3A_992, %select_n3A_993, %select_n3A_953 : vector<1024x128xi1>, vector<1024x128xf32>
    %select_n3A_995 = arith.select %lt3A_991, %select_n3A_959, %select_n3A_984 : vector<1024x128xi1>, vector<1024x128xf32>
    %select_n3A_996 = arith.select %lt3A_992, %select_n3A_995, %select_n3A_955 : vector<1024x128xi1>, vector<1024x128xf32>
    %select_n3A_997 = arith.select %lt3A_990, %select_n3A_960, %min3A_978 : vector<1024x128xi1>, vector<1024x128xf32>
    %select_n3A_998 = arith.select %lt3A_991, %select_n3A_997, %select_n3A_957 : vector<1024x128xi1>, vector<1024x128xf32>
    %select_n3A_999 = arith.select %lt3A_990, %select_n3A_961, %select_n3A_984 : vector<1024x128xi1>, vector<1024x128xf32>
    %select_n3A_1000 = arith.select %lt3A_991, %select_n3A_999, %select_n3A_959 : vector<1024x128xi1>, vector<1024x128xf32>
    %select_n3A_1001 = arith.select %lt3A_990, %min3A_978, %select_n3A_960 : vector<1024x128xi1>, vector<1024x128xf32>
    %select_n3A_1002 = arith.select %lt3A_990, %select_n3A_984, %select_n3A_961 : vector<1024x128xi1>, vector<1024x128xf32>
    %lt3A_1003 = arith.cmpf olt, %max3A_979, %select_n3A_963 : vector<1024x128xf32>
    %select_n3A_1004 = arith.select %lt3A_1003, %max3A_979, %select_n3A_963 : vector<1024x128xi1>, vector<1024x128xf32>
    %select_n3A_1005 = arith.select %lt3A_1003, %select_n3A_989, %select_n3A_964 : vector<1024x128xi1>, vector<1024x128xf32>
    %slice3A_1006 = vector.extract_strided_slice %dot_general3A_7 {offsets = [0, 6144], sizes = [1024, 128], strides = [1, 1]} : vector<1024x8192xf32> to vector<1024x128xf32>
    %add3A_1007 = vector.broadcast %get3A_10 : vector<1024x1xf32> to vector<1024x128xf32>
    %add3A_1008 = arith.addf %add3A_1007, %slice3A_1006 : vector<1024x128xf32>
    %slice3A_1009 = vector.extract_strided_slice %get3A_13 {offsets = [0, 6144], sizes = [1, 128], strides = [1, 1]} : vector<1x8192xf32> to vector<1x128xf32>
    %add3A_1010 = vector.broadcast %slice3A_1009 : vector<1x128xf32> to vector<1024x128xf32>
    %add3A_1011 = arith.addf %add3A_1008, %add3A_1010 : vector<1024x128xf32>
    %slice3A_1012 = vector.extract_strided_slice %dot_general3A_7 {offsets = [0, 6272], sizes = [1024, 128], strides = [1, 1]} : vector<1024x8192xf32> to vector<1024x128xf32>
    %add3A_1013 = vector.broadcast %get3A_10 : vector<1024x1xf32> to vector<1024x128xf32>
    %add3A_1014 = arith.addf %add3A_1013, %slice3A_1012 : vector<1024x128xf32>
    %slice3A_1015 = vector.extract_strided_slice %get3A_13 {offsets = [0, 6272], sizes = [1, 128], strides = [1, 1]} : vector<1x8192xf32> to vector<1x128xf32>
    %add3A_1016 = vector.broadcast %slice3A_1015 : vector<1x128xf32> to vector<1024x128xf32>
    %add3A_1017 = arith.addf %add3A_1014, %add3A_1016 : vector<1024x128xf32>
    %lt3A_1018 = arith.cmpf olt, %add3A_1017, %add3A_1011 : vector<1024x128xf32>
    %min3A_1019 = arith.minimumf %add3A_1011, %add3A_1017 : vector<1024x128xf32>
    %max3A_1020 = arith.maximumf %add3A_1011, %add3A_1017 : vector<1024x128xf32>
    %jit3A_1021 = arith.constant 4.900000e+01 : f32
    %jit3A_1022 = arith.constant 4.800000e+01 : f32
    %broadcast_in_dim3A_1023 = vector.broadcast %jit3A_1021 : f32 to vector<1024x128xf32>
    %broadcast_in_dim3A_1024 = vector.broadcast %jit3A_1022 : f32 to vector<1024x128xf32>
    %select_n3A_1025 = arith.select %lt3A_1018, %broadcast_in_dim3A_1023, %broadcast_in_dim3A_1024 : vector<1024x128xi1>, vector<1024x128xf32>
    %jit3A_1026 = arith.constant 4.800000e+01 : f32
    %jit3A_1027 = arith.constant 4.900000e+01 : f32
    %broadcast_in_dim3A_1028 = vector.broadcast %jit3A_1026 : f32 to vector<1024x128xf32>
    %broadcast_in_dim3A_1029 = vector.broadcast %jit3A_1027 : f32 to vector<1024x128xf32>
    %select_n3A_1030 = arith.select %lt3A_1018, %broadcast_in_dim3A_1028, %broadcast_in_dim3A_1029 : vector<1024x128xi1>, vector<1024x128xf32>
    %lt3A_1031 = arith.cmpf olt, %min3A_1019, %select_n3A_1001 : vector<1024x128xf32>
    %lt3A_1032 = arith.cmpf olt, %min3A_1019, %select_n3A_998 : vector<1024x128xf32>
    %lt3A_1033 = arith.cmpf olt, %min3A_1019, %select_n3A_994 : vector<1024x128xf32>
    %select_n3A_1034 = arith.select %lt3A_1032, %select_n3A_998, %min3A_1019 : vector<1024x128xi1>, vector<1024x128xf32>
    %select_n3A_1035 = arith.select %lt3A_1033, %select_n3A_1034, %select_n3A_994 : vector<1024x128xi1>, vector<1024x128xf32>
    %select_n3A_1036 = arith.select %lt3A_1032, %select_n3A_1000, %select_n3A_1025 : vector<1024x128xi1>, vector<1024x128xf32>
    %select_n3A_1037 = arith.select %lt3A_1033, %select_n3A_1036, %select_n3A_996 : vector<1024x128xi1>, vector<1024x128xf32>
    %select_n3A_1038 = arith.select %lt3A_1031, %select_n3A_1001, %min3A_1019 : vector<1024x128xi1>, vector<1024x128xf32>
    %select_n3A_1039 = arith.select %lt3A_1032, %select_n3A_1038, %select_n3A_998 : vector<1024x128xi1>, vector<1024x128xf32>
    %select_n3A_1040 = arith.select %lt3A_1031, %select_n3A_1002, %select_n3A_1025 : vector<1024x128xi1>, vector<1024x128xf32>
    %select_n3A_1041 = arith.select %lt3A_1032, %select_n3A_1040, %select_n3A_1000 : vector<1024x128xi1>, vector<1024x128xf32>
    %select_n3A_1042 = arith.select %lt3A_1031, %min3A_1019, %select_n3A_1001 : vector<1024x128xi1>, vector<1024x128xf32>
    %select_n3A_1043 = arith.select %lt3A_1031, %select_n3A_1025, %select_n3A_1002 : vector<1024x128xi1>, vector<1024x128xf32>
    %lt3A_1044 = arith.cmpf olt, %max3A_1020, %select_n3A_1004 : vector<1024x128xf32>
    %select_n3A_1045 = arith.select %lt3A_1044, %max3A_1020, %select_n3A_1004 : vector<1024x128xi1>, vector<1024x128xf32>
    %select_n3A_1046 = arith.select %lt3A_1044, %select_n3A_1030, %select_n3A_1005 : vector<1024x128xi1>, vector<1024x128xf32>
    %slice3A_1047 = vector.extract_strided_slice %dot_general3A_7 {offsets = [0, 6400], sizes = [1024, 128], strides = [1, 1]} : vector<1024x8192xf32> to vector<1024x128xf32>
    %add3A_1048 = vector.broadcast %get3A_10 : vector<1024x1xf32> to vector<1024x128xf32>
    %add3A_1049 = arith.addf %add3A_1048, %slice3A_1047 : vector<1024x128xf32>
    %slice3A_1050 = vector.extract_strided_slice %get3A_13 {offsets = [0, 6400], sizes = [1, 128], strides = [1, 1]} : vector<1x8192xf32> to vector<1x128xf32>
    %add3A_1051 = vector.broadcast %slice3A_1050 : vector<1x128xf32> to vector<1024x128xf32>
    %add3A_1052 = arith.addf %add3A_1049, %add3A_1051 : vector<1024x128xf32>
    %slice3A_1053 = vector.extract_strided_slice %dot_general3A_7 {offsets = [0, 6528], sizes = [1024, 128], strides = [1, 1]} : vector<1024x8192xf32> to vector<1024x128xf32>
    %add3A_1054 = vector.broadcast %get3A_10 : vector<1024x1xf32> to vector<1024x128xf32>
    %add3A_1055 = arith.addf %add3A_1054, %slice3A_1053 : vector<1024x128xf32>
    %slice3A_1056 = vector.extract_strided_slice %get3A_13 {offsets = [0, 6528], sizes = [1, 128], strides = [1, 1]} : vector<1x8192xf32> to vector<1x128xf32>
    %add3A_1057 = vector.broadcast %slice3A_1056 : vector<1x128xf32> to vector<1024x128xf32>
    %add3A_1058 = arith.addf %add3A_1055, %add3A_1057 : vector<1024x128xf32>
    %lt3A_1059 = arith.cmpf olt, %add3A_1058, %add3A_1052 : vector<1024x128xf32>
    %min3A_1060 = arith.minimumf %add3A_1052, %add3A_1058 : vector<1024x128xf32>
    %max3A_1061 = arith.maximumf %add3A_1052, %add3A_1058 : vector<1024x128xf32>
    %jit3A_1062 = arith.constant 5.100000e+01 : f32
    %jit3A_1063 = arith.constant 5.000000e+01 : f32
    %broadcast_in_dim3A_1064 = vector.broadcast %jit3A_1062 : f32 to vector<1024x128xf32>
    %broadcast_in_dim3A_1065 = vector.broadcast %jit3A_1063 : f32 to vector<1024x128xf32>
    %select_n3A_1066 = arith.select %lt3A_1059, %broadcast_in_dim3A_1064, %broadcast_in_dim3A_1065 : vector<1024x128xi1>, vector<1024x128xf32>
    %jit3A_1067 = arith.constant 5.000000e+01 : f32
    %jit3A_1068 = arith.constant 5.100000e+01 : f32
    %broadcast_in_dim3A_1069 = vector.broadcast %jit3A_1067 : f32 to vector<1024x128xf32>
    %broadcast_in_dim3A_1070 = vector.broadcast %jit3A_1068 : f32 to vector<1024x128xf32>
    %select_n3A_1071 = arith.select %lt3A_1059, %broadcast_in_dim3A_1069, %broadcast_in_dim3A_1070 : vector<1024x128xi1>, vector<1024x128xf32>
    %lt3A_1072 = arith.cmpf olt, %min3A_1060, %select_n3A_1042 : vector<1024x128xf32>
    %lt3A_1073 = arith.cmpf olt, %min3A_1060, %select_n3A_1039 : vector<1024x128xf32>
    %lt3A_1074 = arith.cmpf olt, %min3A_1060, %select_n3A_1035 : vector<1024x128xf32>
    %select_n3A_1075 = arith.select %lt3A_1073, %select_n3A_1039, %min3A_1060 : vector<1024x128xi1>, vector<1024x128xf32>
    %select_n3A_1076 = arith.select %lt3A_1074, %select_n3A_1075, %select_n3A_1035 : vector<1024x128xi1>, vector<1024x128xf32>
    %select_n3A_1077 = arith.select %lt3A_1073, %select_n3A_1041, %select_n3A_1066 : vector<1024x128xi1>, vector<1024x128xf32>
    %select_n3A_1078 = arith.select %lt3A_1074, %select_n3A_1077, %select_n3A_1037 : vector<1024x128xi1>, vector<1024x128xf32>
    %select_n3A_1079 = arith.select %lt3A_1072, %select_n3A_1042, %min3A_1060 : vector<1024x128xi1>, vector<1024x128xf32>
    %select_n3A_1080 = arith.select %lt3A_1073, %select_n3A_1079, %select_n3A_1039 : vector<1024x128xi1>, vector<1024x128xf32>
    %select_n3A_1081 = arith.select %lt3A_1072, %select_n3A_1043, %select_n3A_1066 : vector<1024x128xi1>, vector<1024x128xf32>
    %select_n3A_1082 = arith.select %lt3A_1073, %select_n3A_1081, %select_n3A_1041 : vector<1024x128xi1>, vector<1024x128xf32>
    %select_n3A_1083 = arith.select %lt3A_1072, %min3A_1060, %select_n3A_1042 : vector<1024x128xi1>, vector<1024x128xf32>
    %select_n3A_1084 = arith.select %lt3A_1072, %select_n3A_1066, %select_n3A_1043 : vector<1024x128xi1>, vector<1024x128xf32>
    %lt3A_1085 = arith.cmpf olt, %max3A_1061, %select_n3A_1045 : vector<1024x128xf32>
    %select_n3A_1086 = arith.select %lt3A_1085, %max3A_1061, %select_n3A_1045 : vector<1024x128xi1>, vector<1024x128xf32>
    %select_n3A_1087 = arith.select %lt3A_1085, %select_n3A_1071, %select_n3A_1046 : vector<1024x128xi1>, vector<1024x128xf32>
    %slice3A_1088 = vector.extract_strided_slice %dot_general3A_7 {offsets = [0, 6656], sizes = [1024, 128], strides = [1, 1]} : vector<1024x8192xf32> to vector<1024x128xf32>
    %add3A_1089 = vector.broadcast %get3A_10 : vector<1024x1xf32> to vector<1024x128xf32>
    %add3A_1090 = arith.addf %add3A_1089, %slice3A_1088 : vector<1024x128xf32>
    %slice3A_1091 = vector.extract_strided_slice %get3A_13 {offsets = [0, 6656], sizes = [1, 128], strides = [1, 1]} : vector<1x8192xf32> to vector<1x128xf32>
    %add3A_1092 = vector.broadcast %slice3A_1091 : vector<1x128xf32> to vector<1024x128xf32>
    %add3A_1093 = arith.addf %add3A_1090, %add3A_1092 : vector<1024x128xf32>
    %slice3A_1094 = vector.extract_strided_slice %dot_general3A_7 {offsets = [0, 6784], sizes = [1024, 128], strides = [1, 1]} : vector<1024x8192xf32> to vector<1024x128xf32>
    %add3A_1095 = vector.broadcast %get3A_10 : vector<1024x1xf32> to vector<1024x128xf32>
    %add3A_1096 = arith.addf %add3A_1095, %slice3A_1094 : vector<1024x128xf32>
    %slice3A_1097 = vector.extract_strided_slice %get3A_13 {offsets = [0, 6784], sizes = [1, 128], strides = [1, 1]} : vector<1x8192xf32> to vector<1x128xf32>
    %add3A_1098 = vector.broadcast %slice3A_1097 : vector<1x128xf32> to vector<1024x128xf32>
    %add3A_1099 = arith.addf %add3A_1096, %add3A_1098 : vector<1024x128xf32>
    %lt3A_1100 = arith.cmpf olt, %add3A_1099, %add3A_1093 : vector<1024x128xf32>
    %min3A_1101 = arith.minimumf %add3A_1093, %add3A_1099 : vector<1024x128xf32>
    %max3A_1102 = arith.maximumf %add3A_1093, %add3A_1099 : vector<1024x128xf32>
    %jit3A_1103 = arith.constant 5.300000e+01 : f32
    %jit3A_1104 = arith.constant 5.200000e+01 : f32
    %broadcast_in_dim3A_1105 = vector.broadcast %jit3A_1103 : f32 to vector<1024x128xf32>
    %broadcast_in_dim3A_1106 = vector.broadcast %jit3A_1104 : f32 to vector<1024x128xf32>
    %select_n3A_1107 = arith.select %lt3A_1100, %broadcast_in_dim3A_1105, %broadcast_in_dim3A_1106 : vector<1024x128xi1>, vector<1024x128xf32>
    %jit3A_1108 = arith.constant 5.200000e+01 : f32
    %jit3A_1109 = arith.constant 5.300000e+01 : f32
    %broadcast_in_dim3A_1110 = vector.broadcast %jit3A_1108 : f32 to vector<1024x128xf32>
    %broadcast_in_dim3A_1111 = vector.broadcast %jit3A_1109 : f32 to vector<1024x128xf32>
    %select_n3A_1112 = arith.select %lt3A_1100, %broadcast_in_dim3A_1110, %broadcast_in_dim3A_1111 : vector<1024x128xi1>, vector<1024x128xf32>
    %lt3A_1113 = arith.cmpf olt, %min3A_1101, %select_n3A_1083 : vector<1024x128xf32>
    %lt3A_1114 = arith.cmpf olt, %min3A_1101, %select_n3A_1080 : vector<1024x128xf32>
    %lt3A_1115 = arith.cmpf olt, %min3A_1101, %select_n3A_1076 : vector<1024x128xf32>
    %select_n3A_1116 = arith.select %lt3A_1114, %select_n3A_1080, %min3A_1101 : vector<1024x128xi1>, vector<1024x128xf32>
    %select_n3A_1117 = arith.select %lt3A_1115, %select_n3A_1116, %select_n3A_1076 : vector<1024x128xi1>, vector<1024x128xf32>
    %select_n3A_1118 = arith.select %lt3A_1114, %select_n3A_1082, %select_n3A_1107 : vector<1024x128xi1>, vector<1024x128xf32>
    %select_n3A_1119 = arith.select %lt3A_1115, %select_n3A_1118, %select_n3A_1078 : vector<1024x128xi1>, vector<1024x128xf32>
    %select_n3A_1120 = arith.select %lt3A_1113, %select_n3A_1083, %min3A_1101 : vector<1024x128xi1>, vector<1024x128xf32>
    %select_n3A_1121 = arith.select %lt3A_1114, %select_n3A_1120, %select_n3A_1080 : vector<1024x128xi1>, vector<1024x128xf32>
    %select_n3A_1122 = arith.select %lt3A_1113, %select_n3A_1084, %select_n3A_1107 : vector<1024x128xi1>, vector<1024x128xf32>
    %select_n3A_1123 = arith.select %lt3A_1114, %select_n3A_1122, %select_n3A_1082 : vector<1024x128xi1>, vector<1024x128xf32>
    %select_n3A_1124 = arith.select %lt3A_1113, %min3A_1101, %select_n3A_1083 : vector<1024x128xi1>, vector<1024x128xf32>
    %select_n3A_1125 = arith.select %lt3A_1113, %select_n3A_1107, %select_n3A_1084 : vector<1024x128xi1>, vector<1024x128xf32>
    %lt3A_1126 = arith.cmpf olt, %max3A_1102, %select_n3A_1086 : vector<1024x128xf32>
    %select_n3A_1127 = arith.select %lt3A_1126, %max3A_1102, %select_n3A_1086 : vector<1024x128xi1>, vector<1024x128xf32>
    %select_n3A_1128 = arith.select %lt3A_1126, %select_n3A_1112, %select_n3A_1087 : vector<1024x128xi1>, vector<1024x128xf32>
    %slice3A_1129 = vector.extract_strided_slice %dot_general3A_7 {offsets = [0, 6912], sizes = [1024, 128], strides = [1, 1]} : vector<1024x8192xf32> to vector<1024x128xf32>
    %add3A_1130 = vector.broadcast %get3A_10 : vector<1024x1xf32> to vector<1024x128xf32>
    %add3A_1131 = arith.addf %add3A_1130, %slice3A_1129 : vector<1024x128xf32>
    %slice3A_1132 = vector.extract_strided_slice %get3A_13 {offsets = [0, 6912], sizes = [1, 128], strides = [1, 1]} : vector<1x8192xf32> to vector<1x128xf32>
    %add3A_1133 = vector.broadcast %slice3A_1132 : vector<1x128xf32> to vector<1024x128xf32>
    %add3A_1134 = arith.addf %add3A_1131, %add3A_1133 : vector<1024x128xf32>
    %slice3A_1135 = vector.extract_strided_slice %dot_general3A_7 {offsets = [0, 7040], sizes = [1024, 128], strides = [1, 1]} : vector<1024x8192xf32> to vector<1024x128xf32>
    %add3A_1136 = vector.broadcast %get3A_10 : vector<1024x1xf32> to vector<1024x128xf32>
    %add3A_1137 = arith.addf %add3A_1136, %slice3A_1135 : vector<1024x128xf32>
    %slice3A_1138 = vector.extract_strided_slice %get3A_13 {offsets = [0, 7040], sizes = [1, 128], strides = [1, 1]} : vector<1x8192xf32> to vector<1x128xf32>
    %add3A_1139 = vector.broadcast %slice3A_1138 : vector<1x128xf32> to vector<1024x128xf32>
    %add3A_1140 = arith.addf %add3A_1137, %add3A_1139 : vector<1024x128xf32>
    %lt3A_1141 = arith.cmpf olt, %add3A_1140, %add3A_1134 : vector<1024x128xf32>
    %min3A_1142 = arith.minimumf %add3A_1134, %add3A_1140 : vector<1024x128xf32>
    %max3A_1143 = arith.maximumf %add3A_1134, %add3A_1140 : vector<1024x128xf32>
    %jit3A_1144 = arith.constant 5.500000e+01 : f32
    %jit3A_1145 = arith.constant 5.400000e+01 : f32
    %broadcast_in_dim3A_1146 = vector.broadcast %jit3A_1144 : f32 to vector<1024x128xf32>
    %broadcast_in_dim3A_1147 = vector.broadcast %jit3A_1145 : f32 to vector<1024x128xf32>
    %select_n3A_1148 = arith.select %lt3A_1141, %broadcast_in_dim3A_1146, %broadcast_in_dim3A_1147 : vector<1024x128xi1>, vector<1024x128xf32>
    %jit3A_1149 = arith.constant 5.400000e+01 : f32
    %jit3A_1150 = arith.constant 5.500000e+01 : f32
    %broadcast_in_dim3A_1151 = vector.broadcast %jit3A_1149 : f32 to vector<1024x128xf32>
    %broadcast_in_dim3A_1152 = vector.broadcast %jit3A_1150 : f32 to vector<1024x128xf32>
    %select_n3A_1153 = arith.select %lt3A_1141, %broadcast_in_dim3A_1151, %broadcast_in_dim3A_1152 : vector<1024x128xi1>, vector<1024x128xf32>
    %lt3A_1154 = arith.cmpf olt, %min3A_1142, %select_n3A_1124 : vector<1024x128xf32>
    %lt3A_1155 = arith.cmpf olt, %min3A_1142, %select_n3A_1121 : vector<1024x128xf32>
    %lt3A_1156 = arith.cmpf olt, %min3A_1142, %select_n3A_1117 : vector<1024x128xf32>
    %select_n3A_1157 = arith.select %lt3A_1155, %select_n3A_1121, %min3A_1142 : vector<1024x128xi1>, vector<1024x128xf32>
    %select_n3A_1158 = arith.select %lt3A_1156, %select_n3A_1157, %select_n3A_1117 : vector<1024x128xi1>, vector<1024x128xf32>
    %select_n3A_1159 = arith.select %lt3A_1155, %select_n3A_1123, %select_n3A_1148 : vector<1024x128xi1>, vector<1024x128xf32>
    %select_n3A_1160 = arith.select %lt3A_1156, %select_n3A_1159, %select_n3A_1119 : vector<1024x128xi1>, vector<1024x128xf32>
    %select_n3A_1161 = arith.select %lt3A_1154, %select_n3A_1124, %min3A_1142 : vector<1024x128xi1>, vector<1024x128xf32>
    %select_n3A_1162 = arith.select %lt3A_1155, %select_n3A_1161, %select_n3A_1121 : vector<1024x128xi1>, vector<1024x128xf32>
    %select_n3A_1163 = arith.select %lt3A_1154, %select_n3A_1125, %select_n3A_1148 : vector<1024x128xi1>, vector<1024x128xf32>
    %select_n3A_1164 = arith.select %lt3A_1155, %select_n3A_1163, %select_n3A_1123 : vector<1024x128xi1>, vector<1024x128xf32>
    %select_n3A_1165 = arith.select %lt3A_1154, %min3A_1142, %select_n3A_1124 : vector<1024x128xi1>, vector<1024x128xf32>
    %select_n3A_1166 = arith.select %lt3A_1154, %select_n3A_1148, %select_n3A_1125 : vector<1024x128xi1>, vector<1024x128xf32>
    %lt3A_1167 = arith.cmpf olt, %max3A_1143, %select_n3A_1127 : vector<1024x128xf32>
    %select_n3A_1168 = arith.select %lt3A_1167, %max3A_1143, %select_n3A_1127 : vector<1024x128xi1>, vector<1024x128xf32>
    %select_n3A_1169 = arith.select %lt3A_1167, %select_n3A_1153, %select_n3A_1128 : vector<1024x128xi1>, vector<1024x128xf32>
    %slice3A_1170 = vector.extract_strided_slice %dot_general3A_7 {offsets = [0, 7168], sizes = [1024, 128], strides = [1, 1]} : vector<1024x8192xf32> to vector<1024x128xf32>
    %add3A_1171 = vector.broadcast %get3A_10 : vector<1024x1xf32> to vector<1024x128xf32>
    %add3A_1172 = arith.addf %add3A_1171, %slice3A_1170 : vector<1024x128xf32>
    %slice3A_1173 = vector.extract_strided_slice %get3A_13 {offsets = [0, 7168], sizes = [1, 128], strides = [1, 1]} : vector<1x8192xf32> to vector<1x128xf32>
    %add3A_1174 = vector.broadcast %slice3A_1173 : vector<1x128xf32> to vector<1024x128xf32>
    %add3A_1175 = arith.addf %add3A_1172, %add3A_1174 : vector<1024x128xf32>
    %slice3A_1176 = vector.extract_strided_slice %dot_general3A_7 {offsets = [0, 7296], sizes = [1024, 128], strides = [1, 1]} : vector<1024x8192xf32> to vector<1024x128xf32>
    %add3A_1177 = vector.broadcast %get3A_10 : vector<1024x1xf32> to vector<1024x128xf32>
    %add3A_1178 = arith.addf %add3A_1177, %slice3A_1176 : vector<1024x128xf32>
    %slice3A_1179 = vector.extract_strided_slice %get3A_13 {offsets = [0, 7296], sizes = [1, 128], strides = [1, 1]} : vector<1x8192xf32> to vector<1x128xf32>
    %add3A_1180 = vector.broadcast %slice3A_1179 : vector<1x128xf32> to vector<1024x128xf32>
    %add3A_1181 = arith.addf %add3A_1178, %add3A_1180 : vector<1024x128xf32>
    %lt3A_1182 = arith.cmpf olt, %add3A_1181, %add3A_1175 : vector<1024x128xf32>
    %min3A_1183 = arith.minimumf %add3A_1175, %add3A_1181 : vector<1024x128xf32>
    %max3A_1184 = arith.maximumf %add3A_1175, %add3A_1181 : vector<1024x128xf32>
    %jit3A_1185 = arith.constant 5.700000e+01 : f32
    %jit3A_1186 = arith.constant 5.600000e+01 : f32
    %broadcast_in_dim3A_1187 = vector.broadcast %jit3A_1185 : f32 to vector<1024x128xf32>
    %broadcast_in_dim3A_1188 = vector.broadcast %jit3A_1186 : f32 to vector<1024x128xf32>
    %select_n3A_1189 = arith.select %lt3A_1182, %broadcast_in_dim3A_1187, %broadcast_in_dim3A_1188 : vector<1024x128xi1>, vector<1024x128xf32>
    %jit3A_1190 = arith.constant 5.600000e+01 : f32
    %jit3A_1191 = arith.constant 5.700000e+01 : f32
    %broadcast_in_dim3A_1192 = vector.broadcast %jit3A_1190 : f32 to vector<1024x128xf32>
    %broadcast_in_dim3A_1193 = vector.broadcast %jit3A_1191 : f32 to vector<1024x128xf32>
    %select_n3A_1194 = arith.select %lt3A_1182, %broadcast_in_dim3A_1192, %broadcast_in_dim3A_1193 : vector<1024x128xi1>, vector<1024x128xf32>
    %lt3A_1195 = arith.cmpf olt, %min3A_1183, %select_n3A_1165 : vector<1024x128xf32>
    %lt3A_1196 = arith.cmpf olt, %min3A_1183, %select_n3A_1162 : vector<1024x128xf32>
    %lt3A_1197 = arith.cmpf olt, %min3A_1183, %select_n3A_1158 : vector<1024x128xf32>
    %select_n3A_1198 = arith.select %lt3A_1196, %select_n3A_1162, %min3A_1183 : vector<1024x128xi1>, vector<1024x128xf32>
    %select_n3A_1199 = arith.select %lt3A_1197, %select_n3A_1198, %select_n3A_1158 : vector<1024x128xi1>, vector<1024x128xf32>
    %select_n3A_1200 = arith.select %lt3A_1196, %select_n3A_1164, %select_n3A_1189 : vector<1024x128xi1>, vector<1024x128xf32>
    %select_n3A_1201 = arith.select %lt3A_1197, %select_n3A_1200, %select_n3A_1160 : vector<1024x128xi1>, vector<1024x128xf32>
    %select_n3A_1202 = arith.select %lt3A_1195, %select_n3A_1165, %min3A_1183 : vector<1024x128xi1>, vector<1024x128xf32>
    %select_n3A_1203 = arith.select %lt3A_1196, %select_n3A_1202, %select_n3A_1162 : vector<1024x128xi1>, vector<1024x128xf32>
    %select_n3A_1204 = arith.select %lt3A_1195, %select_n3A_1166, %select_n3A_1189 : vector<1024x128xi1>, vector<1024x128xf32>
    %select_n3A_1205 = arith.select %lt3A_1196, %select_n3A_1204, %select_n3A_1164 : vector<1024x128xi1>, vector<1024x128xf32>
    %select_n3A_1206 = arith.select %lt3A_1195, %min3A_1183, %select_n3A_1165 : vector<1024x128xi1>, vector<1024x128xf32>
    %select_n3A_1207 = arith.select %lt3A_1195, %select_n3A_1189, %select_n3A_1166 : vector<1024x128xi1>, vector<1024x128xf32>
    %lt3A_1208 = arith.cmpf olt, %max3A_1184, %select_n3A_1168 : vector<1024x128xf32>
    %select_n3A_1209 = arith.select %lt3A_1208, %max3A_1184, %select_n3A_1168 : vector<1024x128xi1>, vector<1024x128xf32>
    %select_n3A_1210 = arith.select %lt3A_1208, %select_n3A_1194, %select_n3A_1169 : vector<1024x128xi1>, vector<1024x128xf32>
    %slice3A_1211 = vector.extract_strided_slice %dot_general3A_7 {offsets = [0, 7424], sizes = [1024, 128], strides = [1, 1]} : vector<1024x8192xf32> to vector<1024x128xf32>
    %add3A_1212 = vector.broadcast %get3A_10 : vector<1024x1xf32> to vector<1024x128xf32>
    %add3A_1213 = arith.addf %add3A_1212, %slice3A_1211 : vector<1024x128xf32>
    %slice3A_1214 = vector.extract_strided_slice %get3A_13 {offsets = [0, 7424], sizes = [1, 128], strides = [1, 1]} : vector<1x8192xf32> to vector<1x128xf32>
    %add3A_1215 = vector.broadcast %slice3A_1214 : vector<1x128xf32> to vector<1024x128xf32>
    %add3A_1216 = arith.addf %add3A_1213, %add3A_1215 : vector<1024x128xf32>
    %slice3A_1217 = vector.extract_strided_slice %dot_general3A_7 {offsets = [0, 7552], sizes = [1024, 128], strides = [1, 1]} : vector<1024x8192xf32> to vector<1024x128xf32>
    %add3A_1218 = vector.broadcast %get3A_10 : vector<1024x1xf32> to vector<1024x128xf32>
    %add3A_1219 = arith.addf %add3A_1218, %slice3A_1217 : vector<1024x128xf32>
    %slice3A_1220 = vector.extract_strided_slice %get3A_13 {offsets = [0, 7552], sizes = [1, 128], strides = [1, 1]} : vector<1x8192xf32> to vector<1x128xf32>
    %add3A_1221 = vector.broadcast %slice3A_1220 : vector<1x128xf32> to vector<1024x128xf32>
    %add3A_1222 = arith.addf %add3A_1219, %add3A_1221 : vector<1024x128xf32>
    %lt3A_1223 = arith.cmpf olt, %add3A_1222, %add3A_1216 : vector<1024x128xf32>
    %min3A_1224 = arith.minimumf %add3A_1216, %add3A_1222 : vector<1024x128xf32>
    %max3A_1225 = arith.maximumf %add3A_1216, %add3A_1222 : vector<1024x128xf32>
    %jit3A_1226 = arith.constant 5.900000e+01 : f32
    %jit3A_1227 = arith.constant 5.800000e+01 : f32
    %broadcast_in_dim3A_1228 = vector.broadcast %jit3A_1226 : f32 to vector<1024x128xf32>
    %broadcast_in_dim3A_1229 = vector.broadcast %jit3A_1227 : f32 to vector<1024x128xf32>
    %select_n3A_1230 = arith.select %lt3A_1223, %broadcast_in_dim3A_1228, %broadcast_in_dim3A_1229 : vector<1024x128xi1>, vector<1024x128xf32>
    %jit3A_1231 = arith.constant 5.800000e+01 : f32
    %jit3A_1232 = arith.constant 5.900000e+01 : f32
    %broadcast_in_dim3A_1233 = vector.broadcast %jit3A_1231 : f32 to vector<1024x128xf32>
    %broadcast_in_dim3A_1234 = vector.broadcast %jit3A_1232 : f32 to vector<1024x128xf32>
    %select_n3A_1235 = arith.select %lt3A_1223, %broadcast_in_dim3A_1233, %broadcast_in_dim3A_1234 : vector<1024x128xi1>, vector<1024x128xf32>
    %lt3A_1236 = arith.cmpf olt, %min3A_1224, %select_n3A_1206 : vector<1024x128xf32>
    %lt3A_1237 = arith.cmpf olt, %min3A_1224, %select_n3A_1203 : vector<1024x128xf32>
    %lt3A_1238 = arith.cmpf olt, %min3A_1224, %select_n3A_1199 : vector<1024x128xf32>
    %select_n3A_1239 = arith.select %lt3A_1237, %select_n3A_1203, %min3A_1224 : vector<1024x128xi1>, vector<1024x128xf32>
    %select_n3A_1240 = arith.select %lt3A_1238, %select_n3A_1239, %select_n3A_1199 : vector<1024x128xi1>, vector<1024x128xf32>
    %select_n3A_1241 = arith.select %lt3A_1237, %select_n3A_1205, %select_n3A_1230 : vector<1024x128xi1>, vector<1024x128xf32>
    %select_n3A_1242 = arith.select %lt3A_1238, %select_n3A_1241, %select_n3A_1201 : vector<1024x128xi1>, vector<1024x128xf32>
    %select_n3A_1243 = arith.select %lt3A_1236, %select_n3A_1206, %min3A_1224 : vector<1024x128xi1>, vector<1024x128xf32>
    %select_n3A_1244 = arith.select %lt3A_1237, %select_n3A_1243, %select_n3A_1203 : vector<1024x128xi1>, vector<1024x128xf32>
    %select_n3A_1245 = arith.select %lt3A_1236, %select_n3A_1207, %select_n3A_1230 : vector<1024x128xi1>, vector<1024x128xf32>
    %select_n3A_1246 = arith.select %lt3A_1237, %select_n3A_1245, %select_n3A_1205 : vector<1024x128xi1>, vector<1024x128xf32>
    %select_n3A_1247 = arith.select %lt3A_1236, %min3A_1224, %select_n3A_1206 : vector<1024x128xi1>, vector<1024x128xf32>
    %select_n3A_1248 = arith.select %lt3A_1236, %select_n3A_1230, %select_n3A_1207 : vector<1024x128xi1>, vector<1024x128xf32>
    %lt3A_1249 = arith.cmpf olt, %max3A_1225, %select_n3A_1209 : vector<1024x128xf32>
    %select_n3A_1250 = arith.select %lt3A_1249, %max3A_1225, %select_n3A_1209 : vector<1024x128xi1>, vector<1024x128xf32>
    %select_n3A_1251 = arith.select %lt3A_1249, %select_n3A_1235, %select_n3A_1210 : vector<1024x128xi1>, vector<1024x128xf32>
    %slice3A_1252 = vector.extract_strided_slice %dot_general3A_7 {offsets = [0, 7680], sizes = [1024, 128], strides = [1, 1]} : vector<1024x8192xf32> to vector<1024x128xf32>
    %add3A_1253 = vector.broadcast %get3A_10 : vector<1024x1xf32> to vector<1024x128xf32>
    %add3A_1254 = arith.addf %add3A_1253, %slice3A_1252 : vector<1024x128xf32>
    %slice3A_1255 = vector.extract_strided_slice %get3A_13 {offsets = [0, 7680], sizes = [1, 128], strides = [1, 1]} : vector<1x8192xf32> to vector<1x128xf32>
    %add3A_1256 = vector.broadcast %slice3A_1255 : vector<1x128xf32> to vector<1024x128xf32>
    %add3A_1257 = arith.addf %add3A_1254, %add3A_1256 : vector<1024x128xf32>
    %slice3A_1258 = vector.extract_strided_slice %dot_general3A_7 {offsets = [0, 7808], sizes = [1024, 128], strides = [1, 1]} : vector<1024x8192xf32> to vector<1024x128xf32>
    %add3A_1259 = vector.broadcast %get3A_10 : vector<1024x1xf32> to vector<1024x128xf32>
    %add3A_1260 = arith.addf %add3A_1259, %slice3A_1258 : vector<1024x128xf32>
    %slice3A_1261 = vector.extract_strided_slice %get3A_13 {offsets = [0, 7808], sizes = [1, 128], strides = [1, 1]} : vector<1x8192xf32> to vector<1x128xf32>
    %add3A_1262 = vector.broadcast %slice3A_1261 : vector<1x128xf32> to vector<1024x128xf32>
    %add3A_1263 = arith.addf %add3A_1260, %add3A_1262 : vector<1024x128xf32>
    %lt3A_1264 = arith.cmpf olt, %add3A_1263, %add3A_1257 : vector<1024x128xf32>
    %min3A_1265 = arith.minimumf %add3A_1257, %add3A_1263 : vector<1024x128xf32>
    %max3A_1266 = arith.maximumf %add3A_1257, %add3A_1263 : vector<1024x128xf32>
    %jit3A_1267 = arith.constant 6.100000e+01 : f32
    %jit3A_1268 = arith.constant 6.000000e+01 : f32
    %broadcast_in_dim3A_1269 = vector.broadcast %jit3A_1267 : f32 to vector<1024x128xf32>
    %broadcast_in_dim3A_1270 = vector.broadcast %jit3A_1268 : f32 to vector<1024x128xf32>
    %select_n3A_1271 = arith.select %lt3A_1264, %broadcast_in_dim3A_1269, %broadcast_in_dim3A_1270 : vector<1024x128xi1>, vector<1024x128xf32>
    %jit3A_1272 = arith.constant 6.000000e+01 : f32
    %jit3A_1273 = arith.constant 6.100000e+01 : f32
    %broadcast_in_dim3A_1274 = vector.broadcast %jit3A_1272 : f32 to vector<1024x128xf32>
    %broadcast_in_dim3A_1275 = vector.broadcast %jit3A_1273 : f32 to vector<1024x128xf32>
    %select_n3A_1276 = arith.select %lt3A_1264, %broadcast_in_dim3A_1274, %broadcast_in_dim3A_1275 : vector<1024x128xi1>, vector<1024x128xf32>
    %lt3A_1277 = arith.cmpf olt, %min3A_1265, %select_n3A_1247 : vector<1024x128xf32>
    %lt3A_1278 = arith.cmpf olt, %min3A_1265, %select_n3A_1244 : vector<1024x128xf32>
    %lt3A_1279 = arith.cmpf olt, %min3A_1265, %select_n3A_1240 : vector<1024x128xf32>
    %select_n3A_1280 = arith.select %lt3A_1278, %select_n3A_1244, %min3A_1265 : vector<1024x128xi1>, vector<1024x128xf32>
    %select_n3A_1281 = arith.select %lt3A_1279, %select_n3A_1280, %select_n3A_1240 : vector<1024x128xi1>, vector<1024x128xf32>
    %select_n3A_1282 = arith.select %lt3A_1278, %select_n3A_1246, %select_n3A_1271 : vector<1024x128xi1>, vector<1024x128xf32>
    %select_n3A_1283 = arith.select %lt3A_1279, %select_n3A_1282, %select_n3A_1242 : vector<1024x128xi1>, vector<1024x128xf32>
    %select_n3A_1284 = arith.select %lt3A_1277, %select_n3A_1247, %min3A_1265 : vector<1024x128xi1>, vector<1024x128xf32>
    %select_n3A_1285 = arith.select %lt3A_1278, %select_n3A_1284, %select_n3A_1244 : vector<1024x128xi1>, vector<1024x128xf32>
    %select_n3A_1286 = arith.select %lt3A_1277, %select_n3A_1248, %select_n3A_1271 : vector<1024x128xi1>, vector<1024x128xf32>
    %select_n3A_1287 = arith.select %lt3A_1278, %select_n3A_1286, %select_n3A_1246 : vector<1024x128xi1>, vector<1024x128xf32>
    %select_n3A_1288 = arith.select %lt3A_1277, %min3A_1265, %select_n3A_1247 : vector<1024x128xi1>, vector<1024x128xf32>
    %select_n3A_1289 = arith.select %lt3A_1277, %select_n3A_1271, %select_n3A_1248 : vector<1024x128xi1>, vector<1024x128xf32>
    %lt3A_1290 = arith.cmpf olt, %max3A_1266, %select_n3A_1250 : vector<1024x128xf32>
    %select_n3A_1291 = arith.select %lt3A_1290, %max3A_1266, %select_n3A_1250 : vector<1024x128xi1>, vector<1024x128xf32>
    %select_n3A_1292 = arith.select %lt3A_1290, %select_n3A_1276, %select_n3A_1251 : vector<1024x128xi1>, vector<1024x128xf32>
    %slice3A_1293 = vector.extract_strided_slice %dot_general3A_7 {offsets = [0, 7936], sizes = [1024, 128], strides = [1, 1]} : vector<1024x8192xf32> to vector<1024x128xf32>
    %add3A_1294 = vector.broadcast %get3A_10 : vector<1024x1xf32> to vector<1024x128xf32>
    %add3A_1295 = arith.addf %add3A_1294, %slice3A_1293 : vector<1024x128xf32>
    %slice3A_1296 = vector.extract_strided_slice %get3A_13 {offsets = [0, 7936], sizes = [1, 128], strides = [1, 1]} : vector<1x8192xf32> to vector<1x128xf32>
    %add3A_1297 = vector.broadcast %slice3A_1296 : vector<1x128xf32> to vector<1024x128xf32>
    %add3A_1298 = arith.addf %add3A_1295, %add3A_1297 : vector<1024x128xf32>
    %slice3A_1299 = vector.extract_strided_slice %dot_general3A_7 {offsets = [0, 8064], sizes = [1024, 128], strides = [1, 1]} : vector<1024x8192xf32> to vector<1024x128xf32>
    %add3A_1300 = vector.broadcast %get3A_10 : vector<1024x1xf32> to vector<1024x128xf32>
    %add3A_1301 = arith.addf %add3A_1300, %slice3A_1299 : vector<1024x128xf32>
    %slice3A_1302 = vector.extract_strided_slice %get3A_13 {offsets = [0, 8064], sizes = [1, 128], strides = [1, 1]} : vector<1x8192xf32> to vector<1x128xf32>
    %add3A_1303 = vector.broadcast %slice3A_1302 : vector<1x128xf32> to vector<1024x128xf32>
    %add3A_1304 = arith.addf %add3A_1301, %add3A_1303 : vector<1024x128xf32>
    %lt3A_1305 = arith.cmpf olt, %add3A_1304, %add3A_1298 : vector<1024x128xf32>
    %min3A_1306 = arith.minimumf %add3A_1298, %add3A_1304 : vector<1024x128xf32>
    %max3A_1307 = arith.maximumf %add3A_1298, %add3A_1304 : vector<1024x128xf32>
    %jit3A_1308 = arith.constant 6.300000e+01 : f32
    %jit3A_1309 = arith.constant 6.200000e+01 : f32
    %broadcast_in_dim3A_1310 = vector.broadcast %jit3A_1308 : f32 to vector<1024x128xf32>
    %broadcast_in_dim3A_1311 = vector.broadcast %jit3A_1309 : f32 to vector<1024x128xf32>
    %select_n3A_1312 = arith.select %lt3A_1305, %broadcast_in_dim3A_1310, %broadcast_in_dim3A_1311 : vector<1024x128xi1>, vector<1024x128xf32>
    %jit3A_1313 = arith.constant 6.200000e+01 : f32
    %jit3A_1314 = arith.constant 6.300000e+01 : f32
    %broadcast_in_dim3A_1315 = vector.broadcast %jit3A_1313 : f32 to vector<1024x128xf32>
    %broadcast_in_dim3A_1316 = vector.broadcast %jit3A_1314 : f32 to vector<1024x128xf32>
    %select_n3A_1317 = arith.select %lt3A_1305, %broadcast_in_dim3A_1315, %broadcast_in_dim3A_1316 : vector<1024x128xi1>, vector<1024x128xf32>
    %lt3A_1318 = arith.cmpf olt, %min3A_1306, %select_n3A_1288 : vector<1024x128xf32>
    %lt3A_1319 = arith.cmpf olt, %min3A_1306, %select_n3A_1285 : vector<1024x128xf32>
    %lt3A_1320 = arith.cmpf olt, %min3A_1306, %select_n3A_1281 : vector<1024x128xf32>
    %select_n3A_1321 = arith.select %lt3A_1319, %select_n3A_1285, %min3A_1306 : vector<1024x128xi1>, vector<1024x128xf32>
    %select_n3A_1322 = arith.select %lt3A_1320, %select_n3A_1321, %select_n3A_1281 : vector<1024x128xi1>, vector<1024x128xf32>
    %select_n3A_1323 = arith.select %lt3A_1319, %select_n3A_1287, %select_n3A_1312 : vector<1024x128xi1>, vector<1024x128xf32>
    %select_n3A_1324 = arith.select %lt3A_1320, %select_n3A_1323, %select_n3A_1283 : vector<1024x128xi1>, vector<1024x128xf32>
    %select_n3A_1325 = arith.select %lt3A_1318, %select_n3A_1288, %min3A_1306 : vector<1024x128xi1>, vector<1024x128xf32>
    %select_n3A_1326 = arith.select %lt3A_1319, %select_n3A_1325, %select_n3A_1285 : vector<1024x128xi1>, vector<1024x128xf32>
    %select_n3A_1327 = arith.select %lt3A_1318, %select_n3A_1289, %select_n3A_1312 : vector<1024x128xi1>, vector<1024x128xf32>
    %select_n3A_1328 = arith.select %lt3A_1319, %select_n3A_1327, %select_n3A_1287 : vector<1024x128xi1>, vector<1024x128xf32>
    %select_n3A_1329 = arith.select %lt3A_1318, %min3A_1306, %select_n3A_1288 : vector<1024x128xi1>, vector<1024x128xf32>
    %select_n3A_1330 = arith.select %lt3A_1318, %select_n3A_1312, %select_n3A_1289 : vector<1024x128xi1>, vector<1024x128xf32>
    %lt3A_1331 = arith.cmpf olt, %max3A_1307, %select_n3A_1291 : vector<1024x128xf32>
    %select_n3A_1332 = arith.select %lt3A_1331, %max3A_1307, %select_n3A_1291 : vector<1024x128xi1>, vector<1024x128xf32>
    %select_n3A_1333 = arith.select %lt3A_1331, %select_n3A_1317, %select_n3A_1292 : vector<1024x128xi1>, vector<1024x128xf32>
    %iota3A = tpu.iota {dimensions = array<i32: 1>} : vector<1024x128xi32>
    %convert_element_type3A = arith.sitofp %iota3A : vector<1024x128xi32> to vector<1024x128xf32>
    %concatenate3A = tpu.concatenate %select_n3A_1329, %select_n3A_1326, %select_n3A_1322, %select_n3A_1332 in 1 : vector<1024x128xf32>, vector<1024x128xf32>, vector<1024x128xf32>, vector<1024x128xf32> -> vector<1024x512xf32>
    %mul3A_1334 = arith.constant 1.280000e+02 : f32
    %mul3A_1335 = vector.broadcast %mul3A_1334 : f32 to vector<1024x128xf32>
    %mul3A_1336 = arith.mulf %select_n3A_1330, %mul3A_1335 : vector<1024x128xf32>
    %add3A_1337 = arith.addf %mul3A_1336, %convert_element_type3A : vector<1024x128xf32>
    %mul3A_1338 = arith.constant 1.280000e+02 : f32
    %mul3A_1339 = vector.broadcast %mul3A_1338 : f32 to vector<1024x128xf32>
    %mul3A_1340 = arith.mulf %select_n3A_1328, %mul3A_1339 : vector<1024x128xf32>
    %add3A_1341 = arith.addf %mul3A_1340, %convert_element_type3A : vector<1024x128xf32>
    %mul3A_1342 = arith.constant 1.280000e+02 : f32
    %mul3A_1343 = vector.broadcast %mul3A_1342 : f32 to vector<1024x128xf32>
    %mul3A_1344 = arith.mulf %select_n3A_1324, %mul3A_1343 : vector<1024x128xf32>
    %add3A_1345 = arith.addf %mul3A_1344, %convert_element_type3A : vector<1024x128xf32>
    %mul3A_1346 = arith.constant 1.280000e+02 : f32
    %mul3A_1347 = vector.broadcast %mul3A_1346 : f32 to vector<1024x128xf32>
    %mul3A_1348 = arith.mulf %select_n3A_1333, %mul3A_1347 : vector<1024x128xf32>
    %add3A_1349 = arith.addf %mul3A_1348, %convert_element_type3A : vector<1024x128xf32>
    %concatenate3A_1350 = tpu.concatenate %add3A_1337, %add3A_1341, %add3A_1345, %add3A_1349 in 1 : vector<1024x128xf32>, vector<1024x128xf32>, vector<1024x128xf32>, vector<1024x128xf32> -> vector<1024x512xf32>
    %reduce_min3A = arith.constant dense<0x7F800000> : vector<1024xf32>
    %reduce_min3A_1351 = vector.multi_reduction <minimumf>, %concatenate3A, %reduce_min3A [1] : vector<1024x512xf32> to vector<1024xf32>
    %broadcast_in_dim3A_1352 = vector.shape_cast %reduce_min3A_1351 : vector<1024xf32> to vector<1024x1xf32>
    %eq3A = vector.broadcast %broadcast_in_dim3A_1352 : vector<1024x1xf32> to vector<1024x512xf32>
    %eq3A_1353 = arith.cmpf oeq, %concatenate3A, %eq3A : vector<1024x512xf32>
    %jit3A_1354 = arith.constant 6.553600e+04 : f32
    %broadcast_in_dim3A_1355 = vector.broadcast %jit3A_1354 : f32 to vector<1024x512xf32>
    %select_n3A_1356 = arith.select %eq3A_1353, %concatenate3A_1350, %broadcast_in_dim3A_1355 : vector<1024x512xi1>, vector<1024x512xf32>
    %reduce_min3A_1357 = arith.constant dense<0x7F800000> : vector<1024xf32>
    %reduce_min3A_1358 = vector.multi_reduction <minimumf>, %select_n3A_1356, %reduce_min3A_1357 [1] : vector<1024x512xf32> to vector<1024xf32>
    %broadcast_in_dim3A_1359 = vector.shape_cast %reduce_min3A_1358 : vector<1024xf32> to vector<1024x1xf32>
    %convert_element_type3A_1360 = arith.fptosi %broadcast_in_dim3A_1359 : vector<1024x1xf32> to vector<1024x1xi32>
    %eq3A_1361 = vector.broadcast %broadcast_in_dim3A_1359 : vector<1024x1xf32> to vector<1024x512xf32>
    %eq3A_1362 = arith.cmpf oeq, %select_n3A_1356, %eq3A_1361 : vector<1024x512xf32>
    %jit3A_1363 = arith.constant 0x7F800000 : f32
    %broadcast_in_dim3A_1364 = vector.broadcast %jit3A_1363 : f32 to vector<1024x512xf32>
    %select_n3A_1365 = arith.select %eq3A_1362, %broadcast_in_dim3A_1364, %concatenate3A : vector<1024x512xi1>, vector<1024x512xf32>
    %reduce_min3A_1366 = arith.constant dense<0x7F800000> : vector<1024xf32>
    %reduce_min3A_1367 = vector.multi_reduction <minimumf>, %select_n3A_1365, %reduce_min3A_1366 [1] : vector<1024x512xf32> to vector<1024xf32>
    %broadcast_in_dim3A_1368 = vector.shape_cast %reduce_min3A_1367 : vector<1024xf32> to vector<1024x1xf32>
    %eq3A_1369 = vector.broadcast %broadcast_in_dim3A_1368 : vector<1024x1xf32> to vector<1024x512xf32>
    %eq3A_1370 = arith.cmpf oeq, %select_n3A_1365, %eq3A_1369 : vector<1024x512xf32>
    %jit3A_1371 = arith.constant 6.553600e+04 : f32
    %broadcast_in_dim3A_1372 = vector.broadcast %jit3A_1371 : f32 to vector<1024x512xf32>
    %select_n3A_1373 = arith.select %eq3A_1370, %concatenate3A_1350, %broadcast_in_dim3A_1372 : vector<1024x512xi1>, vector<1024x512xf32>
    %reduce_min3A_1374 = arith.constant dense<0x7F800000> : vector<1024xf32>
    %reduce_min3A_1375 = vector.multi_reduction <minimumf>, %select_n3A_1373, %reduce_min3A_1374 [1] : vector<1024x512xf32> to vector<1024xf32>
    %broadcast_in_dim3A_1376 = vector.shape_cast %reduce_min3A_1375 : vector<1024xf32> to vector<1024x1xf32>
    %convert_element_type3A_1377 = arith.fptosi %broadcast_in_dim3A_1376 : vector<1024x1xf32> to vector<1024x1xi32>
    %eq3A_1378 = vector.broadcast %broadcast_in_dim3A_1376 : vector<1024x1xf32> to vector<1024x512xf32>
    %eq3A_1379 = arith.cmpf oeq, %select_n3A_1373, %eq3A_1378 : vector<1024x512xf32>
    %jit3A_1380 = arith.constant 0x7F800000 : f32
    %broadcast_in_dim3A_1381 = vector.broadcast %jit3A_1380 : f32 to vector<1024x512xf32>
    %select_n3A_1382 = arith.select %eq3A_1379, %broadcast_in_dim3A_1381, %select_n3A_1365 : vector<1024x512xi1>, vector<1024x512xf32>
    %reduce_min3A_1383 = arith.constant dense<0x7F800000> : vector<1024xf32>
    %reduce_min3A_1384 = vector.multi_reduction <minimumf>, %select_n3A_1382, %reduce_min3A_1383 [1] : vector<1024x512xf32> to vector<1024xf32>
    %broadcast_in_dim3A_1385 = vector.shape_cast %reduce_min3A_1384 : vector<1024xf32> to vector<1024x1xf32>
    %eq3A_1386 = vector.broadcast %broadcast_in_dim3A_1385 : vector<1024x1xf32> to vector<1024x512xf32>
    %eq3A_1387 = arith.cmpf oeq, %select_n3A_1382, %eq3A_1386 : vector<1024x512xf32>
    %jit3A_1388 = arith.constant 6.553600e+04 : f32
    %broadcast_in_dim3A_1389 = vector.broadcast %jit3A_1388 : f32 to vector<1024x512xf32>
    %select_n3A_1390 = arith.select %eq3A_1387, %concatenate3A_1350, %broadcast_in_dim3A_1389 : vector<1024x512xi1>, vector<1024x512xf32>
    %reduce_min3A_1391 = arith.constant dense<0x7F800000> : vector<1024xf32>
    %reduce_min3A_1392 = vector.multi_reduction <minimumf>, %select_n3A_1390, %reduce_min3A_1391 [1] : vector<1024x512xf32> to vector<1024xf32>
    %broadcast_in_dim3A_1393 = vector.shape_cast %reduce_min3A_1392 : vector<1024xf32> to vector<1024x1xf32>
    %convert_element_type3A_1394 = arith.fptosi %broadcast_in_dim3A_1393 : vector<1024x1xf32> to vector<1024x1xi32>
    %iota3A_1395 = tpu.iota {dimensions = array<i32: 1>} : vector<1024x128xi32>
    %lt3A_1396 = arith.constant 1 : i32
    %lt3A_1397 = vector.broadcast %lt3A_1396 : i32 to vector<1024x128xi32>
    %lt3A_1398 = arith.cmpi slt, %iota3A_1395, %lt3A_1397 : vector<1024x128xi32>
    %lt3A_1399 = arith.constant 2 : i32
    %lt3A_1400 = vector.broadcast %lt3A_1399 : i32 to vector<1024x128xi32>
    %lt3A_1401 = arith.cmpi slt, %iota3A_1395, %lt3A_1400 : vector<1024x128xi32>
    %broadcast_in_dim3A_1402 = vector.shape_cast %convert_element_type3A_1377 : vector<1024x1xi32> to vector<1024x1xi32>
    %broadcast_in_dim3A_1403 = vector.broadcast %broadcast_in_dim3A_1402 : vector<1024x1xi32> to vector<1024x128xi32>
    %broadcast_in_dim3A_1404 = vector.shape_cast %convert_element_type3A_1394 : vector<1024x1xi32> to vector<1024x1xi32>
    %broadcast_in_dim3A_1405 = vector.broadcast %broadcast_in_dim3A_1404 : vector<1024x1xi32> to vector<1024x128xi32>
    %select_n3A_1406 = arith.select %lt3A_1401, %broadcast_in_dim3A_1403, %broadcast_in_dim3A_1405 : vector<1024x128xi1>, vector<1024x128xi32>
    %broadcast_in_dim3A_1407 = vector.shape_cast %convert_element_type3A_1360 : vector<1024x1xi32> to vector<1024x1xi32>
    %broadcast_in_dim3A_1408 = vector.broadcast %broadcast_in_dim3A_1407 : vector<1024x1xi32> to vector<1024x128xi32>
    %select_n3A_1409 = arith.select %lt3A_1398, %broadcast_in_dim3A_1408, %select_n3A_1406 : vector<1024x128xi1>, vector<1024x128xi32>
    %swap3A = arith.constant 0 : index
    %swap3A_1410 = arith.constant 0 : index
    %swap3A_1411 = vector.load %arg5[%swap3A, %swap3A_1410] : memref<1024x128xi32, #tpu.memory_space<vmem>>, vector<1024x128xi32>
    tpu.vector_store %arg5[%swap3A, %swap3A_1410], %select_n3A_1409 {strides = array<i32>} : memref<1024x128xi32, #tpu.memory_space<vmem>>, vector<1024x128xi32>,
    return
  }
  func.func @transform_0(%arg0: i32) -> (i32, i32) {
    %c0_i32 = arith.constant 0 : i32
    %c0_i32_0 = arith.constant 0 : i32
    return %arg0, %c0_i32 : i32, i32
  }
  func.func @transform_1(%arg0: i32) -> (i32, i32) {
    %c0_i32 = arith.constant 0 : i32
    %c0_i32_0 = arith.constant 0 : i32
    %c0_i32_1 = arith.constant 0 : i32
    return %c0_i32, %c0_i32_0 : i32, i32
  }
  func.func @transform_2(%arg0: i32) -> (i32, i32) {
    %c0_i32 = arith.constant 0 : i32
    %c0_i32_0 = arith.constant 0 : i32
    return %arg0, %c0_i32 : i32, i32
  }
  func.func @transform_3(%arg0: i32) -> (i32, i32) {
    %c0_i32 = arith.constant 0 : i32
    %c0_i32_0 = arith.constant 0 : i32
    %c0_i32_1 = arith.constant 0 : i32
    return %c0_i32, %c0_i32_0 : i32, i32
  }
  func.func @transform_4(%arg0: i32) -> (i32, i32) {
    %c0_i32 = arith.constant 0 : i32
    %c0_i32_0 = arith.constant 0 : i32
    return %arg0, %c0_i32 : i32, i32
  }
}

module attributes {stable_mosaic.version = 14 : i64} {
  func.func @_topk_body(%arg0: i32, %arg1: memref<1024x128xbf16, #tpu.memory_space<vmem>>, %arg2: memref<4096x128xbf16, #tpu.memory_space<vmem>>, %arg3: memref<1024x1xf32, #tpu.memory_space<vmem>>, %arg4: memref<1x4096xf32, #tpu.memory_space<vmem>>, %arg5: memref<1024x128xf32, #tpu.memory_space<vmem>>, %arg6: memref<1024x128xf32, #tpu.memory_space<vmem>>, %arg7: memref<1024x128xf32, #tpu.memory_space<vmem>>, %arg8: memref<1024x128xf32, #tpu.memory_space<vmem>>, %arg9: memref<1024x128xf32, #tpu.memory_space<vmem>>, %arg10: memref<1024x128xf32, #tpu.memory_space<vmem>>, %arg11: memref<1024x128xf32, #tpu.memory_space<vmem>>, %arg12: memref<1024x128xf32, #tpu.memory_space<vmem>>, %arg13: memref<1024x128xi32, #tpu.memory_space<vmem>>) attributes {dimension_semantics = [#tpu.dimension_semantics<parallel>], iteration_bounds = array<i64: 4>, scalar_prefetch = 0 : i64, scratch_operands = 0 : i64, tpu.core_type = #tpu.core_type<tc>, window_params = [{transform_indices = @transform_0, window_bounds = array<i64: 1024, 128>}, {pipeline_mode = #tpu.pipeline_mode<synchronous>, transform_indices = @transform_1, window_bounds = array<i64: 4096, 128>}, {transform_indices = @transform_2, window_bounds = array<i64: 1024, 1>}, {pipeline_mode = #tpu.pipeline_mode<synchronous>, transform_indices = @transform_3, window_bounds = array<i64: 1, 4096>}, {transform_indices = @transform_4, window_bounds = array<i64: 1024, 128>}, {transform_indices = @transform_5, window_bounds = array<i64: 1024, 128>}, {transform_indices = @transform_6, window_bounds = array<i64: 1024, 128>}, {transform_indices = @transform_7, window_bounds = array<i64: 1024, 128>}, {transform_indices = @transform_8, window_bounds = array<i64: 1024, 128>}, {transform_indices = @transform_9, window_bounds = array<i64: 1024, 128>}, {transform_indices = @transform_10, window_bounds = array<i64: 1024, 128>}, {transform_indices = @transform_11, window_bounds = array<i64: 1024, 128>}, {transform_indices = @transform_12, window_bounds = array<i64: 1024, 128>}]} {
    %get3A = arith.constant 0 : index
    %get3A_0 = arith.constant 0 : index
    %get3A_1 = vector.load %arg1[%get3A, %get3A_0] : memref<1024x128xbf16, #tpu.memory_space<vmem>>, vector<1024x128xbf16>
    %mul3A = arith.constant -2.000000e+00 : bf16
    %mul3A_2 = vector.broadcast %mul3A : bf16 to vector<1024x128xbf16>
    %mul3A_3 = arith.mulf %get3A_1, %mul3A_2 : vector<1024x128xbf16>
    %get3A_4 = arith.constant 0 : index
    %get3A_5 = arith.constant 0 : index
    %get3A_6 = vector.load %arg2[%get3A_4, %get3A_5] : memref<4096x128xbf16, #tpu.memory_space<vmem>>, vector<4096x128xbf16>
    %dot_general3A = arith.constant dense<0.000000e+00> : vector<1024x4096xf32>
    %dot_general3A_7 = tpu.matmul %mul3A_3, %get3A_6, %dot_general3A {dimension_numbers = #tpu.dot_dimension_numbers<[1], [1], [0], [0], [0, 0, 1, 0], [], []>, transpose_lhs_hint = false} : vector<1024x128xbf16>, vector<4096x128xbf16>, vector<1024x4096xf32> -> vector<1024x4096xf32>
    %get3A_8 = arith.constant 0 : index
    %get3A_9 = arith.constant 0 : index
    %get3A_10 = vector.load %arg3[%get3A_8, %get3A_9] : memref<1024x1xf32, #tpu.memory_space<vmem>>, vector<1024x1xf32>
    %get3A_11 = arith.constant 0 : index
    %get3A_12 = arith.constant 0 : index
    %get3A_13 = vector.load %arg4[%get3A_11, %get3A_12] : memref<1x4096xf32, #tpu.memory_space<vmem>>, vector<1x4096xf32>
    %get3A_14 = arith.constant 0 : index
    %get3A_15 = arith.constant 0 : index
    %get3A_16 = vector.load %arg5[%get3A_14, %get3A_15] : memref<1024x128xf32, #tpu.memory_space<vmem>>, vector<1024x128xf32>
    %get3A_17 = arith.constant 0 : index
    %get3A_18 = arith.constant 0 : index
    %get3A_19 = vector.load %arg6[%get3A_17, %get3A_18] : memref<1024x128xf32, #tpu.memory_space<vmem>>, vector<1024x128xf32>
    %get3A_20 = arith.constant 0 : index
    %get3A_21 = arith.constant 0 : index
    %get3A_22 = vector.load %arg7[%get3A_20, %get3A_21] : memref<1024x128xf32, #tpu.memory_space<vmem>>, vector<1024x128xf32>
    %get3A_23 = arith.constant 0 : index
    %get3A_24 = arith.constant 0 : index
    %get3A_25 = vector.load %arg8[%get3A_23, %get3A_24] : memref<1024x128xf32, #tpu.memory_space<vmem>>, vector<1024x128xf32>
    %get3A_26 = arith.constant 0 : index
    %get3A_27 = arith.constant 0 : index
    %get3A_28 = vector.load %arg9[%get3A_26, %get3A_27] : memref<1024x128xf32, #tpu.memory_space<vmem>>, vector<1024x128xf32>
    %get3A_29 = arith.constant 0 : index
    %get3A_30 = arith.constant 0 : index
    %get3A_31 = vector.load %arg10[%get3A_29, %get3A_30] : memref<1024x128xf32, #tpu.memory_space<vmem>>, vector<1024x128xf32>
    %get3A_32 = arith.constant 0 : index
    %get3A_33 = arith.constant 0 : index
    %get3A_34 = vector.load %arg11[%get3A_32, %get3A_33] : memref<1024x128xf32, #tpu.memory_space<vmem>>, vector<1024x128xf32>
    %get3A_35 = arith.constant 0 : index
    %get3A_36 = arith.constant 0 : index
    %get3A_37 = vector.load %arg12[%get3A_35, %get3A_36] : memref<1024x128xf32, #tpu.memory_space<vmem>>, vector<1024x128xf32>
    %slice3A = vector.extract_strided_slice %dot_general3A_7 {offsets = [0, 0], sizes = [1024, 128], strides = [1, 1]} : vector<1024x4096xf32> to vector<1024x128xf32>
    %add3A = vector.broadcast %get3A_10 : vector<1024x1xf32> to vector<1024x128xf32>
    %add3A_38 = arith.addf %add3A, %slice3A : vector<1024x128xf32>
    %slice3A_39 = vector.extract_strided_slice %get3A_13 {offsets = [0, 0], sizes = [1, 128], strides = [1, 1]} : vector<1x4096xf32> to vector<1x128xf32>
    %add3A_40 = vector.broadcast %slice3A_39 : vector<1x128xf32> to vector<1024x128xf32>
    %add3A_41 = arith.addf %add3A_38, %add3A_40 : vector<1024x128xf32>
    %slice3A_42 = vector.extract_strided_slice %dot_general3A_7 {offsets = [0, 128], sizes = [1024, 128], strides = [1, 1]} : vector<1024x4096xf32> to vector<1024x128xf32>
    %add3A_43 = vector.broadcast %get3A_10 : vector<1024x1xf32> to vector<1024x128xf32>
    %add3A_44 = arith.addf %add3A_43, %slice3A_42 : vector<1024x128xf32>
    %slice3A_45 = vector.extract_strided_slice %get3A_13 {offsets = [0, 128], sizes = [1, 128], strides = [1, 1]} : vector<1x4096xf32> to vector<1x128xf32>
    %add3A_46 = vector.broadcast %slice3A_45 : vector<1x128xf32> to vector<1024x128xf32>
    %add3A_47 = arith.addf %add3A_44, %add3A_46 : vector<1024x128xf32>
    %lt3A = arith.cmpf olt, %add3A_47, %add3A_41 : vector<1024x128xf32>
    %min3A = arith.minimumf %add3A_41, %add3A_47 : vector<1024x128xf32>
    %max3A = arith.maximumf %add3A_41, %add3A_47 : vector<1024x128xf32>
    %jit3A = arith.constant 3.300000e+01 : f32
    %jit3A_48 = arith.constant 3.200000e+01 : f32
    %broadcast_in_dim3A = vector.broadcast %jit3A : f32 to vector<1024x128xf32>
    %broadcast_in_dim3A_49 = vector.broadcast %jit3A_48 : f32 to vector<1024x128xf32>
    %select_n3A = arith.select %lt3A, %broadcast_in_dim3A, %broadcast_in_dim3A_49 : vector<1024x128xi1>, vector<1024x128xf32>
    %jit3A_50 = arith.constant 3.200000e+01 : f32
    %jit3A_51 = arith.constant 3.300000e+01 : f32
    %broadcast_in_dim3A_52 = vector.broadcast %jit3A_50 : f32 to vector<1024x128xf32>
    %broadcast_in_dim3A_53 = vector.broadcast %jit3A_51 : f32 to vector<1024x128xf32>
    %select_n3A_54 = arith.select %lt3A, %broadcast_in_dim3A_52, %broadcast_in_dim3A_53 : vector<1024x128xi1>, vector<1024x128xf32>
    %lt3A_55 = arith.cmpf olt, %min3A, %get3A_16 : vector<1024x128xf32>
    %lt3A_56 = arith.cmpf olt, %min3A, %get3A_19 : vector<1024x128xf32>
    %lt3A_57 = arith.cmpf olt, %min3A, %get3A_22 : vector<1024x128xf32>
    %select_n3A_58 = arith.select %lt3A_56, %get3A_19, %min3A : vector<1024x128xi1>, vector<1024x128xf32>
    %select_n3A_59 = arith.select %lt3A_57, %select_n3A_58, %get3A_22 : vector<1024x128xi1>, vector<1024x128xf32>
    %select_n3A_60 = arith.select %lt3A_56, %get3A_31, %select_n3A : vector<1024x128xi1>, vector<1024x128xf32>
    %select_n3A_61 = arith.select %lt3A_57, %select_n3A_60, %get3A_34 : vector<1024x128xi1>, vector<1024x128xf32>
    %select_n3A_62 = arith.select %lt3A_55, %get3A_16, %min3A : vector<1024x128xi1>, vector<1024x128xf32>
    %select_n3A_63 = arith.select %lt3A_56, %select_n3A_62, %get3A_19 : vector<1024x128xi1>, vector<1024x128xf32>
    %select_n3A_64 = arith.select %lt3A_55, %get3A_28, %select_n3A : vector<1024x128xi1>, vector<1024x128xf32>
    %select_n3A_65 = arith.select %lt3A_56, %select_n3A_64, %get3A_31 : vector<1024x128xi1>, vector<1024x128xf32>
    %select_n3A_66 = arith.select %lt3A_55, %min3A, %get3A_16 : vector<1024x128xi1>, vector<1024x128xf32>
    %select_n3A_67 = arith.select %lt3A_55, %select_n3A, %get3A_28 : vector<1024x128xi1>, vector<1024x128xf32>
    %lt3A_68 = arith.cmpf olt, %max3A, %get3A_25 : vector<1024x128xf32>
    %select_n3A_69 = arith.select %lt3A_68, %max3A, %get3A_25 : vector<1024x128xi1>, vector<1024x128xf32>
    %select_n3A_70 = arith.select %lt3A_68, %select_n3A_54, %get3A_37 : vector<1024x128xi1>, vector<1024x128xf32>
    %slice3A_71 = vector.extract_strided_slice %dot_general3A_7 {offsets = [0, 256], sizes = [1024, 128], strides = [1, 1]} : vector<1024x4096xf32> to vector<1024x128xf32>
    %add3A_72 = vector.broadcast %get3A_10 : vector<1024x1xf32> to vector<1024x128xf32>
    %add3A_73 = arith.addf %add3A_72, %slice3A_71 : vector<1024x128xf32>
    %slice3A_74 = vector.extract_strided_slice %get3A_13 {offsets = [0, 256], sizes = [1, 128], strides = [1, 1]} : vector<1x4096xf32> to vector<1x128xf32>
    %add3A_75 = vector.broadcast %slice3A_74 : vector<1x128xf32> to vector<1024x128xf32>
    %add3A_76 = arith.addf %add3A_73, %add3A_75 : vector<1024x128xf32>
    %slice3A_77 = vector.extract_strided_slice %dot_general3A_7 {offsets = [0, 384], sizes = [1024, 128], strides = [1, 1]} : vector<1024x4096xf32> to vector<1024x128xf32>
    %add3A_78 = vector.broadcast %get3A_10 : vector<1024x1xf32> to vector<1024x128xf32>
    %add3A_79 = arith.addf %add3A_78, %slice3A_77 : vector<1024x128xf32>
    %slice3A_80 = vector.extract_strided_slice %get3A_13 {offsets = [0, 384], sizes = [1, 128], strides = [1, 1]} : vector<1x4096xf32> to vector<1x128xf32>
    %add3A_81 = vector.broadcast %slice3A_80 : vector<1x128xf32> to vector<1024x128xf32>
    %add3A_82 = arith.addf %add3A_79, %add3A_81 : vector<1024x128xf32>
    %lt3A_83 = arith.cmpf olt, %add3A_82, %add3A_76 : vector<1024x128xf32>
    %min3A_84 = arith.minimumf %add3A_76, %add3A_82 : vector<1024x128xf32>
    %max3A_85 = arith.maximumf %add3A_76, %add3A_82 : vector<1024x128xf32>
    %jit3A_86 = arith.constant 3.500000e+01 : f32
    %jit3A_87 = arith.constant 3.400000e+01 : f32
    %broadcast_in_dim3A_88 = vector.broadcast %jit3A_86 : f32 to vector<1024x128xf32>
    %broadcast_in_dim3A_89 = vector.broadcast %jit3A_87 : f32 to vector<1024x128xf32>
    %select_n3A_90 = arith.select %lt3A_83, %broadcast_in_dim3A_88, %broadcast_in_dim3A_89 : vector<1024x128xi1>, vector<1024x128xf32>
    %jit3A_91 = arith.constant 3.400000e+01 : f32
    %jit3A_92 = arith.constant 3.500000e+01 : f32
    %broadcast_in_dim3A_93 = vector.broadcast %jit3A_91 : f32 to vector<1024x128xf32>
    %broadcast_in_dim3A_94 = vector.broadcast %jit3A_92 : f32 to vector<1024x128xf32>
    %select_n3A_95 = arith.select %lt3A_83, %broadcast_in_dim3A_93, %broadcast_in_dim3A_94 : vector<1024x128xi1>, vector<1024x128xf32>
    %lt3A_96 = arith.cmpf olt, %min3A_84, %select_n3A_66 : vector<1024x128xf32>
    %lt3A_97 = arith.cmpf olt, %min3A_84, %select_n3A_63 : vector<1024x128xf32>
    %lt3A_98 = arith.cmpf olt, %min3A_84, %select_n3A_59 : vector<1024x128xf32>
    %select_n3A_99 = arith.select %lt3A_97, %select_n3A_63, %min3A_84 : vector<1024x128xi1>, vector<1024x128xf32>
    %select_n3A_100 = arith.select %lt3A_98, %select_n3A_99, %select_n3A_59 : vector<1024x128xi1>, vector<1024x128xf32>
    %select_n3A_101 = arith.select %lt3A_97, %select_n3A_65, %select_n3A_90 : vector<1024x128xi1>, vector<1024x128xf32>
    %select_n3A_102 = arith.select %lt3A_98, %select_n3A_101, %select_n3A_61 : vector<1024x128xi1>, vector<1024x128xf32>
    %select_n3A_103 = arith.select %lt3A_96, %select_n3A_66, %min3A_84 : vector<1024x128xi1>, vector<1024x128xf32>
    %select_n3A_104 = arith.select %lt3A_97, %select_n3A_103, %select_n3A_63 : vector<1024x128xi1>, vector<1024x128xf32>
    %select_n3A_105 = arith.select %lt3A_96, %select_n3A_67, %select_n3A_90 : vector<1024x128xi1>, vector<1024x128xf32>
    %select_n3A_106 = arith.select %lt3A_97, %select_n3A_105, %select_n3A_65 : vector<1024x128xi1>, vector<1024x128xf32>
    %select_n3A_107 = arith.select %lt3A_96, %min3A_84, %select_n3A_66 : vector<1024x128xi1>, vector<1024x128xf32>
    %select_n3A_108 = arith.select %lt3A_96, %select_n3A_90, %select_n3A_67 : vector<1024x128xi1>, vector<1024x128xf32>
    %lt3A_109 = arith.cmpf olt, %max3A_85, %select_n3A_69 : vector<1024x128xf32>
    %select_n3A_110 = arith.select %lt3A_109, %max3A_85, %select_n3A_69 : vector<1024x128xi1>, vector<1024x128xf32>
    %select_n3A_111 = arith.select %lt3A_109, %select_n3A_95, %select_n3A_70 : vector<1024x128xi1>, vector<1024x128xf32>
    %slice3A_112 = vector.extract_strided_slice %dot_general3A_7 {offsets = [0, 512], sizes = [1024, 128], strides = [1, 1]} : vector<1024x4096xf32> to vector<1024x128xf32>
    %add3A_113 = vector.broadcast %get3A_10 : vector<1024x1xf32> to vector<1024x128xf32>
    %add3A_114 = arith.addf %add3A_113, %slice3A_112 : vector<1024x128xf32>
    %slice3A_115 = vector.extract_strided_slice %get3A_13 {offsets = [0, 512], sizes = [1, 128], strides = [1, 1]} : vector<1x4096xf32> to vector<1x128xf32>
    %add3A_116 = vector.broadcast %slice3A_115 : vector<1x128xf32> to vector<1024x128xf32>
    %add3A_117 = arith.addf %add3A_114, %add3A_116 : vector<1024x128xf32>
    %slice3A_118 = vector.extract_strided_slice %dot_general3A_7 {offsets = [0, 640], sizes = [1024, 128], strides = [1, 1]} : vector<1024x4096xf32> to vector<1024x128xf32>
    %add3A_119 = vector.broadcast %get3A_10 : vector<1024x1xf32> to vector<1024x128xf32>
    %add3A_120 = arith.addf %add3A_119, %slice3A_118 : vector<1024x128xf32>
    %slice3A_121 = vector.extract_strided_slice %get3A_13 {offsets = [0, 640], sizes = [1, 128], strides = [1, 1]} : vector<1x4096xf32> to vector<1x128xf32>
    %add3A_122 = vector.broadcast %slice3A_121 : vector<1x128xf32> to vector<1024x128xf32>
    %add3A_123 = arith.addf %add3A_120, %add3A_122 : vector<1024x128xf32>
    %lt3A_124 = arith.cmpf olt, %add3A_123, %add3A_117 : vector<1024x128xf32>
    %min3A_125 = arith.minimumf %add3A_117, %add3A_123 : vector<1024x128xf32>
    %max3A_126 = arith.maximumf %add3A_117, %add3A_123 : vector<1024x128xf32>
    %jit3A_127 = arith.constant 3.700000e+01 : f32
    %jit3A_128 = arith.constant 3.600000e+01 : f32
    %broadcast_in_dim3A_129 = vector.broadcast %jit3A_127 : f32 to vector<1024x128xf32>
    %broadcast_in_dim3A_130 = vector.broadcast %jit3A_128 : f32 to vector<1024x128xf32>
    %select_n3A_131 = arith.select %lt3A_124, %broadcast_in_dim3A_129, %broadcast_in_dim3A_130 : vector<1024x128xi1>, vector<1024x128xf32>
    %jit3A_132 = arith.constant 3.600000e+01 : f32
    %jit3A_133 = arith.constant 3.700000e+01 : f32
    %broadcast_in_dim3A_134 = vector.broadcast %jit3A_132 : f32 to vector<1024x128xf32>
    %broadcast_in_dim3A_135 = vector.broadcast %jit3A_133 : f32 to vector<1024x128xf32>
    %select_n3A_136 = arith.select %lt3A_124, %broadcast_in_dim3A_134, %broadcast_in_dim3A_135 : vector<1024x128xi1>, vector<1024x128xf32>
    %lt3A_137 = arith.cmpf olt, %min3A_125, %select_n3A_107 : vector<1024x128xf32>
    %lt3A_138 = arith.cmpf olt, %min3A_125, %select_n3A_104 : vector<1024x128xf32>
    %lt3A_139 = arith.cmpf olt, %min3A_125, %select_n3A_100 : vector<1024x128xf32>
    %select_n3A_140 = arith.select %lt3A_138, %select_n3A_104, %min3A_125 : vector<1024x128xi1>, vector<1024x128xf32>
    %select_n3A_141 = arith.select %lt3A_139, %select_n3A_140, %select_n3A_100 : vector<1024x128xi1>, vector<1024x128xf32>
    %select_n3A_142 = arith.select %lt3A_138, %select_n3A_106, %select_n3A_131 : vector<1024x128xi1>, vector<1024x128xf32>
    %select_n3A_143 = arith.select %lt3A_139, %select_n3A_142, %select_n3A_102 : vector<1024x128xi1>, vector<1024x128xf32>
    %select_n3A_144 = arith.select %lt3A_137, %select_n3A_107, %min3A_125 : vector<1024x128xi1>, vector<1024x128xf32>
    %select_n3A_145 = arith.select %lt3A_138, %select_n3A_144, %select_n3A_104 : vector<1024x128xi1>, vector<1024x128xf32>
    %select_n3A_146 = arith.select %lt3A_137, %select_n3A_108, %select_n3A_131 : vector<1024x128xi1>, vector<1024x128xf32>
    %select_n3A_147 = arith.select %lt3A_138, %select_n3A_146, %select_n3A_106 : vector<1024x128xi1>, vector<1024x128xf32>
    %select_n3A_148 = arith.select %lt3A_137, %min3A_125, %select_n3A_107 : vector<1024x128xi1>, vector<1024x128xf32>
    %select_n3A_149 = arith.select %lt3A_137, %select_n3A_131, %select_n3A_108 : vector<1024x128xi1>, vector<1024x128xf32>
    %lt3A_150 = arith.cmpf olt, %max3A_126, %select_n3A_110 : vector<1024x128xf32>
    %select_n3A_151 = arith.select %lt3A_150, %max3A_126, %select_n3A_110 : vector<1024x128xi1>, vector<1024x128xf32>
    %select_n3A_152 = arith.select %lt3A_150, %select_n3A_136, %select_n3A_111 : vector<1024x128xi1>, vector<1024x128xf32>
    %slice3A_153 = vector.extract_strided_slice %dot_general3A_7 {offsets = [0, 768], sizes = [1024, 128], strides = [1, 1]} : vector<1024x4096xf32> to vector<1024x128xf32>
    %add3A_154 = vector.broadcast %get3A_10 : vector<1024x1xf32> to vector<1024x128xf32>
    %add3A_155 = arith.addf %add3A_154, %slice3A_153 : vector<1024x128xf32>
    %slice3A_156 = vector.extract_strided_slice %get3A_13 {offsets = [0, 768], sizes = [1, 128], strides = [1, 1]} : vector<1x4096xf32> to vector<1x128xf32>
    %add3A_157 = vector.broadcast %slice3A_156 : vector<1x128xf32> to vector<1024x128xf32>
    %add3A_158 = arith.addf %add3A_155, %add3A_157 : vector<1024x128xf32>
    %slice3A_159 = vector.extract_strided_slice %dot_general3A_7 {offsets = [0, 896], sizes = [1024, 128], strides = [1, 1]} : vector<1024x4096xf32> to vector<1024x128xf32>
    %add3A_160 = vector.broadcast %get3A_10 : vector<1024x1xf32> to vector<1024x128xf32>
    %add3A_161 = arith.addf %add3A_160, %slice3A_159 : vector<1024x128xf32>
    %slice3A_162 = vector.extract_strided_slice %get3A_13 {offsets = [0, 896], sizes = [1, 128], strides = [1, 1]} : vector<1x4096xf32> to vector<1x128xf32>
    %add3A_163 = vector.broadcast %slice3A_162 : vector<1x128xf32> to vector<1024x128xf32>
    %add3A_164 = arith.addf %add3A_161, %add3A_163 : vector<1024x128xf32>
    %lt3A_165 = arith.cmpf olt, %add3A_164, %add3A_158 : vector<1024x128xf32>
    %min3A_166 = arith.minimumf %add3A_158, %add3A_164 : vector<1024x128xf32>
    %max3A_167 = arith.maximumf %add3A_158, %add3A_164 : vector<1024x128xf32>
    %jit3A_168 = arith.constant 3.900000e+01 : f32
    %jit3A_169 = arith.constant 3.800000e+01 : f32
    %broadcast_in_dim3A_170 = vector.broadcast %jit3A_168 : f32 to vector<1024x128xf32>
    %broadcast_in_dim3A_171 = vector.broadcast %jit3A_169 : f32 to vector<1024x128xf32>
    %select_n3A_172 = arith.select %lt3A_165, %broadcast_in_dim3A_170, %broadcast_in_dim3A_171 : vector<1024x128xi1>, vector<1024x128xf32>
    %jit3A_173 = arith.constant 3.800000e+01 : f32
    %jit3A_174 = arith.constant 3.900000e+01 : f32
    %broadcast_in_dim3A_175 = vector.broadcast %jit3A_173 : f32 to vector<1024x128xf32>
    %broadcast_in_dim3A_176 = vector.broadcast %jit3A_174 : f32 to vector<1024x128xf32>
    %select_n3A_177 = arith.select %lt3A_165, %broadcast_in_dim3A_175, %broadcast_in_dim3A_176 : vector<1024x128xi1>, vector<1024x128xf32>
    %lt3A_178 = arith.cmpf olt, %min3A_166, %select_n3A_148 : vector<1024x128xf32>
    %lt3A_179 = arith.cmpf olt, %min3A_166, %select_n3A_145 : vector<1024x128xf32>
    %lt3A_180 = arith.cmpf olt, %min3A_166, %select_n3A_141 : vector<1024x128xf32>
    %select_n3A_181 = arith.select %lt3A_179, %select_n3A_145, %min3A_166 : vector<1024x128xi1>, vector<1024x128xf32>
    %select_n3A_182 = arith.select %lt3A_180, %select_n3A_181, %select_n3A_141 : vector<1024x128xi1>, vector<1024x128xf32>
    %select_n3A_183 = arith.select %lt3A_179, %select_n3A_147, %select_n3A_172 : vector<1024x128xi1>, vector<1024x128xf32>
    %select_n3A_184 = arith.select %lt3A_180, %select_n3A_183, %select_n3A_143 : vector<1024x128xi1>, vector<1024x128xf32>
    %select_n3A_185 = arith.select %lt3A_178, %select_n3A_148, %min3A_166 : vector<1024x128xi1>, vector<1024x128xf32>
    %select_n3A_186 = arith.select %lt3A_179, %select_n3A_185, %select_n3A_145 : vector<1024x128xi1>, vector<1024x128xf32>
    %select_n3A_187 = arith.select %lt3A_178, %select_n3A_149, %select_n3A_172 : vector<1024x128xi1>, vector<1024x128xf32>
    %select_n3A_188 = arith.select %lt3A_179, %select_n3A_187, %select_n3A_147 : vector<1024x128xi1>, vector<1024x128xf32>
    %select_n3A_189 = arith.select %lt3A_178, %min3A_166, %select_n3A_148 : vector<1024x128xi1>, vector<1024x128xf32>
    %select_n3A_190 = arith.select %lt3A_178, %select_n3A_172, %select_n3A_149 : vector<1024x128xi1>, vector<1024x128xf32>
    %lt3A_191 = arith.cmpf olt, %max3A_167, %select_n3A_151 : vector<1024x128xf32>
    %select_n3A_192 = arith.select %lt3A_191, %max3A_167, %select_n3A_151 : vector<1024x128xi1>, vector<1024x128xf32>
    %select_n3A_193 = arith.select %lt3A_191, %select_n3A_177, %select_n3A_152 : vector<1024x128xi1>, vector<1024x128xf32>
    %slice3A_194 = vector.extract_strided_slice %dot_general3A_7 {offsets = [0, 1024], sizes = [1024, 128], strides = [1, 1]} : vector<1024x4096xf32> to vector<1024x128xf32>
    %add3A_195 = vector.broadcast %get3A_10 : vector<1024x1xf32> to vector<1024x128xf32>
    %add3A_196 = arith.addf %add3A_195, %slice3A_194 : vector<1024x128xf32>
    %slice3A_197 = vector.extract_strided_slice %get3A_13 {offsets = [0, 1024], sizes = [1, 128], strides = [1, 1]} : vector<1x4096xf32> to vector<1x128xf32>
    %add3A_198 = vector.broadcast %slice3A_197 : vector<1x128xf32> to vector<1024x128xf32>
    %add3A_199 = arith.addf %add3A_196, %add3A_198 : vector<1024x128xf32>
    %slice3A_200 = vector.extract_strided_slice %dot_general3A_7 {offsets = [0, 1152], sizes = [1024, 128], strides = [1, 1]} : vector<1024x4096xf32> to vector<1024x128xf32>
    %add3A_201 = vector.broadcast %get3A_10 : vector<1024x1xf32> to vector<1024x128xf32>
    %add3A_202 = arith.addf %add3A_201, %slice3A_200 : vector<1024x128xf32>
    %slice3A_203 = vector.extract_strided_slice %get3A_13 {offsets = [0, 1152], sizes = [1, 128], strides = [1, 1]} : vector<1x4096xf32> to vector<1x128xf32>
    %add3A_204 = vector.broadcast %slice3A_203 : vector<1x128xf32> to vector<1024x128xf32>
    %add3A_205 = arith.addf %add3A_202, %add3A_204 : vector<1024x128xf32>
    %lt3A_206 = arith.cmpf olt, %add3A_205, %add3A_199 : vector<1024x128xf32>
    %min3A_207 = arith.minimumf %add3A_199, %add3A_205 : vector<1024x128xf32>
    %max3A_208 = arith.maximumf %add3A_199, %add3A_205 : vector<1024x128xf32>
    %jit3A_209 = arith.constant 4.100000e+01 : f32
    %jit3A_210 = arith.constant 4.000000e+01 : f32
    %broadcast_in_dim3A_211 = vector.broadcast %jit3A_209 : f32 to vector<1024x128xf32>
    %broadcast_in_dim3A_212 = vector.broadcast %jit3A_210 : f32 to vector<1024x128xf32>
    %select_n3A_213 = arith.select %lt3A_206, %broadcast_in_dim3A_211, %broadcast_in_dim3A_212 : vector<1024x128xi1>, vector<1024x128xf32>
    %jit3A_214 = arith.constant 4.000000e+01 : f32
    %jit3A_215 = arith.constant 4.100000e+01 : f32
    %broadcast_in_dim3A_216 = vector.broadcast %jit3A_214 : f32 to vector<1024x128xf32>
    %broadcast_in_dim3A_217 = vector.broadcast %jit3A_215 : f32 to vector<1024x128xf32>
    %select_n3A_218 = arith.select %lt3A_206, %broadcast_in_dim3A_216, %broadcast_in_dim3A_217 : vector<1024x128xi1>, vector<1024x128xf32>
    %lt3A_219 = arith.cmpf olt, %min3A_207, %select_n3A_189 : vector<1024x128xf32>
    %lt3A_220 = arith.cmpf olt, %min3A_207, %select_n3A_186 : vector<1024x128xf32>
    %lt3A_221 = arith.cmpf olt, %min3A_207, %select_n3A_182 : vector<1024x128xf32>
    %select_n3A_222 = arith.select %lt3A_220, %select_n3A_186, %min3A_207 : vector<1024x128xi1>, vector<1024x128xf32>
    %select_n3A_223 = arith.select %lt3A_221, %select_n3A_222, %select_n3A_182 : vector<1024x128xi1>, vector<1024x128xf32>
    %select_n3A_224 = arith.select %lt3A_220, %select_n3A_188, %select_n3A_213 : vector<1024x128xi1>, vector<1024x128xf32>
    %select_n3A_225 = arith.select %lt3A_221, %select_n3A_224, %select_n3A_184 : vector<1024x128xi1>, vector<1024x128xf32>
    %select_n3A_226 = arith.select %lt3A_219, %select_n3A_189, %min3A_207 : vector<1024x128xi1>, vector<1024x128xf32>
    %select_n3A_227 = arith.select %lt3A_220, %select_n3A_226, %select_n3A_186 : vector<1024x128xi1>, vector<1024x128xf32>
    %select_n3A_228 = arith.select %lt3A_219, %select_n3A_190, %select_n3A_213 : vector<1024x128xi1>, vector<1024x128xf32>
    %select_n3A_229 = arith.select %lt3A_220, %select_n3A_228, %select_n3A_188 : vector<1024x128xi1>, vector<1024x128xf32>
    %select_n3A_230 = arith.select %lt3A_219, %min3A_207, %select_n3A_189 : vector<1024x128xi1>, vector<1024x128xf32>
    %select_n3A_231 = arith.select %lt3A_219, %select_n3A_213, %select_n3A_190 : vector<1024x128xi1>, vector<1024x128xf32>
    %lt3A_232 = arith.cmpf olt, %max3A_208, %select_n3A_192 : vector<1024x128xf32>
    %select_n3A_233 = arith.select %lt3A_232, %max3A_208, %select_n3A_192 : vector<1024x128xi1>, vector<1024x128xf32>
    %select_n3A_234 = arith.select %lt3A_232, %select_n3A_218, %select_n3A_193 : vector<1024x128xi1>, vector<1024x128xf32>
    %slice3A_235 = vector.extract_strided_slice %dot_general3A_7 {offsets = [0, 1280], sizes = [1024, 128], strides = [1, 1]} : vector<1024x4096xf32> to vector<1024x128xf32>
    %add3A_236 = vector.broadcast %get3A_10 : vector<1024x1xf32> to vector<1024x128xf32>
    %add3A_237 = arith.addf %add3A_236, %slice3A_235 : vector<1024x128xf32>
    %slice3A_238 = vector.extract_strided_slice %get3A_13 {offsets = [0, 1280], sizes = [1, 128], strides = [1, 1]} : vector<1x4096xf32> to vector<1x128xf32>
    %add3A_239 = vector.broadcast %slice3A_238 : vector<1x128xf32> to vector<1024x128xf32>
    %add3A_240 = arith.addf %add3A_237, %add3A_239 : vector<1024x128xf32>
    %slice3A_241 = vector.extract_strided_slice %dot_general3A_7 {offsets = [0, 1408], sizes = [1024, 128], strides = [1, 1]} : vector<1024x4096xf32> to vector<1024x128xf32>
    %add3A_242 = vector.broadcast %get3A_10 : vector<1024x1xf32> to vector<1024x128xf32>
    %add3A_243 = arith.addf %add3A_242, %slice3A_241 : vector<1024x128xf32>
    %slice3A_244 = vector.extract_strided_slice %get3A_13 {offsets = [0, 1408], sizes = [1, 128], strides = [1, 1]} : vector<1x4096xf32> to vector<1x128xf32>
    %add3A_245 = vector.broadcast %slice3A_244 : vector<1x128xf32> to vector<1024x128xf32>
    %add3A_246 = arith.addf %add3A_243, %add3A_245 : vector<1024x128xf32>
    %lt3A_247 = arith.cmpf olt, %add3A_246, %add3A_240 : vector<1024x128xf32>
    %min3A_248 = arith.minimumf %add3A_240, %add3A_246 : vector<1024x128xf32>
    %max3A_249 = arith.maximumf %add3A_240, %add3A_246 : vector<1024x128xf32>
    %jit3A_250 = arith.constant 4.300000e+01 : f32
    %jit3A_251 = arith.constant 4.200000e+01 : f32
    %broadcast_in_dim3A_252 = vector.broadcast %jit3A_250 : f32 to vector<1024x128xf32>
    %broadcast_in_dim3A_253 = vector.broadcast %jit3A_251 : f32 to vector<1024x128xf32>
    %select_n3A_254 = arith.select %lt3A_247, %broadcast_in_dim3A_252, %broadcast_in_dim3A_253 : vector<1024x128xi1>, vector<1024x128xf32>
    %jit3A_255 = arith.constant 4.200000e+01 : f32
    %jit3A_256 = arith.constant 4.300000e+01 : f32
    %broadcast_in_dim3A_257 = vector.broadcast %jit3A_255 : f32 to vector<1024x128xf32>
    %broadcast_in_dim3A_258 = vector.broadcast %jit3A_256 : f32 to vector<1024x128xf32>
    %select_n3A_259 = arith.select %lt3A_247, %broadcast_in_dim3A_257, %broadcast_in_dim3A_258 : vector<1024x128xi1>, vector<1024x128xf32>
    %lt3A_260 = arith.cmpf olt, %min3A_248, %select_n3A_230 : vector<1024x128xf32>
    %lt3A_261 = arith.cmpf olt, %min3A_248, %select_n3A_227 : vector<1024x128xf32>
    %lt3A_262 = arith.cmpf olt, %min3A_248, %select_n3A_223 : vector<1024x128xf32>
    %select_n3A_263 = arith.select %lt3A_261, %select_n3A_227, %min3A_248 : vector<1024x128xi1>, vector<1024x128xf32>
    %select_n3A_264 = arith.select %lt3A_262, %select_n3A_263, %select_n3A_223 : vector<1024x128xi1>, vector<1024x128xf32>
    %select_n3A_265 = arith.select %lt3A_261, %select_n3A_229, %select_n3A_254 : vector<1024x128xi1>, vector<1024x128xf32>
    %select_n3A_266 = arith.select %lt3A_262, %select_n3A_265, %select_n3A_225 : vector<1024x128xi1>, vector<1024x128xf32>
    %select_n3A_267 = arith.select %lt3A_260, %select_n3A_230, %min3A_248 : vector<1024x128xi1>, vector<1024x128xf32>
    %select_n3A_268 = arith.select %lt3A_261, %select_n3A_267, %select_n3A_227 : vector<1024x128xi1>, vector<1024x128xf32>
    %select_n3A_269 = arith.select %lt3A_260, %select_n3A_231, %select_n3A_254 : vector<1024x128xi1>, vector<1024x128xf32>
    %select_n3A_270 = arith.select %lt3A_261, %select_n3A_269, %select_n3A_229 : vector<1024x128xi1>, vector<1024x128xf32>
    %select_n3A_271 = arith.select %lt3A_260, %min3A_248, %select_n3A_230 : vector<1024x128xi1>, vector<1024x128xf32>
    %select_n3A_272 = arith.select %lt3A_260, %select_n3A_254, %select_n3A_231 : vector<1024x128xi1>, vector<1024x128xf32>
    %lt3A_273 = arith.cmpf olt, %max3A_249, %select_n3A_233 : vector<1024x128xf32>
    %select_n3A_274 = arith.select %lt3A_273, %max3A_249, %select_n3A_233 : vector<1024x128xi1>, vector<1024x128xf32>
    %select_n3A_275 = arith.select %lt3A_273, %select_n3A_259, %select_n3A_234 : vector<1024x128xi1>, vector<1024x128xf32>
    %slice3A_276 = vector.extract_strided_slice %dot_general3A_7 {offsets = [0, 1536], sizes = [1024, 128], strides = [1, 1]} : vector<1024x4096xf32> to vector<1024x128xf32>
    %add3A_277 = vector.broadcast %get3A_10 : vector<1024x1xf32> to vector<1024x128xf32>
    %add3A_278 = arith.addf %add3A_277, %slice3A_276 : vector<1024x128xf32>
    %slice3A_279 = vector.extract_strided_slice %get3A_13 {offsets = [0, 1536], sizes = [1, 128], strides = [1, 1]} : vector<1x4096xf32> to vector<1x128xf32>
    %add3A_280 = vector.broadcast %slice3A_279 : vector<1x128xf32> to vector<1024x128xf32>
    %add3A_281 = arith.addf %add3A_278, %add3A_280 : vector<1024x128xf32>
    %slice3A_282 = vector.extract_strided_slice %dot_general3A_7 {offsets = [0, 1664], sizes = [1024, 128], strides = [1, 1]} : vector<1024x4096xf32> to vector<1024x128xf32>
    %add3A_283 = vector.broadcast %get3A_10 : vector<1024x1xf32> to vector<1024x128xf32>
    %add3A_284 = arith.addf %add3A_283, %slice3A_282 : vector<1024x128xf32>
    %slice3A_285 = vector.extract_strided_slice %get3A_13 {offsets = [0, 1664], sizes = [1, 128], strides = [1, 1]} : vector<1x4096xf32> to vector<1x128xf32>
    %add3A_286 = vector.broadcast %slice3A_285 : vector<1x128xf32> to vector<1024x128xf32>
    %add3A_287 = arith.addf %add3A_284, %add3A_286 : vector<1024x128xf32>
    %lt3A_288 = arith.cmpf olt, %add3A_287, %add3A_281 : vector<1024x128xf32>
    %min3A_289 = arith.minimumf %add3A_281, %add3A_287 : vector<1024x128xf32>
    %max3A_290 = arith.maximumf %add3A_281, %add3A_287 : vector<1024x128xf32>
    %jit3A_291 = arith.constant 4.500000e+01 : f32
    %jit3A_292 = arith.constant 4.400000e+01 : f32
    %broadcast_in_dim3A_293 = vector.broadcast %jit3A_291 : f32 to vector<1024x128xf32>
    %broadcast_in_dim3A_294 = vector.broadcast %jit3A_292 : f32 to vector<1024x128xf32>
    %select_n3A_295 = arith.select %lt3A_288, %broadcast_in_dim3A_293, %broadcast_in_dim3A_294 : vector<1024x128xi1>, vector<1024x128xf32>
    %jit3A_296 = arith.constant 4.400000e+01 : f32
    %jit3A_297 = arith.constant 4.500000e+01 : f32
    %broadcast_in_dim3A_298 = vector.broadcast %jit3A_296 : f32 to vector<1024x128xf32>
    %broadcast_in_dim3A_299 = vector.broadcast %jit3A_297 : f32 to vector<1024x128xf32>
    %select_n3A_300 = arith.select %lt3A_288, %broadcast_in_dim3A_298, %broadcast_in_dim3A_299 : vector<1024x128xi1>, vector<1024x128xf32>
    %lt3A_301 = arith.cmpf olt, %min3A_289, %select_n3A_271 : vector<1024x128xf32>
    %lt3A_302 = arith.cmpf olt, %min3A_289, %select_n3A_268 : vector<1024x128xf32>
    %lt3A_303 = arith.cmpf olt, %min3A_289, %select_n3A_264 : vector<1024x128xf32>
    %select_n3A_304 = arith.select %lt3A_302, %select_n3A_268, %min3A_289 : vector<1024x128xi1>, vector<1024x128xf32>
    %select_n3A_305 = arith.select %lt3A_303, %select_n3A_304, %select_n3A_264 : vector<1024x128xi1>, vector<1024x128xf32>
    %select_n3A_306 = arith.select %lt3A_302, %select_n3A_270, %select_n3A_295 : vector<1024x128xi1>, vector<1024x128xf32>
    %select_n3A_307 = arith.select %lt3A_303, %select_n3A_306, %select_n3A_266 : vector<1024x128xi1>, vector<1024x128xf32>
    %select_n3A_308 = arith.select %lt3A_301, %select_n3A_271, %min3A_289 : vector<1024x128xi1>, vector<1024x128xf32>
    %select_n3A_309 = arith.select %lt3A_302, %select_n3A_308, %select_n3A_268 : vector<1024x128xi1>, vector<1024x128xf32>
    %select_n3A_310 = arith.select %lt3A_301, %select_n3A_272, %select_n3A_295 : vector<1024x128xi1>, vector<1024x128xf32>
    %select_n3A_311 = arith.select %lt3A_302, %select_n3A_310, %select_n3A_270 : vector<1024x128xi1>, vector<1024x128xf32>
    %select_n3A_312 = arith.select %lt3A_301, %min3A_289, %select_n3A_271 : vector<1024x128xi1>, vector<1024x128xf32>
    %select_n3A_313 = arith.select %lt3A_301, %select_n3A_295, %select_n3A_272 : vector<1024x128xi1>, vector<1024x128xf32>
    %lt3A_314 = arith.cmpf olt, %max3A_290, %select_n3A_274 : vector<1024x128xf32>
    %select_n3A_315 = arith.select %lt3A_314, %max3A_290, %select_n3A_274 : vector<1024x128xi1>, vector<1024x128xf32>
    %select_n3A_316 = arith.select %lt3A_314, %select_n3A_300, %select_n3A_275 : vector<1024x128xi1>, vector<1024x128xf32>
    %slice3A_317 = vector.extract_strided_slice %dot_general3A_7 {offsets = [0, 1792], sizes = [1024, 128], strides = [1, 1]} : vector<1024x4096xf32> to vector<1024x128xf32>
    %add3A_318 = vector.broadcast %get3A_10 : vector<1024x1xf32> to vector<1024x128xf32>
    %add3A_319 = arith.addf %add3A_318, %slice3A_317 : vector<1024x128xf32>
    %slice3A_320 = vector.extract_strided_slice %get3A_13 {offsets = [0, 1792], sizes = [1, 128], strides = [1, 1]} : vector<1x4096xf32> to vector<1x128xf32>
    %add3A_321 = vector.broadcast %slice3A_320 : vector<1x128xf32> to vector<1024x128xf32>
    %add3A_322 = arith.addf %add3A_319, %add3A_321 : vector<1024x128xf32>
    %slice3A_323 = vector.extract_strided_slice %dot_general3A_7 {offsets = [0, 1920], sizes = [1024, 128], strides = [1, 1]} : vector<1024x4096xf32> to vector<1024x128xf32>
    %add3A_324 = vector.broadcast %get3A_10 : vector<1024x1xf32> to vector<1024x128xf32>
    %add3A_325 = arith.addf %add3A_324, %slice3A_323 : vector<1024x128xf32>
    %slice3A_326 = vector.extract_strided_slice %get3A_13 {offsets = [0, 1920], sizes = [1, 128], strides = [1, 1]} : vector<1x4096xf32> to vector<1x128xf32>
    %add3A_327 = vector.broadcast %slice3A_326 : vector<1x128xf32> to vector<1024x128xf32>
    %add3A_328 = arith.addf %add3A_325, %add3A_327 : vector<1024x128xf32>
    %lt3A_329 = arith.cmpf olt, %add3A_328, %add3A_322 : vector<1024x128xf32>
    %min3A_330 = arith.minimumf %add3A_322, %add3A_328 : vector<1024x128xf32>
    %max3A_331 = arith.maximumf %add3A_322, %add3A_328 : vector<1024x128xf32>
    %jit3A_332 = arith.constant 4.700000e+01 : f32
    %jit3A_333 = arith.constant 4.600000e+01 : f32
    %broadcast_in_dim3A_334 = vector.broadcast %jit3A_332 : f32 to vector<1024x128xf32>
    %broadcast_in_dim3A_335 = vector.broadcast %jit3A_333 : f32 to vector<1024x128xf32>
    %select_n3A_336 = arith.select %lt3A_329, %broadcast_in_dim3A_334, %broadcast_in_dim3A_335 : vector<1024x128xi1>, vector<1024x128xf32>
    %jit3A_337 = arith.constant 4.600000e+01 : f32
    %jit3A_338 = arith.constant 4.700000e+01 : f32
    %broadcast_in_dim3A_339 = vector.broadcast %jit3A_337 : f32 to vector<1024x128xf32>
    %broadcast_in_dim3A_340 = vector.broadcast %jit3A_338 : f32 to vector<1024x128xf32>
    %select_n3A_341 = arith.select %lt3A_329, %broadcast_in_dim3A_339, %broadcast_in_dim3A_340 : vector<1024x128xi1>, vector<1024x128xf32>
    %lt3A_342 = arith.cmpf olt, %min3A_330, %select_n3A_312 : vector<1024x128xf32>
    %lt3A_343 = arith.cmpf olt, %min3A_330, %select_n3A_309 : vector<1024x128xf32>
    %lt3A_344 = arith.cmpf olt, %min3A_330, %select_n3A_305 : vector<1024x128xf32>
    %select_n3A_345 = arith.select %lt3A_343, %select_n3A_309, %min3A_330 : vector<1024x128xi1>, vector<1024x128xf32>
    %select_n3A_346 = arith.select %lt3A_344, %select_n3A_345, %select_n3A_305 : vector<1024x128xi1>, vector<1024x128xf32>
    %select_n3A_347 = arith.select %lt3A_343, %select_n3A_311, %select_n3A_336 : vector<1024x128xi1>, vector<1024x128xf32>
    %select_n3A_348 = arith.select %lt3A_344, %select_n3A_347, %select_n3A_307 : vector<1024x128xi1>, vector<1024x128xf32>
    %select_n3A_349 = arith.select %lt3A_342, %select_n3A_312, %min3A_330 : vector<1024x128xi1>, vector<1024x128xf32>
    %select_n3A_350 = arith.select %lt3A_343, %select_n3A_349, %select_n3A_309 : vector<1024x128xi1>, vector<1024x128xf32>
    %select_n3A_351 = arith.select %lt3A_342, %select_n3A_313, %select_n3A_336 : vector<1024x128xi1>, vector<1024x128xf32>
    %select_n3A_352 = arith.select %lt3A_343, %select_n3A_351, %select_n3A_311 : vector<1024x128xi1>, vector<1024x128xf32>
    %select_n3A_353 = arith.select %lt3A_342, %min3A_330, %select_n3A_312 : vector<1024x128xi1>, vector<1024x128xf32>
    %select_n3A_354 = arith.select %lt3A_342, %select_n3A_336, %select_n3A_313 : vector<1024x128xi1>, vector<1024x128xf32>
    %lt3A_355 = arith.cmpf olt, %max3A_331, %select_n3A_315 : vector<1024x128xf32>
    %select_n3A_356 = arith.select %lt3A_355, %max3A_331, %select_n3A_315 : vector<1024x128xi1>, vector<1024x128xf32>
    %select_n3A_357 = arith.select %lt3A_355, %select_n3A_341, %select_n3A_316 : vector<1024x128xi1>, vector<1024x128xf32>
    %slice3A_358 = vector.extract_strided_slice %dot_general3A_7 {offsets = [0, 2048], sizes = [1024, 128], strides = [1, 1]} : vector<1024x4096xf32> to vector<1024x128xf32>
    %add3A_359 = vector.broadcast %get3A_10 : vector<1024x1xf32> to vector<1024x128xf32>
    %add3A_360 = arith.addf %add3A_359, %slice3A_358 : vector<1024x128xf32>
    %slice3A_361 = vector.extract_strided_slice %get3A_13 {offsets = [0, 2048], sizes = [1, 128], strides = [1, 1]} : vector<1x4096xf32> to vector<1x128xf32>
    %add3A_362 = vector.broadcast %slice3A_361 : vector<1x128xf32> to vector<1024x128xf32>
    %add3A_363 = arith.addf %add3A_360, %add3A_362 : vector<1024x128xf32>
    %slice3A_364 = vector.extract_strided_slice %dot_general3A_7 {offsets = [0, 2176], sizes = [1024, 128], strides = [1, 1]} : vector<1024x4096xf32> to vector<1024x128xf32>
    %add3A_365 = vector.broadcast %get3A_10 : vector<1024x1xf32> to vector<1024x128xf32>
    %add3A_366 = arith.addf %add3A_365, %slice3A_364 : vector<1024x128xf32>
    %slice3A_367 = vector.extract_strided_slice %get3A_13 {offsets = [0, 2176], sizes = [1, 128], strides = [1, 1]} : vector<1x4096xf32> to vector<1x128xf32>
    %add3A_368 = vector.broadcast %slice3A_367 : vector<1x128xf32> to vector<1024x128xf32>
    %add3A_369 = arith.addf %add3A_366, %add3A_368 : vector<1024x128xf32>
    %lt3A_370 = arith.cmpf olt, %add3A_369, %add3A_363 : vector<1024x128xf32>
    %min3A_371 = arith.minimumf %add3A_363, %add3A_369 : vector<1024x128xf32>
    %max3A_372 = arith.maximumf %add3A_363, %add3A_369 : vector<1024x128xf32>
    %jit3A_373 = arith.constant 4.900000e+01 : f32
    %jit3A_374 = arith.constant 4.800000e+01 : f32
    %broadcast_in_dim3A_375 = vector.broadcast %jit3A_373 : f32 to vector<1024x128xf32>
    %broadcast_in_dim3A_376 = vector.broadcast %jit3A_374 : f32 to vector<1024x128xf32>
    %select_n3A_377 = arith.select %lt3A_370, %broadcast_in_dim3A_375, %broadcast_in_dim3A_376 : vector<1024x128xi1>, vector<1024x128xf32>
    %jit3A_378 = arith.constant 4.800000e+01 : f32
    %jit3A_379 = arith.constant 4.900000e+01 : f32
    %broadcast_in_dim3A_380 = vector.broadcast %jit3A_378 : f32 to vector<1024x128xf32>
    %broadcast_in_dim3A_381 = vector.broadcast %jit3A_379 : f32 to vector<1024x128xf32>
    %select_n3A_382 = arith.select %lt3A_370, %broadcast_in_dim3A_380, %broadcast_in_dim3A_381 : vector<1024x128xi1>, vector<1024x128xf32>
    %lt3A_383 = arith.cmpf olt, %min3A_371, %select_n3A_353 : vector<1024x128xf32>
    %lt3A_384 = arith.cmpf olt, %min3A_371, %select_n3A_350 : vector<1024x128xf32>
    %lt3A_385 = arith.cmpf olt, %min3A_371, %select_n3A_346 : vector<1024x128xf32>
    %select_n3A_386 = arith.select %lt3A_384, %select_n3A_350, %min3A_371 : vector<1024x128xi1>, vector<1024x128xf32>
    %select_n3A_387 = arith.select %lt3A_385, %select_n3A_386, %select_n3A_346 : vector<1024x128xi1>, vector<1024x128xf32>
    %select_n3A_388 = arith.select %lt3A_384, %select_n3A_352, %select_n3A_377 : vector<1024x128xi1>, vector<1024x128xf32>
    %select_n3A_389 = arith.select %lt3A_385, %select_n3A_388, %select_n3A_348 : vector<1024x128xi1>, vector<1024x128xf32>
    %select_n3A_390 = arith.select %lt3A_383, %select_n3A_353, %min3A_371 : vector<1024x128xi1>, vector<1024x128xf32>
    %select_n3A_391 = arith.select %lt3A_384, %select_n3A_390, %select_n3A_350 : vector<1024x128xi1>, vector<1024x128xf32>
    %select_n3A_392 = arith.select %lt3A_383, %select_n3A_354, %select_n3A_377 : vector<1024x128xi1>, vector<1024x128xf32>
    %select_n3A_393 = arith.select %lt3A_384, %select_n3A_392, %select_n3A_352 : vector<1024x128xi1>, vector<1024x128xf32>
    %select_n3A_394 = arith.select %lt3A_383, %min3A_371, %select_n3A_353 : vector<1024x128xi1>, vector<1024x128xf32>
    %select_n3A_395 = arith.select %lt3A_383, %select_n3A_377, %select_n3A_354 : vector<1024x128xi1>, vector<1024x128xf32>
    %lt3A_396 = arith.cmpf olt, %max3A_372, %select_n3A_356 : vector<1024x128xf32>
    %select_n3A_397 = arith.select %lt3A_396, %max3A_372, %select_n3A_356 : vector<1024x128xi1>, vector<1024x128xf32>
    %select_n3A_398 = arith.select %lt3A_396, %select_n3A_382, %select_n3A_357 : vector<1024x128xi1>, vector<1024x128xf32>
    %slice3A_399 = vector.extract_strided_slice %dot_general3A_7 {offsets = [0, 2304], sizes = [1024, 128], strides = [1, 1]} : vector<1024x4096xf32> to vector<1024x128xf32>
    %add3A_400 = vector.broadcast %get3A_10 : vector<1024x1xf32> to vector<1024x128xf32>
    %add3A_401 = arith.addf %add3A_400, %slice3A_399 : vector<1024x128xf32>
    %slice3A_402 = vector.extract_strided_slice %get3A_13 {offsets = [0, 2304], sizes = [1, 128], strides = [1, 1]} : vector<1x4096xf32> to vector<1x128xf32>
    %add3A_403 = vector.broadcast %slice3A_402 : vector<1x128xf32> to vector<1024x128xf32>
    %add3A_404 = arith.addf %add3A_401, %add3A_403 : vector<1024x128xf32>
    %slice3A_405 = vector.extract_strided_slice %dot_general3A_7 {offsets = [0, 2432], sizes = [1024, 128], strides = [1, 1]} : vector<1024x4096xf32> to vector<1024x128xf32>
    %add3A_406 = vector.broadcast %get3A_10 : vector<1024x1xf32> to vector<1024x128xf32>
    %add3A_407 = arith.addf %add3A_406, %slice3A_405 : vector<1024x128xf32>
    %slice3A_408 = vector.extract_strided_slice %get3A_13 {offsets = [0, 2432], sizes = [1, 128], strides = [1, 1]} : vector<1x4096xf32> to vector<1x128xf32>
    %add3A_409 = vector.broadcast %slice3A_408 : vector<1x128xf32> to vector<1024x128xf32>
    %add3A_410 = arith.addf %add3A_407, %add3A_409 : vector<1024x128xf32>
    %lt3A_411 = arith.cmpf olt, %add3A_410, %add3A_404 : vector<1024x128xf32>
    %min3A_412 = arith.minimumf %add3A_404, %add3A_410 : vector<1024x128xf32>
    %max3A_413 = arith.maximumf %add3A_404, %add3A_410 : vector<1024x128xf32>
    %jit3A_414 = arith.constant 5.100000e+01 : f32
    %jit3A_415 = arith.constant 5.000000e+01 : f32
    %broadcast_in_dim3A_416 = vector.broadcast %jit3A_414 : f32 to vector<1024x128xf32>
    %broadcast_in_dim3A_417 = vector.broadcast %jit3A_415 : f32 to vector<1024x128xf32>
    %select_n3A_418 = arith.select %lt3A_411, %broadcast_in_dim3A_416, %broadcast_in_dim3A_417 : vector<1024x128xi1>, vector<1024x128xf32>
    %jit3A_419 = arith.constant 5.000000e+01 : f32
    %jit3A_420 = arith.constant 5.100000e+01 : f32
    %broadcast_in_dim3A_421 = vector.broadcast %jit3A_419 : f32 to vector<1024x128xf32>
    %broadcast_in_dim3A_422 = vector.broadcast %jit3A_420 : f32 to vector<1024x128xf32>
    %select_n3A_423 = arith.select %lt3A_411, %broadcast_in_dim3A_421, %broadcast_in_dim3A_422 : vector<1024x128xi1>, vector<1024x128xf32>
    %lt3A_424 = arith.cmpf olt, %min3A_412, %select_n3A_394 : vector<1024x128xf32>
    %lt3A_425 = arith.cmpf olt, %min3A_412, %select_n3A_391 : vector<1024x128xf32>
    %lt3A_426 = arith.cmpf olt, %min3A_412, %select_n3A_387 : vector<1024x128xf32>
    %select_n3A_427 = arith.select %lt3A_425, %select_n3A_391, %min3A_412 : vector<1024x128xi1>, vector<1024x128xf32>
    %select_n3A_428 = arith.select %lt3A_426, %select_n3A_427, %select_n3A_387 : vector<1024x128xi1>, vector<1024x128xf32>
    %select_n3A_429 = arith.select %lt3A_425, %select_n3A_393, %select_n3A_418 : vector<1024x128xi1>, vector<1024x128xf32>
    %select_n3A_430 = arith.select %lt3A_426, %select_n3A_429, %select_n3A_389 : vector<1024x128xi1>, vector<1024x128xf32>
    %select_n3A_431 = arith.select %lt3A_424, %select_n3A_394, %min3A_412 : vector<1024x128xi1>, vector<1024x128xf32>
    %select_n3A_432 = arith.select %lt3A_425, %select_n3A_431, %select_n3A_391 : vector<1024x128xi1>, vector<1024x128xf32>
    %select_n3A_433 = arith.select %lt3A_424, %select_n3A_395, %select_n3A_418 : vector<1024x128xi1>, vector<1024x128xf32>
    %select_n3A_434 = arith.select %lt3A_425, %select_n3A_433, %select_n3A_393 : vector<1024x128xi1>, vector<1024x128xf32>
    %select_n3A_435 = arith.select %lt3A_424, %min3A_412, %select_n3A_394 : vector<1024x128xi1>, vector<1024x128xf32>
    %select_n3A_436 = arith.select %lt3A_424, %select_n3A_418, %select_n3A_395 : vector<1024x128xi1>, vector<1024x128xf32>
    %lt3A_437 = arith.cmpf olt, %max3A_413, %select_n3A_397 : vector<1024x128xf32>
    %select_n3A_438 = arith.select %lt3A_437, %max3A_413, %select_n3A_397 : vector<1024x128xi1>, vector<1024x128xf32>
    %select_n3A_439 = arith.select %lt3A_437, %select_n3A_423, %select_n3A_398 : vector<1024x128xi1>, vector<1024x128xf32>
    %slice3A_440 = vector.extract_strided_slice %dot_general3A_7 {offsets = [0, 2560], sizes = [1024, 128], strides = [1, 1]} : vector<1024x4096xf32> to vector<1024x128xf32>
    %add3A_441 = vector.broadcast %get3A_10 : vector<1024x1xf32> to vector<1024x128xf32>
    %add3A_442 = arith.addf %add3A_441, %slice3A_440 : vector<1024x128xf32>
    %slice3A_443 = vector.extract_strided_slice %get3A_13 {offsets = [0, 2560], sizes = [1, 128], strides = [1, 1]} : vector<1x4096xf32> to vector<1x128xf32>
    %add3A_444 = vector.broadcast %slice3A_443 : vector<1x128xf32> to vector<1024x128xf32>
    %add3A_445 = arith.addf %add3A_442, %add3A_444 : vector<1024x128xf32>
    %slice3A_446 = vector.extract_strided_slice %dot_general3A_7 {offsets = [0, 2688], sizes = [1024, 128], strides = [1, 1]} : vector<1024x4096xf32> to vector<1024x128xf32>
    %add3A_447 = vector.broadcast %get3A_10 : vector<1024x1xf32> to vector<1024x128xf32>
    %add3A_448 = arith.addf %add3A_447, %slice3A_446 : vector<1024x128xf32>
    %slice3A_449 = vector.extract_strided_slice %get3A_13 {offsets = [0, 2688], sizes = [1, 128], strides = [1, 1]} : vector<1x4096xf32> to vector<1x128xf32>
    %add3A_450 = vector.broadcast %slice3A_449 : vector<1x128xf32> to vector<1024x128xf32>
    %add3A_451 = arith.addf %add3A_448, %add3A_450 : vector<1024x128xf32>
    %lt3A_452 = arith.cmpf olt, %add3A_451, %add3A_445 : vector<1024x128xf32>
    %min3A_453 = arith.minimumf %add3A_445, %add3A_451 : vector<1024x128xf32>
    %max3A_454 = arith.maximumf %add3A_445, %add3A_451 : vector<1024x128xf32>
    %jit3A_455 = arith.constant 5.300000e+01 : f32
    %jit3A_456 = arith.constant 5.200000e+01 : f32
    %broadcast_in_dim3A_457 = vector.broadcast %jit3A_455 : f32 to vector<1024x128xf32>
    %broadcast_in_dim3A_458 = vector.broadcast %jit3A_456 : f32 to vector<1024x128xf32>
    %select_n3A_459 = arith.select %lt3A_452, %broadcast_in_dim3A_457, %broadcast_in_dim3A_458 : vector<1024x128xi1>, vector<1024x128xf32>
    %jit3A_460 = arith.constant 5.200000e+01 : f32
    %jit3A_461 = arith.constant 5.300000e+01 : f32
    %broadcast_in_dim3A_462 = vector.broadcast %jit3A_460 : f32 to vector<1024x128xf32>
    %broadcast_in_dim3A_463 = vector.broadcast %jit3A_461 : f32 to vector<1024x128xf32>
    %select_n3A_464 = arith.select %lt3A_452, %broadcast_in_dim3A_462, %broadcast_in_dim3A_463 : vector<1024x128xi1>, vector<1024x128xf32>
    %lt3A_465 = arith.cmpf olt, %min3A_453, %select_n3A_435 : vector<1024x128xf32>
    %lt3A_466 = arith.cmpf olt, %min3A_453, %select_n3A_432 : vector<1024x128xf32>
    %lt3A_467 = arith.cmpf olt, %min3A_453, %select_n3A_428 : vector<1024x128xf32>
    %select_n3A_468 = arith.select %lt3A_466, %select_n3A_432, %min3A_453 : vector<1024x128xi1>, vector<1024x128xf32>
    %select_n3A_469 = arith.select %lt3A_467, %select_n3A_468, %select_n3A_428 : vector<1024x128xi1>, vector<1024x128xf32>
    %select_n3A_470 = arith.select %lt3A_466, %select_n3A_434, %select_n3A_459 : vector<1024x128xi1>, vector<1024x128xf32>
    %select_n3A_471 = arith.select %lt3A_467, %select_n3A_470, %select_n3A_430 : vector<1024x128xi1>, vector<1024x128xf32>
    %select_n3A_472 = arith.select %lt3A_465, %select_n3A_435, %min3A_453 : vector<1024x128xi1>, vector<1024x128xf32>
    %select_n3A_473 = arith.select %lt3A_466, %select_n3A_472, %select_n3A_432 : vector<1024x128xi1>, vector<1024x128xf32>
    %select_n3A_474 = arith.select %lt3A_465, %select_n3A_436, %select_n3A_459 : vector<1024x128xi1>, vector<1024x128xf32>
    %select_n3A_475 = arith.select %lt3A_466, %select_n3A_474, %select_n3A_434 : vector<1024x128xi1>, vector<1024x128xf32>
    %select_n3A_476 = arith.select %lt3A_465, %min3A_453, %select_n3A_435 : vector<1024x128xi1>, vector<1024x128xf32>
    %select_n3A_477 = arith.select %lt3A_465, %select_n3A_459, %select_n3A_436 : vector<1024x128xi1>, vector<1024x128xf32>
    %lt3A_478 = arith.cmpf olt, %max3A_454, %select_n3A_438 : vector<1024x128xf32>
    %select_n3A_479 = arith.select %lt3A_478, %max3A_454, %select_n3A_438 : vector<1024x128xi1>, vector<1024x128xf32>
    %select_n3A_480 = arith.select %lt3A_478, %select_n3A_464, %select_n3A_439 : vector<1024x128xi1>, vector<1024x128xf32>
    %slice3A_481 = vector.extract_strided_slice %dot_general3A_7 {offsets = [0, 2816], sizes = [1024, 128], strides = [1, 1]} : vector<1024x4096xf32> to vector<1024x128xf32>
    %add3A_482 = vector.broadcast %get3A_10 : vector<1024x1xf32> to vector<1024x128xf32>
    %add3A_483 = arith.addf %add3A_482, %slice3A_481 : vector<1024x128xf32>
    %slice3A_484 = vector.extract_strided_slice %get3A_13 {offsets = [0, 2816], sizes = [1, 128], strides = [1, 1]} : vector<1x4096xf32> to vector<1x128xf32>
    %add3A_485 = vector.broadcast %slice3A_484 : vector<1x128xf32> to vector<1024x128xf32>
    %add3A_486 = arith.addf %add3A_483, %add3A_485 : vector<1024x128xf32>
    %slice3A_487 = vector.extract_strided_slice %dot_general3A_7 {offsets = [0, 2944], sizes = [1024, 128], strides = [1, 1]} : vector<1024x4096xf32> to vector<1024x128xf32>
    %add3A_488 = vector.broadcast %get3A_10 : vector<1024x1xf32> to vector<1024x128xf32>
    %add3A_489 = arith.addf %add3A_488, %slice3A_487 : vector<1024x128xf32>
    %slice3A_490 = vector.extract_strided_slice %get3A_13 {offsets = [0, 2944], sizes = [1, 128], strides = [1, 1]} : vector<1x4096xf32> to vector<1x128xf32>
    %add3A_491 = vector.broadcast %slice3A_490 : vector<1x128xf32> to vector<1024x128xf32>
    %add3A_492 = arith.addf %add3A_489, %add3A_491 : vector<1024x128xf32>
    %lt3A_493 = arith.cmpf olt, %add3A_492, %add3A_486 : vector<1024x128xf32>
    %min3A_494 = arith.minimumf %add3A_486, %add3A_492 : vector<1024x128xf32>
    %max3A_495 = arith.maximumf %add3A_486, %add3A_492 : vector<1024x128xf32>
    %jit3A_496 = arith.constant 5.500000e+01 : f32
    %jit3A_497 = arith.constant 5.400000e+01 : f32
    %broadcast_in_dim3A_498 = vector.broadcast %jit3A_496 : f32 to vector<1024x128xf32>
    %broadcast_in_dim3A_499 = vector.broadcast %jit3A_497 : f32 to vector<1024x128xf32>
    %select_n3A_500 = arith.select %lt3A_493, %broadcast_in_dim3A_498, %broadcast_in_dim3A_499 : vector<1024x128xi1>, vector<1024x128xf32>
    %jit3A_501 = arith.constant 5.400000e+01 : f32
    %jit3A_502 = arith.constant 5.500000e+01 : f32
    %broadcast_in_dim3A_503 = vector.broadcast %jit3A_501 : f32 to vector<1024x128xf32>
    %broadcast_in_dim3A_504 = vector.broadcast %jit3A_502 : f32 to vector<1024x128xf32>
    %select_n3A_505 = arith.select %lt3A_493, %broadcast_in_dim3A_503, %broadcast_in_dim3A_504 : vector<1024x128xi1>, vector<1024x128xf32>
    %lt3A_506 = arith.cmpf olt, %min3A_494, %select_n3A_476 : vector<1024x128xf32>
    %lt3A_507 = arith.cmpf olt, %min3A_494, %select_n3A_473 : vector<1024x128xf32>
    %lt3A_508 = arith.cmpf olt, %min3A_494, %select_n3A_469 : vector<1024x128xf32>
    %select_n3A_509 = arith.select %lt3A_507, %select_n3A_473, %min3A_494 : vector<1024x128xi1>, vector<1024x128xf32>
    %select_n3A_510 = arith.select %lt3A_508, %select_n3A_509, %select_n3A_469 : vector<1024x128xi1>, vector<1024x128xf32>
    %select_n3A_511 = arith.select %lt3A_507, %select_n3A_475, %select_n3A_500 : vector<1024x128xi1>, vector<1024x128xf32>
    %select_n3A_512 = arith.select %lt3A_508, %select_n3A_511, %select_n3A_471 : vector<1024x128xi1>, vector<1024x128xf32>
    %select_n3A_513 = arith.select %lt3A_506, %select_n3A_476, %min3A_494 : vector<1024x128xi1>, vector<1024x128xf32>
    %select_n3A_514 = arith.select %lt3A_507, %select_n3A_513, %select_n3A_473 : vector<1024x128xi1>, vector<1024x128xf32>
    %select_n3A_515 = arith.select %lt3A_506, %select_n3A_477, %select_n3A_500 : vector<1024x128xi1>, vector<1024x128xf32>
    %select_n3A_516 = arith.select %lt3A_507, %select_n3A_515, %select_n3A_475 : vector<1024x128xi1>, vector<1024x128xf32>
    %select_n3A_517 = arith.select %lt3A_506, %min3A_494, %select_n3A_476 : vector<1024x128xi1>, vector<1024x128xf32>
    %select_n3A_518 = arith.select %lt3A_506, %select_n3A_500, %select_n3A_477 : vector<1024x128xi1>, vector<1024x128xf32>
    %lt3A_519 = arith.cmpf olt, %max3A_495, %select_n3A_479 : vector<1024x128xf32>
    %select_n3A_520 = arith.select %lt3A_519, %max3A_495, %select_n3A_479 : vector<1024x128xi1>, vector<1024x128xf32>
    %select_n3A_521 = arith.select %lt3A_519, %select_n3A_505, %select_n3A_480 : vector<1024x128xi1>, vector<1024x128xf32>
    %slice3A_522 = vector.extract_strided_slice %dot_general3A_7 {offsets = [0, 3072], sizes = [1024, 128], strides = [1, 1]} : vector<1024x4096xf32> to vector<1024x128xf32>
    %add3A_523 = vector.broadcast %get3A_10 : vector<1024x1xf32> to vector<1024x128xf32>
    %add3A_524 = arith.addf %add3A_523, %slice3A_522 : vector<1024x128xf32>
    %slice3A_525 = vector.extract_strided_slice %get3A_13 {offsets = [0, 3072], sizes = [1, 128], strides = [1, 1]} : vector<1x4096xf32> to vector<1x128xf32>
    %add3A_526 = vector.broadcast %slice3A_525 : vector<1x128xf32> to vector<1024x128xf32>
    %add3A_527 = arith.addf %add3A_524, %add3A_526 : vector<1024x128xf32>
    %slice3A_528 = vector.extract_strided_slice %dot_general3A_7 {offsets = [0, 3200], sizes = [1024, 128], strides = [1, 1]} : vector<1024x4096xf32> to vector<1024x128xf32>
    %add3A_529 = vector.broadcast %get3A_10 : vector<1024x1xf32> to vector<1024x128xf32>
    %add3A_530 = arith.addf %add3A_529, %slice3A_528 : vector<1024x128xf32>
    %slice3A_531 = vector.extract_strided_slice %get3A_13 {offsets = [0, 3200], sizes = [1, 128], strides = [1, 1]} : vector<1x4096xf32> to vector<1x128xf32>
    %add3A_532 = vector.broadcast %slice3A_531 : vector<1x128xf32> to vector<1024x128xf32>
    %add3A_533 = arith.addf %add3A_530, %add3A_532 : vector<1024x128xf32>
    %lt3A_534 = arith.cmpf olt, %add3A_533, %add3A_527 : vector<1024x128xf32>
    %min3A_535 = arith.minimumf %add3A_527, %add3A_533 : vector<1024x128xf32>
    %max3A_536 = arith.maximumf %add3A_527, %add3A_533 : vector<1024x128xf32>
    %jit3A_537 = arith.constant 5.700000e+01 : f32
    %jit3A_538 = arith.constant 5.600000e+01 : f32
    %broadcast_in_dim3A_539 = vector.broadcast %jit3A_537 : f32 to vector<1024x128xf32>
    %broadcast_in_dim3A_540 = vector.broadcast %jit3A_538 : f32 to vector<1024x128xf32>
    %select_n3A_541 = arith.select %lt3A_534, %broadcast_in_dim3A_539, %broadcast_in_dim3A_540 : vector<1024x128xi1>, vector<1024x128xf32>
    %jit3A_542 = arith.constant 5.600000e+01 : f32
    %jit3A_543 = arith.constant 5.700000e+01 : f32
    %broadcast_in_dim3A_544 = vector.broadcast %jit3A_542 : f32 to vector<1024x128xf32>
    %broadcast_in_dim3A_545 = vector.broadcast %jit3A_543 : f32 to vector<1024x128xf32>
    %select_n3A_546 = arith.select %lt3A_534, %broadcast_in_dim3A_544, %broadcast_in_dim3A_545 : vector<1024x128xi1>, vector<1024x128xf32>
    %lt3A_547 = arith.cmpf olt, %min3A_535, %select_n3A_517 : vector<1024x128xf32>
    %lt3A_548 = arith.cmpf olt, %min3A_535, %select_n3A_514 : vector<1024x128xf32>
    %lt3A_549 = arith.cmpf olt, %min3A_535, %select_n3A_510 : vector<1024x128xf32>
    %select_n3A_550 = arith.select %lt3A_548, %select_n3A_514, %min3A_535 : vector<1024x128xi1>, vector<1024x128xf32>
    %select_n3A_551 = arith.select %lt3A_549, %select_n3A_550, %select_n3A_510 : vector<1024x128xi1>, vector<1024x128xf32>
    %select_n3A_552 = arith.select %lt3A_548, %select_n3A_516, %select_n3A_541 : vector<1024x128xi1>, vector<1024x128xf32>
    %select_n3A_553 = arith.select %lt3A_549, %select_n3A_552, %select_n3A_512 : vector<1024x128xi1>, vector<1024x128xf32>
    %select_n3A_554 = arith.select %lt3A_547, %select_n3A_517, %min3A_535 : vector<1024x128xi1>, vector<1024x128xf32>
    %select_n3A_555 = arith.select %lt3A_548, %select_n3A_554, %select_n3A_514 : vector<1024x128xi1>, vector<1024x128xf32>
    %select_n3A_556 = arith.select %lt3A_547, %select_n3A_518, %select_n3A_541 : vector<1024x128xi1>, vector<1024x128xf32>
    %select_n3A_557 = arith.select %lt3A_548, %select_n3A_556, %select_n3A_516 : vector<1024x128xi1>, vector<1024x128xf32>
    %select_n3A_558 = arith.select %lt3A_547, %min3A_535, %select_n3A_517 : vector<1024x128xi1>, vector<1024x128xf32>
    %select_n3A_559 = arith.select %lt3A_547, %select_n3A_541, %select_n3A_518 : vector<1024x128xi1>, vector<1024x128xf32>
    %lt3A_560 = arith.cmpf olt, %max3A_536, %select_n3A_520 : vector<1024x128xf32>
    %select_n3A_561 = arith.select %lt3A_560, %max3A_536, %select_n3A_520 : vector<1024x128xi1>, vector<1024x128xf32>
    %select_n3A_562 = arith.select %lt3A_560, %select_n3A_546, %select_n3A_521 : vector<1024x128xi1>, vector<1024x128xf32>
    %slice3A_563 = vector.extract_strided_slice %dot_general3A_7 {offsets = [0, 3328], sizes = [1024, 128], strides = [1, 1]} : vector<1024x4096xf32> to vector<1024x128xf32>
    %add3A_564 = vector.broadcast %get3A_10 : vector<1024x1xf32> to vector<1024x128xf32>
    %add3A_565 = arith.addf %add3A_564, %slice3A_563 : vector<1024x128xf32>
    %slice3A_566 = vector.extract_strided_slice %get3A_13 {offsets = [0, 3328], sizes = [1, 128], strides = [1, 1]} : vector<1x4096xf32> to vector<1x128xf32>
    %add3A_567 = vector.broadcast %slice3A_566 : vector<1x128xf32> to vector<1024x128xf32>
    %add3A_568 = arith.addf %add3A_565, %add3A_567 : vector<1024x128xf32>
    %slice3A_569 = vector.extract_strided_slice %dot_general3A_7 {offsets = [0, 3456], sizes = [1024, 128], strides = [1, 1]} : vector<1024x4096xf32> to vector<1024x128xf32>
    %add3A_570 = vector.broadcast %get3A_10 : vector<1024x1xf32> to vector<1024x128xf32>
    %add3A_571 = arith.addf %add3A_570, %slice3A_569 : vector<1024x128xf32>
    %slice3A_572 = vector.extract_strided_slice %get3A_13 {offsets = [0, 3456], sizes = [1, 128], strides = [1, 1]} : vector<1x4096xf32> to vector<1x128xf32>
    %add3A_573 = vector.broadcast %slice3A_572 : vector<1x128xf32> to vector<1024x128xf32>
    %add3A_574 = arith.addf %add3A_571, %add3A_573 : vector<1024x128xf32>
    %lt3A_575 = arith.cmpf olt, %add3A_574, %add3A_568 : vector<1024x128xf32>
    %min3A_576 = arith.minimumf %add3A_568, %add3A_574 : vector<1024x128xf32>
    %max3A_577 = arith.maximumf %add3A_568, %add3A_574 : vector<1024x128xf32>
    %jit3A_578 = arith.constant 5.900000e+01 : f32
    %jit3A_579 = arith.constant 5.800000e+01 : f32
    %broadcast_in_dim3A_580 = vector.broadcast %jit3A_578 : f32 to vector<1024x128xf32>
    %broadcast_in_dim3A_581 = vector.broadcast %jit3A_579 : f32 to vector<1024x128xf32>
    %select_n3A_582 = arith.select %lt3A_575, %broadcast_in_dim3A_580, %broadcast_in_dim3A_581 : vector<1024x128xi1>, vector<1024x128xf32>
    %jit3A_583 = arith.constant 5.800000e+01 : f32
    %jit3A_584 = arith.constant 5.900000e+01 : f32
    %broadcast_in_dim3A_585 = vector.broadcast %jit3A_583 : f32 to vector<1024x128xf32>
    %broadcast_in_dim3A_586 = vector.broadcast %jit3A_584 : f32 to vector<1024x128xf32>
    %select_n3A_587 = arith.select %lt3A_575, %broadcast_in_dim3A_585, %broadcast_in_dim3A_586 : vector<1024x128xi1>, vector<1024x128xf32>
    %lt3A_588 = arith.cmpf olt, %min3A_576, %select_n3A_558 : vector<1024x128xf32>
    %lt3A_589 = arith.cmpf olt, %min3A_576, %select_n3A_555 : vector<1024x128xf32>
    %lt3A_590 = arith.cmpf olt, %min3A_576, %select_n3A_551 : vector<1024x128xf32>
    %select_n3A_591 = arith.select %lt3A_589, %select_n3A_555, %min3A_576 : vector<1024x128xi1>, vector<1024x128xf32>
    %select_n3A_592 = arith.select %lt3A_590, %select_n3A_591, %select_n3A_551 : vector<1024x128xi1>, vector<1024x128xf32>
    %select_n3A_593 = arith.select %lt3A_589, %select_n3A_557, %select_n3A_582 : vector<1024x128xi1>, vector<1024x128xf32>
    %select_n3A_594 = arith.select %lt3A_590, %select_n3A_593, %select_n3A_553 : vector<1024x128xi1>, vector<1024x128xf32>
    %select_n3A_595 = arith.select %lt3A_588, %select_n3A_558, %min3A_576 : vector<1024x128xi1>, vector<1024x128xf32>
    %select_n3A_596 = arith.select %lt3A_589, %select_n3A_595, %select_n3A_555 : vector<1024x128xi1>, vector<1024x128xf32>
    %select_n3A_597 = arith.select %lt3A_588, %select_n3A_559, %select_n3A_582 : vector<1024x128xi1>, vector<1024x128xf32>
    %select_n3A_598 = arith.select %lt3A_589, %select_n3A_597, %select_n3A_557 : vector<1024x128xi1>, vector<1024x128xf32>
    %select_n3A_599 = arith.select %lt3A_588, %min3A_576, %select_n3A_558 : vector<1024x128xi1>, vector<1024x128xf32>
    %select_n3A_600 = arith.select %lt3A_588, %select_n3A_582, %select_n3A_559 : vector<1024x128xi1>, vector<1024x128xf32>
    %lt3A_601 = arith.cmpf olt, %max3A_577, %select_n3A_561 : vector<1024x128xf32>
    %select_n3A_602 = arith.select %lt3A_601, %max3A_577, %select_n3A_561 : vector<1024x128xi1>, vector<1024x128xf32>
    %select_n3A_603 = arith.select %lt3A_601, %select_n3A_587, %select_n3A_562 : vector<1024x128xi1>, vector<1024x128xf32>
    %slice3A_604 = vector.extract_strided_slice %dot_general3A_7 {offsets = [0, 3584], sizes = [1024, 128], strides = [1, 1]} : vector<1024x4096xf32> to vector<1024x128xf32>
    %add3A_605 = vector.broadcast %get3A_10 : vector<1024x1xf32> to vector<1024x128xf32>
    %add3A_606 = arith.addf %add3A_605, %slice3A_604 : vector<1024x128xf32>
    %slice3A_607 = vector.extract_strided_slice %get3A_13 {offsets = [0, 3584], sizes = [1, 128], strides = [1, 1]} : vector<1x4096xf32> to vector<1x128xf32>
    %add3A_608 = vector.broadcast %slice3A_607 : vector<1x128xf32> to vector<1024x128xf32>
    %add3A_609 = arith.addf %add3A_606, %add3A_608 : vector<1024x128xf32>
    %slice3A_610 = vector.extract_strided_slice %dot_general3A_7 {offsets = [0, 3712], sizes = [1024, 128], strides = [1, 1]} : vector<1024x4096xf32> to vector<1024x128xf32>
    %add3A_611 = vector.broadcast %get3A_10 : vector<1024x1xf32> to vector<1024x128xf32>
    %add3A_612 = arith.addf %add3A_611, %slice3A_610 : vector<1024x128xf32>
    %slice3A_613 = vector.extract_strided_slice %get3A_13 {offsets = [0, 3712], sizes = [1, 128], strides = [1, 1]} : vector<1x4096xf32> to vector<1x128xf32>
    %add3A_614 = vector.broadcast %slice3A_613 : vector<1x128xf32> to vector<1024x128xf32>
    %add3A_615 = arith.addf %add3A_612, %add3A_614 : vector<1024x128xf32>
    %lt3A_616 = arith.cmpf olt, %add3A_615, %add3A_609 : vector<1024x128xf32>
    %min3A_617 = arith.minimumf %add3A_609, %add3A_615 : vector<1024x128xf32>
    %max3A_618 = arith.maximumf %add3A_609, %add3A_615 : vector<1024x128xf32>
    %jit3A_619 = arith.constant 6.100000e+01 : f32
    %jit3A_620 = arith.constant 6.000000e+01 : f32
    %broadcast_in_dim3A_621 = vector.broadcast %jit3A_619 : f32 to vector<1024x128xf32>
    %broadcast_in_dim3A_622 = vector.broadcast %jit3A_620 : f32 to vector<1024x128xf32>
    %select_n3A_623 = arith.select %lt3A_616, %broadcast_in_dim3A_621, %broadcast_in_dim3A_622 : vector<1024x128xi1>, vector<1024x128xf32>
    %jit3A_624 = arith.constant 6.000000e+01 : f32
    %jit3A_625 = arith.constant 6.100000e+01 : f32
    %broadcast_in_dim3A_626 = vector.broadcast %jit3A_624 : f32 to vector<1024x128xf32>
    %broadcast_in_dim3A_627 = vector.broadcast %jit3A_625 : f32 to vector<1024x128xf32>
    %select_n3A_628 = arith.select %lt3A_616, %broadcast_in_dim3A_626, %broadcast_in_dim3A_627 : vector<1024x128xi1>, vector<1024x128xf32>
    %lt3A_629 = arith.cmpf olt, %min3A_617, %select_n3A_599 : vector<1024x128xf32>
    %lt3A_630 = arith.cmpf olt, %min3A_617, %select_n3A_596 : vector<1024x128xf32>
    %lt3A_631 = arith.cmpf olt, %min3A_617, %select_n3A_592 : vector<1024x128xf32>
    %select_n3A_632 = arith.select %lt3A_630, %select_n3A_596, %min3A_617 : vector<1024x128xi1>, vector<1024x128xf32>
    %select_n3A_633 = arith.select %lt3A_631, %select_n3A_632, %select_n3A_592 : vector<1024x128xi1>, vector<1024x128xf32>
    %select_n3A_634 = arith.select %lt3A_630, %select_n3A_598, %select_n3A_623 : vector<1024x128xi1>, vector<1024x128xf32>
    %select_n3A_635 = arith.select %lt3A_631, %select_n3A_634, %select_n3A_594 : vector<1024x128xi1>, vector<1024x128xf32>
    %select_n3A_636 = arith.select %lt3A_629, %select_n3A_599, %min3A_617 : vector<1024x128xi1>, vector<1024x128xf32>
    %select_n3A_637 = arith.select %lt3A_630, %select_n3A_636, %select_n3A_596 : vector<1024x128xi1>, vector<1024x128xf32>
    %select_n3A_638 = arith.select %lt3A_629, %select_n3A_600, %select_n3A_623 : vector<1024x128xi1>, vector<1024x128xf32>
    %select_n3A_639 = arith.select %lt3A_630, %select_n3A_638, %select_n3A_598 : vector<1024x128xi1>, vector<1024x128xf32>
    %select_n3A_640 = arith.select %lt3A_629, %min3A_617, %select_n3A_599 : vector<1024x128xi1>, vector<1024x128xf32>
    %select_n3A_641 = arith.select %lt3A_629, %select_n3A_623, %select_n3A_600 : vector<1024x128xi1>, vector<1024x128xf32>
    %lt3A_642 = arith.cmpf olt, %max3A_618, %select_n3A_602 : vector<1024x128xf32>
    %select_n3A_643 = arith.select %lt3A_642, %max3A_618, %select_n3A_602 : vector<1024x128xi1>, vector<1024x128xf32>
    %select_n3A_644 = arith.select %lt3A_642, %select_n3A_628, %select_n3A_603 : vector<1024x128xi1>, vector<1024x128xf32>
    %slice3A_645 = vector.extract_strided_slice %dot_general3A_7 {offsets = [0, 3840], sizes = [1024, 128], strides = [1, 1]} : vector<1024x4096xf32> to vector<1024x128xf32>
    %add3A_646 = vector.broadcast %get3A_10 : vector<1024x1xf32> to vector<1024x128xf32>
    %add3A_647 = arith.addf %add3A_646, %slice3A_645 : vector<1024x128xf32>
    %slice3A_648 = vector.extract_strided_slice %get3A_13 {offsets = [0, 3840], sizes = [1, 128], strides = [1, 1]} : vector<1x4096xf32> to vector<1x128xf32>
    %add3A_649 = vector.broadcast %slice3A_648 : vector<1x128xf32> to vector<1024x128xf32>
    %add3A_650 = arith.addf %add3A_647, %add3A_649 : vector<1024x128xf32>
    %slice3A_651 = vector.extract_strided_slice %dot_general3A_7 {offsets = [0, 3968], sizes = [1024, 128], strides = [1, 1]} : vector<1024x4096xf32> to vector<1024x128xf32>
    %add3A_652 = vector.broadcast %get3A_10 : vector<1024x1xf32> to vector<1024x128xf32>
    %add3A_653 = arith.addf %add3A_652, %slice3A_651 : vector<1024x128xf32>
    %slice3A_654 = vector.extract_strided_slice %get3A_13 {offsets = [0, 3968], sizes = [1, 128], strides = [1, 1]} : vector<1x4096xf32> to vector<1x128xf32>
    %add3A_655 = vector.broadcast %slice3A_654 : vector<1x128xf32> to vector<1024x128xf32>
    %add3A_656 = arith.addf %add3A_653, %add3A_655 : vector<1024x128xf32>
    %lt3A_657 = arith.cmpf olt, %add3A_656, %add3A_650 : vector<1024x128xf32>
    %min3A_658 = arith.minimumf %add3A_650, %add3A_656 : vector<1024x128xf32>
    %max3A_659 = arith.maximumf %add3A_650, %add3A_656 : vector<1024x128xf32>
    %jit3A_660 = arith.constant 6.300000e+01 : f32
    %jit3A_661 = arith.constant 6.200000e+01 : f32
    %broadcast_in_dim3A_662 = vector.broadcast %jit3A_660 : f32 to vector<1024x128xf32>
    %broadcast_in_dim3A_663 = vector.broadcast %jit3A_661 : f32 to vector<1024x128xf32>
    %select_n3A_664 = arith.select %lt3A_657, %broadcast_in_dim3A_662, %broadcast_in_dim3A_663 : vector<1024x128xi1>, vector<1024x128xf32>
    %jit3A_665 = arith.constant 6.200000e+01 : f32
    %jit3A_666 = arith.constant 6.300000e+01 : f32
    %broadcast_in_dim3A_667 = vector.broadcast %jit3A_665 : f32 to vector<1024x128xf32>
    %broadcast_in_dim3A_668 = vector.broadcast %jit3A_666 : f32 to vector<1024x128xf32>
    %select_n3A_669 = arith.select %lt3A_657, %broadcast_in_dim3A_667, %broadcast_in_dim3A_668 : vector<1024x128xi1>, vector<1024x128xf32>
    %lt3A_670 = arith.cmpf olt, %min3A_658, %select_n3A_640 : vector<1024x128xf32>
    %lt3A_671 = arith.cmpf olt, %min3A_658, %select_n3A_637 : vector<1024x128xf32>
    %lt3A_672 = arith.cmpf olt, %min3A_658, %select_n3A_633 : vector<1024x128xf32>
    %select_n3A_673 = arith.select %lt3A_671, %select_n3A_637, %min3A_658 : vector<1024x128xi1>, vector<1024x128xf32>
    %select_n3A_674 = arith.select %lt3A_672, %select_n3A_673, %select_n3A_633 : vector<1024x128xi1>, vector<1024x128xf32>
    %select_n3A_675 = arith.select %lt3A_671, %select_n3A_639, %select_n3A_664 : vector<1024x128xi1>, vector<1024x128xf32>
    %select_n3A_676 = arith.select %lt3A_672, %select_n3A_675, %select_n3A_635 : vector<1024x128xi1>, vector<1024x128xf32>
    %select_n3A_677 = arith.select %lt3A_670, %select_n3A_640, %min3A_658 : vector<1024x128xi1>, vector<1024x128xf32>
    %select_n3A_678 = arith.select %lt3A_671, %select_n3A_677, %select_n3A_637 : vector<1024x128xi1>, vector<1024x128xf32>
    %select_n3A_679 = arith.select %lt3A_670, %select_n3A_641, %select_n3A_664 : vector<1024x128xi1>, vector<1024x128xf32>
    %select_n3A_680 = arith.select %lt3A_671, %select_n3A_679, %select_n3A_639 : vector<1024x128xi1>, vector<1024x128xf32>
    %select_n3A_681 = arith.select %lt3A_670, %min3A_658, %select_n3A_640 : vector<1024x128xi1>, vector<1024x128xf32>
    %select_n3A_682 = arith.select %lt3A_670, %select_n3A_664, %select_n3A_641 : vector<1024x128xi1>, vector<1024x128xf32>
    %lt3A_683 = arith.cmpf olt, %max3A_659, %select_n3A_643 : vector<1024x128xf32>
    %select_n3A_684 = arith.select %lt3A_683, %max3A_659, %select_n3A_643 : vector<1024x128xi1>, vector<1024x128xf32>
    %select_n3A_685 = arith.select %lt3A_683, %select_n3A_669, %select_n3A_644 : vector<1024x128xi1>, vector<1024x128xf32>
    %iota3A = tpu.iota {dimensions = array<i32: 1>} : vector<1024x128xi32>
    %convert_element_type3A = arith.sitofp %iota3A : vector<1024x128xi32> to vector<1024x128xf32>
    %concatenate3A = tpu.concatenate %select_n3A_681, %select_n3A_678, %select_n3A_674, %select_n3A_684 in 1 : vector<1024x128xf32>, vector<1024x128xf32>, vector<1024x128xf32>, vector<1024x128xf32> -> vector<1024x512xf32>
    %mul3A_686 = arith.constant 1.280000e+02 : f32
    %mul3A_687 = vector.broadcast %mul3A_686 : f32 to vector<1024x128xf32>
    %mul3A_688 = arith.mulf %select_n3A_682, %mul3A_687 : vector<1024x128xf32>
    %add3A_689 = arith.addf %mul3A_688, %convert_element_type3A : vector<1024x128xf32>
    %mul3A_690 = arith.constant 1.280000e+02 : f32
    %mul3A_691 = vector.broadcast %mul3A_690 : f32 to vector<1024x128xf32>
    %mul3A_692 = arith.mulf %select_n3A_680, %mul3A_691 : vector<1024x128xf32>
    %add3A_693 = arith.addf %mul3A_692, %convert_element_type3A : vector<1024x128xf32>
    %mul3A_694 = arith.constant 1.280000e+02 : f32
    %mul3A_695 = vector.broadcast %mul3A_694 : f32 to vector<1024x128xf32>
    %mul3A_696 = arith.mulf %select_n3A_676, %mul3A_695 : vector<1024x128xf32>
    %add3A_697 = arith.addf %mul3A_696, %convert_element_type3A : vector<1024x128xf32>
    %mul3A_698 = arith.constant 1.280000e+02 : f32
    %mul3A_699 = vector.broadcast %mul3A_698 : f32 to vector<1024x128xf32>
    %mul3A_700 = arith.mulf %select_n3A_685, %mul3A_699 : vector<1024x128xf32>
    %add3A_701 = arith.addf %mul3A_700, %convert_element_type3A : vector<1024x128xf32>
    %concatenate3A_702 = tpu.concatenate %add3A_689, %add3A_693, %add3A_697, %add3A_701 in 1 : vector<1024x128xf32>, vector<1024x128xf32>, vector<1024x128xf32>, vector<1024x128xf32> -> vector<1024x512xf32>
    %reduce_min3A = arith.constant dense<0x7F800000> : vector<1024xf32>
    %reduce_min3A_703 = vector.multi_reduction <minimumf>, %concatenate3A, %reduce_min3A [1] : vector<1024x512xf32> to vector<1024xf32>
    %broadcast_in_dim3A_704 = vector.shape_cast %reduce_min3A_703 : vector<1024xf32> to vector<1024x1xf32>
    %eq3A = vector.broadcast %broadcast_in_dim3A_704 : vector<1024x1xf32> to vector<1024x512xf32>
    %eq3A_705 = arith.cmpf oeq, %concatenate3A, %eq3A : vector<1024x512xf32>
    %jit3A_706 = arith.constant 6.553600e+04 : f32
    %broadcast_in_dim3A_707 = vector.broadcast %jit3A_706 : f32 to vector<1024x512xf32>
    %select_n3A_708 = arith.select %eq3A_705, %concatenate3A_702, %broadcast_in_dim3A_707 : vector<1024x512xi1>, vector<1024x512xf32>
    %reduce_min3A_709 = arith.constant dense<0x7F800000> : vector<1024xf32>
    %reduce_min3A_710 = vector.multi_reduction <minimumf>, %select_n3A_708, %reduce_min3A_709 [1] : vector<1024x512xf32> to vector<1024xf32>
    %broadcast_in_dim3A_711 = vector.shape_cast %reduce_min3A_710 : vector<1024xf32> to vector<1024x1xf32>
    %convert_element_type3A_712 = arith.fptosi %broadcast_in_dim3A_711 : vector<1024x1xf32> to vector<1024x1xi32>
    %eq3A_713 = vector.broadcast %broadcast_in_dim3A_711 : vector<1024x1xf32> to vector<1024x512xf32>
    %eq3A_714 = arith.cmpf oeq, %select_n3A_708, %eq3A_713 : vector<1024x512xf32>
    %jit3A_715 = arith.constant 0x7F800000 : f32
    %broadcast_in_dim3A_716 = vector.broadcast %jit3A_715 : f32 to vector<1024x512xf32>
    %select_n3A_717 = arith.select %eq3A_714, %broadcast_in_dim3A_716, %concatenate3A : vector<1024x512xi1>, vector<1024x512xf32>
    %reduce_min3A_718 = arith.constant dense<0x7F800000> : vector<1024xf32>
    %reduce_min3A_719 = vector.multi_reduction <minimumf>, %select_n3A_717, %reduce_min3A_718 [1] : vector<1024x512xf32> to vector<1024xf32>
    %broadcast_in_dim3A_720 = vector.shape_cast %reduce_min3A_719 : vector<1024xf32> to vector<1024x1xf32>
    %eq3A_721 = vector.broadcast %broadcast_in_dim3A_720 : vector<1024x1xf32> to vector<1024x512xf32>
    %eq3A_722 = arith.cmpf oeq, %select_n3A_717, %eq3A_721 : vector<1024x512xf32>
    %jit3A_723 = arith.constant 6.553600e+04 : f32
    %broadcast_in_dim3A_724 = vector.broadcast %jit3A_723 : f32 to vector<1024x512xf32>
    %select_n3A_725 = arith.select %eq3A_722, %concatenate3A_702, %broadcast_in_dim3A_724 : vector<1024x512xi1>, vector<1024x512xf32>
    %reduce_min3A_726 = arith.constant dense<0x7F800000> : vector<1024xf32>
    %reduce_min3A_727 = vector.multi_reduction <minimumf>, %select_n3A_725, %reduce_min3A_726 [1] : vector<1024x512xf32> to vector<1024xf32>
    %broadcast_in_dim3A_728 = vector.shape_cast %reduce_min3A_727 : vector<1024xf32> to vector<1024x1xf32>
    %convert_element_type3A_729 = arith.fptosi %broadcast_in_dim3A_728 : vector<1024x1xf32> to vector<1024x1xi32>
    %eq3A_730 = vector.broadcast %broadcast_in_dim3A_728 : vector<1024x1xf32> to vector<1024x512xf32>
    %eq3A_731 = arith.cmpf oeq, %select_n3A_725, %eq3A_730 : vector<1024x512xf32>
    %jit3A_732 = arith.constant 0x7F800000 : f32
    %broadcast_in_dim3A_733 = vector.broadcast %jit3A_732 : f32 to vector<1024x512xf32>
    %select_n3A_734 = arith.select %eq3A_731, %broadcast_in_dim3A_733, %select_n3A_717 : vector<1024x512xi1>, vector<1024x512xf32>
    %reduce_min3A_735 = arith.constant dense<0x7F800000> : vector<1024xf32>
    %reduce_min3A_736 = vector.multi_reduction <minimumf>, %select_n3A_734, %reduce_min3A_735 [1] : vector<1024x512xf32> to vector<1024xf32>
    %broadcast_in_dim3A_737 = vector.shape_cast %reduce_min3A_736 : vector<1024xf32> to vector<1024x1xf32>
    %eq3A_738 = vector.broadcast %broadcast_in_dim3A_737 : vector<1024x1xf32> to vector<1024x512xf32>
    %eq3A_739 = arith.cmpf oeq, %select_n3A_734, %eq3A_738 : vector<1024x512xf32>
    %jit3A_740 = arith.constant 6.553600e+04 : f32
    %broadcast_in_dim3A_741 = vector.broadcast %jit3A_740 : f32 to vector<1024x512xf32>
    %select_n3A_742 = arith.select %eq3A_739, %concatenate3A_702, %broadcast_in_dim3A_741 : vector<1024x512xi1>, vector<1024x512xf32>
    %reduce_min3A_743 = arith.constant dense<0x7F800000> : vector<1024xf32>
    %reduce_min3A_744 = vector.multi_reduction <minimumf>, %select_n3A_742, %reduce_min3A_743 [1] : vector<1024x512xf32> to vector<1024xf32>
    %broadcast_in_dim3A_745 = vector.shape_cast %reduce_min3A_744 : vector<1024xf32> to vector<1024x1xf32>
    %convert_element_type3A_746 = arith.fptosi %broadcast_in_dim3A_745 : vector<1024x1xf32> to vector<1024x1xi32>
    %iota3A_747 = tpu.iota {dimensions = array<i32: 1>} : vector<1024x128xi32>
    %lt3A_748 = arith.constant 1 : i32
    %lt3A_749 = vector.broadcast %lt3A_748 : i32 to vector<1024x128xi32>
    %lt3A_750 = arith.cmpi slt, %iota3A_747, %lt3A_749 : vector<1024x128xi32>
    %lt3A_751 = arith.constant 2 : i32
    %lt3A_752 = vector.broadcast %lt3A_751 : i32 to vector<1024x128xi32>
    %lt3A_753 = arith.cmpi slt, %iota3A_747, %lt3A_752 : vector<1024x128xi32>
    %broadcast_in_dim3A_754 = vector.shape_cast %convert_element_type3A_729 : vector<1024x1xi32> to vector<1024x1xi32>
    %broadcast_in_dim3A_755 = vector.broadcast %broadcast_in_dim3A_754 : vector<1024x1xi32> to vector<1024x128xi32>
    %broadcast_in_dim3A_756 = vector.shape_cast %convert_element_type3A_746 : vector<1024x1xi32> to vector<1024x1xi32>
    %broadcast_in_dim3A_757 = vector.broadcast %broadcast_in_dim3A_756 : vector<1024x1xi32> to vector<1024x128xi32>
    %select_n3A_758 = arith.select %lt3A_753, %broadcast_in_dim3A_755, %broadcast_in_dim3A_757 : vector<1024x128xi1>, vector<1024x128xi32>
    %broadcast_in_dim3A_759 = vector.shape_cast %convert_element_type3A_712 : vector<1024x1xi32> to vector<1024x1xi32>
    %broadcast_in_dim3A_760 = vector.broadcast %broadcast_in_dim3A_759 : vector<1024x1xi32> to vector<1024x128xi32>
    %select_n3A_761 = arith.select %lt3A_750, %broadcast_in_dim3A_760, %select_n3A_758 : vector<1024x128xi1>, vector<1024x128xi32>
    %swap3A = arith.constant 0 : index
    %swap3A_762 = arith.constant 0 : index
    %swap3A_763 = vector.load %arg13[%swap3A, %swap3A_762] : memref<1024x128xi32, #tpu.memory_space<vmem>>, vector<1024x128xi32>
    tpu.vector_store %arg13[%swap3A, %swap3A_762], %select_n3A_761 {strides = array<i32>} : memref<1024x128xi32, #tpu.memory_space<vmem>>, vector<1024x128xi32>,
    return
  }
  func.func @transform_0(%arg0: i32) -> (i32, i32) {
    %c0_i32 = arith.constant 0 : i32
    %c0_i32_0 = arith.constant 0 : i32
    return %arg0, %c0_i32 : i32, i32
  }
  func.func @transform_1(%arg0: i32) -> (i32, i32) {
    %c0_i32 = arith.constant 0 : i32
    %c0_i32_0 = arith.constant 0 : i32
    %c0_i32_1 = arith.constant 0 : i32
    return %c0_i32, %c0_i32_0 : i32, i32
  }
  func.func @transform_2(%arg0: i32) -> (i32, i32) {
    %c0_i32 = arith.constant 0 : i32
    %c0_i32_0 = arith.constant 0 : i32
    return %arg0, %c0_i32 : i32, i32
  }
  func.func @transform_3(%arg0: i32) -> (i32, i32) {
    %c0_i32 = arith.constant 0 : i32
    %c0_i32_0 = arith.constant 0 : i32
    %c0_i32_1 = arith.constant 0 : i32
    return %c0_i32, %c0_i32_0 : i32, i32
  }
  func.func @transform_4(%arg0: i32) -> (i32, i32) {
    %c0_i32 = arith.constant 0 : i32
    %c0_i32_0 = arith.constant 0 : i32
    return %arg0, %c0_i32 : i32, i32
  }
  func.func @transform_5(%arg0: i32) -> (i32, i32) {
    %c0_i32 = arith.constant 0 : i32
    %c0_i32_0 = arith.constant 0 : i32
    return %arg0, %c0_i32 : i32, i32
  }
  func.func @transform_6(%arg0: i32) -> (i32, i32) {
    %c0_i32 = arith.constant 0 : i32
    %c0_i32_0 = arith.constant 0 : i32
    return %arg0, %c0_i32 : i32, i32
  }
  func.func @transform_7(%arg0: i32) -> (i32, i32) {
    %c0_i32 = arith.constant 0 : i32
    %c0_i32_0 = arith.constant 0 : i32
    return %arg0, %c0_i32 : i32, i32
  }
  func.func @transform_8(%arg0: i32) -> (i32, i32) {
    %c0_i32 = arith.constant 0 : i32
    %c0_i32_0 = arith.constant 0 : i32
    return %arg0, %c0_i32 : i32, i32
  }
  func.func @transform_9(%arg0: i32) -> (i32, i32) {
    %c0_i32 = arith.constant 0 : i32
    %c0_i32_0 = arith.constant 0 : i32
    return %arg0, %c0_i32 : i32, i32
  }
  func.func @transform_10(%arg0: i32) -> (i32, i32) {
    %c0_i32 = arith.constant 0 : i32
    %c0_i32_0 = arith.constant 0 : i32
    return %arg0, %c0_i32 : i32, i32
  }
  func.func @transform_11(%arg0: i32) -> (i32, i32) {
    %c0_i32 = arith.constant 0 : i32
    %c0_i32_0 = arith.constant 0 : i32
    return %arg0, %c0_i32 : i32, i32
  }
  func.func @transform_12(%arg0: i32) -> (i32, i32) {
    %c0_i32 = arith.constant 0 : i32
    %c0_i32_0 = arith.constant 0 : i32
    return %arg0, %c0_i32 : i32, i32
  }
}

</mosaic_0001>

<sc_bundles>
// kernel: kernel.10.cloned.1.call-start
scs
__scs_entry_jumppad:
0x0: {  	(pc) =	sbr.rel $0x88, $3  }
0x1: {  	(tag) =	ssettag $0x0;
	lr =	simm.s32 $0x1  }
0x2: {  	[smem:$0x3FA0] =	sst lr;
	_ =	strace $0xD0000000  }
0x3: {  	_ = 	snop  }
0x4: {  	_ = 	snop  }
0x5: {  	_ = 	snop  }
0x6: {  	_ = 	snop  }
0x7: {  	_ = 	snop  }
__scs_overlays_trampoline_lowered:
0x8: {  	[smem:$0x3FAF] =	sst s0  }
0x9: {  	[smem:$0x3FB0] =	sst s1  }
0xa: {  	[smem:$0x3FB1] =	sst s2  }
0xb: {  	[smem:$0x3FB2] =	sst s3  }
0xc: {  	[smem:$0x3FB3] =	sst s4  }
0xd: {  	[smem:$0x3FB4] =	sst s5  }
0xe: {  	[smem:$0x3FB5] =	sst s6  }
0xf: {  	[smem:$0x3FB6] =	sst s7  }
0x10: {  	[smem:$0x3FB7] =	sst s8  }
0x11: {  	[smem:$0x3FB8] =	sst s9;
	s0 =	simm.s32 @!p0 $0x0  }
0x12: {  	s1 =	sld [smem:$0x3F9E];
	s0 =	simm.s32 @p0 $0x1  }
0x13: {  	[smem:$0x3FB9] =	sst s0;
	s0 =	simm.s32 @!p1 $0x0  }
0x14: {  	s2 =	sld [smem:$0x3F9D];
	s0 =	simm.s32 @p1 $0x1  }
0x15: {  	[smem:$0x3FBA] =	sst s0;
	s0 =	simm.s32 @!p2 $0x0  }
0x16: {  	s3 =	sld [smem:$0x3FDB];
	s0 =	simm.s32 @p2 $0x1  }
0x17: {  	s4 =	simm.s32 $0x1BF5;
	[smem:$0x3FBC] =	sst s0  }
0x18: {  	s0 =	sld [smem:$0x3F9F];
	_ =	swait.ge [sflag:s4], $0x0  }
0x19: {  	s7 =	sld [smem:$0x3FA0]  }
0x1a: {  	s8 =	sadd.s32 $0xFFFFE003, lr  }
0x1b: {  	s9 =	sadd.s32 $0xFFFFFEF7, lr;
	s5 =	simm.s32 $0xFFFFFFFF;
	p2 =	slt.u32 s8, $0xFFFFF086  }
0x1c: {  	p1 =	slt.u32 s9, $0xF7A;
	s5 =	simm.s32 @!p2 $0x0  }
0x1d: {  	s5 =	simm.s32 @p1 $0x1;
	p0 =	seq.s32 s7, s2  }
0x1e: {  	s7 =	smul.u32 @!p0 $0xF7A, s2;
	p2 =	seq.s32 @!p0 s5, $0x0  }
0x1f: {  	s9 =	smul.u32 $0xF7A, s1;
	s8 =	simm.s32 @!p0 $0x1BF5;
	p2 =	por !p2, p0  }
0x20: {  	[sflag:s8] =	ssyncset.s32 @!p0 $0xFFFFF086;
	s6 =	sadd.s32 @!p0 s3, s7;
	s7 =	simm.s32 @!p0 $0x108  }
0x21: {  	s3 =	sadd.s32 s3, s9;
	s6 =	sadd.s32 @!p0 $0x88, s6;
	s7 =	simm.s32 @p2 $0x1082  }
0x22: {  	[simem:s7], [sflag:s8] =	dma.local @!p0 [hbm:s6], $0xF7A  }
0x23: {  	s9 =	sor.u32 $0xD0000000, s2;
	s6 =	simm.s32 $0x108;
	_ =	swait.ge @!p0 [sflag:s8], $0x0  }
0x24: {  	s3 =	sadd.s32 $0x88, s3;
	s6 =	simm.s32 @!p1 $0x1082;
	[sflag:s4] =	ssyncset.s32 $0xFFFFF086  }
0x25: {  	[simem:s6], [sflag:s4] =	dma.local [hbm:s3], $0xF7A  }
0x26: {  	[smem:$0x3FA0] =	sst s1;
	(tag) =	ssettag s2;
	_ =	strace s9  }
0x27: {  	s1 =	sld [smem:$0x3FB0]  }
0x28: {  	s2 =	sld [smem:$0x3FB1]  }
0x29: {  	s4 =	sld [smem:$0x3FB3]  }
0x2a: {  	p0 =	seq.s32 s5, $0x0;
	s5 =	sld [smem:$0x3FB4]  }
0x2b: {  	s6 =	sld [smem:$0x3FB5]  }
0x2c: {  	s7 =	sld [smem:$0x3FB6]  }
0x2d: {  	s3 =	simm.s32 $0x108;
	s8 =	sld [smem:$0x3FB7]  }
0x2e: {  	s3 =	simm.s32 @!p0 $0x1082;
	s9 =	sld [smem:$0x3FB8]  }
0x2f: {  	lr =	sadd.s32 s0, s3;
	s0 =	sld [smem:$0x3FAF]  }
0x30: {  	s3 =	sld [smem:$0x3FB2]  }
0x31: {  	[smem:$0x3FBB] =	sst s10  }
0x32: {  	s10 =	sld [smem:$0x3FB9];
	_ =	sdelay $0x3  }
0x33: {  	p0 =	seq.s32 s10, $0x1;
	s10 =	sld [smem:$0x3FBB];
	_ =	sdelay $0x3  }
0x34: {  	[smem:$0x3FBB] =	sst s10  }
0x35: {  	s10 =	sld [smem:$0x3FBA];
	_ =	sdelay $0x3  }
0x36: {  	p1 =	seq.s32 s10, $0x1;
	s10 =	sld [smem:$0x3FBB];
	_ =	sdelay $0x3  }
0x37: {  	[smem:$0x3FBB] =	sst s10  }
0x38: {  	s10 =	sld [smem:$0x3FBC]  }
0x39: {  	_ = 	snop;
	(pc) =	sbr.ind lr, $3  }
0x3a: {  	_ = 	snop  }
0x3b: {  	_ = 	snop  }
0x3c: {  	p2 =	seq.s32 s10, $0x1;
	s10 =	sld [smem:$0x3FBB]  }
0x3d: {  	_ =	shalt  }
0x3e: {  	_ =	shalt  }
0x3f: {  	_ =	shalt  }
0x40: {  	_ =	shalt  }
0x41: {  	_ =	shalt  }
0x42: {  	_ =	shalt  }
0x43: {  	_ =	shalt  }
0x44: {  	_ =	shalt  }
0x45: {  	_ =	shalt  }
0x46: {  	_ =	shalt  }
0x47: {  	_ =	shalt  }
0x48: {  	_ =	shalt  }
0x49: {  	_ =	shalt  }
0x4a: {  	_ =	shalt  }
0x4b: {  	_ =	shalt  }
0x4c: {  	_ =	shalt  }
0x4d: {  	_ =	shalt  }
0x4e: {  	_ =	shalt  }
0x4f: {  	_ =	shalt  }
0x50: {  	_ =	shalt  }
0x51: {  	_ =	shalt  }
0x52: {  	_ =	shalt  }
0x53: {  	_ =	shalt  }
0x54: {  	_ =	shalt  }
0x55: {  	_ =	shalt  }
0x56: {  	_ =	shalt  }
0x57: {  	_ =	shalt  }
0x58: {  	_ =	shalt  }
0x59: {  	_ =	shalt  }
0x5a: {  	_ =	shalt  }
0x5b: {  	_ =	shalt  }
0x5c: {  	_ =	shalt  }
0x5d: {  	_ =	shalt  }
0x5e: {  	_ =	shalt  }
0x5f: {  	_ =	shalt  }
0x60: {  	_ =	shalt  }
0x61: {  	_ =	shalt  }
0x62: {  	_ =	shalt  }
0x63: {  	_ =	shalt  }
0x64: {  	_ =	shalt  }
0x65: {  	_ =	shalt  }
0x66: {  	_ =	shalt  }
0x67: {  	_ =	shalt  }
0x68: {  	_ =	shalt  }
0x69: {  	_ =	shalt  }
0x6a: {  	_ =	shalt  }
0x6b: {  	_ =	shalt  }
0x6c: {  	_ =	shalt  }
0x6d: {  	_ =	shalt  }
0x6e: {  	_ =	shalt  }
0x6f: {  	_ =	shalt  }
0x70: {  	_ =	shalt  }
0x71: {  	_ =	shalt  }
0x72: {  	_ =	shalt  }
0x73: {  	_ =	shalt  }
0x74: {  	_ =	shalt  }
0x75: {  	_ =	shalt  }
0x76: {  	_ =	shalt  }
0x77: {  	_ =	shalt  }
0x78: {  	_ =	shalt  }
0x79: {  	_ =	shalt  }
0x7a: {  	_ =	shalt  }
0x7b: {  	_ =	shalt  }
0x7c: {  	_ =	shalt  }
0x7d: {  	_ =	shalt  }
0x7e: {  	_ =	shalt  }
0x7f: {  	_ =	shalt  }
0x80: {  	_ =	shalt  }
0x81: {  	_ =	shalt  }
0x82: {  	_ =	shalt  }
0x83: {  	_ =	shalt  }
0x84: {  	_ =	shalt  }
0x85: {  	_ =	shalt  }
0x86: {  	_ =	shalt  }
0x87: {  	_ =	shalt  }
.Lfunc_end0:
.L_simem_size_0:
called_computation.1_lowered:
.L_overlay_start_0:
0x88: {  	s2 =	sld [smem:$0x3FD9]  }
0x89: {  	s3 =	sld [smem:$0x3FFE];
	_ =	sdelay $0x1  }
0x8a: {  	s1 =	srdreg.scid  }
0x8b: {  	s0 =	sand.u32 $0x1, s1  }
0x8c: {  	s17 =	sshll.u32 s0, $0xA;
	s2 =	sadd.s32 s3, s2  }
0x8d: {  	s2 =	sadd.s32 s2, s17  }
0x8e: {  	[smem:$0x3FC7] =	sst s2  }
0x8f: {  	_ = 	snop  }
0x90: {  	s2 =	sld [smem:$0x3FD0];
	(tm) =	ssettm $0x1  }
0x91: {  	s18 =	sld [smem:$0x3FFB];
	_ =	sdelay $0x3  }
0x92: {  	_ =	strace s18  }
0x93: {  	s3 =	sld [smem:$0x3FFC];
	_ =	sdelay $0x3  }
0x94: {  	_ =	strace s3  }
0x95: {  	s3 =	sld [smem:$0x3FFD];
	_ =	sdelay $0x3  }
0x96: {  	_ =	strace s3  }
0x97: {  	_ =	strace $0x8FFFFFFF  }
0x98: {  	s19 =	sld [smem:$0x3FDB];
	_ =	sdelay $0x1  }
0x99: {  	s4 =	simm.s32 $_scs_section_size  }
0x9a: {  	s5 =	simm.s32 $_size__tile_overlayer_lowered;
	s6 =	simm.s32 $_tile_overlayer_lowered  }
0x9b: {  	s22 =	simm.s32 $0x1BFF;
	s21 =	sshll.u32 s6, $0x1;
	s3 =	sadd.s32 s4, s19  }
0x9c: {  	s7 =	simm.s32 $0x0;
	s20 =	sshll.u32 s5, $0x1;
	s5 =	sadd.s32 s21, s3  }
0x9d: {  	[timem:s7], [sflag:s22] =	dma.local [hbm:s5], s20  }
0x9e: {  	_ =	swait.ge [sflag:s22], s20  }
0x9f: {  	s4 =	ssub.s32 $0x0, s20;
	[sflag:s22] =	ssyncset.done $0x0  }
0xa0: {  	[sflag:s22] =	ssyncadd.s32 s4;
	_ =	sdelay $0x1  }
0xa1: {  	s23 =	simm.s32 $0x1B8B  }
0xa2: {  	_ =	swait.ge [sflag:s23], $0x1  }
0xa3: {  	[sflag:s23] =	ssyncset.done $0x0  }
0xa4: {  	s25 =	simm.s32 $0x1B8E;
	s24 =	sld [smem:$0x3FFE];
	[sflag:s23] =	ssyncadd.s32 $0xFFFFFFFF  }
0xa5: {  	s26 =	simm.s32 $execute0_lowered;
	[smem:$0x3FD2] =	sst s25  }
0xa6: {  	s5 =	sshll.u32 s26, $0x1;
	_ =	strace $0x80000049;
	[dreg:$0x1] =	wrdreg $0xFFFFFFFF  }
0xa7: {  	s28 =	simm.s32 $_size_execute0_lowered;
	s3 =	sadd.s32 s3, s5;
	[dreg:$0x0] =	wrdreg $0x0  }
0xa8: {  	s5 =	sshll.u32 s28, $0x1;
	[dreg:$0x2] =	wrdreg s3  }
0xa9: {  	[dreg:$0x3] =	wrdreg s5  }
0xaa: {  	[dreg:$0x4] =	wrdreg $0xC0  }
0xab: {  	_ =	task [dreg:s7], $0x5FFFF  }
0xac: {  	[dreg:$0x1] =	wrdreg $0xFFFFFFFF  }
0xad: {  	[dreg:$0x0] =	wrdreg $0x60  }
0xae: {  	[dreg:$0x2] =	wrdreg s2  }
0xaf: {  	[dreg:$0x3] =	wrdreg s24  }
0xb0: {  	[dreg:$0x4] =	wrdreg $0x9  }
0xb1: {  	_ =	task.clear_ibuf [dreg:s7], $0x5FFFF;
	_ =	strace $0x90000049  }
0xb2: {  	s29 =	simm.s32 $0x9;
	_ =	strace $0x8000004B  }
0xb3: {  	_ =	swait.ge [sflag:s29], $0x1  }
0xb4: {  	[sflag:s29] =	ssyncadd.s32 $0xFFFFFFFF  }
0xb5: {  	_ =	strace $0x9000004B  }
0xb6: {  	_ =	sfence  }
0xb7: {  	s30 =	sld [smem:$0x0];
	_ =	sdelay $0x2  }
0xb8: {  	s31 =	sshll.u32 s1, $0xD;
	s1 =	sshrl.u32 s1, $0x2  }
0xb9: {  	s3 =	sand.u32 $0x4000, s31;
	s1 =	sadd.s32 s1, s30  }
0xba: {  	s0 =	sor.u32 s3, s0;
	s1 =	sshll.u32 s1, $0x11  }
0xbb: {  	s0 =	sor.u32 s1, s0  }
0xbc: {  	s0 =	sadd.s32 $0x8F2B, s0  }
0xbd: {  	[sflag:s0] =	ssyncadd.remote.s32 $0x1  }
0xbe: {  	_ =	sfence.sel $0xFFFF  }
0xbf: {  	[dreg:$0x0] =	wrdreg $0xFFFFFFFF;
	(pc) =	sbr.abs _section_cstart, $3  }
0xc0: {  	[dreg:$0x1] =	wrdreg $0xFFFFFFFF  }
0xc1: {  	_ =	task.clear_ibuf [dreg:s7], $0x2FFFF;
	_ =	strace $0x9FFFFFFF  }
0xc2: {  	(tm) =	ssettm $0x7FFFFFFF  }
0xc3: {  	_ =	shalt  }
tec
execute0_lowered:
.L_overlay_start_1:
0x0: {  	(tag) =	ssettag $0x1  }
0x1: {  	s1 =	rddreg [dreg:$0x0]  }
0x2: {  	s4 =	rddreg [dreg:$0x1];
	s2 =	simm.s32 $0x0  }
0x3: {  	[smem:$0x7FF] =	sst s2  }
0x4: {  	s0 =	rddreg [dreg:$0x2];
	v0 =	vimm.f32 $3.000000000e+00;
	_ =	strace $0x8000004A  }
0x5: {  	(erf) = vrcp.f32 v0  }
0x6: {  	s5 =	srdreg.scid  }
0x7: {  	s3 =	stileid.u32;
	s9 =	simm.s32 $0x2;
	s10 =	simm.s32 $0x100  }
0x8: {  	s11 =	simm.s32 $0x200;
	s12 =	simm.s32 $0x300;
	s13 =	simm.s32 $0x8300  }
0x9: {  	s14 =	simm.s32 $0x10300;
	s15 =	simm.s32 $0x1;
	s5 =	sand.u32 $0x1, s5  }
0xa: {  	s6 =	sshll.u32 s3, $0x9;
	s7 =	sshll.u32 s5, $0x8;
	s5 =	ssub.s32 $0x2, s5  }
0xb: {  	s16 =	simm.s32 $0x0;
	s6 =	sor.u32 s7, s6;
	s8 =	sshrl.u32 s5, $0x1  }
0xc: {  	s7 =	sshll.u32 s6, $0x4;
	s6 =	sshrl.u32 s6, $0x3;
	s8 =	ssub.s32 s5, s8  }
0xd: {  	s7 =	sadd.s32 s7, s4;
	s4 =	sadd.s32 s4, s6;
	s8 =	smax.u32 s8, $0x1  }
0xe: {  	s5 =	sadd.s32 $0x400, s4;
	s6 =	sadd.s32 $0x800, s4;
	s7 =	sadd.s32 $0xC00, s7;
	v0 =	vpop (erf)  }
.LBB2_1:
0xf: {  	[tilespmem:s2], [sflag:$0x2] =	stream.linear.gather [hbm4b:s5+s2], $0x100, $0x38;
	[tilespmem:$0x18300] =	vst v63  }
0x10: {  	_ =	swait.ge [sflag:s9], $0x100  }
0x11: {  	[sflag:s9] =	ssyncset.done $0x0  }
0x12: {  	[sflag:s9] =	ssyncadd.s32 $0xFFFFFF00  }
0x13: {  	[tilespmem:s10], [sflag:$0x2] =	stream.linear.gather [hbm4b:s6+s2], $0x100, $0x38;
	[tilespmem:$0x18300] =	vst v63  }
0x14: {  	_ =	swait.ge [sflag:s9], $0x100  }
0x15: {  	[sflag:s9] =	ssyncset.done $0x0  }
0x16: {  	[sflag:s9] =	ssyncadd.s32 $0xFFFFFF00  }
0x17: {  	[tilespmem:s11], [sflag:$0x2] =	stream.linear.gather [hbm4b:s4+s2], $0x100, $0x38;
	[tilespmem:$0x18300] =	vst v63  }
0x18: {  	_ =	swait.ge [sflag:s9], $0x100  }
0x19: {  	[sflag:s9] =	ssyncset.done $0x0  }
0x1a: {  	[sflag:s9] =	ssyncadd.s32 $0xFFFFFF00  }
0x1b: {  	[tilespmem:s12], [sflag:$0x1] =	stream.indirect.gather [hbm4b:s1+s10], $0x80, s2, s10, $0xb8;
	[tilespmem:$0x18300] =	vst v63  }
0x1c: {  	_ = 	snop  }
0x1d: {  	[tilespmem:s13], [sflag:$0x1] =	stream.indirect.gather [hbm4b:s1+s10], $0x80, s10, s10, $0xb8;
	[tilespmem:$0x18300] =	vst v63  }
0x1e: {  	_ = 	snop  }
0x1f: {  	[tilespmem:s14], [sflag:$0x1] =	stream.indirect.gather [hbm4b:s1+s10], $0x80, s11, s10, $0xb8;
	[tilespmem:$0x18300] =	vst v63  }
0x20: {  	_ =	swait.ge [sflag:s15], $0x8000  }
0x21: {  	[sflag:s15] =	ssyncset.done $0x0  }
0x22: {  	[sflag:s15] =	ssyncadd.s32 $0xFFFF8000  }
0x23: {  	_ =	swait.ge [sflag:s15], $0x8000  }
0x24: {  	[sflag:s15] =	ssyncset.done $0x0  }
0x25: {  	[sflag:s15] =	ssyncadd.s32 $0xFFFF8000  }
0x26: {  	_ =	swait.ge [sflag:s15], $0x8000  }
0x27: {  	[sflag:s15] =	ssyncset.done $0x0  }
0x28: {  	s17 =	simm.s32 $0x0;
	[sflag:s15] =	ssyncadd.s32 $0xFFFF8000  }
0x29: {  	v6 =	vld [tilespmem:s17+$0x10300]  }
0x2a: {  	v5 =	vld [tilespmem:s17+$0x10310]  }
0x2b: {  	v4 =	vld [tilespmem:s17+$0x10320]  }
0x2c: {  	v3 =	vld [tilespmem:s17+$0x10330]  }
0x2d: {  	v2 =	vld [tilespmem:s17+$0x10340]  }
0x2e: {  	v1 =	vld [tilespmem:s17+$0x10350]  }
0x2f: {  	v13 =	vld [tilespmem:s17+$0x8300]  }
0x30: {  	v18 =	vld [tilespmem:s17+$0x8310]  }
0x31: {  	v12 =	vld [tilespmem:s17+$0x8320]  }
0x32: {  	v11 =	vld [tilespmem:s17+$0x8330]  }
0x33: {  	v10 =	vld [tilespmem:s17+$0x8340]  }
0x34: {  	v9 =	vld [tilespmem:s17+$0x8350]  }
0x35: {  	v8 =	vld [tilespmem:s17+$0x8360]  }
0x36: {  	v7 =	vld [tilespmem:s17+$0x8370]  }
0x37: {  	v19 =	vld [tilespmem:s17+$0x300]  }
0x38: {  	v20 =	vld [tilespmem:s17+$0x310]  }
0x39: {  	v17 =	vld [tilespmem:s17+$0x320]  }
0x3a: {  	v16 =	vld [tilespmem:s17+$0x330]  }
0x3b: {  	v15 =	vld [tilespmem:s17+$0x340]  }
0x3c: {  	v14 =	vld [tilespmem:s17+$0x350];
	v19 =	vadd.f32 v13, v19  }
0x3d: {  	s18 =	simm.s32 $0x200;
	v18 =	vadd.f32 v18, v20;
	v13 =	vld [tilespmem:s17+$0x360]  }
.LBB2_2:
0x3e: {  	p0 =	sne.s32 s18, $0x1FE00;
	v6 =	vadd.f32 v6, v19;
	v12 =	vadd.f32 v12, v17;
	v17 =	vld [tilespmem:s17+$0x370]  }
0x3f: {  	v5 =	vadd.f32 v5, v18;
	v11 =	vadd.f32 v11, v16;
	v16 =	vld [tilespmem:s17+$0x10360]  }
0x40: {  	s19 =	sshra.s32 s18, $0x2;
	v18 =	vmul.f32 v6, v0;
	v4 =	vadd.f32 v4, v12;
	v10 =	vadd.f32 v10, v15;
	v12 =	vld [tilespmem:s17+$0x10370]  }
0x41: {  	v6 =	vld [tilespmem:s19+$0x10300];
	v15 =	vmul.f32 v5, v0;
	v3 =	vadd.f32 v3, v11;
	v9 =	vadd.f32 v9, v14  }
0x42: {  	v5 =	vld [tilespmem:s19+$0x10310];
	[tilespmem:s17+$0x300] =	vst v18;
	v11 =	vmul.f32 v4, v0;
	v2 =	vadd.f32 v2, v10;
	v8 =	vadd.f32 v8, v13  }
0x43: {  	v4 =	vld [tilespmem:s19+$0x10320];
	[tilespmem:s17+$0x310] =	vst v15;
	v10 =	vmul.f32 v3, v0;
	v1 =	vadd.f32 v1, v9;
	v7 =	vadd.f32 v7, v17  }
0x44: {  	v3 =	vld [tilespmem:s19+$0x10330];
	[tilespmem:s17+$0x320] =	vst v11;
	v9 =	vmul.f32 v2, v0;
	v8 =	vadd.f32 v16, v8  }
0x45: {  	v2 =	vld [tilespmem:s19+$0x10340];
	[tilespmem:s17+$0x330] =	vst v10;
	v10 =	vmul.f32 v1, v0;
	v7 =	vadd.f32 v12, v7  }
0x46: {  	v1 =	vld [tilespmem:s19+$0x10350];
	[tilespmem:s17+$0x340] =	vst v9;
	v8 =	vmul.f32 v8, v0  }
0x47: {  	v13 =	vld [tilespmem:s19+$0x8300];
	[tilespmem:s17+$0x350] =	vst v10;
	v7 =	vmul.f32 v7, v0  }
0x48: {  	v18 =	vld [tilespmem:s19+$0x8310];
	[tilespmem:s17+$0x360] =	vst v8  }
0x49: {  	v12 =	vld [tilespmem:s19+$0x8320];
	[tilespmem:s17+$0x370] =	vst v7;
	s17 =	smov.u32 s19  }
0x4a: {  	v11 =	vld [tilespmem:s17+$0x8330]  }
0x4b: {  	v10 =	vld [tilespmem:s17+$0x8340]  }
0x4c: {  	v9 =	vld [tilespmem:s17+$0x8350]  }
0x4d: {  	v8 =	vld [tilespmem:s17+$0x8360]  }
0x4e: {  	v7 =	vld [tilespmem:s17+$0x8370]  }
0x4f: {  	v14 =	vld [tilespmem:s17+$0x300]  }
0x50: {  	v20 =	vld [tilespmem:s17+$0x310]  }
.Ltmp0:
0x51: {  	v17 =	vld [tilespmem:s17+$0x320];
	(pc) =	sbr.rel @p0 .LBB2_2-.Ltmp0, $4  }
0x52: {  	v16 =	vld [tilespmem:s17+$0x330]  }
0x53: {  	v15 =	vld [tilespmem:s17+$0x340]  }
0x54: {  	v19 =	vadd.f32 v13, v14;
	v14 =	vld [tilespmem:s17+$0x350]  }
0x55: {  	s18 =	sadd.s32 $0x200, s18;
	v18 =	vadd.f32 v18, v20;
	v13 =	vld [tilespmem:s17+$0x360]  }
0x56: {  	v6 =	vadd.f32 v6, v19;
	v12 =	vadd.f32 v12, v17;
	v58 =	vld [tilespmem:s17+$0x370]  }
0x57: {  	v59 =	vld [tilespmem:s17+$0x10360];
	v5 =	vadd.f32 v5, v18;
	v11 =	vadd.f32 v11, v16  }
0x58: {  	v60 =	vld [tilespmem:s17+$0x10370];
	v6 =	vmul.f32 v6, v0;
	v4 =	vadd.f32 v4, v12;
	v10 =	vadd.f32 v10, v15  }
0x59: {  	v5 =	vmul.f32 v5, v0;
	v3 =	vadd.f32 v3, v11;
	v9 =	vadd.f32 v9, v14  }
0x5a: {  	[tilespmem:s17+$0x300] =	vst v6;
	v4 =	vmul.f32 v4, v0;
	v2 =	vadd.f32 v2, v10;
	v61 =	vadd.f32 v8, v13  }
0x5b: {  	[tilespmem:s17+$0x310] =	vst v5;
	v3 =	vmul.f32 v3, v0;
	v1 =	vadd.f32 v1, v9;
	v62 =	vadd.f32 v7, v58  }
0x5c: {  	[tilespmem:s17+$0x320] =	vst v4;
	v2 =	vmul.f32 v2, v0;
	v63 =	vadd.f32 v59, v61  }
0x5d: {  	[tilespmem:s17+$0x330] =	vst v3;
	v1 =	vmul.f32 v1, v0;
	v3 =	vadd.f32 v60, v62  }
0x5e: {  	[tilespmem:s17+$0x340] =	vst v2;
	v2 =	vmul.f32 v63, v0  }
0x5f: {  	s16 =	sadd.s32 $0x1, s16;
	[tilespmem:s17+$0x350] =	vst v1;
	v1 =	vmul.f32 v3, v0  }
0x60: {  	p0 =	sne.s32 s16, s8;
	[tilespmem:s17+$0x360] =	vst v2  }
.Ltmp1:
0x61: {  	[tilespmem:s17+$0x370] =	vst v1;
	(pc) =	sbr.rel @p0 .LBB2_1-.Ltmp1, $4  }
0x62: {  	[hbm4b:s7+s2] =	stream.linear.scatter [tilespmem:s12], [sflag:$0x2], $0x8000, $0x38;
	[tilespmem:$0x18300] =	vst v63  }
0x63: {  	_ =	swait.ge [sflag:s9], $0x8000  }
0x64: {  	[sflag:s9] =	ssyncset.done $0x0  }
0x65: {  	[sflag:s9] =	ssyncadd.s32 $0xFFFF8000  }
0x66: {  	_ =	sfence.sel $0x180000  }
0x67: {  	[bflag:$0x0] =	sbarrier.arrive $0xFFFF  }
0x68: {  	p0 =	sne.s32 s3, $0x0;
	_ =	strace $0x9000004A  }
0x69: {  	s0 =	sadd.s32 @!p0 $0x100000, s0;
	[bflag:$0x2] =	sbarrier.arrive $0xFFFF  }
0x6a: {  	[sflag:s0] =	ssyncadd.tile.s32 @!p0 $0x1;
	_ =	shalt  }
.Lfunc_end2:
_tile_overlayer_lowered:
.L_overlay_start_2:
0x6b: {  	(tag) =	ssettag $0x2  }
0x6c: {  	s0 =	rddreg [dreg:$0x0];
	s2 =	stileid.u32  }
0x6d: {  	s1 =	rddreg [dreg:$0x1];
	p0 =	sne.s32 s2, $0x0  }
0x6e: {  	s3 =	rddreg [dreg:$0x2];
	[bflag:$0x3] =	sbarrier.arrive $0xFFFF;
	s2 =	simm.s32 @!p0 $0x1C02  }
0x6f: {  	[timem:s3], [sflag:s2] =	dma.local @!p0 [hbm:s0], s1  }
0x70: {  	s0 =	simm.s32 @!p0 $0x2  }
0x71: {  	_ =	swait.ge @!p0 [sflag:s0], s1  }
0x72: {  	s1 =	ssub.s32 @!p0 $0x0, s1;
	[sflag:s0] =	ssyncset.done @!p0 $0x0  }
0x73: {  	[sflag:s0] =	ssyncadd.s32 @!p0 s1  }
0x74: {  	[bflag:$0x3] =	sbarrier.arrive $0xFFFF  }
0x75: {  	_ =	shalt  }

// kernel: kernel.7.cloned.1.call-start
scs
__scs_entry_jumppad:
0x0: {  	(pc) =	sbr.rel $0x88, $3  }
0x1: {  	(tag) =	ssettag $0x0;
	lr =	simm.s32 $0x1  }
0x2: {  	[smem:$0x3FA0] =	sst lr;
	_ =	strace $0xD0000000  }
0x3: {  	_ = 	snop  }
0x4: {  	_ = 	snop  }
0x5: {  	_ = 	snop  }
0x6: {  	_ = 	snop  }
0x7: {  	_ = 	snop  }
__scs_overlays_trampoline_lowered:
0x8: {  	[smem:$0x3FAF] =	sst s0  }
0x9: {  	[smem:$0x3FB0] =	sst s1  }
0xa: {  	[smem:$0x3FB1] =	sst s2  }
0xb: {  	[smem:$0x3FB2] =	sst s3  }
0xc: {  	[smem:$0x3FB3] =	sst s4  }
0xd: {  	[smem:$0x3FB4] =	sst s5  }
0xe: {  	[smem:$0x3FB5] =	sst s6  }
0xf: {  	[smem:$0x3FB6] =	sst s7  }
0x10: {  	[smem:$0x3FB7] =	sst s8  }
0x11: {  	[smem:$0x3FB8] =	sst s9;
	s0 =	simm.s32 @!p0 $0x0  }
0x12: {  	s1 =	sld [smem:$0x3F9E];
	s0 =	simm.s32 @p0 $0x1  }
0x13: {  	[smem:$0x3FB9] =	sst s0;
	s0 =	simm.s32 @!p1 $0x0  }
0x14: {  	s2 =	sld [smem:$0x3F9D];
	s0 =	simm.s32 @p1 $0x1  }
0x15: {  	[smem:$0x3FBA] =	sst s0;
	s0 =	simm.s32 @!p2 $0x0  }
0x16: {  	s3 =	sld [smem:$0x3FDB];
	s0 =	simm.s32 @p2 $0x1  }
0x17: {  	s4 =	simm.s32 $0x1BF5;
	[smem:$0x3FBC] =	sst s0  }
0x18: {  	s0 =	sld [smem:$0x3F9F];
	_ =	swait.ge [sflag:s4], $0x0  }
0x19: {  	s7 =	sld [smem:$0x3FA0]  }
0x1a: {  	s8 =	sadd.s32 $0xFFFFE003, lr  }
0x1b: {  	s9 =	sadd.s32 $0xFFFFFEF7, lr;
	s5 =	simm.s32 $0xFFFFFFFF;
	p2 =	slt.u32 s8, $0xFFFFF086  }
0x1c: {  	p1 =	slt.u32 s9, $0xF7A;
	s5 =	simm.s32 @!p2 $0x0  }
0x1d: {  	s5 =	simm.s32 @p1 $0x1;
	p0 =	seq.s32 s7, s2  }
0x1e: {  	s7 =	smul.u32 @!p0 $0xF7A, s2;
	p2 =	seq.s32 @!p0 s5, $0x0  }
0x1f: {  	s9 =	smul.u32 $0xF7A, s1;
	s8 =	simm.s32 @!p0 $0x1BF5;
	p2 =	por !p2, p0  }
0x20: {  	[sflag:s8] =	ssyncset.s32 @!p0 $0xFFFFF086;
	s6 =	sadd.s32 @!p0 s3, s7;
	s7 =	simm.s32 @!p0 $0x108  }
0x21: {  	s3 =	sadd.s32 s3, s9;
	s6 =	sadd.s32 @!p0 $0x88, s6;
	s7 =	simm.s32 @p2 $0x1082  }
0x22: {  	[simem:s7], [sflag:s8] =	dma.local @!p0 [hbm:s6], $0xF7A  }
0x23: {  	s9 =	sor.u32 $0xD0000000, s2;
	s6 =	simm.s32 $0x108;
	_ =	swait.ge @!p0 [sflag:s8], $0x0  }
0x24: {  	s3 =	sadd.s32 $0x88, s3;
	s6 =	simm.s32 @!p1 $0x1082;
	[sflag:s4] =	ssyncset.s32 $0xFFFFF086  }
0x25: {  	[simem:s6], [sflag:s4] =	dma.local [hbm:s3], $0xF7A  }
0x26: {  	[smem:$0x3FA0] =	sst s1;
	(tag) =	ssettag s2;
	_ =	strace s9  }
0x27: {  	s1 =	sld [smem:$0x3FB0]  }
0x28: {  	s2 =	sld [smem:$0x3FB1]  }
0x29: {  	s4 =	sld [smem:$0x3FB3]  }
0x2a: {  	p0 =	seq.s32 s5, $0x0;
	s5 =	sld [smem:$0x3FB4]  }
0x2b: {  	s6 =	sld [smem:$0x3FB5]  }
0x2c: {  	s7 =	sld [smem:$0x3FB6]  }
0x2d: {  	s3 =	simm.s32 $0x108;
	s8 =	sld [smem:$0x3FB7]  }
0x2e: {  	s3 =	simm.s32 @!p0 $0x1082;
	s9 =	sld [smem:$0x3FB8]  }
0x2f: {  	lr =	sadd.s32 s0, s3;
	s0 =	sld [smem:$0x3FAF]  }
0x30: {  	s3 =	sld [smem:$0x3FB2]  }
0x31: {  	[smem:$0x3FBB] =	sst s10  }
0x32: {  	s10 =	sld [smem:$0x3FB9];
	_ =	sdelay $0x3  }
0x33: {  	p0 =	seq.s32 s10, $0x1;
	s10 =	sld [smem:$0x3FBB];
	_ =	sdelay $0x3  }
0x34: {  	[smem:$0x3FBB] =	sst s10  }
0x35: {  	s10 =	sld [smem:$0x3FBA];
	_ =	sdelay $0x3  }
0x36: {  	p1 =	seq.s32 s10, $0x1;
	s10 =	sld [smem:$0x3FBB];
	_ =	sdelay $0x3  }
0x37: {  	[smem:$0x3FBB] =	sst s10  }
0x38: {  	s10 =	sld [smem:$0x3FBC]  }
0x39: {  	_ = 	snop;
	(pc) =	sbr.ind lr, $3  }
0x3a: {  	_ = 	snop  }
0x3b: {  	_ = 	snop  }
0x3c: {  	p2 =	seq.s32 s10, $0x1;
	s10 =	sld [smem:$0x3FBB]  }
0x3d: {  	_ =	shalt  }
0x3e: {  	_ =	shalt  }
0x3f: {  	_ =	shalt  }
0x40: {  	_ =	shalt  }
0x41: {  	_ =	shalt  }
0x42: {  	_ =	shalt  }
0x43: {  	_ =	shalt  }
0x44: {  	_ =	shalt  }
0x45: {  	_ =	shalt  }
0x46: {  	_ =	shalt  }
0x47: {  	_ =	shalt  }
0x48: {  	_ =	shalt  }
0x49: {  	_ =	shalt  }
0x4a: {  	_ =	shalt  }
0x4b: {  	_ =	shalt  }
0x4c: {  	_ =	shalt  }
0x4d: {  	_ =	shalt  }
0x4e: {  	_ =	shalt  }
0x4f: {  	_ =	shalt  }
0x50: {  	_ =	shalt  }
0x51: {  	_ =	shalt  }
0x52: {  	_ =	shalt  }
0x53: {  	_ =	shalt  }
0x54: {  	_ =	shalt  }
0x55: {  	_ =	shalt  }
0x56: {  	_ =	shalt  }
0x57: {  	_ =	shalt  }
0x58: {  	_ =	shalt  }
0x59: {  	_ =	shalt  }
0x5a: {  	_ =	shalt  }
0x5b: {  	_ =	shalt  }
0x5c: {  	_ =	shalt  }
0x5d: {  	_ =	shalt  }
0x5e: {  	_ =	shalt  }
0x5f: {  	_ =	shalt  }
0x60: {  	_ =	shalt  }
0x61: {  	_ =	shalt  }
0x62: {  	_ =	shalt  }
0x63: {  	_ =	shalt  }
0x64: {  	_ =	shalt  }
0x65: {  	_ =	shalt  }
0x66: {  	_ =	shalt  }
0x67: {  	_ =	shalt  }
0x68: {  	_ =	shalt  }
0x69: {  	_ =	shalt  }
0x6a: {  	_ =	shalt  }
0x6b: {  	_ =	shalt  }
0x6c: {  	_ =	shalt  }
0x6d: {  	_ =	shalt  }
0x6e: {  	_ =	shalt  }
0x6f: {  	_ =	shalt  }
0x70: {  	_ =	shalt  }
0x71: {  	_ =	shalt  }
0x72: {  	_ =	shalt  }
0x73: {  	_ =	shalt  }
0x74: {  	_ =	shalt  }
0x75: {  	_ =	shalt  }
0x76: {  	_ =	shalt  }
0x77: {  	_ =	shalt  }
0x78: {  	_ =	shalt  }
0x79: {  	_ =	shalt  }
0x7a: {  	_ =	shalt  }
0x7b: {  	_ =	shalt  }
0x7c: {  	_ =	shalt  }
0x7d: {  	_ =	shalt  }
0x7e: {  	_ =	shalt  }
0x7f: {  	_ =	shalt  }
0x80: {  	_ =	shalt  }
0x81: {  	_ =	shalt  }
0x82: {  	_ =	shalt  }
0x83: {  	_ =	shalt  }
0x84: {  	_ =	shalt  }
0x85: {  	_ =	shalt  }
0x86: {  	_ =	shalt  }
0x87: {  	_ =	shalt  }
.Lfunc_end0:
.L_simem_size_0:
called_computation_lowered:
.L_overlay_start_0:
0x88: {  	s2 =	sld [smem:$0x3FD9]  }
0x89: {  	s3 =	sld [smem:$0x3FFE];
	_ =	sdelay $0x1  }
0x8a: {  	s1 =	srdreg.scid  }
0x8b: {  	s0 =	sand.u32 $0x1, s1  }
0x8c: {  	s17 =	sshll.u32 s0, $0xA;
	s2 =	sadd.s32 s3, s2  }
0x8d: {  	s2 =	sadd.s32 s2, s17  }
0x8e: {  	[smem:$0x3FC7] =	sst s2  }
0x8f: {  	_ = 	snop  }
0x90: {  	s2 =	sld [smem:$0x3FC9]  }
0x91: {  	s18 =	sld [smem:$0x3FD0];
	(tm) =	ssettm $0x1  }
0x92: {  	s4 =	sld [smem:$0x3FFB];
	_ =	sdelay $0x3  }
0x93: {  	_ =	strace s4  }
0x94: {  	s4 =	sld [smem:$0x3FFC];
	_ =	sdelay $0x3  }
0x95: {  	_ =	strace s4  }
0x96: {  	s4 =	sld [smem:$0x3FFD];
	_ =	sdelay $0x3  }
0x97: {  	_ =	strace s4  }
0x98: {  	_ =	strace $0x8FFFFFFF  }
0x99: {  	s19 =	sld [smem:$0x3FDB];
	_ =	sdelay $0x1  }
0x9a: {  	s5 =	simm.s32 $_scs_section_size  }
0x9b: {  	s6 =	simm.s32 $_size__tile_overlayer_lowered;
	s7 =	simm.s32 $_tile_overlayer_lowered  }
0x9c: {  	s22 =	simm.s32 $0x1BFF;
	s21 =	sshll.u32 s7, $0x1;
	s4 =	sadd.s32 s5, s19  }
0x9d: {  	s8 =	simm.s32 $0x0;
	s20 =	sshll.u32 s6, $0x1;
	s6 =	sadd.s32 s21, s4  }
0x9e: {  	[timem:s8], [sflag:s22] =	dma.local [hbm:s6], s20  }
0x9f: {  	_ =	swait.ge [sflag:s22], s20  }
0xa0: {  	s5 =	ssub.s32 $0x0, s20;
	[sflag:s22] =	ssyncset.done $0x0  }
0xa1: {  	[sflag:s22] =	ssyncadd.s32 s5;
	_ =	sdelay $0x1  }
0xa2: {  	s23 =	simm.s32 $0x1B8B  }
0xa3: {  	_ =	swait.ge [sflag:s23], $0x1  }
0xa4: {  	[sflag:s23] =	ssyncset.done $0x0  }
0xa5: {  	s25 =	simm.s32 $0x1B8E;
	s24 =	sld [smem:$0x3FFE];
	[sflag:s23] =	ssyncadd.s32 $0xFFFFFFFF  }
0xa6: {  	s26 =	simm.s32 $execute0_lowered;
	[smem:$0x3FD2] =	sst s25  }
0xa7: {  	s6 =	sshll.u32 s26, $0x1;
	_ =	strace $0x80000046;
	[dreg:$0x1] =	wrdreg $0xFFFFFFFF  }
0xa8: {  	s28 =	simm.s32 $_size_execute0_lowered;
	s4 =	sadd.s32 s4, s6;
	[dreg:$0x0] =	wrdreg $0x0  }
0xa9: {  	s6 =	sshll.u32 s28, $0x1;
	[dreg:$0x2] =	wrdreg s4  }
0xaa: {  	[dreg:$0x3] =	wrdreg s6  }
0xab: {  	[dreg:$0x4] =	wrdreg $0xC0  }
0xac: {  	_ =	task [dreg:s8], $0x5FFFF  }
0xad: {  	[dreg:$0x1] =	wrdreg $0xFFFFFFFF  }
0xae: {  	[dreg:$0x0] =	wrdreg $0x60  }
0xaf: {  	[dreg:$0x2] =	wrdreg s2  }
0xb0: {  	[dreg:$0x3] =	wrdreg s24  }
0xb1: {  	[dreg:$0x4] =	wrdreg s18  }
0xb2: {  	[dreg:$0x5] =	wrdreg $0x9  }
0xb3: {  	_ =	task.clear_ibuf [dreg:s8], $0x6FFFF;
	_ =	strace $0x90000046  }
0xb4: {  	s29 =	simm.s32 $0x9;
	_ =	strace $0x80000048  }
0xb5: {  	_ =	swait.ge [sflag:s29], $0x1  }
0xb6: {  	[sflag:s29] =	ssyncadd.s32 $0xFFFFFFFF  }
0xb7: {  	_ =	strace $0x90000048  }
0xb8: {  	_ =	sfence  }
0xb9: {  	s30 =	sld [smem:$0x0];
	_ =	sdelay $0x2  }
0xba: {  	s31 =	sshll.u32 s1, $0xD;
	s1 =	sshrl.u32 s1, $0x2  }
0xbb: {  	s3 =	sand.u32 $0x4000, s31;
	s1 =	sadd.s32 s1, s30  }
0xbc: {  	s0 =	sor.u32 s3, s0;
	s1 =	sshll.u32 s1, $0x11  }
0xbd: {  	s0 =	sor.u32 s1, s0  }
0xbe: {  	s0 =	sadd.s32 $0x8F2B, s0  }
0xbf: {  	[sflag:s0] =	ssyncadd.remote.s32 $0x1  }
0xc0: {  	_ =	sfence.sel $0xFFFF  }
0xc1: {  	[dreg:$0x0] =	wrdreg $0xFFFFFFFF;
	(pc) =	sbr.abs _section_cstart, $3  }
0xc2: {  	[dreg:$0x1] =	wrdreg $0xFFFFFFFF  }
0xc3: {  	_ =	task.clear_ibuf [dreg:s8], $0x2FFFF;
	_ =	strace $0x9FFFFFFF  }
0xc4: {  	(tm) =	ssettm $0x7FFFFFFF  }
0xc5: {  	_ =	shalt  }
tec
execute0_lowered:
.L_overlay_start_1:
0x0: {  	(tag) =	ssettag $0x1  }
0x1: {  	s1 =	rddreg [dreg:$0x0]  }
0x2: {  	s4 =	rddreg [dreg:$0x1]  }
0x3: {  	s7 =	rddreg [dreg:$0x2];
	s2 =	simm.s32 $0x0  }
0x4: {  	[smem:$0x7FF] =	sst s2  }
0x5: {  	s0 =	rddreg [dreg:$0x3];
	v0 =	vimm.f32 $3.000000000e+00;
	_ =	strace $0x80000047  }
0x6: {  	(erf) = vrcp.f32 v0  }
0x7: {  	s5 =	srdreg.scid  }
0x8: {  	s3 =	stileid.u32;
	s11 =	simm.s32 $0x100;
	s12 =	simm.s32 $0x180  }
0x9: {  	s13 =	simm.s32 $0x4180;
	s14 =	simm.s32 $0x8180;
	s5 =	sand.u32 $0x1, s5  }
0xa: {  	s15 =	simm.s32 $0x1;
	s6 =	sshll.u32 s3, $0x8;
	s8 =	sshll.u32 s5, $0x7  }
0xb: {  	s16 =	simm.s32 $0x0;
	s5 =	ssub.s32 $0x2, s5;
	s6 =	sor.u32 s8, s6  }
0xc: {  	s31 =	sshrl.u32 s5, $0x1;
	s8 =	sshrl.u32 s6, $0x3;
	s10 =	sshll.u32 s6, $0x4  }
0xd: {  	s9 =	ssub.s32 s5, s31;
	s8 =	sadd.s32 s8, s4;
	s7 =	sadd.s32 s7, s10  }
0xe: {  	s10 =	simm.s32 $0x80;
	s4 =	sadd.s32 $0x20400, s8;
	s5 =	sadd.s32 $0x20200, s8  }
0xf: {  	s6 =	sadd.s32 $0x20000, s8;
	s8 =	smax.u32 s9, $0x1;
	s9 =	simm.s32 $0x2;
	v0 =	vpop (erf)  }
.LBB2_1:
0x10: {  	[tilespmem:s2], [sflag:$0x2] =	stream.linear.gather [hbm4b:s4+s2], $0x80, $0x38;
	[tilespmem:$0xC180] =	vst v63  }
0x11: {  	_ =	swait.ge [sflag:s9], $0x80  }
0x12: {  	[sflag:s9] =	ssyncset.done $0x0  }
0x13: {  	[sflag:s9] =	ssyncadd.s32 $0xFFFFFF80  }
0x14: {  	[tilespmem:s10], [sflag:$0x2] =	stream.linear.gather [hbm4b:s5+s2], $0x80, $0x38;
	[tilespmem:$0xC180] =	vst v63  }
0x15: {  	_ =	swait.ge [sflag:s9], $0x80  }
0x16: {  	[sflag:s9] =	ssyncset.done $0x0  }
0x17: {  	[sflag:s9] =	ssyncadd.s32 $0xFFFFFF80  }
0x18: {  	[tilespmem:s11], [sflag:$0x2] =	stream.linear.gather [hbm4b:s6+s2], $0x80, $0x38;
	[tilespmem:$0xC180] =	vst v63  }
0x19: {  	_ =	swait.ge [sflag:s9], $0x80  }
0x1a: {  	[sflag:s9] =	ssyncset.done $0x0  }
0x1b: {  	[sflag:s9] =	ssyncadd.s32 $0xFFFFFF80  }
0x1c: {  	[tilespmem:s12], [sflag:$0x1] =	stream.indirect.gather [hbm4b:s1+s10], $0x80, s2, s10, $0xb8;
	[tilespmem:$0xC180] =	vst v63  }
0x1d: {  	_ = 	snop  }
0x1e: {  	[tilespmem:s13], [sflag:$0x1] =	stream.indirect.gather [hbm4b:s1+s10], $0x80, s10, s10, $0xb8;
	[tilespmem:$0xC180] =	vst v63  }
0x1f: {  	_ = 	snop  }
0x20: {  	[tilespmem:s14], [sflag:$0x1] =	stream.indirect.gather [hbm4b:s1+s10], $0x80, s11, s10, $0xb8;
	[tilespmem:$0xC180] =	vst v63  }
0x21: {  	_ =	swait.ge [sflag:s15], $0x4000  }
0x22: {  	[sflag:s15] =	ssyncset.done $0x0  }
0x23: {  	[sflag:s15] =	ssyncadd.s32 $0xFFFFC000  }
0x24: {  	_ =	swait.ge [sflag:s15], $0x4000  }
0x25: {  	[sflag:s15] =	ssyncset.done $0x0  }
0x26: {  	[sflag:s15] =	ssyncadd.s32 $0xFFFFC000  }
0x27: {  	_ =	swait.ge [sflag:s15], $0x4000  }
0x28: {  	[sflag:s15] =	ssyncset.done $0x0  }
0x29: {  	s17 =	simm.s32 $0x0;
	[sflag:s15] =	ssyncadd.s32 $0xFFFFC000  }
0x2a: {  	v6 =	vld [tilespmem:s17+$0x8180]  }
0x2b: {  	v5 =	vld [tilespmem:s17+$0x8190]  }
0x2c: {  	v4 =	vld [tilespmem:s17+$0x81A0]  }
0x2d: {  	v3 =	vld [tilespmem:s17+$0x81B0]  }
0x2e: {  	v2 =	vld [tilespmem:s17+$0x81C0]  }
0x2f: {  	v1 =	vld [tilespmem:s17+$0x81D0]  }
0x30: {  	v13 =	vld [tilespmem:s17+$0x4180]  }
0x31: {  	v18 =	vld [tilespmem:s17+$0x4190]  }
0x32: {  	v12 =	vld [tilespmem:s17+$0x41A0]  }
0x33: {  	v11 =	vld [tilespmem:s17+$0x41B0]  }
0x34: {  	v10 =	vld [tilespmem:s17+$0x41C0]  }
0x35: {  	v9 =	vld [tilespmem:s17+$0x41D0]  }
0x36: {  	v8 =	vld [tilespmem:s17+$0x41E0]  }
0x37: {  	v7 =	vld [tilespmem:s17+$0x41F0]  }
0x38: {  	v19 =	vld [tilespmem:s17+$0x180]  }
0x39: {  	v20 =	vld [tilespmem:s17+$0x190]  }
0x3a: {  	v17 =	vld [tilespmem:s17+$0x1A0]  }
0x3b: {  	v16 =	vld [tilespmem:s17+$0x1B0]  }
0x3c: {  	v15 =	vld [tilespmem:s17+$0x1C0]  }
0x3d: {  	v14 =	vld [tilespmem:s17+$0x1D0];
	v19 =	vadd.f32 v13, v19  }
0x3e: {  	s18 =	simm.s32 $0x200;
	v18 =	vadd.f32 v18, v20;
	v13 =	vld [tilespmem:s17+$0x1E0]  }
.LBB2_2:
0x3f: {  	p0 =	sne.s32 s18, $0xFE00;
	v6 =	vadd.f32 v6, v19;
	v12 =	vadd.f32 v12, v17;
	v17 =	vld [tilespmem:s17+$0x1F0]  }
0x40: {  	v5 =	vadd.f32 v5, v18;
	v11 =	vadd.f32 v11, v16;
	v16 =	vld [tilespmem:s17+$0x81E0]  }
0x41: {  	s19 =	sshra.s32 s18, $0x2;
	v18 =	vmul.f32 v6, v0;
	v4 =	vadd.f32 v4, v12;
	v10 =	vadd.f32 v10, v15;
	v12 =	vld [tilespmem:s17+$0x81F0]  }
0x42: {  	v6 =	vld [tilespmem:s19+$0x8180];
	v15 =	vmul.f32 v5, v0;
	v3 =	vadd.f32 v3, v11;
	v9 =	vadd.f32 v9, v14  }
0x43: {  	v5 =	vld [tilespmem:s19+$0x8190];
	[tilespmem:s17+$0x180] =	vst v18;
	v11 =	vmul.f32 v4, v0;
	v2 =	vadd.f32 v2, v10;
	v8 =	vadd.f32 v8, v13  }
0x44: {  	v4 =	vld [tilespmem:s19+$0x81A0];
	[tilespmem:s17+$0x190] =	vst v15;
	v10 =	vmul.f32 v3, v0;
	v1 =	vadd.f32 v1, v9;
	v7 =	vadd.f32 v7, v17  }
0x45: {  	v3 =	vld [tilespmem:s19+$0x81B0];
	[tilespmem:s17+$0x1A0] =	vst v11;
	v9 =	vmul.f32 v2, v0;
	v8 =	vadd.f32 v16, v8  }
0x46: {  	v2 =	vld [tilespmem:s19+$0x81C0];
	[tilespmem:s17+$0x1B0] =	vst v10;
	v10 =	vmul.f32 v1, v0;
	v7 =	vadd.f32 v12, v7  }
0x47: {  	v1 =	vld [tilespmem:s19+$0x81D0];
	[tilespmem:s17+$0x1C0] =	vst v9;
	v8 =	vmul.f32 v8, v0  }
0x48: {  	v13 =	vld [tilespmem:s19+$0x4180];
	[tilespmem:s17+$0x1D0] =	vst v10;
	v7 =	vmul.f32 v7, v0  }
0x49: {  	v18 =	vld [tilespmem:s19+$0x4190];
	[tilespmem:s17+$0x1E0] =	vst v8  }
0x4a: {  	v12 =	vld [tilespmem:s19+$0x41A0];
	[tilespmem:s17+$0x1F0] =	vst v7;
	s17 =	smov.u32 s19  }
0x4b: {  	v11 =	vld [tilespmem:s17+$0x41B0]  }
0x4c: {  	v10 =	vld [tilespmem:s17+$0x41C0]  }
0x4d: {  	v9 =	vld [tilespmem:s17+$0x41D0]  }
0x4e: {  	v8 =	vld [tilespmem:s17+$0x41E0]  }
0x4f: {  	v7 =	vld [tilespmem:s17+$0x41F0]  }
0x50: {  	v14 =	vld [tilespmem:s17+$0x180]  }
0x51: {  	v20 =	vld [tilespmem:s17+$0x190]  }
.Ltmp0:
0x52: {  	v17 =	vld [tilespmem:s17+$0x1A0];
	(pc) =	sbr.rel @p0 .LBB2_2-.Ltmp0, $4  }
0x53: {  	v16 =	vld [tilespmem:s17+$0x1B0]  }
0x54: {  	v15 =	vld [tilespmem:s17+$0x1C0]  }
0x55: {  	v19 =	vadd.f32 v13, v14;
	v14 =	vld [tilespmem:s17+$0x1D0]  }
0x56: {  	s18 =	sadd.s32 $0x200, s18;
	v18 =	vadd.f32 v18, v20;
	v13 =	vld [tilespmem:s17+$0x1E0]  }
0x57: {  	v6 =	vadd.f32 v6, v19;
	v12 =	vadd.f32 v12, v17;
	v58 =	vld [tilespmem:s17+$0x1F0]  }
0x58: {  	v59 =	vld [tilespmem:s17+$0x81E0];
	v5 =	vadd.f32 v5, v18;
	v11 =	vadd.f32 v11, v16  }
0x59: {  	v60 =	vld [tilespmem:s17+$0x81F0];
	v6 =	vmul.f32 v6, v0;
	v4 =	vadd.f32 v4, v12;
	v10 =	vadd.f32 v10, v15  }
0x5a: {  	v5 =	vmul.f32 v5, v0;
	v3 =	vadd.f32 v3, v11;
	v9 =	vadd.f32 v9, v14  }
0x5b: {  	[tilespmem:s17+$0x180] =	vst v6;
	v4 =	vmul.f32 v4, v0;
	v2 =	vadd.f32 v2, v10;
	v61 =	vadd.f32 v8, v13  }
0x5c: {  	[tilespmem:s17+$0x190] =	vst v5;
	v3 =	vmul.f32 v3, v0;
	v1 =	vadd.f32 v1, v9;
	v62 =	vadd.f32 v7, v58  }
0x5d: {  	[tilespmem:s17+$0x1A0] =	vst v4;
	v2 =	vmul.f32 v2, v0;
	v63 =	vadd.f32 v59, v61  }
0x5e: {  	[tilespmem:s17+$0x1B0] =	vst v3;
	v1 =	vmul.f32 v1, v0;
	v3 =	vadd.f32 v60, v62  }
0x5f: {  	[tilespmem:s17+$0x1C0] =	vst v2;
	v2 =	vmul.f32 v63, v0  }
0x60: {  	s16 =	sadd.s32 $0x1, s16;
	[tilespmem:s17+$0x1D0] =	vst v1;
	v1 =	vmul.f32 v3, v0  }
0x61: {  	p0 =	sne.s32 s16, s8;
	[tilespmem:s17+$0x1E0] =	vst v2  }
.Ltmp1:
0x62: {  	[tilespmem:s17+$0x1F0] =	vst v1;
	(pc) =	sbr.rel @p0 .LBB2_1-.Ltmp1, $4  }
0x63: {  	[hbm4b:s7+s2] =	stream.linear.scatter [tilespmem:s12], [sflag:$0x2], $0x4000, $0x38;
	[tilespmem:$0xC180] =	vst v63  }
0x64: {  	_ =	swait.ge [sflag:s9], $0x4000  }
0x65: {  	[sflag:s9] =	ssyncset.done $0x0  }
0x66: {  	[sflag:s9] =	ssyncadd.s32 $0xFFFFC000  }
0x67: {  	_ =	sfence.sel $0x180000  }
0x68: {  	[bflag:$0x0] =	sbarrier.arrive $0xFFFF  }
0x69: {  	p0 =	sne.s32 s3, $0x0;
	_ =	strace $0x90000047  }
0x6a: {  	s0 =	sadd.s32 @!p0 $0x100000, s0;
	[bflag:$0x2] =	sbarrier.arrive $0xFFFF  }
0x6b: {  	[sflag:s0] =	ssyncadd.tile.s32 @!p0 $0x1;
	_ =	shalt  }
.Lfunc_end2:
_tile_overlayer_lowered:
.L_overlay_start_2:
0x6c: {  	(tag) =	ssettag $0x2  }
0x6d: {  	s0 =	rddreg [dreg:$0x0];
	s2 =	stileid.u32  }
0x6e: {  	s1 =	rddreg [dreg:$0x1];
	p0 =	sne.s32 s2, $0x0  }
0x6f: {  	s3 =	rddreg [dreg:$0x2];
	[bflag:$0x3] =	sbarrier.arrive $0xFFFF;
	s2 =	simm.s32 @!p0 $0x1C02  }
0x70: {  	[timem:s3], [sflag:s2] =	dma.local @!p0 [hbm:s0], s1  }
0x71: {  	s0 =	simm.s32 @!p0 $0x2  }
0x72: {  	_ =	swait.ge @!p0 [sflag:s0], s1  }
0x73: {  	s1 =	ssub.s32 @!p0 $0x0, s1;
	[sflag:s0] =	ssyncset.done @!p0 $0x0  }
0x74: {  	[sflag:s0] =	ssyncadd.s32 @!p0 s1  }
0x75: {  	[bflag:$0x3] =	sbarrier.arrive $0xFFFF  }
0x76: {  	_ =	shalt  }

</sc_bundles>
